<compile_context>
chip_gen: v7x
topology: tpu7x:2x2x1
jax: 0.10.2.dev20260603
libtpu: 0.0.44.dev20260713+nightly
codegen_flags: <defaults>
</compile_context>

<pallas_src>
import functools

import jax
import jax.numpy as jnp
from jax import lax
from jax.experimental import pallas as pl
from jax.experimental.pallas import tpu as pltpu
from jax.experimental.pallas import tpu_sc as plsc

N = 10000
E = 320000
D = 128
NPAD = 10240
NCORE = 2
NSUB = 16
NW = NCORE * NSUB
EPW = E // NW
EBLK = 128
EPWP = 10240
NBLK = EPWP // EBLK
NHALF = 2
HBLK = NBLK // NHALF
DCH = 2000
RPT = NPAD // NSUB
ZCH = 128
CCH = RPT // ZCH
GPW = NPAD // NW

_mesh = plsc.VectorSubcoreMesh(core_axis_name="c", subcore_axis_name="s")
_sc_params = pltpu.CompilerParams(needs_layout_passes=False)


@functools.partial(
    pl.kernel,
    out_type=jax.ShapeDtypeStruct((NW * N,), jnp.float32),
    mesh=_mesh,
    scratch_types=[
        pltpu.VMEM((DCH,), jnp.int32),
        pltpu.VMEM((N,), jnp.float32),
    ],
    compiler_params=_sc_params,
)
def _deg_kernel(dst_hbm, out_hbm, idx_v, acc_v):
    w = lax.axis_index("s") * NCORE + lax.axis_index("c")
    zeros = jnp.zeros((16,), jnp.float32)
    ones = jnp.ones((16,), jnp.float32)

    def _zero(i, carry):
        acc_v[pl.ds(i * 16, 16)] = zeros
        return carry

    lax.fori_loop(0, N // 16, _zero, 0)

    def _chunk(j, carry):
        pltpu.sync_copy(dst_hbm.at[pl.ds(w * EPW + j * DCH, DCH)], idx_v)

        def _count(i, c2):
            iv = idx_v[pl.ds(i * 16, 16)]
            plsc.addupdate_scatter(acc_v, [iv], ones)
            return c2

        lax.fori_loop(0, DCH // 16, _count, 0)
        return carry

    lax.fori_loop(0, EPW // DCH, _chunk, 0)
    pltpu.sync_copy(acc_v, out_hbm.at[pl.ds(w * N, N)])


@functools.partial(
    pl.kernel,
    out_type=jax.ShapeDtypeStruct((NCORE * NPAD, D), jnp.float32),
    mesh=_mesh,
    scratch_types=[
        pltpu.VMEM((HBLK, EBLK), jnp.int32),
        pltpu.VMEM((HBLK, EBLK), jnp.int32),
        pltpu.VMEM((EBLK, D), jnp.float32),
        pltpu.VMEM((EBLK, D), jnp.float32),
        pltpu.VMEM_SHARED((NPAD, D), jnp.float32),
        pltpu.SemaphoreType.DMA,
        pltpu.SemaphoreType.DMA,
        pltpu.SemaphoreType.DMA,
        pltpu.SemaphoreType.DMA,
    ],
    compiler_params=_sc_params,
)
def _prop_kernel(hs_hbm, src_hbm, dst_hbm, out_hbm, sidx_v, didx_v,
                 buf0, buf1, acc_sh, gs0, gs1, ss0, ss1):
    c = lax.axis_index("c")
    s = lax.axis_index("s")
    w = s * NCORE + c
    zeros = jnp.zeros((16,), jnp.float32)

    def _zero(k, carry):
        i = k // (D // 16)
        j = k % (D // 16)
        buf0[i, pl.ds(j * 16, 16)] = zeros
        return carry

    lax.fori_loop(0, ZCH * (D // 16), _zero, 0)
    for b in range(CCH):
        pltpu.sync_copy(buf0, acc_sh.at[pl.ds(s * RPT + b * ZCH, ZCH)])
    plsc.subcore_barrier()

    for h in range(NHALF):
        pltpu.sync_copy(src_hbm.at[w * NHALF + h], sidx_v)
        pltpu.sync_copy(dst_hbm.at[w * NHALF + h], didx_v)
        pltpu.async_copy(hs_hbm.at[sidx_v.at[0]], buf0, gs0)
        pltpu.async_copy(hs_hbm.at[sidx_v.at[1]], buf1, gs1)

        def _pair(j, carry):
            for buf, gsem, ssem, i in (
                (buf0, gs0, ss0, 2 * j),
                (buf1, gs1, ss1, 2 * j + 1),
            ):
                pltpu.make_async_copy(hs_hbm.at[sidx_v.at[i]], buf,
                                      gsem).wait()
                pltpu.async_copy(buf, acc_sh.at[didx_v.at[i]], ssem,
                                 add=True).wait()

                @pl.when(i + 2 < HBLK)
                def _():
                    pltpu.async_copy(hs_hbm.at[sidx_v.at[i + 2]], buf, gsem)
            return carry

        lax.fori_loop(0, HBLK // 2, _pair, 0)

    plsc.subcore_barrier()
    for b in range(CCH):
        r0 = s * RPT + b * ZCH
        pltpu.sync_copy(acc_sh.at[pl.ds(r0, ZCH)], buf0)
        pltpu.sync_copy(buf0, out_hbm.at[pl.ds(c * NPAD + r0, ZCH)])


@functools.partial(
    pl.kernel,
    out_type=jax.ShapeDtypeStruct((NPAD,), jnp.float32),
    mesh=_mesh,
    scratch_types=[
        pltpu.VMEM((NPAD,), jnp.float32),
        pltpu.VMEM((GPW,), jnp.int32),
        pltpu.VMEM((GPW,), jnp.float32),
    ],
    compiler_params=_sc_params,
)
def _gather_kernel(tab_hbm, ids_hbm, out_hbm, tab_v, idx_v, out_v):
    w = lax.axis_index("s") * NCORE + lax.axis_index("c")
    pltpu.sync_copy(tab_hbm, tab_v)
    pltpu.sync_copy(ids_hbm.at[pl.ds(w * GPW, GPW)], idx_v)

    def _g(i, carry):
        iv = idx_v[pl.ds(i * 16, 16)]
        out_v[pl.ds(i * 16, 16)] = plsc.load_gather(tab_v, [iv])
        return carry

    lax.fori_loop(0, GPW // 16, _g, 0)
    pltpu.sync_copy(out_v, out_hbm.at[pl.ds(w * GPW, GPW)])


def _first_body(degp_ref, x_ref, w1_ref, dinv_ref, hs_ref):
    degp = degp_ref[...]
    ones = jnp.ones((NW, 1), jnp.float32)
    deg = lax.dot_general(degp, ones, (((0,), (0,)), ((), ())),
                          preferred_element_type=jnp.float32)
    dinv = lax.rsqrt(deg + 1.0)
    dinv_ref[...] = dinv
    h = jnp.dot(x_ref[...], w1_ref[...], preferred_element_type=jnp.float32)
    hs_ref[...] = h * dinv


def _mid_body(p_ref, hs_ref, dinv_ref, b_ref, g_ref, be_ref, wn_ref, out_ref):
    dinv = dinv_ref[...]
    pm = p_ref[0:N, :] + p_ref[NPAD:NPAD + N, :]
    y = dinv * (pm + hs_ref[...]) + b_ref[...][None, :]
    mu = jnp.mean(y, axis=0, keepdims=True)
    var = jnp.mean((y - mu) * (y - mu), axis=0, keepdims=True)
    xn = (y - mu) * lax.rsqrt(var + 1e-5) * g_ref[...][None, :] \
        + be_ref[...][None, :]
    xn = jnp.maximum(xn, 0.0)
    h = jnp.dot(xn, wn_ref[...], preferred_element_type=jnp.float32)
    out_ref[...] = h * dinv


def _last_body(p_ref, hs_ref, dinv_ref, b3_ref, wn_ref, bn_ref, wo_ref,
               bo_ref, out_ref):
    dinv = dinv_ref[...]
    pm = p_ref[0:N, :] + p_ref[NPAD:NPAD + N, :]
    z = dinv * (pm + hs_ref[...]) + b3_ref[...][None, :]
    h = jnp.dot(z, wn_ref[...], preferred_element_type=jnp.float32)
    h = jnp.maximum(h + bn_ref[...][None, :], 0.0)
    pred = jnp.sum(h * wo_ref[...], axis=1) + bo_ref[...]
    out_ref[...] = pred


_first_tc = pl.pallas_call(
    _first_body,
    out_shape=(
        jax.ShapeDtypeStruct((N, 1), jnp.float32),
        jax.ShapeDtypeStruct((N, D), jnp.float32),
    ),
)

_mid_tc = pl.pallas_call(
    _mid_body,
    out_shape=jax.ShapeDtypeStruct((N, D), jnp.float32),
)

_last_tc = pl.pallas_call(
    _last_body,
    out_shape=jax.ShapeDtypeStruct((N,), jnp.float32),
)


def kernel(node_feat, src, dst, node_ids, W1, b1, g1, be1, W2, b2, g2, be2,
           W3, b3, Wn, bn, Wo, bo):
    degp = _deg_kernel(dst).reshape(NW, N)
    dinv, hs1 = _first_tc(degp, node_feat, W1)

    pad2 = ((0, 0), (0, EPWP - EPW))
    src3 = jnp.pad(src.reshape(NW, EPW), pad2).reshape(NW * NHALF, HBLK, EBLK)
    dst3 = jnp.pad(dst.reshape(NW, EPW), pad2, constant_values=NPAD - 1)
    dst3 = dst3.reshape(NW * NHALF, HBLK, EBLK)
    p1 = _prop_kernel(hs1, src3, dst3)
    hs2 = _mid_tc(p1, hs1, dinv, b1, g1, be1, W2)
    p2 = _prop_kernel(hs2, src3, dst3)
    hs3 = _mid_tc(p2, hs2, dinv, b2, g2, be2, W3)
    p3 = _prop_kernel(hs3, src3, dst3)
    predf = _last_tc(p3, hs3, dinv, b3, Wn, bn, Wo.reshape(1, D), bo)

    predf_pad = jnp.pad(predf, (0, NPAD - N))
    ids_pad = jnp.pad(node_ids, (0, NPAD - N))
    out = _gather_kernel(predf_pad, ids_pad)
    return out[:N].reshape(N, 1)

# --- scband reference (transcript-rebuilt; emitter-appended) ---
"""Pipeline reference for scband-gcn-25537875542620 (READ-ONLY COPY).

The authoritative reference and input builder live on the scoring server;
editing this copy changes nothing except your own understanding.
"""

import jax, jax.numpy as jnp
import numpy as np

N = 10000
E = 320000
D = 128
EMB = 128
NC = 1


def gcn_conv(x, si, di, W, b):
    n = x.shape[0]
    loop = jnp.arange(n, dtype=si.dtype)
    s = jnp.concatenate([si, loop])
    d = jnp.concatenate([di, loop])
    deg = jnp.zeros((n,), x.dtype).at[d].add(1.0)
    dinv = jnp.where(deg > 0, jax.lax.rsqrt(deg), 0.0)
    norm = dinv[s] * dinv[d]
    h = x @ W
    msg = h[s] * norm[:, None]
    out = jnp.zeros((n, W.shape[1]), x.dtype).at[d].add(msg)
    return out + b


def batchnorm(x, g, b):
    mu = x.mean(axis=0)
    var = x.var(axis=0)
    return (x - mu) * jax.lax.rsqrt(var + 1e-5) * g + b


def setup_inputs(seed: int = 0):
    key = jax.random.key(seed)
    ks = jax.random.split(key, 20)
    s = 1.0 / np.sqrt(D)
    se = 1.0 / np.sqrt(EMB)
    inp = {}
    inp["node_feat"] = jax.random.normal(ks[0], (N, D), dtype=jnp.float32)
    inp["src"] = jax.random.randint(ks[1], (E,), 0, N, dtype=jnp.int32)
    inp["dst"] = jax.random.randint(ks[2], (E,), 0, N, dtype=jnp.int32)
    inp["node_ids"] = jax.random.randint(ks[3], (N,), 0, N, dtype=jnp.int32)
    inp["W1"] = jax.random.uniform(ks[4], (D, EMB), jnp.float32, -s, s)
    inp["b1"] = jnp.zeros((EMB,), jnp.float32)
    inp["g1"] = jnp.ones((EMB,), jnp.float32)
    inp["be1"] = jnp.zeros((EMB,), jnp.float32)
    inp["W2"] = jax.random.uniform(ks[5], (EMB, EMB), jnp.float32, -se, se)
    inp["b2"] = jnp.zeros((EMB,), jnp.float32)
    inp["g2"] = jnp.ones((EMB,), jnp.float32)
    inp["be2"] = jnp.zeros((EMB,), jnp.float32)
    inp["W3"] = jax.random.uniform(ks[6], (EMB, EMB), jnp.float32, -se, se)
    inp["b3"] = jnp.zeros((EMB,), jnp.float32)
    inp["Wn"] = jax.random.uniform(ks[7], (EMB, EMB), jnp.float32, -se, se)
    inp["bn"] = jnp.zeros((EMB,), jnp.float32)
    inp["Wo"] = jax.random.uniform(ks[8], (EMB, NC), jnp.float32, -se, se)
    inp["bo"] = jnp.zeros((NC,), jnp.float32)
    return inp


def reference(node_feat, src, dst, node_ids, W1, b1, g1, be1, W2, b2, g2, be2, W3, b3, Wn, bn, Wo, bo):
    x = gcn_conv(node_feat, src, dst, W1, b1)
    x = jax.nn.relu(batchnorm(x, g1, be1))
    x = gcn_conv(x, src, dst, W2, b2)
    x = jax.nn.relu(batchnorm(x, g2, be2))
    z = gcn_conv(x, src, dst, W3, b3)
    z_node = z[node_ids]
    h = jax.nn.relu(z_node @ Wn + bn)
    pred = h @ Wo + bo
    return pred

if __name__ == "__main__":
    import jax
    _d = setup_inputs()
    print(jax.jit(kernel)(*tuple(_d.values())))

</pallas_src>

<mosaic_0001>
#map = affine_map<(d0, d1) -> (0, 0)>
#map1 = affine_map<(d0, d1) -> (0, 0, 0)>
module attributes {stable_mosaic.version = 14 : i64} {
  func.func @_prop_kernel(%arg0: i32, %arg1: i32, %arg2: memref<10000x128xf32, #tpu.memory_space<hbm>>, %arg3: memref<64x40x128xi32, #tpu.memory_space<hbm>>, %arg4: memref<64x40x128xi32, #tpu.memory_space<hbm>>, %arg5: memref<20480x128xf32, #tpu.memory_space<hbm>>, %arg6: memref<40x128xi32, #tpu.memory_space<vmem>>, %arg7: memref<40x128xi32, #tpu.memory_space<vmem>>, %arg8: memref<128x128xf32, #tpu.memory_space<vmem>>, %arg9: memref<128x128xf32, #tpu.memory_space<vmem>>, %arg10: memref<10240x128xf32, #tpu.memory_space<vmem_shared>>, %arg11: memref<!tpu.dma_semaphore, #tpu.memory_space<semaphore_mem>>, %arg12: memref<!tpu.dma_semaphore, #tpu.memory_space<semaphore_mem>>, %arg13: memref<!tpu.dma_semaphore, #tpu.memory_space<semaphore_mem>>, %arg14: memref<!tpu.dma_semaphore, #tpu.memory_space<semaphore_mem>>) attributes {dimension_semantics = [#tpu.dimension_semantics<core_parallel>, #tpu.dimension_semantics<subcore_parallel>], iteration_bounds = array<i64: 2, 16>, scalar_prefetch = 0 : i64, scratch_operands = 9 : i64, tpu.core_type = #tpu.core_type<sc_vector_subcore>, window_params = [{transform_indices = #map}, {transform_indices = #map1}, {transform_indices = #map1}, {transform_indices = #map}]} {
    %mul3A = arith.constant 2 : i32
    %mul3A_0 = arith.muli %arg1, %mul3A : i32
    %add3A = arith.addi %mul3A_0, %arg0 : i32
    %broadcast_in_dim3A = arith.constant 0.000000e+00 : f32
    %broadcast_in_dim3A_1 = vector.broadcast %broadcast_in_dim3A : f32 to vector<16xf32>
    %scan3A = arith.constant 0 : i32
    %scan3A_2 = arith.constant 0 : i32
    %scan3A_3 = arith.constant 1024 : i32
    %scan3A_4 = arith.addi %scan3A_2, %scan3A_3 : i32
    %scan3A_5 = arith.constant 1 : i32
    scf.for %scan3A_118 = %scan3A_2 to %scan3A_4 step %scan3A_5  : i32 {
      %jit3A = arith.constant 8 : i32
      %div3A = arith.divsi %scan3A_118, %jit3A : i32
      %sign3A = arith.constant 0 : i32
      %sign3A_119 = arith.cmpi sgt, %scan3A_118, %sign3A : i32
      %sign3A_120 = arith.extui %sign3A_119 : i1 to i32
      %sign3A_121 = arith.constant 0 : i32
      %sign3A_122 = arith.cmpi slt, %scan3A_118, %sign3A_121 : i32
      %sign3A_123 = arith.extui %sign3A_122 : i1 to i32
      %sign3A_124 = arith.subi %sign3A_120, %sign3A_123 : i32
      %sign3A_125 = arith.constant 0 : i32
      %sign3A_126 = arith.cmpi sgt, %jit3A, %sign3A_125 : i32
      %sign3A_127 = arith.extui %sign3A_126 : i1 to i32
      %sign3A_128 = arith.constant 0 : i32
      %sign3A_129 = arith.cmpi slt, %jit3A, %sign3A_128 : i32
      %sign3A_130 = arith.extui %sign3A_129 : i1 to i32
      %sign3A_131 = arith.subi %sign3A_127, %sign3A_130 : i32
      %ne3A = arith.cmpi ne, %sign3A_124, %sign3A_131 : i32
      %rem3A = arith.remsi %scan3A_118, %jit3A : i32
      %ne3A_132 = arith.constant 0 : i32
      %ne3A_133 = arith.cmpi ne, %rem3A, %ne3A_132 : i32
      %and3A = arith.andi %ne3A, %ne3A_133 : i1
      %sub3A = arith.constant 1 : i32
      %sub3A_134 = arith.subi %div3A, %sub3A : i32
      %select_n3A = arith.select %and3A, %sub3A_134, %div3A : i32
      %jit3A_135 = arith.constant 8 : i32
      %eq3A = arith.constant 0 : i32
      %eq3A_136 = arith.cmpi eq, %jit3A_135, %eq3A : i32
      %jit3A_137 = arith.constant 1 : i32
      %select_n3A_138 = arith.select %eq3A_136, %jit3A_137, %jit3A_135 : i32
      %rem3A_139 = arith.remsi %scan3A_118, %select_n3A_138 : i32
      %ne3A_140 = arith.constant 0 : i32
      %ne3A_141 = arith.cmpi ne, %rem3A_139, %ne3A_140 : i32
      %lt3A = arith.constant 0 : i32
      %lt3A_142 = arith.cmpi slt, %rem3A_139, %lt3A : i32
      %lt3A_143 = arith.constant 0 : i32
      %lt3A_144 = arith.cmpi slt, %select_n3A_138, %lt3A_143 : i32
      %ne3A_145 = arith.xori %lt3A_142, %lt3A_144 : i1
      %and3A_146 = arith.andi %ne3A_145, %ne3A_141 : i1
      %add3A_147 = arith.addi %rem3A_139, %select_n3A_138 : i32
      %select_n3A_148 = arith.select %and3A_146, %add3A_147, %rem3A_139 : i32
      %mul3A_149 = arith.constant 16 : i32
      %mul3A_150 = arith.muli %select_n3A_148, %mul3A_149 : i32
      %swap3A = arith.index_cast %select_n3A : i32 to index
      %swap3A_151 = arith.index_cast %mul3A_150 : i32 to index
      %swap3A_152 = tpu.vector_load %arg8[%swap3A, %swap3A_151] {strides = array<i32>} : memref<128x128xf32, #tpu.memory_space<vmem>>, vector<16xf32>,
      tpu.vector_store %arg8[%swap3A, %swap3A_151], %broadcast_in_dim3A_1 {strides = array<i32>} : memref<128x128xf32, #tpu.memory_space<vmem>>, vector<16xf32>,
    }
    %scan3A_6 = arith.constant 1024 : i32
    %mul3A_7 = arith.constant 640 : i32
    %mul3A_8 = arith.muli %arg1, %mul3A_7 : i32
    %add3A_9 = arith.constant 0 : i32
    %add3A_10 = arith.addi %mul3A_8, %add3A_9 : i32
    "tpu.region"() ({
      %run_scoped3A = tpu.sem_alloc : memref<!tpu.dma_semaphore, #tpu.memory_space<semaphore_mem>>
      %dma_start3A_118 = arith.constant 0 : i32
      %dma_start3A_119 = tpu.memref_slice %arg10[%add3A_10, %dma_start3A_118] : memref<10240x128xf32, #tpu.memory_space<vmem_shared>> -> memref<128x128xf32, #tpu.memory_space<vmem_shared>>
      %dma_start3A_120 = arith.constant 0 : i32
      %dma_start3A_121 = tpu.memref_slice %arg10[%add3A_10, %dma_start3A_120] : memref<10240x128xf32, #tpu.memory_space<vmem_shared>> -> memref<128x128xf32, #tpu.memory_space<vmem_shared>>
      tpu.enqueue_dma source(%arg8 : memref<128x128xf32, #tpu.memory_space<vmem>>) target(%dma_start3A_121 : memref<128x128xf32, #tpu.memory_space<vmem_shared>>) target_semaphore(%run_scoped3A : memref<!tpu.dma_semaphore, #tpu.memory_space<semaphore_mem>>)
      %dma_wait3A = arith.constant 0 : i32
      %dma_wait3A_122 = tpu.memref_slice %arg10[%add3A_10, %dma_wait3A] : memref<10240x128xf32, #tpu.memory_space<vmem_shared>> -> memref<128x128xf32, #tpu.memory_space<vmem_shared>>
      %dma_wait3A_123 = arith.constant 0 : i32
      %dma_wait3A_124 = tpu.memref_slice %arg10[%add3A_10, %dma_wait3A_123] : memref<10240x128xf32, #tpu.memory_space<vmem_shared>> -> memref<128x128xf32, #tpu.memory_space<vmem_shared>>
      tpu.wait_dma2 semaphore(%run_scoped3A : memref<!tpu.dma_semaphore, #tpu.memory_space<semaphore_mem>>) src(%arg8 : memref<128x128xf32, #tpu.memory_space<vmem>>) dst(%dma_wait3A_124 : memref<128x128xf32, #tpu.memory_space<vmem_shared>>)
      tpu.yield
    }) : () -> ()
    %mul3A_11 = arith.constant 640 : i32
    %mul3A_12 = arith.muli %arg1, %mul3A_11 : i32
    %add3A_13 = arith.constant 128 : i32
    %add3A_14 = arith.addi %mul3A_12, %add3A_13 : i32
    "tpu.region"() ({
      %run_scoped3A = tpu.sem_alloc : memref<!tpu.dma_semaphore, #tpu.memory_space<semaphore_mem>>
      %dma_start3A_118 = arith.constant 0 : i32
      %dma_start3A_119 = tpu.memref_slice %arg10[%add3A_14, %dma_start3A_118] : memref<10240x128xf32, #tpu.memory_space<vmem_shared>> -> memref<128x128xf32, #tpu.memory_space<vmem_shared>>
      %dma_start3A_120 = arith.constant 0 : i32
      %dma_start3A_121 = tpu.memref_slice %arg10[%add3A_14, %dma_start3A_120] : memref<10240x128xf32, #tpu.memory_space<vmem_shared>> -> memref<128x128xf32, #tpu.memory_space<vmem_shared>>
      tpu.enqueue_dma source(%arg8 : memref<128x128xf32, #tpu.memory_space<vmem>>) target(%dma_start3A_121 : memref<128x128xf32, #tpu.memory_space<vmem_shared>>) target_semaphore(%run_scoped3A : memref<!tpu.dma_semaphore, #tpu.memory_space<semaphore_mem>>)
      %dma_wait3A = arith.constant 0 : i32
      %dma_wait3A_122 = tpu.memref_slice %arg10[%add3A_14, %dma_wait3A] : memref<10240x128xf32, #tpu.memory_space<vmem_shared>> -> memref<128x128xf32, #tpu.memory_space<vmem_shared>>
      %dma_wait3A_123 = arith.constant 0 : i32
      %dma_wait3A_124 = tpu.memref_slice %arg10[%add3A_14, %dma_wait3A_123] : memref<10240x128xf32, #tpu.memory_space<vmem_shared>> -> memref<128x128xf32, #tpu.memory_space<vmem_shared>>
      tpu.wait_dma2 semaphore(%run_scoped3A : memref<!tpu.dma_semaphore, #tpu.memory_space<semaphore_mem>>) src(%arg8 : memref<128x128xf32, #tpu.memory_space<vmem>>) dst(%dma_wait3A_124 : memref<128x128xf32, #tpu.memory_space<vmem_shared>>)
      tpu.yield
    }) : () -> ()
    %mul3A_15 = arith.constant 640 : i32
    %mul3A_16 = arith.muli %arg1, %mul3A_15 : i32
    %add3A_17 = arith.constant 256 : i32
    %add3A_18 = arith.addi %mul3A_16, %add3A_17 : i32
    "tpu.region"() ({
      %run_scoped3A = tpu.sem_alloc : memref<!tpu.dma_semaphore, #tpu.memory_space<semaphore_mem>>
      %dma_start3A_118 = arith.constant 0 : i32
      %dma_start3A_119 = tpu.memref_slice %arg10[%add3A_18, %dma_start3A_118] : memref<10240x128xf32, #tpu.memory_space<vmem_shared>> -> memref<128x128xf32, #tpu.memory_space<vmem_shared>>
      %dma_start3A_120 = arith.constant 0 : i32
      %dma_start3A_121 = tpu.memref_slice %arg10[%add3A_18, %dma_start3A_120] : memref<10240x128xf32, #tpu.memory_space<vmem_shared>> -> memref<128x128xf32, #tpu.memory_space<vmem_shared>>
      tpu.enqueue_dma source(%arg8 : memref<128x128xf32, #tpu.memory_space<vmem>>) target(%dma_start3A_121 : memref<128x128xf32, #tpu.memory_space<vmem_shared>>) target_semaphore(%run_scoped3A : memref<!tpu.dma_semaphore, #tpu.memory_space<semaphore_mem>>)
      %dma_wait3A = arith.constant 0 : i32
      %dma_wait3A_122 = tpu.memref_slice %arg10[%add3A_18, %dma_wait3A] : memref<10240x128xf32, #tpu.memory_space<vmem_shared>> -> memref<128x128xf32, #tpu.memory_space<vmem_shared>>
      %dma_wait3A_123 = arith.constant 0 : i32
      %dma_wait3A_124 = tpu.memref_slice %arg10[%add3A_18, %dma_wait3A_123] : memref<10240x128xf32, #tpu.memory_space<vmem_shared>> -> memref<128x128xf32, #tpu.memory_space<vmem_shared>>
      tpu.wait_dma2 semaphore(%run_scoped3A : memref<!tpu.dma_semaphore, #tpu.memory_space<semaphore_mem>>) src(%arg8 : memref<128x128xf32, #tpu.memory_space<vmem>>) dst(%dma_wait3A_124 : memref<128x128xf32, #tpu.memory_space<vmem_shared>>)
      tpu.yield
    }) : () -> ()
    %mul3A_19 = arith.constant 640 : i32
    %mul3A_20 = arith.muli %arg1, %mul3A_19 : i32
    %add3A_21 = arith.constant 384 : i32
    %add3A_22 = arith.addi %mul3A_20, %add3A_21 : i32
    "tpu.region"() ({
      %run_scoped3A = tpu.sem_alloc : memref<!tpu.dma_semaphore, #tpu.memory_space<semaphore_mem>>
      %dma_start3A_118 = arith.constant 0 : i32
      %dma_start3A_119 = tpu.memref_slice %arg10[%add3A_22, %dma_start3A_118] : memref<10240x128xf32, #tpu.memory_space<vmem_shared>> -> memref<128x128xf32, #tpu.memory_space<vmem_shared>>
      %dma_start3A_120 = arith.constant 0 : i32
      %dma_start3A_121 = tpu.memref_slice %arg10[%add3A_22, %dma_start3A_120] : memref<10240x128xf32, #tpu.memory_space<vmem_shared>> -> memref<128x128xf32, #tpu.memory_space<vmem_shared>>
      tpu.enqueue_dma source(%arg8 : memref<128x128xf32, #tpu.memory_space<vmem>>) target(%dma_start3A_121 : memref<128x128xf32, #tpu.memory_space<vmem_shared>>) target_semaphore(%run_scoped3A : memref<!tpu.dma_semaphore, #tpu.memory_space<semaphore_mem>>)
      %dma_wait3A = arith.constant 0 : i32
      %dma_wait3A_122 = tpu.memref_slice %arg10[%add3A_22, %dma_wait3A] : memref<10240x128xf32, #tpu.memory_space<vmem_shared>> -> memref<128x128xf32, #tpu.memory_space<vmem_shared>>
      %dma_wait3A_123 = arith.constant 0 : i32
      %dma_wait3A_124 = tpu.memref_slice %arg10[%add3A_22, %dma_wait3A_123] : memref<10240x128xf32, #tpu.memory_space<vmem_shared>> -> memref<128x128xf32, #tpu.memory_space<vmem_shared>>
      tpu.wait_dma2 semaphore(%run_scoped3A : memref<!tpu.dma_semaphore, #tpu.memory_space<semaphore_mem>>) src(%arg8 : memref<128x128xf32, #tpu.memory_space<vmem>>) dst(%dma_wait3A_124 : memref<128x128xf32, #tpu.memory_space<vmem_shared>>)
      tpu.yield
    }) : () -> ()
    %mul3A_23 = arith.constant 640 : i32
    %mul3A_24 = arith.muli %arg1, %mul3A_23 : i32
    %add3A_25 = arith.constant 512 : i32
    %add3A_26 = arith.addi %mul3A_24, %add3A_25 : i32
    "tpu.region"() ({
      %run_scoped3A = tpu.sem_alloc : memref<!tpu.dma_semaphore, #tpu.memory_space<semaphore_mem>>
      %dma_start3A_118 = arith.constant 0 : i32
      %dma_start3A_119 = tpu.memref_slice %arg10[%add3A_26, %dma_start3A_118] : memref<10240x128xf32, #tpu.memory_space<vmem_shared>> -> memref<128x128xf32, #tpu.memory_space<vmem_shared>>
      %dma_start3A_120 = arith.constant 0 : i32
      %dma_start3A_121 = tpu.memref_slice %arg10[%add3A_26, %dma_start3A_120] : memref<10240x128xf32, #tpu.memory_space<vmem_shared>> -> memref<128x128xf32, #tpu.memory_space<vmem_shared>>
      tpu.enqueue_dma source(%arg8 : memref<128x128xf32, #tpu.memory_space<vmem>>) target(%dma_start3A_121 : memref<128x128xf32, #tpu.memory_space<vmem_shared>>) target_semaphore(%run_scoped3A : memref<!tpu.dma_semaphore, #tpu.memory_space<semaphore_mem>>)
      %dma_wait3A = arith.constant 0 : i32
      %dma_wait3A_122 = tpu.memref_slice %arg10[%add3A_26, %dma_wait3A] : memref<10240x128xf32, #tpu.memory_space<vmem_shared>> -> memref<128x128xf32, #tpu.memory_space<vmem_shared>>
      %dma_wait3A_123 = arith.constant 0 : i32
      %dma_wait3A_124 = tpu.memref_slice %arg10[%add3A_26, %dma_wait3A_123] : memref<10240x128xf32, #tpu.memory_space<vmem_shared>> -> memref<128x128xf32, #tpu.memory_space<vmem_shared>>
      tpu.wait_dma2 semaphore(%run_scoped3A : memref<!tpu.dma_semaphore, #tpu.memory_space<semaphore_mem>>) src(%arg8 : memref<128x128xf32, #tpu.memory_space<vmem>>) dst(%dma_wait3A_124 : memref<128x128xf32, #tpu.memory_space<vmem_shared>>)
      tpu.yield
    }) : () -> ()
    %barrier3A = arith.constant 0 : index
    tpu.barrier barrier_id(%barrier3A)
    %mul3A_27 = arith.constant 2 : i32
    %mul3A_28 = arith.muli %add3A, %mul3A_27 : i32
    %add3A_29 = arith.constant 0 : i32
    %add3A_30 = arith.addi %mul3A_28, %add3A_29 : i32
    "tpu.region"() ({
      %run_scoped3A = tpu.sem_alloc : memref<!tpu.dma_semaphore, #tpu.memory_space<semaphore_mem>>
      %dma_start3A_118 = arith.constant 0 : i32
      %dma_start3A_119 = arith.constant 0 : i32
      %dma_start3A_120 = tpu.memref_slice %arg3[%add3A_30, %dma_start3A_118, %dma_start3A_119] : memref<64x40x128xi32, #tpu.memory_space<hbm>> -> memref<1x40x128xi32, #tpu.memory_space<hbm>>
      %dma_start3A_121 = tpu.memref_squeeze %dma_start3A_120 : memref<1x40x128xi32, #tpu.memory_space<hbm>> -> memref<40x128xi32, #tpu.memory_space<hbm>>
      %dma_start3A_122 = arith.constant 0 : i32
      %dma_start3A_123 = arith.constant 0 : i32
      %dma_start3A_124 = tpu.memref_slice %arg3[%add3A_30, %dma_start3A_122, %dma_start3A_123] : memref<64x40x128xi32, #tpu.memory_space<hbm>> -> memref<1x40x128xi32, #tpu.memory_space<hbm>>
      %dma_start3A_125 = tpu.memref_squeeze %dma_start3A_124 : memref<1x40x128xi32, #tpu.memory_space<hbm>> -> memref<40x128xi32, #tpu.memory_space<hbm>>
      tpu.enqueue_dma source(%dma_start3A_125 : memref<40x128xi32, #tpu.memory_space<hbm>>) target(%arg6 : memref<40x128xi32, #tpu.memory_space<vmem>>) target_semaphore(%run_scoped3A : memref<!tpu.dma_semaphore, #tpu.memory_space<semaphore_mem>>)
      %dma_wait3A = arith.constant 0 : i32
      %dma_wait3A_126 = arith.constant 0 : i32
      %dma_wait3A_127 = tpu.memref_slice %arg3[%add3A_30, %dma_wait3A, %dma_wait3A_126] : memref<64x40x128xi32, #tpu.memory_space<hbm>> -> memref<1x40x128xi32, #tpu.memory_space<hbm>>
      %dma_wait3A_128 = tpu.memref_squeeze %dma_wait3A_127 : memref<1x40x128xi32, #tpu.memory_space<hbm>> -> memref<40x128xi32, #tpu.memory_space<hbm>>
      %dma_wait3A_129 = arith.constant 0 : i32
      %dma_wait3A_130 = arith.constant 0 : i32
      %dma_wait3A_131 = tpu.memref_slice %arg3[%add3A_30, %dma_wait3A_129, %dma_wait3A_130] : memref<64x40x128xi32, #tpu.memory_space<hbm>> -> memref<1x40x128xi32, #tpu.memory_space<hbm>>
      %dma_wait3A_132 = tpu.memref_squeeze %dma_wait3A_131 : memref<1x40x128xi32, #tpu.memory_space<hbm>> -> memref<40x128xi32, #tpu.memory_space<hbm>>
      tpu.wait_dma2 semaphore(%run_scoped3A : memref<!tpu.dma_semaphore, #tpu.memory_space<semaphore_mem>>) src(%dma_wait3A_132 : memref<40x128xi32, #tpu.memory_space<hbm>>) dst(%arg6 : memref<40x128xi32, #tpu.memory_space<vmem>>)
      tpu.yield
    }) : () -> ()
    %mul3A_31 = arith.constant 2 : i32
    %mul3A_32 = arith.muli %add3A, %mul3A_31 : i32
    %add3A_33 = arith.constant 0 : i32
    %add3A_34 = arith.addi %mul3A_32, %add3A_33 : i32
    "tpu.region"() ({
      %run_scoped3A = tpu.sem_alloc : memref<!tpu.dma_semaphore, #tpu.memory_space<semaphore_mem>>
      %dma_start3A_118 = arith.constant 0 : i32
      %dma_start3A_119 = arith.constant 0 : i32
      %dma_start3A_120 = tpu.memref_slice %arg4[%add3A_34, %dma_start3A_118, %dma_start3A_119] : memref<64x40x128xi32, #tpu.memory_space<hbm>> -> memref<1x40x128xi32, #tpu.memory_space<hbm>>
      %dma_start3A_121 = tpu.memref_squeeze %dma_start3A_120 : memref<1x40x128xi32, #tpu.memory_space<hbm>> -> memref<40x128xi32, #tpu.memory_space<hbm>>
      %dma_start3A_122 = arith.constant 0 : i32
      %dma_start3A_123 = arith.constant 0 : i32
      %dma_start3A_124 = tpu.memref_slice %arg4[%add3A_34, %dma_start3A_122, %dma_start3A_123] : memref<64x40x128xi32, #tpu.memory_space<hbm>> -> memref<1x40x128xi32, #tpu.memory_space<hbm>>
      %dma_start3A_125 = tpu.memref_squeeze %dma_start3A_124 : memref<1x40x128xi32, #tpu.memory_space<hbm>> -> memref<40x128xi32, #tpu.memory_space<hbm>>
      tpu.enqueue_dma source(%dma_start3A_125 : memref<40x128xi32, #tpu.memory_space<hbm>>) target(%arg7 : memref<40x128xi32, #tpu.memory_space<vmem>>) target_semaphore(%run_scoped3A : memref<!tpu.dma_semaphore, #tpu.memory_space<semaphore_mem>>)
      %dma_wait3A = arith.constant 0 : i32
      %dma_wait3A_126 = arith.constant 0 : i32
      %dma_wait3A_127 = tpu.memref_slice %arg4[%add3A_34, %dma_wait3A, %dma_wait3A_126] : memref<64x40x128xi32, #tpu.memory_space<hbm>> -> memref<1x40x128xi32, #tpu.memory_space<hbm>>
      %dma_wait3A_128 = tpu.memref_squeeze %dma_wait3A_127 : memref<1x40x128xi32, #tpu.memory_space<hbm>> -> memref<40x128xi32, #tpu.memory_space<hbm>>
      %dma_wait3A_129 = arith.constant 0 : i32
      %dma_wait3A_130 = arith.constant 0 : i32
      %dma_wait3A_131 = tpu.memref_slice %arg4[%add3A_34, %dma_wait3A_129, %dma_wait3A_130] : memref<64x40x128xi32, #tpu.memory_space<hbm>> -> memref<1x40x128xi32, #tpu.memory_space<hbm>>
      %dma_wait3A_132 = tpu.memref_squeeze %dma_wait3A_131 : memref<1x40x128xi32, #tpu.memory_space<hbm>> -> memref<40x128xi32, #tpu.memory_space<hbm>>
      tpu.wait_dma2 semaphore(%run_scoped3A : memref<!tpu.dma_semaphore, #tpu.memory_space<semaphore_mem>>) src(%dma_wait3A_132 : memref<40x128xi32, #tpu.memory_space<hbm>>) dst(%arg7 : memref<40x128xi32, #tpu.memory_space<vmem>>)
      tpu.yield
    }) : () -> ()
    %dma_start3A = arith.constant 0 : i32
    %dma_start3A_35 = arith.constant 0 : i32
    %dma_start3A_36 = tpu.memref_slice %arg6[%dma_start3A, %dma_start3A_35] : memref<40x128xi32, #tpu.memory_space<vmem>> -> memref<1x128xi32, #tpu.memory_space<vmem>>
    %dma_start3A_37 = tpu.memref_squeeze %dma_start3A_36 : memref<1x128xi32, #tpu.memory_space<vmem>> -> memref<128xi32, #tpu.memory_space<vmem>>
    %dma_start3A_38 = arith.constant 0 : i32
    %dma_start3A_39 = arith.constant 0 : i32
    %dma_start3A_40 = tpu.memref_slice %arg2[%dma_start3A_38, %dma_start3A_39] : memref<10000x128xf32, #tpu.memory_space<hbm>> -> memref<10000x128xf32, #tpu.memory_space<hbm>>
    tpu.enqueue_indirect_dma source(%dma_start3A_40 : memref<10000x128xf32, #tpu.memory_space<hbm>>) target(%arg8 : memref<128x128xf32, #tpu.memory_space<vmem>>) offsets(%dma_start3A_37 : memref<128xi32, #tpu.memory_space<vmem>>) semaphore(%arg11 : memref<!tpu.dma_semaphore, #tpu.memory_space<semaphore_mem>>)
    %dma_start3A_41 = arith.constant 1 : i32
    %dma_start3A_42 = arith.constant 0 : i32
    %dma_start3A_43 = tpu.memref_slice %arg6[%dma_start3A_41, %dma_start3A_42] : memref<40x128xi32, #tpu.memory_space<vmem>> -> memref<1x128xi32, #tpu.memory_space<vmem>>
    %dma_start3A_44 = tpu.memref_squeeze %dma_start3A_43 : memref<1x128xi32, #tpu.memory_space<vmem>> -> memref<128xi32, #tpu.memory_space<vmem>>
    %dma_start3A_45 = arith.constant 0 : i32
    %dma_start3A_46 = arith.constant 0 : i32
    %dma_start3A_47 = tpu.memref_slice %arg2[%dma_start3A_45, %dma_start3A_46] : memref<10000x128xf32, #tpu.memory_space<hbm>> -> memref<10000x128xf32, #tpu.memory_space<hbm>>
    tpu.enqueue_indirect_dma source(%dma_start3A_47 : memref<10000x128xf32, #tpu.memory_space<hbm>>) target(%arg9 : memref<128x128xf32, #tpu.memory_space<vmem>>) offsets(%dma_start3A_44 : memref<128xi32, #tpu.memory_space<vmem>>) semaphore(%arg12 : memref<!tpu.dma_semaphore, #tpu.memory_space<semaphore_mem>>)
    %scan3A_48 = arith.constant 0 : i32
    %scan3A_49 = arith.constant 0 : i32
    %scan3A_50 = arith.constant 20 : i32
    %scan3A_51 = arith.addi %scan3A_49, %scan3A_50 : i32
    %scan3A_52 = arith.constant 1 : i32
    scf.for %scan3A_118 = %scan3A_49 to %scan3A_51 step %scan3A_52  : i32 {
      %mul3A_119 = arith.constant 2 : i32
      %mul3A_120 = arith.muli %mul3A_119, %scan3A_118 : i32
      %mul3A_121 = arith.constant 2 : i32
      %mul3A_122 = arith.muli %mul3A_121, %scan3A_118 : i32
      %add3A_123 = arith.constant 1 : i32
      %add3A_124 = arith.addi %mul3A_122, %add3A_123 : i32
      %dma_wait3A = arith.constant 0 : i32
      %dma_wait3A_125 = tpu.memref_slice %arg6[%mul3A_120, %dma_wait3A] : memref<40x128xi32, #tpu.memory_space<vmem>> -> memref<1x128xi32, #tpu.memory_space<vmem>>
      %dma_wait3A_126 = tpu.memref_squeeze %dma_wait3A_125 : memref<1x128xi32, #tpu.memory_space<vmem>> -> memref<128xi32, #tpu.memory_space<vmem>>
      %dma_wait3A_127 = arith.constant 0 : i32
      %dma_wait3A_128 = arith.constant 0 : i32
      %dma_wait3A_129 = tpu.memref_slice %arg2[%dma_wait3A_127, %dma_wait3A_128] : memref<10000x128xf32, #tpu.memory_space<hbm>> -> memref<10000x128xf32, #tpu.memory_space<hbm>>
      tpu.wait_indirect_dma semaphore(%arg11 : memref<!tpu.dma_semaphore, #tpu.memory_space<semaphore_mem>>) src(%dma_wait3A_129 : memref<10000x128xf32, #tpu.memory_space<hbm>>) dst(%arg8 : memref<128x128xf32, #tpu.memory_space<vmem>>)
      %dma_start3A_130 = arith.constant 0 : i32
      %dma_start3A_131 = tpu.memref_slice %arg7[%mul3A_120, %dma_start3A_130] : memref<40x128xi32, #tpu.memory_space<vmem>> -> memref<1x128xi32, #tpu.memory_space<vmem>>
      %dma_start3A_132 = tpu.memref_squeeze %dma_start3A_131 : memref<1x128xi32, #tpu.memory_space<vmem>> -> memref<128xi32, #tpu.memory_space<vmem>>
      %dma_start3A_133 = arith.constant 0 : i32
      %dma_start3A_134 = arith.constant 0 : i32
      %dma_start3A_135 = tpu.memref_slice %arg10[%dma_start3A_133, %dma_start3A_134] : memref<10240x128xf32, #tpu.memory_space<vmem_shared>> -> memref<10240x128xf32, #tpu.memory_space<vmem_shared>>
      tpu.enqueue_indirect_dma source(%arg8 : memref<128x128xf32, #tpu.memory_space<vmem>>) target(%dma_start3A_135 : memref<10240x128xf32, #tpu.memory_space<vmem_shared>>) offsets(%dma_start3A_132 : memref<128xi32, #tpu.memory_space<vmem>>) semaphore(%arg13 : memref<!tpu.dma_semaphore, #tpu.memory_space<semaphore_mem>>) {add = true}
      %dma_wait3A_136 = arith.constant 0 : i32
      %dma_wait3A_137 = tpu.memref_slice %arg7[%mul3A_120, %dma_wait3A_136] : memref<40x128xi32, #tpu.memory_space<vmem>> -> memref<1x128xi32, #tpu.memory_space<vmem>>
      %dma_wait3A_138 = tpu.memref_squeeze %dma_wait3A_137 : memref<1x128xi32, #tpu.memory_space<vmem>> -> memref<128xi32, #tpu.memory_space<vmem>>
      %dma_wait3A_139 = arith.constant 0 : i32
      %dma_wait3A_140 = arith.constant 0 : i32
      %dma_wait3A_141 = tpu.memref_slice %arg10[%dma_wait3A_139, %dma_wait3A_140] : memref<10240x128xf32, #tpu.memory_space<vmem_shared>> -> memref<10240x128xf32, #tpu.memory_space<vmem_shared>>
      tpu.wait_indirect_dma semaphore(%arg13 : memref<!tpu.dma_semaphore, #tpu.memory_space<semaphore_mem>>) src(%arg8 : memref<128x128xf32, #tpu.memory_space<vmem>>) dst(%dma_wait3A_141 : memref<10240x128xf32, #tpu.memory_space<vmem_shared>>)
      %add3A_142 = arith.constant 2 : i32
      %add3A_143 = arith.addi %mul3A_120, %add3A_142 : i32
      %lt3A = arith.constant 40 : i32
      %lt3A_144 = arith.cmpi slt, %add3A_143, %lt3A : i32
      %convert_element_type3A = arith.extui %lt3A_144 : i1 to i32
      %cond3A = arith.constant 0 : i32
      %cond3A_145 = arith.cmpi ne, %convert_element_type3A, %cond3A : i32
      scf.if %cond3A_145 {
        %add3A_171 = arith.constant 2 : i32
        %add3A_172 = arith.addi %mul3A_120, %add3A_171 : i32
        %dma_start3A_173 = arith.constant 0 : i32
        %dma_start3A_174 = tpu.memref_slice %arg6[%add3A_172, %dma_start3A_173] : memref<40x128xi32, #tpu.memory_space<vmem>> -> memref<1x128xi32, #tpu.memory_space<vmem>>
        %dma_start3A_175 = tpu.memref_squeeze %dma_start3A_174 : memref<1x128xi32, #tpu.memory_space<vmem>> -> memref<128xi32, #tpu.memory_space<vmem>>
        %dma_start3A_176 = arith.constant 0 : i32
        %dma_start3A_177 = arith.constant 0 : i32
        %dma_start3A_178 = tpu.memref_slice %arg2[%dma_start3A_176, %dma_start3A_177] : memref<10000x128xf32, #tpu.memory_space<hbm>> -> memref<10000x128xf32, #tpu.memory_space<hbm>>
        tpu.enqueue_indirect_dma source(%dma_start3A_178 : memref<10000x128xf32, #tpu.memory_space<hbm>>) target(%arg8 : memref<128x128xf32, #tpu.memory_space<vmem>>) offsets(%dma_start3A_175 : memref<128xi32, #tpu.memory_space<vmem>>) semaphore(%arg11 : memref<!tpu.dma_semaphore, #tpu.memory_space<semaphore_mem>>)
      } else {
      }
      %dma_wait3A_146 = arith.constant 0 : i32
      %dma_wait3A_147 = tpu.memref_slice %arg6[%add3A_124, %dma_wait3A_146] : memref<40x128xi32, #tpu.memory_space<vmem>> -> memref<1x128xi32, #tpu.memory_space<vmem>>
      %dma_wait3A_148 = tpu.memref_squeeze %dma_wait3A_147 : memref<1x128xi32, #tpu.memory_space<vmem>> -> memref<128xi32, #tpu.memory_space<vmem>>
      %dma_wait3A_149 = arith.constant 0 : i32
      %dma_wait3A_150 = arith.constant 0 : i32
      %dma_wait3A_151 = tpu.memref_slice %arg2[%dma_wait3A_149, %dma_wait3A_150] : memref<10000x128xf32, #tpu.memory_space<hbm>> -> memref<10000x128xf32, #tpu.memory_space<hbm>>
      tpu.wait_indirect_dma semaphore(%arg12 : memref<!tpu.dma_semaphore, #tpu.memory_space<semaphore_mem>>) src(%dma_wait3A_151 : memref<10000x128xf32, #tpu.memory_space<hbm>>) dst(%arg9 : memref<128x128xf32, #tpu.memory_space<vmem>>)
      %dma_start3A_152 = arith.constant 0 : i32
      %dma_start3A_153 = tpu.memref_slice %arg7[%add3A_124, %dma_start3A_152] : memref<40x128xi32, #tpu.memory_space<vmem>> -> memref<1x128xi32, #tpu.memory_space<vmem>>
      %dma_start3A_154 = tpu.memref_squeeze %dma_start3A_153 : memref<1x128xi32, #tpu.memory_space<vmem>> -> memref<128xi32, #tpu.memory_space<vmem>>
      %dma_start3A_155 = arith.constant 0 : i32
      %dma_start3A_156 = arith.constant 0 : i32
      %dma_start3A_157 = tpu.memref_slice %arg10[%dma_start3A_155, %dma_start3A_156] : memref<10240x128xf32, #tpu.memory_space<vmem_shared>> -> memref<10240x128xf32, #tpu.memory_space<vmem_shared>>
      tpu.enqueue_indirect_dma source(%arg9 : memref<128x128xf32, #tpu.memory_space<vmem>>) target(%dma_start3A_157 : memref<10240x128xf32, #tpu.memory_space<vmem_shared>>) offsets(%dma_start3A_154 : memref<128xi32, #tpu.memory_space<vmem>>) semaphore(%arg14 : memref<!tpu.dma_semaphore, #tpu.memory_space<semaphore_mem>>) {add = true}
      %dma_wait3A_158 = arith.constant 0 : i32
      %dma_wait3A_159 = tpu.memref_slice %arg7[%add3A_124, %dma_wait3A_158] : memref<40x128xi32, #tpu.memory_space<vmem>> -> memref<1x128xi32, #tpu.memory_space<vmem>>
      %dma_wait3A_160 = tpu.memref_squeeze %dma_wait3A_159 : memref<1x128xi32, #tpu.memory_space<vmem>> -> memref<128xi32, #tpu.memory_space<vmem>>
      %dma_wait3A_161 = arith.constant 0 : i32
      %dma_wait3A_162 = arith.constant 0 : i32
      %dma_wait3A_163 = tpu.memref_slice %arg10[%dma_wait3A_161, %dma_wait3A_162] : memref<10240x128xf32, #tpu.memory_space<vmem_shared>> -> memref<10240x128xf32, #tpu.memory_space<vmem_shared>>
      tpu.wait_indirect_dma semaphore(%arg14 : memref<!tpu.dma_semaphore, #tpu.memory_space<semaphore_mem>>) src(%arg9 : memref<128x128xf32, #tpu.memory_space<vmem>>) dst(%dma_wait3A_163 : memref<10240x128xf32, #tpu.memory_space<vmem_shared>>)
      %add3A_164 = arith.constant 2 : i32
      %add3A_165 = arith.addi %add3A_124, %add3A_164 : i32
      %lt3A_166 = arith.constant 40 : i32
      %lt3A_167 = arith.cmpi slt, %add3A_165, %lt3A_166 : i32
      %convert_element_type3A_168 = arith.extui %lt3A_167 : i1 to i32
      %cond3A_169 = arith.constant 0 : i32
      %cond3A_170 = arith.cmpi ne, %convert_element_type3A_168, %cond3A_169 : i32
      scf.if %cond3A_170 {
        %add3A_171 = arith.constant 2 : i32
        %add3A_172 = arith.addi %add3A_124, %add3A_171 : i32
        %dma_start3A_173 = arith.constant 0 : i32
        %dma_start3A_174 = tpu.memref_slice %arg6[%add3A_172, %dma_start3A_173] : memref<40x128xi32, #tpu.memory_space<vmem>> -> memref<1x128xi32, #tpu.memory_space<vmem>>
        %dma_start3A_175 = tpu.memref_squeeze %dma_start3A_174 : memref<1x128xi32, #tpu.memory_space<vmem>> -> memref<128xi32, #tpu.memory_space<vmem>>
        %dma_start3A_176 = arith.constant 0 : i32
        %dma_start3A_177 = arith.constant 0 : i32
        %dma_start3A_178 = tpu.memref_slice %arg2[%dma_start3A_176, %dma_start3A_177] : memref<10000x128xf32, #tpu.memory_space<hbm>> -> memref<10000x128xf32, #tpu.memory_space<hbm>>
        tpu.enqueue_indirect_dma source(%dma_start3A_178 : memref<10000x128xf32, #tpu.memory_space<hbm>>) target(%arg9 : memref<128x128xf32, #tpu.memory_space<vmem>>) offsets(%dma_start3A_175 : memref<128xi32, #tpu.memory_space<vmem>>) semaphore(%arg12 : memref<!tpu.dma_semaphore, #tpu.memory_space<semaphore_mem>>)
      } else {
      }
    }
    %scan3A_53 = arith.constant 20 : i32
    %mul3A_54 = arith.constant 2 : i32
    %mul3A_55 = arith.muli %add3A, %mul3A_54 : i32
    %add3A_56 = arith.constant 1 : i32
    %add3A_57 = arith.addi %mul3A_55, %add3A_56 : i32
    "tpu.region"() ({
      %run_scoped3A = tpu.sem_alloc : memref<!tpu.dma_semaphore, #tpu.memory_space<semaphore_mem>>
      %dma_start3A_118 = arith.constant 0 : i32
      %dma_start3A_119 = arith.constant 0 : i32
      %dma_start3A_120 = tpu.memref_slice %arg3[%add3A_57, %dma_start3A_118, %dma_start3A_119] : memref<64x40x128xi32, #tpu.memory_space<hbm>> -> memref<1x40x128xi32, #tpu.memory_space<hbm>>
      %dma_start3A_121 = tpu.memref_squeeze %dma_start3A_120 : memref<1x40x128xi32, #tpu.memory_space<hbm>> -> memref<40x128xi32, #tpu.memory_space<hbm>>
      %dma_start3A_122 = arith.constant 0 : i32
      %dma_start3A_123 = arith.constant 0 : i32
      %dma_start3A_124 = tpu.memref_slice %arg3[%add3A_57, %dma_start3A_122, %dma_start3A_123] : memref<64x40x128xi32, #tpu.memory_space<hbm>> -> memref<1x40x128xi32, #tpu.memory_space<hbm>>
      %dma_start3A_125 = tpu.memref_squeeze %dma_start3A_124 : memref<1x40x128xi32, #tpu.memory_space<hbm>> -> memref<40x128xi32, #tpu.memory_space<hbm>>
      tpu.enqueue_dma source(%dma_start3A_125 : memref<40x128xi32, #tpu.memory_space<hbm>>) target(%arg6 : memref<40x128xi32, #tpu.memory_space<vmem>>) target_semaphore(%run_scoped3A : memref<!tpu.dma_semaphore, #tpu.memory_space<semaphore_mem>>)
      %dma_wait3A = arith.constant 0 : i32
      %dma_wait3A_126 = arith.constant 0 : i32
      %dma_wait3A_127 = tpu.memref_slice %arg3[%add3A_57, %dma_wait3A, %dma_wait3A_126] : memref<64x40x128xi32, #tpu.memory_space<hbm>> -> memref<1x40x128xi32, #tpu.memory_space<hbm>>
      %dma_wait3A_128 = tpu.memref_squeeze %dma_wait3A_127 : memref<1x40x128xi32, #tpu.memory_space<hbm>> -> memref<40x128xi32, #tpu.memory_space<hbm>>
      %dma_wait3A_129 = arith.constant 0 : i32
      %dma_wait3A_130 = arith.constant 0 : i32
      %dma_wait3A_131 = tpu.memref_slice %arg3[%add3A_57, %dma_wait3A_129, %dma_wait3A_130] : memref<64x40x128xi32, #tpu.memory_space<hbm>> -> memref<1x40x128xi32, #tpu.memory_space<hbm>>
      %dma_wait3A_132 = tpu.memref_squeeze %dma_wait3A_131 : memref<1x40x128xi32, #tpu.memory_space<hbm>> -> memref<40x128xi32, #tpu.memory_space<hbm>>
      tpu.wait_dma2 semaphore(%run_scoped3A : memref<!tpu.dma_semaphore, #tpu.memory_space<semaphore_mem>>) src(%dma_wait3A_132 : memref<40x128xi32, #tpu.memory_space<hbm>>) dst(%arg6 : memref<40x128xi32, #tpu.memory_space<vmem>>)
      tpu.yield
    }) : () -> ()
    %mul3A_58 = arith.constant 2 : i32
    %mul3A_59 = arith.muli %add3A, %mul3A_58 : i32
    %add3A_60 = arith.constant 1 : i32
    %add3A_61 = arith.addi %mul3A_59, %add3A_60 : i32
    "tpu.region"() ({
      %run_scoped3A = tpu.sem_alloc : memref<!tpu.dma_semaphore, #tpu.memory_space<semaphore_mem>>
      %dma_start3A_118 = arith.constant 0 : i32
      %dma_start3A_119 = arith.constant 0 : i32
      %dma_start3A_120 = tpu.memref_slice %arg4[%add3A_61, %dma_start3A_118, %dma_start3A_119] : memref<64x40x128xi32, #tpu.memory_space<hbm>> -> memref<1x40x128xi32, #tpu.memory_space<hbm>>
      %dma_start3A_121 = tpu.memref_squeeze %dma_start3A_120 : memref<1x40x128xi32, #tpu.memory_space<hbm>> -> memref<40x128xi32, #tpu.memory_space<hbm>>
      %dma_start3A_122 = arith.constant 0 : i32
      %dma_start3A_123 = arith.constant 0 : i32
      %dma_start3A_124 = tpu.memref_slice %arg4[%add3A_61, %dma_start3A_122, %dma_start3A_123] : memref<64x40x128xi32, #tpu.memory_space<hbm>> -> memref<1x40x128xi32, #tpu.memory_space<hbm>>
      %dma_start3A_125 = tpu.memref_squeeze %dma_start3A_124 : memref<1x40x128xi32, #tpu.memory_space<hbm>> -> memref<40x128xi32, #tpu.memory_space<hbm>>
      tpu.enqueue_dma source(%dma_start3A_125 : memref<40x128xi32, #tpu.memory_space<hbm>>) target(%arg7 : memref<40x128xi32, #tpu.memory_space<vmem>>) target_semaphore(%run_scoped3A : memref<!tpu.dma_semaphore, #tpu.memory_space<semaphore_mem>>)
      %dma_wait3A = arith.constant 0 : i32
      %dma_wait3A_126 = arith.constant 0 : i32
      %dma_wait3A_127 = tpu.memref_slice %arg4[%add3A_61, %dma_wait3A, %dma_wait3A_126] : memref<64x40x128xi32, #tpu.memory_space<hbm>> -> memref<1x40x128xi32, #tpu.memory_space<hbm>>
      %dma_wait3A_128 = tpu.memref_squeeze %dma_wait3A_127 : memref<1x40x128xi32, #tpu.memory_space<hbm>> -> memref<40x128xi32, #tpu.memory_space<hbm>>
      %dma_wait3A_129 = arith.constant 0 : i32
      %dma_wait3A_130 = arith.constant 0 : i32
      %dma_wait3A_131 = tpu.memref_slice %arg4[%add3A_61, %dma_wait3A_129, %dma_wait3A_130] : memref<64x40x128xi32, #tpu.memory_space<hbm>> -> memref<1x40x128xi32, #tpu.memory_space<hbm>>
      %dma_wait3A_132 = tpu.memref_squeeze %dma_wait3A_131 : memref<1x40x128xi32, #tpu.memory_space<hbm>> -> memref<40x128xi32, #tpu.memory_space<hbm>>
      tpu.wait_dma2 semaphore(%run_scoped3A : memref<!tpu.dma_semaphore, #tpu.memory_space<semaphore_mem>>) src(%dma_wait3A_132 : memref<40x128xi32, #tpu.memory_space<hbm>>) dst(%arg7 : memref<40x128xi32, #tpu.memory_space<vmem>>)
      tpu.yield
    }) : () -> ()
    %dma_start3A_62 = arith.constant 0 : i32
    %dma_start3A_63 = arith.constant 0 : i32
    %dma_start3A_64 = tpu.memref_slice %arg6[%dma_start3A_62, %dma_start3A_63] : memref<40x128xi32, #tpu.memory_space<vmem>> -> memref<1x128xi32, #tpu.memory_space<vmem>>
    %dma_start3A_65 = tpu.memref_squeeze %dma_start3A_64 : memref<1x128xi32, #tpu.memory_space<vmem>> -> memref<128xi32, #tpu.memory_space<vmem>>
    %dma_start3A_66 = arith.constant 0 : i32
    %dma_start3A_67 = arith.constant 0 : i32
    %dma_start3A_68 = tpu.memref_slice %arg2[%dma_start3A_66, %dma_start3A_67] : memref<10000x128xf32, #tpu.memory_space<hbm>> -> memref<10000x128xf32, #tpu.memory_space<hbm>>
    tpu.enqueue_indirect_dma source(%dma_start3A_68 : memref<10000x128xf32, #tpu.memory_space<hbm>>) target(%arg8 : memref<128x128xf32, #tpu.memory_space<vmem>>) offsets(%dma_start3A_65 : memref<128xi32, #tpu.memory_space<vmem>>) semaphore(%arg11 : memref<!tpu.dma_semaphore, #tpu.memory_space<semaphore_mem>>)
    %dma_start3A_69 = arith.constant 1 : i32
    %dma_start3A_70 = arith.constant 0 : i32
    %dma_start3A_71 = tpu.memref_slice %arg6[%dma_start3A_69, %dma_start3A_70] : memref<40x128xi32, #tpu.memory_space<vmem>> -> memref<1x128xi32, #tpu.memory_space<vmem>>
    %dma_start3A_72 = tpu.memref_squeeze %dma_start3A_71 : memref<1x128xi32, #tpu.memory_space<vmem>> -> memref<128xi32, #tpu.memory_space<vmem>>
    %dma_start3A_73 = arith.constant 0 : i32
    %dma_start3A_74 = arith.constant 0 : i32
    %dma_start3A_75 = tpu.memref_slice %arg2[%dma_start3A_73, %dma_start3A_74] : memref<10000x128xf32, #tpu.memory_space<hbm>> -> memref<10000x128xf32, #tpu.memory_space<hbm>>
    tpu.enqueue_indirect_dma source(%dma_start3A_75 : memref<10000x128xf32, #tpu.memory_space<hbm>>) target(%arg9 : memref<128x128xf32, #tpu.memory_space<vmem>>) offsets(%dma_start3A_72 : memref<128xi32, #tpu.memory_space<vmem>>) semaphore(%arg12 : memref<!tpu.dma_semaphore, #tpu.memory_space<semaphore_mem>>)
    %scan3A_76 = arith.constant 0 : i32
    %scan3A_77 = arith.constant 0 : i32
    %scan3A_78 = arith.constant 20 : i32
    %scan3A_79 = arith.addi %scan3A_77, %scan3A_78 : i32
    %scan3A_80 = arith.constant 1 : i32
    scf.for %scan3A_118 = %scan3A_77 to %scan3A_79 step %scan3A_80  : i32 {
      %mul3A_119 = arith.constant 2 : i32
      %mul3A_120 = arith.muli %mul3A_119, %scan3A_118 : i32
      %mul3A_121 = arith.constant 2 : i32
      %mul3A_122 = arith.muli %mul3A_121, %scan3A_118 : i32
      %add3A_123 = arith.constant 1 : i32
      %add3A_124 = arith.addi %mul3A_122, %add3A_123 : i32
      %dma_wait3A = arith.constant 0 : i32
      %dma_wait3A_125 = tpu.memref_slice %arg6[%mul3A_120, %dma_wait3A] : memref<40x128xi32, #tpu.memory_space<vmem>> -> memref<1x128xi32, #tpu.memory_space<vmem>>
      %dma_wait3A_126 = tpu.memref_squeeze %dma_wait3A_125 : memref<1x128xi32, #tpu.memory_space<vmem>> -> memref<128xi32, #tpu.memory_space<vmem>>
      %dma_wait3A_127 = arith.constant 0 : i32
      %dma_wait3A_128 = arith.constant 0 : i32
      %dma_wait3A_129 = tpu.memref_slice %arg2[%dma_wait3A_127, %dma_wait3A_128] : memref<10000x128xf32, #tpu.memory_space<hbm>> -> memref<10000x128xf32, #tpu.memory_space<hbm>>
      tpu.wait_indirect_dma semaphore(%arg11 : memref<!tpu.dma_semaphore, #tpu.memory_space<semaphore_mem>>) src(%dma_wait3A_129 : memref<10000x128xf32, #tpu.memory_space<hbm>>) dst(%arg8 : memref<128x128xf32, #tpu.memory_space<vmem>>)
      %dma_start3A_130 = arith.constant 0 : i32
      %dma_start3A_131 = tpu.memref_slice %arg7[%mul3A_120, %dma_start3A_130] : memref<40x128xi32, #tpu.memory_space<vmem>> -> memref<1x128xi32, #tpu.memory_space<vmem>>
      %dma_start3A_132 = tpu.memref_squeeze %dma_start3A_131 : memref<1x128xi32, #tpu.memory_space<vmem>> -> memref<128xi32, #tpu.memory_space<vmem>>
      %dma_start3A_133 = arith.constant 0 : i32
      %dma_start3A_134 = arith.constant 0 : i32
      %dma_start3A_135 = tpu.memref_slice %arg10[%dma_start3A_133, %dma_start3A_134] : memref<10240x128xf32, #tpu.memory_space<vmem_shared>> -> memref<10240x128xf32, #tpu.memory_space<vmem_shared>>
      tpu.enqueue_indirect_dma source(%arg8 : memref<128x128xf32, #tpu.memory_space<vmem>>) target(%dma_start3A_135 : memref<10240x128xf32, #tpu.memory_space<vmem_shared>>) offsets(%dma_start3A_132 : memref<128xi32, #tpu.memory_space<vmem>>) semaphore(%arg13 : memref<!tpu.dma_semaphore, #tpu.memory_space<semaphore_mem>>) {add = true}
      %dma_wait3A_136 = arith.constant 0 : i32
      %dma_wait3A_137 = tpu.memref_slice %arg7[%mul3A_120, %dma_wait3A_136] : memref<40x128xi32, #tpu.memory_space<vmem>> -> memref<1x128xi32, #tpu.memory_space<vmem>>
      %dma_wait3A_138 = tpu.memref_squeeze %dma_wait3A_137 : memref<1x128xi32, #tpu.memory_space<vmem>> -> memref<128xi32, #tpu.memory_space<vmem>>
      %dma_wait3A_139 = arith.constant 0 : i32
      %dma_wait3A_140 = arith.constant 0 : i32
      %dma_wait3A_141 = tpu.memref_slice %arg10[%dma_wait3A_139, %dma_wait3A_140] : memref<10240x128xf32, #tpu.memory_space<vmem_shared>> -> memref<10240x128xf32, #tpu.memory_space<vmem_shared>>
      tpu.wait_indirect_dma semaphore(%arg13 : memref<!tpu.dma_semaphore, #tpu.memory_space<semaphore_mem>>) src(%arg8 : memref<128x128xf32, #tpu.memory_space<vmem>>) dst(%dma_wait3A_141 : memref<10240x128xf32, #tpu.memory_space<vmem_shared>>)
      %add3A_142 = arith.constant 2 : i32
      %add3A_143 = arith.addi %mul3A_120, %add3A_142 : i32
      %lt3A = arith.constant 40 : i32
      %lt3A_144 = arith.cmpi slt, %add3A_143, %lt3A : i32
      %convert_element_type3A = arith.extui %lt3A_144 : i1 to i32
      %cond3A = arith.constant 0 : i32
      %cond3A_145 = arith.cmpi ne, %convert_element_type3A, %cond3A : i32
      scf.if %cond3A_145 {
        %add3A_171 = arith.constant 2 : i32
        %add3A_172 = arith.addi %mul3A_120, %add3A_171 : i32
        %dma_start3A_173 = arith.constant 0 : i32
        %dma_start3A_174 = tpu.memref_slice %arg6[%add3A_172, %dma_start3A_173] : memref<40x128xi32, #tpu.memory_space<vmem>> -> memref<1x128xi32, #tpu.memory_space<vmem>>
        %dma_start3A_175 = tpu.memref_squeeze %dma_start3A_174 : memref<1x128xi32, #tpu.memory_space<vmem>> -> memref<128xi32, #tpu.memory_space<vmem>>
        %dma_start3A_176 = arith.constant 0 : i32
        %dma_start3A_177 = arith.constant 0 : i32
        %dma_start3A_178 = tpu.memref_slice %arg2[%dma_start3A_176, %dma_start3A_177] : memref<10000x128xf32, #tpu.memory_space<hbm>> -> memref<10000x128xf32, #tpu.memory_space<hbm>>
        tpu.enqueue_indirect_dma source(%dma_start3A_178 : memref<10000x128xf32, #tpu.memory_space<hbm>>) target(%arg8 : memref<128x128xf32, #tpu.memory_space<vmem>>) offsets(%dma_start3A_175 : memref<128xi32, #tpu.memory_space<vmem>>) semaphore(%arg11 : memref<!tpu.dma_semaphore, #tpu.memory_space<semaphore_mem>>)
      } else {
      }
      %dma_wait3A_146 = arith.constant 0 : i32
      %dma_wait3A_147 = tpu.memref_slice %arg6[%add3A_124, %dma_wait3A_146] : memref<40x128xi32, #tpu.memory_space<vmem>> -> memref<1x128xi32, #tpu.memory_space<vmem>>
      %dma_wait3A_148 = tpu.memref_squeeze %dma_wait3A_147 : memref<1x128xi32, #tpu.memory_space<vmem>> -> memref<128xi32, #tpu.memory_space<vmem>>
      %dma_wait3A_149 = arith.constant 0 : i32
      %dma_wait3A_150 = arith.constant 0 : i32
      %dma_wait3A_151 = tpu.memref_slice %arg2[%dma_wait3A_149, %dma_wait3A_150] : memref<10000x128xf32, #tpu.memory_space<hbm>> -> memref<10000x128xf32, #tpu.memory_space<hbm>>
      tpu.wait_indirect_dma semaphore(%arg12 : memref<!tpu.dma_semaphore, #tpu.memory_space<semaphore_mem>>) src(%dma_wait3A_151 : memref<10000x128xf32, #tpu.memory_space<hbm>>) dst(%arg9 : memref<128x128xf32, #tpu.memory_space<vmem>>)
      %dma_start3A_152 = arith.constant 0 : i32
      %dma_start3A_153 = tpu.memref_slice %arg7[%add3A_124, %dma_start3A_152] : memref<40x128xi32, #tpu.memory_space<vmem>> -> memref<1x128xi32, #tpu.memory_space<vmem>>
      %dma_start3A_154 = tpu.memref_squeeze %dma_start3A_153 : memref<1x128xi32, #tpu.memory_space<vmem>> -> memref<128xi32, #tpu.memory_space<vmem>>
      %dma_start3A_155 = arith.constant 0 : i32
      %dma_start3A_156 = arith.constant 0 : i32
      %dma_start3A_157 = tpu.memref_slice %arg10[%dma_start3A_155, %dma_start3A_156] : memref<10240x128xf32, #tpu.memory_space<vmem_shared>> -> memref<10240x128xf32, #tpu.memory_space<vmem_shared>>
      tpu.enqueue_indirect_dma source(%arg9 : memref<128x128xf32, #tpu.memory_space<vmem>>) target(%dma_start3A_157 : memref<10240x128xf32, #tpu.memory_space<vmem_shared>>) offsets(%dma_start3A_154 : memref<128xi32, #tpu.memory_space<vmem>>) semaphore(%arg14 : memref<!tpu.dma_semaphore, #tpu.memory_space<semaphore_mem>>) {add = true}
      %dma_wait3A_158 = arith.constant 0 : i32
      %dma_wait3A_159 = tpu.memref_slice %arg7[%add3A_124, %dma_wait3A_158] : memref<40x128xi32, #tpu.memory_space<vmem>> -> memref<1x128xi32, #tpu.memory_space<vmem>>
      %dma_wait3A_160 = tpu.memref_squeeze %dma_wait3A_159 : memref<1x128xi32, #tpu.memory_space<vmem>> -> memref<128xi32, #tpu.memory_space<vmem>>
      %dma_wait3A_161 = arith.constant 0 : i32
      %dma_wait3A_162 = arith.constant 0 : i32
      %dma_wait3A_163 = tpu.memref_slice %arg10[%dma_wait3A_161, %dma_wait3A_162] : memref<10240x128xf32, #tpu.memory_space<vmem_shared>> -> memref<10240x128xf32, #tpu.memory_space<vmem_shared>>
      tpu.wait_indirect_dma semaphore(%arg14 : memref<!tpu.dma_semaphore, #tpu.memory_space<semaphore_mem>>) src(%arg9 : memref<128x128xf32, #tpu.memory_space<vmem>>) dst(%dma_wait3A_163 : memref<10240x128xf32, #tpu.memory_space<vmem_shared>>)
      %add3A_164 = arith.constant 2 : i32
      %add3A_165 = arith.addi %add3A_124, %add3A_164 : i32
      %lt3A_166 = arith.constant 40 : i32
      %lt3A_167 = arith.cmpi slt, %add3A_165, %lt3A_166 : i32
      %convert_element_type3A_168 = arith.extui %lt3A_167 : i1 to i32
      %cond3A_169 = arith.constant 0 : i32
      %cond3A_170 = arith.cmpi ne, %convert_element_type3A_168, %cond3A_169 : i32
      scf.if %cond3A_170 {
        %add3A_171 = arith.constant 2 : i32
        %add3A_172 = arith.addi %add3A_124, %add3A_171 : i32
        %dma_start3A_173 = arith.constant 0 : i32
        %dma_start3A_174 = tpu.memref_slice %arg6[%add3A_172, %dma_start3A_173] : memref<40x128xi32, #tpu.memory_space<vmem>> -> memref<1x128xi32, #tpu.memory_space<vmem>>
        %dma_start3A_175 = tpu.memref_squeeze %dma_start3A_174 : memref<1x128xi32, #tpu.memory_space<vmem>> -> memref<128xi32, #tpu.memory_space<vmem>>
        %dma_start3A_176 = arith.constant 0 : i32
        %dma_start3A_177 = arith.constant 0 : i32
        %dma_start3A_178 = tpu.memref_slice %arg2[%dma_start3A_176, %dma_start3A_177] : memref<10000x128xf32, #tpu.memory_space<hbm>> -> memref<10000x128xf32, #tpu.memory_space<hbm>>
        tpu.enqueue_indirect_dma source(%dma_start3A_178 : memref<10000x128xf32, #tpu.memory_space<hbm>>) target(%arg9 : memref<128x128xf32, #tpu.memory_space<vmem>>) offsets(%dma_start3A_175 : memref<128xi32, #tpu.memory_space<vmem>>) semaphore(%arg12 : memref<!tpu.dma_semaphore, #tpu.memory_space<semaphore_mem>>)
      } else {
      }
    }
    %scan3A_81 = arith.constant 20 : i32
    %barrier3A_82 = arith.constant 0 : index
    tpu.barrier barrier_id(%barrier3A_82)
    %mul3A_83 = arith.constant 640 : i32
    %mul3A_84 = arith.muli %arg1, %mul3A_83 : i32
    %add3A_85 = arith.constant 0 : i32
    %add3A_86 = arith.addi %mul3A_84, %add3A_85 : i32
    "tpu.region"() ({
      %run_scoped3A = tpu.sem_alloc : memref<!tpu.dma_semaphore, #tpu.memory_space<semaphore_mem>>
      %dma_start3A_118 = arith.constant 0 : i32
      %dma_start3A_119 = tpu.memref_slice %arg10[%add3A_86, %dma_start3A_118] : memref<10240x128xf32, #tpu.memory_space<vmem_shared>> -> memref<128x128xf32, #tpu.memory_space<vmem_shared>>
      %dma_start3A_120 = arith.constant 0 : i32
      %dma_start3A_121 = tpu.memref_slice %arg10[%add3A_86, %dma_start3A_120] : memref<10240x128xf32, #tpu.memory_space<vmem_shared>> -> memref<128x128xf32, #tpu.memory_space<vmem_shared>>
      tpu.enqueue_dma source(%dma_start3A_121 : memref<128x128xf32, #tpu.memory_space<vmem_shared>>) target(%arg8 : memref<128x128xf32, #tpu.memory_space<vmem>>) target_semaphore(%run_scoped3A : memref<!tpu.dma_semaphore, #tpu.memory_space<semaphore_mem>>)
      %dma_wait3A = arith.constant 0 : i32
      %dma_wait3A_122 = tpu.memref_slice %arg10[%add3A_86, %dma_wait3A] : memref<10240x128xf32, #tpu.memory_space<vmem_shared>> -> memref<128x128xf32, #tpu.memory_space<vmem_shared>>
      %dma_wait3A_123 = arith.constant 0 : i32
      %dma_wait3A_124 = tpu.memref_slice %arg10[%add3A_86, %dma_wait3A_123] : memref<10240x128xf32, #tpu.memory_space<vmem_shared>> -> memref<128x128xf32, #tpu.memory_space<vmem_shared>>
      tpu.wait_dma2 semaphore(%run_scoped3A : memref<!tpu.dma_semaphore, #tpu.memory_space<semaphore_mem>>) src(%dma_wait3A_124 : memref<128x128xf32, #tpu.memory_space<vmem_shared>>) dst(%arg8 : memref<128x128xf32, #tpu.memory_space<vmem>>)
      tpu.yield
    }) : () -> ()
    %mul3A_87 = arith.constant 10240 : i32
    %mul3A_88 = arith.muli %arg0, %mul3A_87 : i32
    %add3A_89 = arith.addi %mul3A_88, %add3A_86 : i32
    "tpu.region"() ({
      %run_scoped3A = tpu.sem_alloc : memref<!tpu.dma_semaphore, #tpu.memory_space<semaphore_mem>>
      %dma_start3A_118 = arith.constant 0 : i32
      %dma_start3A_119 = tpu.memref_slice %arg5[%add3A_89, %dma_start3A_118] : memref<20480x128xf32, #tpu.memory_space<hbm>> -> memref<128x128xf32, #tpu.memory_space<hbm>>
      %dma_start3A_120 = arith.constant 0 : i32
      %dma_start3A_121 = tpu.memref_slice %arg5[%add3A_89, %dma_start3A_120] : memref<20480x128xf32, #tpu.memory_space<hbm>> -> memref<128x128xf32, #tpu.memory_space<hbm>>
      tpu.enqueue_dma source(%arg8 : memref<128x128xf32, #tpu.memory_space<vmem>>) target(%dma_start3A_121 : memref<128x128xf32, #tpu.memory_space<hbm>>) target_semaphore(%run_scoped3A : memref<!tpu.dma_semaphore, #tpu.memory_space<semaphore_mem>>)
      %dma_wait3A = arith.constant 0 : i32
      %dma_wait3A_122 = tpu.memref_slice %arg5[%add3A_89, %dma_wait3A] : memref<20480x128xf32, #tpu.memory_space<hbm>> -> memref<128x128xf32, #tpu.memory_space<hbm>>
      %dma_wait3A_123 = arith.constant 0 : i32
      %dma_wait3A_124 = tpu.memref_slice %arg5[%add3A_89, %dma_wait3A_123] : memref<20480x128xf32, #tpu.memory_space<hbm>> -> memref<128x128xf32, #tpu.memory_space<hbm>>
      tpu.wait_dma2 semaphore(%run_scoped3A : memref<!tpu.dma_semaphore, #tpu.memory_space<semaphore_mem>>) src(%arg8 : memref<128x128xf32, #tpu.memory_space<vmem>>) dst(%dma_wait3A_124 : memref<128x128xf32, #tpu.memory_space<hbm>>)
      tpu.yield
    }) : () -> ()
    %mul3A_90 = arith.constant 640 : i32
    %mul3A_91 = arith.muli %arg1, %mul3A_90 : i32
    %add3A_92 = arith.constant 128 : i32
    %add3A_93 = arith.addi %mul3A_91, %add3A_92 : i32
    "tpu.region"() ({
      %run_scoped3A = tpu.sem_alloc : memref<!tpu.dma_semaphore, #tpu.memory_space<semaphore_mem>>
      %dma_start3A_118 = arith.constant 0 : i32
      %dma_start3A_119 = tpu.memref_slice %arg10[%add3A_93, %dma_start3A_118] : memref<10240x128xf32, #tpu.memory_space<vmem_shared>> -> memref<128x128xf32, #tpu.memory_space<vmem_shared>>
      %dma_start3A_120 = arith.constant 0 : i32
      %dma_start3A_121 = tpu.memref_slice %arg10[%add3A_93, %dma_start3A_120] : memref<10240x128xf32, #tpu.memory_space<vmem_shared>> -> memref<128x128xf32, #tpu.memory_space<vmem_shared>>
      tpu.enqueue_dma source(%dma_start3A_121 : memref<128x128xf32, #tpu.memory_space<vmem_shared>>) target(%arg8 : memref<128x128xf32, #tpu.memory_space<vmem>>) target_semaphore(%run_scoped3A : memref<!tpu.dma_semaphore, #tpu.memory_space<semaphore_mem>>)
      %dma_wait3A = arith.constant 0 : i32
      %dma_wait3A_122 = tpu.memref_slice %arg10[%add3A_93, %dma_wait3A] : memref<10240x128xf32, #tpu.memory_space<vmem_shared>> -> memref<128x128xf32, #tpu.memory_space<vmem_shared>>
      %dma_wait3A_123 = arith.constant 0 : i32
      %dma_wait3A_124 = tpu.memref_slice %arg10[%add3A_93, %dma_wait3A_123] : memref<10240x128xf32, #tpu.memory_space<vmem_shared>> -> memref<128x128xf32, #tpu.memory_space<vmem_shared>>
      tpu.wait_dma2 semaphore(%run_scoped3A : memref<!tpu.dma_semaphore, #tpu.memory_space<semaphore_mem>>) src(%dma_wait3A_124 : memref<128x128xf32, #tpu.memory_space<vmem_shared>>) dst(%arg8 : memref<128x128xf32, #tpu.memory_space<vmem>>)
      tpu.yield
    }) : () -> ()
    %mul3A_94 = arith.constant 10240 : i32
    %mul3A_95 = arith.muli %arg0, %mul3A_94 : i32
    %add3A_96 = arith.addi %mul3A_95, %add3A_93 : i32
    "tpu.region"() ({
      %run_scoped3A = tpu.sem_alloc : memref<!tpu.dma_semaphore, #tpu.memory_space<semaphore_mem>>
      %dma_start3A_118 = arith.constant 0 : i32
      %dma_start3A_119 = tpu.memref_slice %arg5[%add3A_96, %dma_start3A_118] : memref<20480x128xf32, #tpu.memory_space<hbm>> -> memref<128x128xf32, #tpu.memory_space<hbm>>
      %dma_start3A_120 = arith.constant 0 : i32
      %dma_start3A_121 = tpu.memref_slice %arg5[%add3A_96, %dma_start3A_120] : memref<20480x128xf32, #tpu.memory_space<hbm>> -> memref<128x128xf32, #tpu.memory_space<hbm>>
      tpu.enqueue_dma source(%arg8 : memref<128x128xf32, #tpu.memory_space<vmem>>) target(%dma_start3A_121 : memref<128x128xf32, #tpu.memory_space<hbm>>) target_semaphore(%run_scoped3A : memref<!tpu.dma_semaphore, #tpu.memory_space<semaphore_mem>>)
      %dma_wait3A = arith.constant 0 : i32
      %dma_wait3A_122 = tpu.memref_slice %arg5[%add3A_96, %dma_wait3A] : memref<20480x128xf32, #tpu.memory_space<hbm>> -> memref<128x128xf32, #tpu.memory_space<hbm>>
      %dma_wait3A_123 = arith.constant 0 : i32
      %dma_wait3A_124 = tpu.memref_slice %arg5[%add3A_96, %dma_wait3A_123] : memref<20480x128xf32, #tpu.memory_space<hbm>> -> memref<128x128xf32, #tpu.memory_space<hbm>>
      tpu.wait_dma2 semaphore(%run_scoped3A : memref<!tpu.dma_semaphore, #tpu.memory_space<semaphore_mem>>) src(%arg8 : memref<128x128xf32, #tpu.memory_space<vmem>>) dst(%dma_wait3A_124 : memref<128x128xf32, #tpu.memory_space<hbm>>)
      tpu.yield
    }) : () -> ()
    %mul3A_97 = arith.constant 640 : i32
    %mul3A_98 = arith.muli %arg1, %mul3A_97 : i32
    %add3A_99 = arith.constant 256 : i32
    %add3A_100 = arith.addi %mul3A_98, %add3A_99 : i32
    "tpu.region"() ({
      %run_scoped3A = tpu.sem_alloc : memref<!tpu.dma_semaphore, #tpu.memory_space<semaphore_mem>>
      %dma_start3A_118 = arith.constant 0 : i32
      %dma_start3A_119 = tpu.memref_slice %arg10[%add3A_100, %dma_start3A_118] : memref<10240x128xf32, #tpu.memory_space<vmem_shared>> -> memref<128x128xf32, #tpu.memory_space<vmem_shared>>
      %dma_start3A_120 = arith.constant 0 : i32
      %dma_start3A_121 = tpu.memref_slice %arg10[%add3A_100, %dma_start3A_120] : memref<10240x128xf32, #tpu.memory_space<vmem_shared>> -> memref<128x128xf32, #tpu.memory_space<vmem_shared>>
      tpu.enqueue_dma source(%dma_start3A_121 : memref<128x128xf32, #tpu.memory_space<vmem_shared>>) target(%arg8 : memref<128x128xf32, #tpu.memory_space<vmem>>) target_semaphore(%run_scoped3A : memref<!tpu.dma_semaphore, #tpu.memory_space<semaphore_mem>>)
      %dma_wait3A = arith.constant 0 : i32
      %dma_wait3A_122 = tpu.memref_slice %arg10[%add3A_100, %dma_wait3A] : memref<10240x128xf32, #tpu.memory_space<vmem_shared>> -> memref<128x128xf32, #tpu.memory_space<vmem_shared>>
      %dma_wait3A_123 = arith.constant 0 : i32
      %dma_wait3A_124 = tpu.memref_slice %arg10[%add3A_100, %dma_wait3A_123] : memref<10240x128xf32, #tpu.memory_space<vmem_shared>> -> memref<128x128xf32, #tpu.memory_space<vmem_shared>>
      tpu.wait_dma2 semaphore(%run_scoped3A : memref<!tpu.dma_semaphore, #tpu.memory_space<semaphore_mem>>) src(%dma_wait3A_124 : memref<128x128xf32, #tpu.memory_space<vmem_shared>>) dst(%arg8 : memref<128x128xf32, #tpu.memory_space<vmem>>)
      tpu.yield
    }) : () -> ()
    %mul3A_101 = arith.constant 10240 : i32
    %mul3A_102 = arith.muli %arg0, %mul3A_101 : i32
    %add3A_103 = arith.addi %mul3A_102, %add3A_100 : i32
    "tpu.region"() ({
      %run_scoped3A = tpu.sem_alloc : memref<!tpu.dma_semaphore, #tpu.memory_space<semaphore_mem>>
      %dma_start3A_118 = arith.constant 0 : i32
      %dma_start3A_119 = tpu.memref_slice %arg5[%add3A_103, %dma_start3A_118] : memref<20480x128xf32, #tpu.memory_space<hbm>> -> memref<128x128xf32, #tpu.memory_space<hbm>>
      %dma_start3A_120 = arith.constant 0 : i32
      %dma_start3A_121 = tpu.memref_slice %arg5[%add3A_103, %dma_start3A_120] : memref<20480x128xf32, #tpu.memory_space<hbm>> -> memref<128x128xf32, #tpu.memory_space<hbm>>
      tpu.enqueue_dma source(%arg8 : memref<128x128xf32, #tpu.memory_space<vmem>>) target(%dma_start3A_121 : memref<128x128xf32, #tpu.memory_space<hbm>>) target_semaphore(%run_scoped3A : memref<!tpu.dma_semaphore, #tpu.memory_space<semaphore_mem>>)
      %dma_wait3A = arith.constant 0 : i32
      %dma_wait3A_122 = tpu.memref_slice %arg5[%add3A_103, %dma_wait3A] : memref<20480x128xf32, #tpu.memory_space<hbm>> -> memref<128x128xf32, #tpu.memory_space<hbm>>
      %dma_wait3A_123 = arith.constant 0 : i32
      %dma_wait3A_124 = tpu.memref_slice %arg5[%add3A_103, %dma_wait3A_123] : memref<20480x128xf32, #tpu.memory_space<hbm>> -> memref<128x128xf32, #tpu.memory_space<hbm>>
      tpu.wait_dma2 semaphore(%run_scoped3A : memref<!tpu.dma_semaphore, #tpu.memory_space<semaphore_mem>>) src(%arg8 : memref<128x128xf32, #tpu.memory_space<vmem>>) dst(%dma_wait3A_124 : memref<128x128xf32, #tpu.memory_space<hbm>>)
      tpu.yield
    }) : () -> ()
    %mul3A_104 = arith.constant 640 : i32
    %mul3A_105 = arith.muli %arg1, %mul3A_104 : i32
    %add3A_106 = arith.constant 384 : i32
    %add3A_107 = arith.addi %mul3A_105, %add3A_106 : i32
    "tpu.region"() ({
      %run_scoped3A = tpu.sem_alloc : memref<!tpu.dma_semaphore, #tpu.memory_space<semaphore_mem>>
      %dma_start3A_118 = arith.constant 0 : i32
      %dma_start3A_119 = tpu.memref_slice %arg10[%add3A_107, %dma_start3A_118] : memref<10240x128xf32, #tpu.memory_space<vmem_shared>> -> memref<128x128xf32, #tpu.memory_space<vmem_shared>>
      %dma_start3A_120 = arith.constant 0 : i32
      %dma_start3A_121 = tpu.memref_slice %arg10[%add3A_107, %dma_start3A_120] : memref<10240x128xf32, #tpu.memory_space<vmem_shared>> -> memref<128x128xf32, #tpu.memory_space<vmem_shared>>
      tpu.enqueue_dma source(%dma_start3A_121 : memref<128x128xf32, #tpu.memory_space<vmem_shared>>) target(%arg8 : memref<128x128xf32, #tpu.memory_space<vmem>>) target_semaphore(%run_scoped3A : memref<!tpu.dma_semaphore, #tpu.memory_space<semaphore_mem>>)
      %dma_wait3A = arith.constant 0 : i32
      %dma_wait3A_122 = tpu.memref_slice %arg10[%add3A_107, %dma_wait3A] : memref<10240x128xf32, #tpu.memory_space<vmem_shared>> -> memref<128x128xf32, #tpu.memory_space<vmem_shared>>
      %dma_wait3A_123 = arith.constant 0 : i32
      %dma_wait3A_124 = tpu.memref_slice %arg10[%add3A_107, %dma_wait3A_123] : memref<10240x128xf32, #tpu.memory_space<vmem_shared>> -> memref<128x128xf32, #tpu.memory_space<vmem_shared>>
      tpu.wait_dma2 semaphore(%run_scoped3A : memref<!tpu.dma_semaphore, #tpu.memory_space<semaphore_mem>>) src(%dma_wait3A_124 : memref<128x128xf32, #tpu.memory_space<vmem_shared>>) dst(%arg8 : memref<128x128xf32, #tpu.memory_space<vmem>>)
      tpu.yield
    }) : () -> ()
    %mul3A_108 = arith.constant 10240 : i32
    %mul3A_109 = arith.muli %arg0, %mul3A_108 : i32
    %add3A_110 = arith.addi %mul3A_109, %add3A_107 : i32
    "tpu.region"() ({
      %run_scoped3A = tpu.sem_alloc : memref<!tpu.dma_semaphore, #tpu.memory_space<semaphore_mem>>
      %dma_start3A_118 = arith.constant 0 : i32
      %dma_start3A_119 = tpu.memref_slice %arg5[%add3A_110, %dma_start3A_118] : memref<20480x128xf32, #tpu.memory_space<hbm>> -> memref<128x128xf32, #tpu.memory_space<hbm>>
      %dma_start3A_120 = arith.constant 0 : i32
      %dma_start3A_121 = tpu.memref_slice %arg5[%add3A_110, %dma_start3A_120] : memref<20480x128xf32, #tpu.memory_space<hbm>> -> memref<128x128xf32, #tpu.memory_space<hbm>>
      tpu.enqueue_dma source(%arg8 : memref<128x128xf32, #tpu.memory_space<vmem>>) target(%dma_start3A_121 : memref<128x128xf32, #tpu.memory_space<hbm>>) target_semaphore(%run_scoped3A : memref<!tpu.dma_semaphore, #tpu.memory_space<semaphore_mem>>)
      %dma_wait3A = arith.constant 0 : i32
      %dma_wait3A_122 = tpu.memref_slice %arg5[%add3A_110, %dma_wait3A] : memref<20480x128xf32, #tpu.memory_space<hbm>> -> memref<128x128xf32, #tpu.memory_space<hbm>>
      %dma_wait3A_123 = arith.constant 0 : i32
      %dma_wait3A_124 = tpu.memref_slice %arg5[%add3A_110, %dma_wait3A_123] : memref<20480x128xf32, #tpu.memory_space<hbm>> -> memref<128x128xf32, #tpu.memory_space<hbm>>
      tpu.wait_dma2 semaphore(%run_scoped3A : memref<!tpu.dma_semaphore, #tpu.memory_space<semaphore_mem>>) src(%arg8 : memref<128x128xf32, #tpu.memory_space<vmem>>) dst(%dma_wait3A_124 : memref<128x128xf32, #tpu.memory_space<hbm>>)
      tpu.yield
    }) : () -> ()
    %mul3A_111 = arith.constant 640 : i32
    %mul3A_112 = arith.muli %arg1, %mul3A_111 : i32
    %add3A_113 = arith.constant 512 : i32
    %add3A_114 = arith.addi %mul3A_112, %add3A_113 : i32
    "tpu.region"() ({
      %run_scoped3A = tpu.sem_alloc : memref<!tpu.dma_semaphore, #tpu.memory_space<semaphore_mem>>
      %dma_start3A_118 = arith.constant 0 : i32
      %dma_start3A_119 = tpu.memref_slice %arg10[%add3A_114, %dma_start3A_118] : memref<10240x128xf32, #tpu.memory_space<vmem_shared>> -> memref<128x128xf32, #tpu.memory_space<vmem_shared>>
      %dma_start3A_120 = arith.constant 0 : i32
      %dma_start3A_121 = tpu.memref_slice %arg10[%add3A_114, %dma_start3A_120] : memref<10240x128xf32, #tpu.memory_space<vmem_shared>> -> memref<128x128xf32, #tpu.memory_space<vmem_shared>>
      tpu.enqueue_dma source(%dma_start3A_121 : memref<128x128xf32, #tpu.memory_space<vmem_shared>>) target(%arg8 : memref<128x128xf32, #tpu.memory_space<vmem>>) target_semaphore(%run_scoped3A : memref<!tpu.dma_semaphore, #tpu.memory_space<semaphore_mem>>)
      %dma_wait3A = arith.constant 0 : i32
      %dma_wait3A_122 = tpu.memref_slice %arg10[%add3A_114, %dma_wait3A] : memref<10240x128xf32, #tpu.memory_space<vmem_shared>> -> memref<128x128xf32, #tpu.memory_space<vmem_shared>>
      %dma_wait3A_123 = arith.constant 0 : i32
      %dma_wait3A_124 = tpu.memref_slice %arg10[%add3A_114, %dma_wait3A_123] : memref<10240x128xf32, #tpu.memory_space<vmem_shared>> -> memref<128x128xf32, #tpu.memory_space<vmem_shared>>
      tpu.wait_dma2 semaphore(%run_scoped3A : memref<!tpu.dma_semaphore, #tpu.memory_space<semaphore_mem>>) src(%dma_wait3A_124 : memref<128x128xf32, #tpu.memory_space<vmem_shared>>) dst(%arg8 : memref<128x128xf32, #tpu.memory_space<vmem>>)
      tpu.yield
    }) : () -> ()
    %mul3A_115 = arith.constant 10240 : i32
    %mul3A_116 = arith.muli %arg0, %mul3A_115 : i32
    %add3A_117 = arith.addi %mul3A_116, %add3A_114 : i32
    "tpu.region"() ({
      %run_scoped3A = tpu.sem_alloc : memref<!tpu.dma_semaphore, #tpu.memory_space<semaphore_mem>>
      %dma_start3A_118 = arith.constant 0 : i32
      %dma_start3A_119 = tpu.memref_slice %arg5[%add3A_117, %dma_start3A_118] : memref<20480x128xf32, #tpu.memory_space<hbm>> -> memref<128x128xf32, #tpu.memory_space<hbm>>
      %dma_start3A_120 = arith.constant 0 : i32
      %dma_start3A_121 = tpu.memref_slice %arg5[%add3A_117, %dma_start3A_120] : memref<20480x128xf32, #tpu.memory_space<hbm>> -> memref<128x128xf32, #tpu.memory_space<hbm>>
      tpu.enqueue_dma source(%arg8 : memref<128x128xf32, #tpu.memory_space<vmem>>) target(%dma_start3A_121 : memref<128x128xf32, #tpu.memory_space<hbm>>) target_semaphore(%run_scoped3A : memref<!tpu.dma_semaphore, #tpu.memory_space<semaphore_mem>>)
      %dma_wait3A = arith.constant 0 : i32
      %dma_wait3A_122 = tpu.memref_slice %arg5[%add3A_117, %dma_wait3A] : memref<20480x128xf32, #tpu.memory_space<hbm>> -> memref<128x128xf32, #tpu.memory_space<hbm>>
      %dma_wait3A_123 = arith.constant 0 : i32
      %dma_wait3A_124 = tpu.memref_slice %arg5[%add3A_117, %dma_wait3A_123] : memref<20480x128xf32, #tpu.memory_space<hbm>> -> memref<128x128xf32, #tpu.memory_space<hbm>>
      tpu.wait_dma2 semaphore(%run_scoped3A : memref<!tpu.dma_semaphore, #tpu.memory_space<semaphore_mem>>) src(%arg8 : memref<128x128xf32, #tpu.memory_space<vmem>>) dst(%dma_wait3A_124 : memref<128x128xf32, #tpu.memory_space<hbm>>)
      tpu.yield
    }) : () -> ()
    return
  }
}

#map = affine_map<(d0, d1) -> (0, 0)>
#map1 = affine_map<(d0, d1) -> (0, 0, 0)>
module attributes {stable_mosaic.version = 14 : i64} {
  func.func @_prop_kernel(%arg0: i32, %arg1: i32, %arg2: memref<10000x128xf32, #tpu.memory_space<hbm>>, %arg3: memref<64x40x128xi32, #tpu.memory_space<hbm>>, %arg4: memref<64x40x128xi32, #tpu.memory_space<hbm>>, %arg5: memref<20480x128xf32, #tpu.memory_space<hbm>>, %arg6: memref<40x128xi32, #tpu.memory_space<vmem>>, %arg7: memref<40x128xi32, #tpu.memory_space<vmem>>, %arg8: memref<128x128xf32, #tpu.memory_space<vmem>>, %arg9: memref<128x128xf32, #tpu.memory_space<vmem>>, %arg10: memref<10240x128xf32, #tpu.memory_space<vmem_shared>>, %arg11: memref<!tpu.dma_semaphore, #tpu.memory_space<semaphore_mem>>, %arg12: memref<!tpu.dma_semaphore, #tpu.memory_space<semaphore_mem>>, %arg13: memref<!tpu.dma_semaphore, #tpu.memory_space<semaphore_mem>>, %arg14: memref<!tpu.dma_semaphore, #tpu.memory_space<semaphore_mem>>) attributes {dimension_semantics = [#tpu.dimension_semantics<core_parallel>, #tpu.dimension_semantics<subcore_parallel>], iteration_bounds = array<i64: 2, 16>, scalar_prefetch = 0 : i64, scratch_operands = 9 : i64, tpu.core_type = #tpu.core_type<sc_vector_subcore>, window_params = [{transform_indices = #map}, {transform_indices = #map1}, {transform_indices = #map1}, {transform_indices = #map}]} {
    %mul3A = arith.constant 2 : i32
    %mul3A_0 = arith.muli %arg1, %mul3A : i32
    %add3A = arith.addi %mul3A_0, %arg0 : i32
    %broadcast_in_dim3A = arith.constant 0.000000e+00 : f32
    %broadcast_in_dim3A_1 = vector.broadcast %broadcast_in_dim3A : f32 to vector<16xf32>
    %scan3A = arith.constant 0 : i32
    %scan3A_2 = arith.constant 0 : i32
    %scan3A_3 = arith.constant 1024 : i32
    %scan3A_4 = arith.addi %scan3A_2, %scan3A_3 : i32
    %scan3A_5 = arith.constant 1 : i32
    scf.for %scan3A_118 = %scan3A_2 to %scan3A_4 step %scan3A_5  : i32 {
      %jit3A = arith.constant 8 : i32
      %div3A = arith.divsi %scan3A_118, %jit3A : i32
      %sign3A = arith.constant 0 : i32
      %sign3A_119 = arith.cmpi sgt, %scan3A_118, %sign3A : i32
      %sign3A_120 = arith.extui %sign3A_119 : i1 to i32
      %sign3A_121 = arith.constant 0 : i32
      %sign3A_122 = arith.cmpi slt, %scan3A_118, %sign3A_121 : i32
      %sign3A_123 = arith.extui %sign3A_122 : i1 to i32
      %sign3A_124 = arith.subi %sign3A_120, %sign3A_123 : i32
      %sign3A_125 = arith.constant 0 : i32
      %sign3A_126 = arith.cmpi sgt, %jit3A, %sign3A_125 : i32
      %sign3A_127 = arith.extui %sign3A_126 : i1 to i32
      %sign3A_128 = arith.constant 0 : i32
      %sign3A_129 = arith.cmpi slt, %jit3A, %sign3A_128 : i32
      %sign3A_130 = arith.extui %sign3A_129 : i1 to i32
      %sign3A_131 = arith.subi %sign3A_127, %sign3A_130 : i32
      %ne3A = arith.cmpi ne, %sign3A_124, %sign3A_131 : i32
      %rem3A = arith.remsi %scan3A_118, %jit3A : i32
      %ne3A_132 = arith.constant 0 : i32
      %ne3A_133 = arith.cmpi ne, %rem3A, %ne3A_132 : i32
      %and3A = arith.andi %ne3A, %ne3A_133 : i1
      %sub3A = arith.constant 1 : i32
      %sub3A_134 = arith.subi %div3A, %sub3A : i32
      %select_n3A = arith.select %and3A, %sub3A_134, %div3A : i32
      %jit3A_135 = arith.constant 8 : i32
      %eq3A = arith.constant 0 : i32
      %eq3A_136 = arith.cmpi eq, %jit3A_135, %eq3A : i32
      %jit3A_137 = arith.constant 1 : i32
      %select_n3A_138 = arith.select %eq3A_136, %jit3A_137, %jit3A_135 : i32
      %rem3A_139 = arith.remsi %scan3A_118, %select_n3A_138 : i32
      %ne3A_140 = arith.constant 0 : i32
      %ne3A_141 = arith.cmpi ne, %rem3A_139, %ne3A_140 : i32
      %lt3A = arith.constant 0 : i32
      %lt3A_142 = arith.cmpi slt, %rem3A_139, %lt3A : i32
      %lt3A_143 = arith.constant 0 : i32
      %lt3A_144 = arith.cmpi slt, %select_n3A_138, %lt3A_143 : i32
      %ne3A_145 = arith.xori %lt3A_142, %lt3A_144 : i1
      %and3A_146 = arith.andi %ne3A_145, %ne3A_141 : i1
      %add3A_147 = arith.addi %rem3A_139, %select_n3A_138 : i32
      %select_n3A_148 = arith.select %and3A_146, %add3A_147, %rem3A_139 : i32
      %mul3A_149 = arith.constant 16 : i32
      %mul3A_150 = arith.muli %select_n3A_148, %mul3A_149 : i32
      %swap3A = arith.index_cast %select_n3A : i32 to index
      %swap3A_151 = arith.index_cast %mul3A_150 : i32 to index
      %swap3A_152 = tpu.vector_load %arg8[%swap3A, %swap3A_151] {strides = array<i32>} : memref<128x128xf32, #tpu.memory_space<vmem>>, vector<16xf32>,
      tpu.vector_store %arg8[%swap3A, %swap3A_151], %broadcast_in_dim3A_1 {strides = array<i32>} : memref<128x128xf32, #tpu.memory_space<vmem>>, vector<16xf32>,
    }
    %scan3A_6 = arith.constant 1024 : i32
    %mul3A_7 = arith.constant 640 : i32
    %mul3A_8 = arith.muli %arg1, %mul3A_7 : i32
    %add3A_9 = arith.constant 0 : i32
    %add3A_10 = arith.addi %mul3A_8, %add3A_9 : i32
    "tpu.region"() ({
      %run_scoped3A = tpu.sem_alloc : memref<!tpu.dma_semaphore, #tpu.memory_space<semaphore_mem>>
      %dma_start3A_118 = arith.constant 0 : i32
      %dma_start3A_119 = tpu.memref_slice %arg10[%add3A_10, %dma_start3A_118] : memref<10240x128xf32, #tpu.memory_space<vmem_shared>> -> memref<128x128xf32, #tpu.memory_space<vmem_shared>>
      %dma_start3A_120 = arith.constant 0 : i32
      %dma_start3A_121 = tpu.memref_slice %arg10[%add3A_10, %dma_start3A_120] : memref<10240x128xf32, #tpu.memory_space<vmem_shared>> -> memref<128x128xf32, #tpu.memory_space<vmem_shared>>
      tpu.enqueue_dma source(%arg8 : memref<128x128xf32, #tpu.memory_space<vmem>>) target(%dma_start3A_121 : memref<128x128xf32, #tpu.memory_space<vmem_shared>>) target_semaphore(%run_scoped3A : memref<!tpu.dma_semaphore, #tpu.memory_space<semaphore_mem>>)
      %dma_wait3A = arith.constant 0 : i32
      %dma_wait3A_122 = tpu.memref_slice %arg10[%add3A_10, %dma_wait3A] : memref<10240x128xf32, #tpu.memory_space<vmem_shared>> -> memref<128x128xf32, #tpu.memory_space<vmem_shared>>
      %dma_wait3A_123 = arith.constant 0 : i32
      %dma_wait3A_124 = tpu.memref_slice %arg10[%add3A_10, %dma_wait3A_123] : memref<10240x128xf32, #tpu.memory_space<vmem_shared>> -> memref<128x128xf32, #tpu.memory_space<vmem_shared>>
      tpu.wait_dma2 semaphore(%run_scoped3A : memref<!tpu.dma_semaphore, #tpu.memory_space<semaphore_mem>>) src(%arg8 : memref<128x128xf32, #tpu.memory_space<vmem>>) dst(%dma_wait3A_124 : memref<128x128xf32, #tpu.memory_space<vmem_shared>>)
      tpu.yield
    }) : () -> ()
    %mul3A_11 = arith.constant 640 : i32
    %mul3A_12 = arith.muli %arg1, %mul3A_11 : i32
    %add3A_13 = arith.constant 128 : i32
    %add3A_14 = arith.addi %mul3A_12, %add3A_13 : i32
    "tpu.region"() ({
      %run_scoped3A = tpu.sem_alloc : memref<!tpu.dma_semaphore, #tpu.memory_space<semaphore_mem>>
      %dma_start3A_118 = arith.constant 0 : i32
      %dma_start3A_119 = tpu.memref_slice %arg10[%add3A_14, %dma_start3A_118] : memref<10240x128xf32, #tpu.memory_space<vmem_shared>> -> memref<128x128xf32, #tpu.memory_space<vmem_shared>>
      %dma_start3A_120 = arith.constant 0 : i32
      %dma_start3A_121 = tpu.memref_slice %arg10[%add3A_14, %dma_start3A_120] : memref<10240x128xf32, #tpu.memory_space<vmem_shared>> -> memref<128x128xf32, #tpu.memory_space<vmem_shared>>
      tpu.enqueue_dma source(%arg8 : memref<128x128xf32, #tpu.memory_space<vmem>>) target(%dma_start3A_121 : memref<128x128xf32, #tpu.memory_space<vmem_shared>>) target_semaphore(%run_scoped3A : memref<!tpu.dma_semaphore, #tpu.memory_space<semaphore_mem>>)
      %dma_wait3A = arith.constant 0 : i32
      %dma_wait3A_122 = tpu.memref_slice %arg10[%add3A_14, %dma_wait3A] : memref<10240x128xf32, #tpu.memory_space<vmem_shared>> -> memref<128x128xf32, #tpu.memory_space<vmem_shared>>
      %dma_wait3A_123 = arith.constant 0 : i32
      %dma_wait3A_124 = tpu.memref_slice %arg10[%add3A_14, %dma_wait3A_123] : memref<10240x128xf32, #tpu.memory_space<vmem_shared>> -> memref<128x128xf32, #tpu.memory_space<vmem_shared>>
      tpu.wait_dma2 semaphore(%run_scoped3A : memref<!tpu.dma_semaphore, #tpu.memory_space<semaphore_mem>>) src(%arg8 : memref<128x128xf32, #tpu.memory_space<vmem>>) dst(%dma_wait3A_124 : memref<128x128xf32, #tpu.memory_space<vmem_shared>>)
      tpu.yield
    }) : () -> ()
    %mul3A_15 = arith.constant 640 : i32
    %mul3A_16 = arith.muli %arg1, %mul3A_15 : i32
    %add3A_17 = arith.constant 256 : i32
    %add3A_18 = arith.addi %mul3A_16, %add3A_17 : i32
    "tpu.region"() ({
      %run_scoped3A = tpu.sem_alloc : memref<!tpu.dma_semaphore, #tpu.memory_space<semaphore_mem>>
      %dma_start3A_118 = arith.constant 0 : i32
      %dma_start3A_119 = tpu.memref_slice %arg10[%add3A_18, %dma_start3A_118] : memref<10240x128xf32, #tpu.memory_space<vmem_shared>> -> memref<128x128xf32, #tpu.memory_space<vmem_shared>>
      %dma_start3A_120 = arith.constant 0 : i32
      %dma_start3A_121 = tpu.memref_slice %arg10[%add3A_18, %dma_start3A_120] : memref<10240x128xf32, #tpu.memory_space<vmem_shared>> -> memref<128x128xf32, #tpu.memory_space<vmem_shared>>
      tpu.enqueue_dma source(%arg8 : memref<128x128xf32, #tpu.memory_space<vmem>>) target(%dma_start3A_121 : memref<128x128xf32, #tpu.memory_space<vmem_shared>>) target_semaphore(%run_scoped3A : memref<!tpu.dma_semaphore, #tpu.memory_space<semaphore_mem>>)
      %dma_wait3A = arith.constant 0 : i32
      %dma_wait3A_122 = tpu.memref_slice %arg10[%add3A_18, %dma_wait3A] : memref<10240x128xf32, #tpu.memory_space<vmem_shared>> -> memref<128x128xf32, #tpu.memory_space<vmem_shared>>
      %dma_wait3A_123 = arith.constant 0 : i32
      %dma_wait3A_124 = tpu.memref_slice %arg10[%add3A_18, %dma_wait3A_123] : memref<10240x128xf32, #tpu.memory_space<vmem_shared>> -> memref<128x128xf32, #tpu.memory_space<vmem_shared>>
      tpu.wait_dma2 semaphore(%run_scoped3A : memref<!tpu.dma_semaphore, #tpu.memory_space<semaphore_mem>>) src(%arg8 : memref<128x128xf32, #tpu.memory_space<vmem>>) dst(%dma_wait3A_124 : memref<128x128xf32, #tpu.memory_space<vmem_shared>>)
      tpu.yield
    }) : () -> ()
    %mul3A_19 = arith.constant 640 : i32
    %mul3A_20 = arith.muli %arg1, %mul3A_19 : i32
    %add3A_21 = arith.constant 384 : i32
    %add3A_22 = arith.addi %mul3A_20, %add3A_21 : i32
    "tpu.region"() ({
      %run_scoped3A = tpu.sem_alloc : memref<!tpu.dma_semaphore, #tpu.memory_space<semaphore_mem>>
      %dma_start3A_118 = arith.constant 0 : i32
      %dma_start3A_119 = tpu.memref_slice %arg10[%add3A_22, %dma_start3A_118] : memref<10240x128xf32, #tpu.memory_space<vmem_shared>> -> memref<128x128xf32, #tpu.memory_space<vmem_shared>>
      %dma_start3A_120 = arith.constant 0 : i32
      %dma_start3A_121 = tpu.memref_slice %arg10[%add3A_22, %dma_start3A_120] : memref<10240x128xf32, #tpu.memory_space<vmem_shared>> -> memref<128x128xf32, #tpu.memory_space<vmem_shared>>
      tpu.enqueue_dma source(%arg8 : memref<128x128xf32, #tpu.memory_space<vmem>>) target(%dma_start3A_121 : memref<128x128xf32, #tpu.memory_space<vmem_shared>>) target_semaphore(%run_scoped3A : memref<!tpu.dma_semaphore, #tpu.memory_space<semaphore_mem>>)
      %dma_wait3A = arith.constant 0 : i32
      %dma_wait3A_122 = tpu.memref_slice %arg10[%add3A_22, %dma_wait3A] : memref<10240x128xf32, #tpu.memory_space<vmem_shared>> -> memref<128x128xf32, #tpu.memory_space<vmem_shared>>
      %dma_wait3A_123 = arith.constant 0 : i32
      %dma_wait3A_124 = tpu.memref_slice %arg10[%add3A_22, %dma_wait3A_123] : memref<10240x128xf32, #tpu.memory_space<vmem_shared>> -> memref<128x128xf32, #tpu.memory_space<vmem_shared>>
      tpu.wait_dma2 semaphore(%run_scoped3A : memref<!tpu.dma_semaphore, #tpu.memory_space<semaphore_mem>>) src(%arg8 : memref<128x128xf32, #tpu.memory_space<vmem>>) dst(%dma_wait3A_124 : memref<128x128xf32, #tpu.memory_space<vmem_shared>>)
      tpu.yield
    }) : () -> ()
    %mul3A_23 = arith.constant 640 : i32
    %mul3A_24 = arith.muli %arg1, %mul3A_23 : i32
    %add3A_25 = arith.constant 512 : i32
    %add3A_26 = arith.addi %mul3A_24, %add3A_25 : i32
    "tpu.region"() ({
      %run_scoped3A = tpu.sem_alloc : memref<!tpu.dma_semaphore, #tpu.memory_space<semaphore_mem>>
      %dma_start3A_118 = arith.constant 0 : i32
      %dma_start3A_119 = tpu.memref_slice %arg10[%add3A_26, %dma_start3A_118] : memref<10240x128xf32, #tpu.memory_space<vmem_shared>> -> memref<128x128xf32, #tpu.memory_space<vmem_shared>>
      %dma_start3A_120 = arith.constant 0 : i32
      %dma_start3A_121 = tpu.memref_slice %arg10[%add3A_26, %dma_start3A_120] : memref<10240x128xf32, #tpu.memory_space<vmem_shared>> -> memref<128x128xf32, #tpu.memory_space<vmem_shared>>
      tpu.enqueue_dma source(%arg8 : memref<128x128xf32, #tpu.memory_space<vmem>>) target(%dma_start3A_121 : memref<128x128xf32, #tpu.memory_space<vmem_shared>>) target_semaphore(%run_scoped3A : memref<!tpu.dma_semaphore, #tpu.memory_space<semaphore_mem>>)
      %dma_wait3A = arith.constant 0 : i32
      %dma_wait3A_122 = tpu.memref_slice %arg10[%add3A_26, %dma_wait3A] : memref<10240x128xf32, #tpu.memory_space<vmem_shared>> -> memref<128x128xf32, #tpu.memory_space<vmem_shared>>
      %dma_wait3A_123 = arith.constant 0 : i32
      %dma_wait3A_124 = tpu.memref_slice %arg10[%add3A_26, %dma_wait3A_123] : memref<10240x128xf32, #tpu.memory_space<vmem_shared>> -> memref<128x128xf32, #tpu.memory_space<vmem_shared>>
      tpu.wait_dma2 semaphore(%run_scoped3A : memref<!tpu.dma_semaphore, #tpu.memory_space<semaphore_mem>>) src(%arg8 : memref<128x128xf32, #tpu.memory_space<vmem>>) dst(%dma_wait3A_124 : memref<128x128xf32, #tpu.memory_space<vmem_shared>>)
      tpu.yield
    }) : () -> ()
    %barrier3A = arith.constant 0 : index
    tpu.barrier barrier_id(%barrier3A)
    %mul3A_27 = arith.constant 2 : i32
    %mul3A_28 = arith.muli %add3A, %mul3A_27 : i32
    %add3A_29 = arith.constant 0 : i32
    %add3A_30 = arith.addi %mul3A_28, %add3A_29 : i32
    "tpu.region"() ({
      %run_scoped3A = tpu.sem_alloc : memref<!tpu.dma_semaphore, #tpu.memory_space<semaphore_mem>>
      %dma_start3A_118 = arith.constant 0 : i32
      %dma_start3A_119 = arith.constant 0 : i32
      %dma_start3A_120 = tpu.memref_slice %arg3[%add3A_30, %dma_start3A_118, %dma_start3A_119] : memref<64x40x128xi32, #tpu.memory_space<hbm>> -> memref<1x40x128xi32, #tpu.memory_space<hbm>>
      %dma_start3A_121 = tpu.memref_squeeze %dma_start3A_120 : memref<1x40x128xi32, #tpu.memory_space<hbm>> -> memref<40x128xi32, #tpu.memory_space<hbm>>
      %dma_start3A_122 = arith.constant 0 : i32
      %dma_start3A_123 = arith.constant 0 : i32
      %dma_start3A_124 = tpu.memref_slice %arg3[%add3A_30, %dma_start3A_122, %dma_start3A_123] : memref<64x40x128xi32, #tpu.memory_space<hbm>> -> memref<1x40x128xi32, #tpu.memory_space<hbm>>
      %dma_start3A_125 = tpu.memref_squeeze %dma_start3A_124 : memref<1x40x128xi32, #tpu.memory_space<hbm>> -> memref<40x128xi32, #tpu.memory_space<hbm>>
      tpu.enqueue_dma source(%dma_start3A_125 : memref<40x128xi32, #tpu.memory_space<hbm>>) target(%arg6 : memref<40x128xi32, #tpu.memory_space<vmem>>) target_semaphore(%run_scoped3A : memref<!tpu.dma_semaphore, #tpu.memory_space<semaphore_mem>>)
      %dma_wait3A = arith.constant 0 : i32
      %dma_wait3A_126 = arith.constant 0 : i32
      %dma_wait3A_127 = tpu.memref_slice %arg3[%add3A_30, %dma_wait3A, %dma_wait3A_126] : memref<64x40x128xi32, #tpu.memory_space<hbm>> -> memref<1x40x128xi32, #tpu.memory_space<hbm>>
      %dma_wait3A_128 = tpu.memref_squeeze %dma_wait3A_127 : memref<1x40x128xi32, #tpu.memory_space<hbm>> -> memref<40x128xi32, #tpu.memory_space<hbm>>
      %dma_wait3A_129 = arith.constant 0 : i32
      %dma_wait3A_130 = arith.constant 0 : i32
      %dma_wait3A_131 = tpu.memref_slice %arg3[%add3A_30, %dma_wait3A_129, %dma_wait3A_130] : memref<64x40x128xi32, #tpu.memory_space<hbm>> -> memref<1x40x128xi32, #tpu.memory_space<hbm>>
      %dma_wait3A_132 = tpu.memref_squeeze %dma_wait3A_131 : memref<1x40x128xi32, #tpu.memory_space<hbm>> -> memref<40x128xi32, #tpu.memory_space<hbm>>
      tpu.wait_dma2 semaphore(%run_scoped3A : memref<!tpu.dma_semaphore, #tpu.memory_space<semaphore_mem>>) src(%dma_wait3A_132 : memref<40x128xi32, #tpu.memory_space<hbm>>) dst(%arg6 : memref<40x128xi32, #tpu.memory_space<vmem>>)
      tpu.yield
    }) : () -> ()
    %mul3A_31 = arith.constant 2 : i32
    %mul3A_32 = arith.muli %add3A, %mul3A_31 : i32
    %add3A_33 = arith.constant 0 : i32
    %add3A_34 = arith.addi %mul3A_32, %add3A_33 : i32
    "tpu.region"() ({
      %run_scoped3A = tpu.sem_alloc : memref<!tpu.dma_semaphore, #tpu.memory_space<semaphore_mem>>
      %dma_start3A_118 = arith.constant 0 : i32
      %dma_start3A_119 = arith.constant 0 : i32
      %dma_start3A_120 = tpu.memref_slice %arg4[%add3A_34, %dma_start3A_118, %dma_start3A_119] : memref<64x40x128xi32, #tpu.memory_space<hbm>> -> memref<1x40x128xi32, #tpu.memory_space<hbm>>
      %dma_start3A_121 = tpu.memref_squeeze %dma_start3A_120 : memref<1x40x128xi32, #tpu.memory_space<hbm>> -> memref<40x128xi32, #tpu.memory_space<hbm>>
      %dma_start3A_122 = arith.constant 0 : i32
      %dma_start3A_123 = arith.constant 0 : i32
      %dma_start3A_124 = tpu.memref_slice %arg4[%add3A_34, %dma_start3A_122, %dma_start3A_123] : memref<64x40x128xi32, #tpu.memory_space<hbm>> -> memref<1x40x128xi32, #tpu.memory_space<hbm>>
      %dma_start3A_125 = tpu.memref_squeeze %dma_start3A_124 : memref<1x40x128xi32, #tpu.memory_space<hbm>> -> memref<40x128xi32, #tpu.memory_space<hbm>>
      tpu.enqueue_dma source(%dma_start3A_125 : memref<40x128xi32, #tpu.memory_space<hbm>>) target(%arg7 : memref<40x128xi32, #tpu.memory_space<vmem>>) target_semaphore(%run_scoped3A : memref<!tpu.dma_semaphore, #tpu.memory_space<semaphore_mem>>)
      %dma_wait3A = arith.constant 0 : i32
      %dma_wait3A_126 = arith.constant 0 : i32
      %dma_wait3A_127 = tpu.memref_slice %arg4[%add3A_34, %dma_wait3A, %dma_wait3A_126] : memref<64x40x128xi32, #tpu.memory_space<hbm>> -> memref<1x40x128xi32, #tpu.memory_space<hbm>>
      %dma_wait3A_128 = tpu.memref_squeeze %dma_wait3A_127 : memref<1x40x128xi32, #tpu.memory_space<hbm>> -> memref<40x128xi32, #tpu.memory_space<hbm>>
      %dma_wait3A_129 = arith.constant 0 : i32
      %dma_wait3A_130 = arith.constant 0 : i32
      %dma_wait3A_131 = tpu.memref_slice %arg4[%add3A_34, %dma_wait3A_129, %dma_wait3A_130] : memref<64x40x128xi32, #tpu.memory_space<hbm>> -> memref<1x40x128xi32, #tpu.memory_space<hbm>>
      %dma_wait3A_132 = tpu.memref_squeeze %dma_wait3A_131 : memref<1x40x128xi32, #tpu.memory_space<hbm>> -> memref<40x128xi32, #tpu.memory_space<hbm>>
      tpu.wait_dma2 semaphore(%run_scoped3A : memref<!tpu.dma_semaphore, #tpu.memory_space<semaphore_mem>>) src(%dma_wait3A_132 : memref<40x128xi32, #tpu.memory_space<hbm>>) dst(%arg7 : memref<40x128xi32, #tpu.memory_space<vmem>>)
      tpu.yield
    }) : () -> ()
    %dma_start3A = arith.constant 0 : i32
    %dma_start3A_35 = arith.constant 0 : i32
    %dma_start3A_36 = tpu.memref_slice %arg6[%dma_start3A, %dma_start3A_35] : memref<40x128xi32, #tpu.memory_space<vmem>> -> memref<1x128xi32, #tpu.memory_space<vmem>>
    %dma_start3A_37 = tpu.memref_squeeze %dma_start3A_36 : memref<1x128xi32, #tpu.memory_space<vmem>> -> memref<128xi32, #tpu.memory_space<vmem>>
    %dma_start3A_38 = arith.constant 0 : i32
    %dma_start3A_39 = arith.constant 0 : i32
    %dma_start3A_40 = tpu.memref_slice %arg2[%dma_start3A_38, %dma_start3A_39] : memref<10000x128xf32, #tpu.memory_space<hbm>> -> memref<10000x128xf32, #tpu.memory_space<hbm>>
    tpu.enqueue_indirect_dma source(%dma_start3A_40 : memref<10000x128xf32, #tpu.memory_space<hbm>>) target(%arg8 : memref<128x128xf32, #tpu.memory_space<vmem>>) offsets(%dma_start3A_37 : memref<128xi32, #tpu.memory_space<vmem>>) semaphore(%arg11 : memref<!tpu.dma_semaphore, #tpu.memory_space<semaphore_mem>>)
    %dma_start3A_41 = arith.constant 1 : i32
    %dma_start3A_42 = arith.constant 0 : i32
    %dma_start3A_43 = tpu.memref_slice %arg6[%dma_start3A_41, %dma_start3A_42] : memref<40x128xi32, #tpu.memory_space<vmem>> -> memref<1x128xi32, #tpu.memory_space<vmem>>
    %dma_start3A_44 = tpu.memref_squeeze %dma_start3A_43 : memref<1x128xi32, #tpu.memory_space<vmem>> -> memref<128xi32, #tpu.memory_space<vmem>>
    %dma_start3A_45 = arith.constant 0 : i32
    %dma_start3A_46 = arith.constant 0 : i32
    %dma_start3A_47 = tpu.memref_slice %arg2[%dma_start3A_45, %dma_start3A_46] : memref<10000x128xf32, #tpu.memory_space<hbm>> -> memref<10000x128xf32, #tpu.memory_space<hbm>>
    tpu.enqueue_indirect_dma source(%dma_start3A_47 : memref<10000x128xf32, #tpu.memory_space<hbm>>) target(%arg9 : memref<128x128xf32, #tpu.memory_space<vmem>>) offsets(%dma_start3A_44 : memref<128xi32, #tpu.memory_space<vmem>>) semaphore(%arg12 : memref<!tpu.dma_semaphore, #tpu.memory_space<semaphore_mem>>)
    %scan3A_48 = arith.constant 0 : i32
    %scan3A_49 = arith.constant 0 : i32
    %scan3A_50 = arith.constant 20 : i32
    %scan3A_51 = arith.addi %scan3A_49, %scan3A_50 : i32
    %scan3A_52 = arith.constant 1 : i32
    scf.for %scan3A_118 = %scan3A_49 to %scan3A_51 step %scan3A_52  : i32 {
      %mul3A_119 = arith.constant 2 : i32
      %mul3A_120 = arith.muli %mul3A_119, %scan3A_118 : i32
      %mul3A_121 = arith.constant 2 : i32
      %mul3A_122 = arith.muli %mul3A_121, %scan3A_118 : i32
      %add3A_123 = arith.constant 1 : i32
      %add3A_124 = arith.addi %mul3A_122, %add3A_123 : i32
      %dma_wait3A = arith.constant 0 : i32
      %dma_wait3A_125 = tpu.memref_slice %arg6[%mul3A_120, %dma_wait3A] : memref<40x128xi32, #tpu.memory_space<vmem>> -> memref<1x128xi32, #tpu.memory_space<vmem>>
      %dma_wait3A_126 = tpu.memref_squeeze %dma_wait3A_125 : memref<1x128xi32, #tpu.memory_space<vmem>> -> memref<128xi32, #tpu.memory_space<vmem>>
      %dma_wait3A_127 = arith.constant 0 : i32
      %dma_wait3A_128 = arith.constant 0 : i32
      %dma_wait3A_129 = tpu.memref_slice %arg2[%dma_wait3A_127, %dma_wait3A_128] : memref<10000x128xf32, #tpu.memory_space<hbm>> -> memref<10000x128xf32, #tpu.memory_space<hbm>>
      tpu.wait_indirect_dma semaphore(%arg11 : memref<!tpu.dma_semaphore, #tpu.memory_space<semaphore_mem>>) src(%dma_wait3A_129 : memref<10000x128xf32, #tpu.memory_space<hbm>>) dst(%arg8 : memref<128x128xf32, #tpu.memory_space<vmem>>)
      %dma_start3A_130 = arith.constant 0 : i32
      %dma_start3A_131 = tpu.memref_slice %arg7[%mul3A_120, %dma_start3A_130] : memref<40x128xi32, #tpu.memory_space<vmem>> -> memref<1x128xi32, #tpu.memory_space<vmem>>
      %dma_start3A_132 = tpu.memref_squeeze %dma_start3A_131 : memref<1x128xi32, #tpu.memory_space<vmem>> -> memref<128xi32, #tpu.memory_space<vmem>>
      %dma_start3A_133 = arith.constant 0 : i32
      %dma_start3A_134 = arith.constant 0 : i32
      %dma_start3A_135 = tpu.memref_slice %arg10[%dma_start3A_133, %dma_start3A_134] : memref<10240x128xf32, #tpu.memory_space<vmem_shared>> -> memref<10240x128xf32, #tpu.memory_space<vmem_shared>>
      tpu.enqueue_indirect_dma source(%arg8 : memref<128x128xf32, #tpu.memory_space<vmem>>) target(%dma_start3A_135 : memref<10240x128xf32, #tpu.memory_space<vmem_shared>>) offsets(%dma_start3A_132 : memref<128xi32, #tpu.memory_space<vmem>>) semaphore(%arg13 : memref<!tpu.dma_semaphore, #tpu.memory_space<semaphore_mem>>) {add = true}
      %dma_wait3A_136 = arith.constant 0 : i32
      %dma_wait3A_137 = tpu.memref_slice %arg7[%mul3A_120, %dma_wait3A_136] : memref<40x128xi32, #tpu.memory_space<vmem>> -> memref<1x128xi32, #tpu.memory_space<vmem>>
      %dma_wait3A_138 = tpu.memref_squeeze %dma_wait3A_137 : memref<1x128xi32, #tpu.memory_space<vmem>> -> memref<128xi32, #tpu.memory_space<vmem>>
      %dma_wait3A_139 = arith.constant 0 : i32
      %dma_wait3A_140 = arith.constant 0 : i32
      %dma_wait3A_141 = tpu.memref_slice %arg10[%dma_wait3A_139, %dma_wait3A_140] : memref<10240x128xf32, #tpu.memory_space<vmem_shared>> -> memref<10240x128xf32, #tpu.memory_space<vmem_shared>>
      tpu.wait_indirect_dma semaphore(%arg13 : memref<!tpu.dma_semaphore, #tpu.memory_space<semaphore_mem>>) src(%arg8 : memref<128x128xf32, #tpu.memory_space<vmem>>) dst(%dma_wait3A_141 : memref<10240x128xf32, #tpu.memory_space<vmem_shared>>)
      %add3A_142 = arith.constant 2 : i32
      %add3A_143 = arith.addi %mul3A_120, %add3A_142 : i32
      %lt3A = arith.constant 40 : i32
      %lt3A_144 = arith.cmpi slt, %add3A_143, %lt3A : i32
      %convert_element_type3A = arith.extui %lt3A_144 : i1 to i32
      %cond3A = arith.constant 0 : i32
      %cond3A_145 = arith.cmpi ne, %convert_element_type3A, %cond3A : i32
      scf.if %cond3A_145 {
        %add3A_171 = arith.constant 2 : i32
        %add3A_172 = arith.addi %mul3A_120, %add3A_171 : i32
        %dma_start3A_173 = arith.constant 0 : i32
        %dma_start3A_174 = tpu.memref_slice %arg6[%add3A_172, %dma_start3A_173] : memref<40x128xi32, #tpu.memory_space<vmem>> -> memref<1x128xi32, #tpu.memory_space<vmem>>
        %dma_start3A_175 = tpu.memref_squeeze %dma_start3A_174 : memref<1x128xi32, #tpu.memory_space<vmem>> -> memref<128xi32, #tpu.memory_space<vmem>>
        %dma_start3A_176 = arith.constant 0 : i32
        %dma_start3A_177 = arith.constant 0 : i32
        %dma_start3A_178 = tpu.memref_slice %arg2[%dma_start3A_176, %dma_start3A_177] : memref<10000x128xf32, #tpu.memory_space<hbm>> -> memref<10000x128xf32, #tpu.memory_space<hbm>>
        tpu.enqueue_indirect_dma source(%dma_start3A_178 : memref<10000x128xf32, #tpu.memory_space<hbm>>) target(%arg8 : memref<128x128xf32, #tpu.memory_space<vmem>>) offsets(%dma_start3A_175 : memref<128xi32, #tpu.memory_space<vmem>>) semaphore(%arg11 : memref<!tpu.dma_semaphore, #tpu.memory_space<semaphore_mem>>)
      } else {
      }
      %dma_wait3A_146 = arith.constant 0 : i32
      %dma_wait3A_147 = tpu.memref_slice %arg6[%add3A_124, %dma_wait3A_146] : memref<40x128xi32, #tpu.memory_space<vmem>> -> memref<1x128xi32, #tpu.memory_space<vmem>>
      %dma_wait3A_148 = tpu.memref_squeeze %dma_wait3A_147 : memref<1x128xi32, #tpu.memory_space<vmem>> -> memref<128xi32, #tpu.memory_space<vmem>>
      %dma_wait3A_149 = arith.constant 0 : i32
      %dma_wait3A_150 = arith.constant 0 : i32
      %dma_wait3A_151 = tpu.memref_slice %arg2[%dma_wait3A_149, %dma_wait3A_150] : memref<10000x128xf32, #tpu.memory_space<hbm>> -> memref<10000x128xf32, #tpu.memory_space<hbm>>
      tpu.wait_indirect_dma semaphore(%arg12 : memref<!tpu.dma_semaphore, #tpu.memory_space<semaphore_mem>>) src(%dma_wait3A_151 : memref<10000x128xf32, #tpu.memory_space<hbm>>) dst(%arg9 : memref<128x128xf32, #tpu.memory_space<vmem>>)
      %dma_start3A_152 = arith.constant 0 : i32
      %dma_start3A_153 = tpu.memref_slice %arg7[%add3A_124, %dma_start3A_152] : memref<40x128xi32, #tpu.memory_space<vmem>> -> memref<1x128xi32, #tpu.memory_space<vmem>>
      %dma_start3A_154 = tpu.memref_squeeze %dma_start3A_153 : memref<1x128xi32, #tpu.memory_space<vmem>> -> memref<128xi32, #tpu.memory_space<vmem>>
      %dma_start3A_155 = arith.constant 0 : i32
      %dma_start3A_156 = arith.constant 0 : i32
      %dma_start3A_157 = tpu.memref_slice %arg10[%dma_start3A_155, %dma_start3A_156] : memref<10240x128xf32, #tpu.memory_space<vmem_shared>> -> memref<10240x128xf32, #tpu.memory_space<vmem_shared>>
      tpu.enqueue_indirect_dma source(%arg9 : memref<128x128xf32, #tpu.memory_space<vmem>>) target(%dma_start3A_157 : memref<10240x128xf32, #tpu.memory_space<vmem_shared>>) offsets(%dma_start3A_154 : memref<128xi32, #tpu.memory_space<vmem>>) semaphore(%arg14 : memref<!tpu.dma_semaphore, #tpu.memory_space<semaphore_mem>>) {add = true}
      %dma_wait3A_158 = arith.constant 0 : i32
      %dma_wait3A_159 = tpu.memref_slice %arg7[%add3A_124, %dma_wait3A_158] : memref<40x128xi32, #tpu.memory_space<vmem>> -> memref<1x128xi32, #tpu.memory_space<vmem>>
      %dma_wait3A_160 = tpu.memref_squeeze %dma_wait3A_159 : memref<1x128xi32, #tpu.memory_space<vmem>> -> memref<128xi32, #tpu.memory_space<vmem>>
      %dma_wait3A_161 = arith.constant 0 : i32
      %dma_wait3A_162 = arith.constant 0 : i32
      %dma_wait3A_163 = tpu.memref_slice %arg10[%dma_wait3A_161, %dma_wait3A_162] : memref<10240x128xf32, #tpu.memory_space<vmem_shared>> -> memref<10240x128xf32, #tpu.memory_space<vmem_shared>>
      tpu.wait_indirect_dma semaphore(%arg14 : memref<!tpu.dma_semaphore, #tpu.memory_space<semaphore_mem>>) src(%arg9 : memref<128x128xf32, #tpu.memory_space<vmem>>) dst(%dma_wait3A_163 : memref<10240x128xf32, #tpu.memory_space<vmem_shared>>)
      %add3A_164 = arith.constant 2 : i32
      %add3A_165 = arith.addi %add3A_124, %add3A_164 : i32
      %lt3A_166 = arith.constant 40 : i32
      %lt3A_167 = arith.cmpi slt, %add3A_165, %lt3A_166 : i32
      %convert_element_type3A_168 = arith.extui %lt3A_167 : i1 to i32
      %cond3A_169 = arith.constant 0 : i32
      %cond3A_170 = arith.cmpi ne, %convert_element_type3A_168, %cond3A_169 : i32
      scf.if %cond3A_170 {
        %add3A_171 = arith.constant 2 : i32
        %add3A_172 = arith.addi %add3A_124, %add3A_171 : i32
        %dma_start3A_173 = arith.constant 0 : i32
        %dma_start3A_174 = tpu.memref_slice %arg6[%add3A_172, %dma_start3A_173] : memref<40x128xi32, #tpu.memory_space<vmem>> -> memref<1x128xi32, #tpu.memory_space<vmem>>
        %dma_start3A_175 = tpu.memref_squeeze %dma_start3A_174 : memref<1x128xi32, #tpu.memory_space<vmem>> -> memref<128xi32, #tpu.memory_space<vmem>>
        %dma_start3A_176 = arith.constant 0 : i32
        %dma_start3A_177 = arith.constant 0 : i32
        %dma_start3A_178 = tpu.memref_slice %arg2[%dma_start3A_176, %dma_start3A_177] : memref<10000x128xf32, #tpu.memory_space<hbm>> -> memref<10000x128xf32, #tpu.memory_space<hbm>>
        tpu.enqueue_indirect_dma source(%dma_start3A_178 : memref<10000x128xf32, #tpu.memory_space<hbm>>) target(%arg9 : memref<128x128xf32, #tpu.memory_space<vmem>>) offsets(%dma_start3A_175 : memref<128xi32, #tpu.memory_space<vmem>>) semaphore(%arg12 : memref<!tpu.dma_semaphore, #tpu.memory_space<semaphore_mem>>)
      } else {
      }
    }
    %scan3A_53 = arith.constant 20 : i32
    %mul3A_54 = arith.constant 2 : i32
    %mul3A_55 = arith.muli %add3A, %mul3A_54 : i32
    %add3A_56 = arith.constant 1 : i32
    %add3A_57 = arith.addi %mul3A_55, %add3A_56 : i32
    "tpu.region"() ({
      %run_scoped3A = tpu.sem_alloc : memref<!tpu.dma_semaphore, #tpu.memory_space<semaphore_mem>>
      %dma_start3A_118 = arith.constant 0 : i32
      %dma_start3A_119 = arith.constant 0 : i32
      %dma_start3A_120 = tpu.memref_slice %arg3[%add3A_57, %dma_start3A_118, %dma_start3A_119] : memref<64x40x128xi32, #tpu.memory_space<hbm>> -> memref<1x40x128xi32, #tpu.memory_space<hbm>>
      %dma_start3A_121 = tpu.memref_squeeze %dma_start3A_120 : memref<1x40x128xi32, #tpu.memory_space<hbm>> -> memref<40x128xi32, #tpu.memory_space<hbm>>
      %dma_start3A_122 = arith.constant 0 : i32
      %dma_start3A_123 = arith.constant 0 : i32
      %dma_start3A_124 = tpu.memref_slice %arg3[%add3A_57, %dma_start3A_122, %dma_start3A_123] : memref<64x40x128xi32, #tpu.memory_space<hbm>> -> memref<1x40x128xi32, #tpu.memory_space<hbm>>
      %dma_start3A_125 = tpu.memref_squeeze %dma_start3A_124 : memref<1x40x128xi32, #tpu.memory_space<hbm>> -> memref<40x128xi32, #tpu.memory_space<hbm>>
      tpu.enqueue_dma source(%dma_start3A_125 : memref<40x128xi32, #tpu.memory_space<hbm>>) target(%arg6 : memref<40x128xi32, #tpu.memory_space<vmem>>) target_semaphore(%run_scoped3A : memref<!tpu.dma_semaphore, #tpu.memory_space<semaphore_mem>>)
      %dma_wait3A = arith.constant 0 : i32
      %dma_wait3A_126 = arith.constant 0 : i32
      %dma_wait3A_127 = tpu.memref_slice %arg3[%add3A_57, %dma_wait3A, %dma_wait3A_126] : memref<64x40x128xi32, #tpu.memory_space<hbm>> -> memref<1x40x128xi32, #tpu.memory_space<hbm>>
      %dma_wait3A_128 = tpu.memref_squeeze %dma_wait3A_127 : memref<1x40x128xi32, #tpu.memory_space<hbm>> -> memref<40x128xi32, #tpu.memory_space<hbm>>
      %dma_wait3A_129 = arith.constant 0 : i32
      %dma_wait3A_130 = arith.constant 0 : i32
      %dma_wait3A_131 = tpu.memref_slice %arg3[%add3A_57, %dma_wait3A_129, %dma_wait3A_130] : memref<64x40x128xi32, #tpu.memory_space<hbm>> -> memref<1x40x128xi32, #tpu.memory_space<hbm>>
      %dma_wait3A_132 = tpu.memref_squeeze %dma_wait3A_131 : memref<1x40x128xi32, #tpu.memory_space<hbm>> -> memref<40x128xi32, #tpu.memory_space<hbm>>
      tpu.wait_dma2 semaphore(%run_scoped3A : memref<!tpu.dma_semaphore, #tpu.memory_space<semaphore_mem>>) src(%dma_wait3A_132 : memref<40x128xi32, #tpu.memory_space<hbm>>) dst(%arg6 : memref<40x128xi32, #tpu.memory_space<vmem>>)
      tpu.yield
    }) : () -> ()
    %mul3A_58 = arith.constant 2 : i32
    %mul3A_59 = arith.muli %add3A, %mul3A_58 : i32
    %add3A_60 = arith.constant 1 : i32
    %add3A_61 = arith.addi %mul3A_59, %add3A_60 : i32
    "tpu.region"() ({
      %run_scoped3A = tpu.sem_alloc : memref<!tpu.dma_semaphore, #tpu.memory_space<semaphore_mem>>
      %dma_start3A_118 = arith.constant 0 : i32
      %dma_start3A_119 = arith.constant 0 : i32
      %dma_start3A_120 = tpu.memref_slice %arg4[%add3A_61, %dma_start3A_118, %dma_start3A_119] : memref<64x40x128xi32, #tpu.memory_space<hbm>> -> memref<1x40x128xi32, #tpu.memory_space<hbm>>
      %dma_start3A_121 = tpu.memref_squeeze %dma_start3A_120 : memref<1x40x128xi32, #tpu.memory_space<hbm>> -> memref<40x128xi32, #tpu.memory_space<hbm>>
      %dma_start3A_122 = arith.constant 0 : i32
      %dma_start3A_123 = arith.constant 0 : i32
      %dma_start3A_124 = tpu.memref_slice %arg4[%add3A_61, %dma_start3A_122, %dma_start3A_123] : memref<64x40x128xi32, #tpu.memory_space<hbm>> -> memref<1x40x128xi32, #tpu.memory_space<hbm>>
      %dma_start3A_125 = tpu.memref_squeeze %dma_start3A_124 : memref<1x40x128xi32, #tpu.memory_space<hbm>> -> memref<40x128xi32, #tpu.memory_space<hbm>>
      tpu.enqueue_dma source(%dma_start3A_125 : memref<40x128xi32, #tpu.memory_space<hbm>>) target(%arg7 : memref<40x128xi32, #tpu.memory_space<vmem>>) target_semaphore(%run_scoped3A : memref<!tpu.dma_semaphore, #tpu.memory_space<semaphore_mem>>)
      %dma_wait3A = arith.constant 0 : i32
      %dma_wait3A_126 = arith.constant 0 : i32
      %dma_wait3A_127 = tpu.memref_slice %arg4[%add3A_61, %dma_wait3A, %dma_wait3A_126] : memref<64x40x128xi32, #tpu.memory_space<hbm>> -> memref<1x40x128xi32, #tpu.memory_space<hbm>>
      %dma_wait3A_128 = tpu.memref_squeeze %dma_wait3A_127 : memref<1x40x128xi32, #tpu.memory_space<hbm>> -> memref<40x128xi32, #tpu.memory_space<hbm>>
      %dma_wait3A_129 = arith.constant 0 : i32
      %dma_wait3A_130 = arith.constant 0 : i32
      %dma_wait3A_131 = tpu.memref_slice %arg4[%add3A_61, %dma_wait3A_129, %dma_wait3A_130] : memref<64x40x128xi32, #tpu.memory_space<hbm>> -> memref<1x40x128xi32, #tpu.memory_space<hbm>>
      %dma_wait3A_132 = tpu.memref_squeeze %dma_wait3A_131 : memref<1x40x128xi32, #tpu.memory_space<hbm>> -> memref<40x128xi32, #tpu.memory_space<hbm>>
      tpu.wait_dma2 semaphore(%run_scoped3A : memref<!tpu.dma_semaphore, #tpu.memory_space<semaphore_mem>>) src(%dma_wait3A_132 : memref<40x128xi32, #tpu.memory_space<hbm>>) dst(%arg7 : memref<40x128xi32, #tpu.memory_space<vmem>>)
      tpu.yield
    }) : () -> ()
    %dma_start3A_62 = arith.constant 0 : i32
    %dma_start3A_63 = arith.constant 0 : i32
    %dma_start3A_64 = tpu.memref_slice %arg6[%dma_start3A_62, %dma_start3A_63] : memref<40x128xi32, #tpu.memory_space<vmem>> -> memref<1x128xi32, #tpu.memory_space<vmem>>
    %dma_start3A_65 = tpu.memref_squeeze %dma_start3A_64 : memref<1x128xi32, #tpu.memory_space<vmem>> -> memref<128xi32, #tpu.memory_space<vmem>>
    %dma_start3A_66 = arith.constant 0 : i32
    %dma_start3A_67 = arith.constant 0 : i32
    %dma_start3A_68 = tpu.memref_slice %arg2[%dma_start3A_66, %dma_start3A_67] : memref<10000x128xf32, #tpu.memory_space<hbm>> -> memref<10000x128xf32, #tpu.memory_space<hbm>>
    tpu.enqueue_indirect_dma source(%dma_start3A_68 : memref<10000x128xf32, #tpu.memory_space<hbm>>) target(%arg8 : memref<128x128xf32, #tpu.memory_space<vmem>>) offsets(%dma_start3A_65 : memref<128xi32, #tpu.memory_space<vmem>>) semaphore(%arg11 : memref<!tpu.dma_semaphore, #tpu.memory_space<semaphore_mem>>)
    %dma_start3A_69 = arith.constant 1 : i32
    %dma_start3A_70 = arith.constant 0 : i32
    %dma_start3A_71 = tpu.memref_slice %arg6[%dma_start3A_69, %dma_start3A_70] : memref<40x128xi32, #tpu.memory_space<vmem>> -> memref<1x128xi32, #tpu.memory_space<vmem>>
    %dma_start3A_72 = tpu.memref_squeeze %dma_start3A_71 : memref<1x128xi32, #tpu.memory_space<vmem>> -> memref<128xi32, #tpu.memory_space<vmem>>
    %dma_start3A_73 = arith.constant 0 : i32
    %dma_start3A_74 = arith.constant 0 : i32
    %dma_start3A_75 = tpu.memref_slice %arg2[%dma_start3A_73, %dma_start3A_74] : memref<10000x128xf32, #tpu.memory_space<hbm>> -> memref<10000x128xf32, #tpu.memory_space<hbm>>
    tpu.enqueue_indirect_dma source(%dma_start3A_75 : memref<10000x128xf32, #tpu.memory_space<hbm>>) target(%arg9 : memref<128x128xf32, #tpu.memory_space<vmem>>) offsets(%dma_start3A_72 : memref<128xi32, #tpu.memory_space<vmem>>) semaphore(%arg12 : memref<!tpu.dma_semaphore, #tpu.memory_space<semaphore_mem>>)
    %scan3A_76 = arith.constant 0 : i32
    %scan3A_77 = arith.constant 0 : i32
    %scan3A_78 = arith.constant 20 : i32
    %scan3A_79 = arith.addi %scan3A_77, %scan3A_78 : i32
    %scan3A_80 = arith.constant 1 : i32
    scf.for %scan3A_118 = %scan3A_77 to %scan3A_79 step %scan3A_80  : i32 {
      %mul3A_119 = arith.constant 2 : i32
      %mul3A_120 = arith.muli %mul3A_119, %scan3A_118 : i32
      %mul3A_121 = arith.constant 2 : i32
      %mul3A_122 = arith.muli %mul3A_121, %scan3A_118 : i32
      %add3A_123 = arith.constant 1 : i32
      %add3A_124 = arith.addi %mul3A_122, %add3A_123 : i32
      %dma_wait3A = arith.constant 0 : i32
      %dma_wait3A_125 = tpu.memref_slice %arg6[%mul3A_120, %dma_wait3A] : memref<40x128xi32, #tpu.memory_space<vmem>> -> memref<1x128xi32, #tpu.memory_space<vmem>>
      %dma_wait3A_126 = tpu.memref_squeeze %dma_wait3A_125 : memref<1x128xi32, #tpu.memory_space<vmem>> -> memref<128xi32, #tpu.memory_space<vmem>>
      %dma_wait3A_127 = arith.constant 0 : i32
      %dma_wait3A_128 = arith.constant 0 : i32
      %dma_wait3A_129 = tpu.memref_slice %arg2[%dma_wait3A_127, %dma_wait3A_128] : memref<10000x128xf32, #tpu.memory_space<hbm>> -> memref<10000x128xf32, #tpu.memory_space<hbm>>
      tpu.wait_indirect_dma semaphore(%arg11 : memref<!tpu.dma_semaphore, #tpu.memory_space<semaphore_mem>>) src(%dma_wait3A_129 : memref<10000x128xf32, #tpu.memory_space<hbm>>) dst(%arg8 : memref<128x128xf32, #tpu.memory_space<vmem>>)
      %dma_start3A_130 = arith.constant 0 : i32
      %dma_start3A_131 = tpu.memref_slice %arg7[%mul3A_120, %dma_start3A_130] : memref<40x128xi32, #tpu.memory_space<vmem>> -> memref<1x128xi32, #tpu.memory_space<vmem>>
      %dma_start3A_132 = tpu.memref_squeeze %dma_start3A_131 : memref<1x128xi32, #tpu.memory_space<vmem>> -> memref<128xi32, #tpu.memory_space<vmem>>
      %dma_start3A_133 = arith.constant 0 : i32
      %dma_start3A_134 = arith.constant 0 : i32
      %dma_start3A_135 = tpu.memref_slice %arg10[%dma_start3A_133, %dma_start3A_134] : memref<10240x128xf32, #tpu.memory_space<vmem_shared>> -> memref<10240x128xf32, #tpu.memory_space<vmem_shared>>
      tpu.enqueue_indirect_dma source(%arg8 : memref<128x128xf32, #tpu.memory_space<vmem>>) target(%dma_start3A_135 : memref<10240x128xf32, #tpu.memory_space<vmem_shared>>) offsets(%dma_start3A_132 : memref<128xi32, #tpu.memory_space<vmem>>) semaphore(%arg13 : memref<!tpu.dma_semaphore, #tpu.memory_space<semaphore_mem>>) {add = true}
      %dma_wait3A_136 = arith.constant 0 : i32
      %dma_wait3A_137 = tpu.memref_slice %arg7[%mul3A_120, %dma_wait3A_136] : memref<40x128xi32, #tpu.memory_space<vmem>> -> memref<1x128xi32, #tpu.memory_space<vmem>>
      %dma_wait3A_138 = tpu.memref_squeeze %dma_wait3A_137 : memref<1x128xi32, #tpu.memory_space<vmem>> -> memref<128xi32, #tpu.memory_space<vmem>>
      %dma_wait3A_139 = arith.constant 0 : i32
      %dma_wait3A_140 = arith.constant 0 : i32
      %dma_wait3A_141 = tpu.memref_slice %arg10[%dma_wait3A_139, %dma_wait3A_140] : memref<10240x128xf32, #tpu.memory_space<vmem_shared>> -> memref<10240x128xf32, #tpu.memory_space<vmem_shared>>
      tpu.wait_indirect_dma semaphore(%arg13 : memref<!tpu.dma_semaphore, #tpu.memory_space<semaphore_mem>>) src(%arg8 : memref<128x128xf32, #tpu.memory_space<vmem>>) dst(%dma_wait3A_141 : memref<10240x128xf32, #tpu.memory_space<vmem_shared>>)
      %add3A_142 = arith.constant 2 : i32
      %add3A_143 = arith.addi %mul3A_120, %add3A_142 : i32
      %lt3A = arith.constant 40 : i32
      %lt3A_144 = arith.cmpi slt, %add3A_143, %lt3A : i32
      %convert_element_type3A = arith.extui %lt3A_144 : i1 to i32
      %cond3A = arith.constant 0 : i32
      %cond3A_145 = arith.cmpi ne, %convert_element_type3A, %cond3A : i32
      scf.if %cond3A_145 {
        %add3A_171 = arith.constant 2 : i32
        %add3A_172 = arith.addi %mul3A_120, %add3A_171 : i32
        %dma_start3A_173 = arith.constant 0 : i32
        %dma_start3A_174 = tpu.memref_slice %arg6[%add3A_172, %dma_start3A_173] : memref<40x128xi32, #tpu.memory_space<vmem>> -> memref<1x128xi32, #tpu.memory_space<vmem>>
        %dma_start3A_175 = tpu.memref_squeeze %dma_start3A_174 : memref<1x128xi32, #tpu.memory_space<vmem>> -> memref<128xi32, #tpu.memory_space<vmem>>
        %dma_start3A_176 = arith.constant 0 : i32
        %dma_start3A_177 = arith.constant 0 : i32
        %dma_start3A_178 = tpu.memref_slice %arg2[%dma_start3A_176, %dma_start3A_177] : memref<10000x128xf32, #tpu.memory_space<hbm>> -> memref<10000x128xf32, #tpu.memory_space<hbm>>
        tpu.enqueue_indirect_dma source(%dma_start3A_178 : memref<10000x128xf32, #tpu.memory_space<hbm>>) target(%arg8 : memref<128x128xf32, #tpu.memory_space<vmem>>) offsets(%dma_start3A_175 : memref<128xi32, #tpu.memory_space<vmem>>) semaphore(%arg11 : memref<!tpu.dma_semaphore, #tpu.memory_space<semaphore_mem>>)
      } else {
      }
      %dma_wait3A_146 = arith.constant 0 : i32
      %dma_wait3A_147 = tpu.memref_slice %arg6[%add3A_124, %dma_wait3A_146] : memref<40x128xi32, #tpu.memory_space<vmem>> -> memref<1x128xi32, #tpu.memory_space<vmem>>
      %dma_wait3A_148 = tpu.memref_squeeze %dma_wait3A_147 : memref<1x128xi32, #tpu.memory_space<vmem>> -> memref<128xi32, #tpu.memory_space<vmem>>
      %dma_wait3A_149 = arith.constant 0 : i32
      %dma_wait3A_150 = arith.constant 0 : i32
      %dma_wait3A_151 = tpu.memref_slice %arg2[%dma_wait3A_149, %dma_wait3A_150] : memref<10000x128xf32, #tpu.memory_space<hbm>> -> memref<10000x128xf32, #tpu.memory_space<hbm>>
      tpu.wait_indirect_dma semaphore(%arg12 : memref<!tpu.dma_semaphore, #tpu.memory_space<semaphore_mem>>) src(%dma_wait3A_151 : memref<10000x128xf32, #tpu.memory_space<hbm>>) dst(%arg9 : memref<128x128xf32, #tpu.memory_space<vmem>>)
      %dma_start3A_152 = arith.constant 0 : i32
      %dma_start3A_153 = tpu.memref_slice %arg7[%add3A_124, %dma_start3A_152] : memref<40x128xi32, #tpu.memory_space<vmem>> -> memref<1x128xi32, #tpu.memory_space<vmem>>
      %dma_start3A_154 = tpu.memref_squeeze %dma_start3A_153 : memref<1x128xi32, #tpu.memory_space<vmem>> -> memref<128xi32, #tpu.memory_space<vmem>>
      %dma_start3A_155 = arith.constant 0 : i32
      %dma_start3A_156 = arith.constant 0 : i32
      %dma_start3A_157 = tpu.memref_slice %arg10[%dma_start3A_155, %dma_start3A_156] : memref<10240x128xf32, #tpu.memory_space<vmem_shared>> -> memref<10240x128xf32, #tpu.memory_space<vmem_shared>>
      tpu.enqueue_indirect_dma source(%arg9 : memref<128x128xf32, #tpu.memory_space<vmem>>) target(%dma_start3A_157 : memref<10240x128xf32, #tpu.memory_space<vmem_shared>>) offsets(%dma_start3A_154 : memref<128xi32, #tpu.memory_space<vmem>>) semaphore(%arg14 : memref<!tpu.dma_semaphore, #tpu.memory_space<semaphore_mem>>) {add = true}
      %dma_wait3A_158 = arith.constant 0 : i32
      %dma_wait3A_159 = tpu.memref_slice %arg7[%add3A_124, %dma_wait3A_158] : memref<40x128xi32, #tpu.memory_space<vmem>> -> memref<1x128xi32, #tpu.memory_space<vmem>>
      %dma_wait3A_160 = tpu.memref_squeeze %dma_wait3A_159 : memref<1x128xi32, #tpu.memory_space<vmem>> -> memref<128xi32, #tpu.memory_space<vmem>>
      %dma_wait3A_161 = arith.constant 0 : i32
      %dma_wait3A_162 = arith.constant 0 : i32
      %dma_wait3A_163 = tpu.memref_slice %arg10[%dma_wait3A_161, %dma_wait3A_162] : memref<10240x128xf32, #tpu.memory_space<vmem_shared>> -> memref<10240x128xf32, #tpu.memory_space<vmem_shared>>
      tpu.wait_indirect_dma semaphore(%arg14 : memref<!tpu.dma_semaphore, #tpu.memory_space<semaphore_mem>>) src(%arg9 : memref<128x128xf32, #tpu.memory_space<vmem>>) dst(%dma_wait3A_163 : memref<10240x128xf32, #tpu.memory_space<vmem_shared>>)
      %add3A_164 = arith.constant 2 : i32
      %add3A_165 = arith.addi %add3A_124, %add3A_164 : i32
      %lt3A_166 = arith.constant 40 : i32
      %lt3A_167 = arith.cmpi slt, %add3A_165, %lt3A_166 : i32
      %convert_element_type3A_168 = arith.extui %lt3A_167 : i1 to i32
      %cond3A_169 = arith.constant 0 : i32
      %cond3A_170 = arith.cmpi ne, %convert_element_type3A_168, %cond3A_169 : i32
      scf.if %cond3A_170 {
        %add3A_171 = arith.constant 2 : i32
        %add3A_172 = arith.addi %add3A_124, %add3A_171 : i32
        %dma_start3A_173 = arith.constant 0 : i32
        %dma_start3A_174 = tpu.memref_slice %arg6[%add3A_172, %dma_start3A_173] : memref<40x128xi32, #tpu.memory_space<vmem>> -> memref<1x128xi32, #tpu.memory_space<vmem>>
        %dma_start3A_175 = tpu.memref_squeeze %dma_start3A_174 : memref<1x128xi32, #tpu.memory_space<vmem>> -> memref<128xi32, #tpu.memory_space<vmem>>
        %dma_start3A_176 = arith.constant 0 : i32
        %dma_start3A_177 = arith.constant 0 : i32
        %dma_start3A_178 = tpu.memref_slice %arg2[%dma_start3A_176, %dma_start3A_177] : memref<10000x128xf32, #tpu.memory_space<hbm>> -> memref<10000x128xf32, #tpu.memory_space<hbm>>
        tpu.enqueue_indirect_dma source(%dma_start3A_178 : memref<10000x128xf32, #tpu.memory_space<hbm>>) target(%arg9 : memref<128x128xf32, #tpu.memory_space<vmem>>) offsets(%dma_start3A_175 : memref<128xi32, #tpu.memory_space<vmem>>) semaphore(%arg12 : memref<!tpu.dma_semaphore, #tpu.memory_space<semaphore_mem>>)
      } else {
      }
    }
    %scan3A_81 = arith.constant 20 : i32
    %barrier3A_82 = arith.constant 0 : index
    tpu.barrier barrier_id(%barrier3A_82)
    %mul3A_83 = arith.constant 640 : i32
    %mul3A_84 = arith.muli %arg1, %mul3A_83 : i32
    %add3A_85 = arith.constant 0 : i32
    %add3A_86 = arith.addi %mul3A_84, %add3A_85 : i32
    "tpu.region"() ({
      %run_scoped3A = tpu.sem_alloc : memref<!tpu.dma_semaphore, #tpu.memory_space<semaphore_mem>>
      %dma_start3A_118 = arith.constant 0 : i32
      %dma_start3A_119 = tpu.memref_slice %arg10[%add3A_86, %dma_start3A_118] : memref<10240x128xf32, #tpu.memory_space<vmem_shared>> -> memref<128x128xf32, #tpu.memory_space<vmem_shared>>
      %dma_start3A_120 = arith.constant 0 : i32
      %dma_start3A_121 = tpu.memref_slice %arg10[%add3A_86, %dma_start3A_120] : memref<10240x128xf32, #tpu.memory_space<vmem_shared>> -> memref<128x128xf32, #tpu.memory_space<vmem_shared>>
      tpu.enqueue_dma source(%dma_start3A_121 : memref<128x128xf32, #tpu.memory_space<vmem_shared>>) target(%arg8 : memref<128x128xf32, #tpu.memory_space<vmem>>) target_semaphore(%run_scoped3A : memref<!tpu.dma_semaphore, #tpu.memory_space<semaphore_mem>>)
      %dma_wait3A = arith.constant 0 : i32
      %dma_wait3A_122 = tpu.memref_slice %arg10[%add3A_86, %dma_wait3A] : memref<10240x128xf32, #tpu.memory_space<vmem_shared>> -> memref<128x128xf32, #tpu.memory_space<vmem_shared>>
      %dma_wait3A_123 = arith.constant 0 : i32
      %dma_wait3A_124 = tpu.memref_slice %arg10[%add3A_86, %dma_wait3A_123] : memref<10240x128xf32, #tpu.memory_space<vmem_shared>> -> memref<128x128xf32, #tpu.memory_space<vmem_shared>>
      tpu.wait_dma2 semaphore(%run_scoped3A : memref<!tpu.dma_semaphore, #tpu.memory_space<semaphore_mem>>) src(%dma_wait3A_124 : memref<128x128xf32, #tpu.memory_space<vmem_shared>>) dst(%arg8 : memref<128x128xf32, #tpu.memory_space<vmem>>)
      tpu.yield
    }) : () -> ()
    %mul3A_87 = arith.constant 10240 : i32
    %mul3A_88 = arith.muli %arg0, %mul3A_87 : i32
    %add3A_89 = arith.addi %mul3A_88, %add3A_86 : i32
    "tpu.region"() ({
      %run_scoped3A = tpu.sem_alloc : memref<!tpu.dma_semaphore, #tpu.memory_space<semaphore_mem>>
      %dma_start3A_118 = arith.constant 0 : i32
      %dma_start3A_119 = tpu.memref_slice %arg5[%add3A_89, %dma_start3A_118] : memref<20480x128xf32, #tpu.memory_space<hbm>> -> memref<128x128xf32, #tpu.memory_space<hbm>>
      %dma_start3A_120 = arith.constant 0 : i32
      %dma_start3A_121 = tpu.memref_slice %arg5[%add3A_89, %dma_start3A_120] : memref<20480x128xf32, #tpu.memory_space<hbm>> -> memref<128x128xf32, #tpu.memory_space<hbm>>
      tpu.enqueue_dma source(%arg8 : memref<128x128xf32, #tpu.memory_space<vmem>>) target(%dma_start3A_121 : memref<128x128xf32, #tpu.memory_space<hbm>>) target_semaphore(%run_scoped3A : memref<!tpu.dma_semaphore, #tpu.memory_space<semaphore_mem>>)
      %dma_wait3A = arith.constant 0 : i32
      %dma_wait3A_122 = tpu.memref_slice %arg5[%add3A_89, %dma_wait3A] : memref<20480x128xf32, #tpu.memory_space<hbm>> -> memref<128x128xf32, #tpu.memory_space<hbm>>
      %dma_wait3A_123 = arith.constant 0 : i32
      %dma_wait3A_124 = tpu.memref_slice %arg5[%add3A_89, %dma_wait3A_123] : memref<20480x128xf32, #tpu.memory_space<hbm>> -> memref<128x128xf32, #tpu.memory_space<hbm>>
      tpu.wait_dma2 semaphore(%run_scoped3A : memref<!tpu.dma_semaphore, #tpu.memory_space<semaphore_mem>>) src(%arg8 : memref<128x128xf32, #tpu.memory_space<vmem>>) dst(%dma_wait3A_124 : memref<128x128xf32, #tpu.memory_space<hbm>>)
      tpu.yield
    }) : () -> ()
    %mul3A_90 = arith.constant 640 : i32
    %mul3A_91 = arith.muli %arg1, %mul3A_90 : i32
    %add3A_92 = arith.constant 128 : i32
    %add3A_93 = arith.addi %mul3A_91, %add3A_92 : i32
    "tpu.region"() ({
      %run_scoped3A = tpu.sem_alloc : memref<!tpu.dma_semaphore, #tpu.memory_space<semaphore_mem>>
      %dma_start3A_118 = arith.constant 0 : i32
      %dma_start3A_119 = tpu.memref_slice %arg10[%add3A_93, %dma_start3A_118] : memref<10240x128xf32, #tpu.memory_space<vmem_shared>> -> memref<128x128xf32, #tpu.memory_space<vmem_shared>>
      %dma_start3A_120 = arith.constant 0 : i32
      %dma_start3A_121 = tpu.memref_slice %arg10[%add3A_93, %dma_start3A_120] : memref<10240x128xf32, #tpu.memory_space<vmem_shared>> -> memref<128x128xf32, #tpu.memory_space<vmem_shared>>
      tpu.enqueue_dma source(%dma_start3A_121 : memref<128x128xf32, #tpu.memory_space<vmem_shared>>) target(%arg8 : memref<128x128xf32, #tpu.memory_space<vmem>>) target_semaphore(%run_scoped3A : memref<!tpu.dma_semaphore, #tpu.memory_space<semaphore_mem>>)
      %dma_wait3A = arith.constant 0 : i32
      %dma_wait3A_122 = tpu.memref_slice %arg10[%add3A_93, %dma_wait3A] : memref<10240x128xf32, #tpu.memory_space<vmem_shared>> -> memref<128x128xf32, #tpu.memory_space<vmem_shared>>
      %dma_wait3A_123 = arith.constant 0 : i32
      %dma_wait3A_124 = tpu.memref_slice %arg10[%add3A_93, %dma_wait3A_123] : memref<10240x128xf32, #tpu.memory_space<vmem_shared>> -> memref<128x128xf32, #tpu.memory_space<vmem_shared>>
      tpu.wait_dma2 semaphore(%run_scoped3A : memref<!tpu.dma_semaphore, #tpu.memory_space<semaphore_mem>>) src(%dma_wait3A_124 : memref<128x128xf32, #tpu.memory_space<vmem_shared>>) dst(%arg8 : memref<128x128xf32, #tpu.memory_space<vmem>>)
      tpu.yield
    }) : () -> ()
    %mul3A_94 = arith.constant 10240 : i32
    %mul3A_95 = arith.muli %arg0, %mul3A_94 : i32
    %add3A_96 = arith.addi %mul3A_95, %add3A_93 : i32
    "tpu.region"() ({
      %run_scoped3A = tpu.sem_alloc : memref<!tpu.dma_semaphore, #tpu.memory_space<semaphore_mem>>
      %dma_start3A_118 = arith.constant 0 : i32
      %dma_start3A_119 = tpu.memref_slice %arg5[%add3A_96, %dma_start3A_118] : memref<20480x128xf32, #tpu.memory_space<hbm>> -> memref<128x128xf32, #tpu.memory_space<hbm>>
      %dma_start3A_120 = arith.constant 0 : i32
      %dma_start3A_121 = tpu.memref_slice %arg5[%add3A_96, %dma_start3A_120] : memref<20480x128xf32, #tpu.memory_space<hbm>> -> memref<128x128xf32, #tpu.memory_space<hbm>>
      tpu.enqueue_dma source(%arg8 : memref<128x128xf32, #tpu.memory_space<vmem>>) target(%dma_start3A_121 : memref<128x128xf32, #tpu.memory_space<hbm>>) target_semaphore(%run_scoped3A : memref<!tpu.dma_semaphore, #tpu.memory_space<semaphore_mem>>)
      %dma_wait3A = arith.constant 0 : i32
      %dma_wait3A_122 = tpu.memref_slice %arg5[%add3A_96, %dma_wait3A] : memref<20480x128xf32, #tpu.memory_space<hbm>> -> memref<128x128xf32, #tpu.memory_space<hbm>>
      %dma_wait3A_123 = arith.constant 0 : i32
      %dma_wait3A_124 = tpu.memref_slice %arg5[%add3A_96, %dma_wait3A_123] : memref<20480x128xf32, #tpu.memory_space<hbm>> -> memref<128x128xf32, #tpu.memory_space<hbm>>
      tpu.wait_dma2 semaphore(%run_scoped3A : memref<!tpu.dma_semaphore, #tpu.memory_space<semaphore_mem>>) src(%arg8 : memref<128x128xf32, #tpu.memory_space<vmem>>) dst(%dma_wait3A_124 : memref<128x128xf32, #tpu.memory_space<hbm>>)
      tpu.yield
    }) : () -> ()
    %mul3A_97 = arith.constant 640 : i32
    %mul3A_98 = arith.muli %arg1, %mul3A_97 : i32
    %add3A_99 = arith.constant 256 : i32
    %add3A_100 = arith.addi %mul3A_98, %add3A_99 : i32
    "tpu.region"() ({
      %run_scoped3A = tpu.sem_alloc : memref<!tpu.dma_semaphore, #tpu.memory_space<semaphore_mem>>
      %dma_start3A_118 = arith.constant 0 : i32
      %dma_start3A_119 = tpu.memref_slice %arg10[%add3A_100, %dma_start3A_118] : memref<10240x128xf32, #tpu.memory_space<vmem_shared>> -> memref<128x128xf32, #tpu.memory_space<vmem_shared>>
      %dma_start3A_120 = arith.constant 0 : i32
      %dma_start3A_121 = tpu.memref_slice %arg10[%add3A_100, %dma_start3A_120] : memref<10240x128xf32, #tpu.memory_space<vmem_shared>> -> memref<128x128xf32, #tpu.memory_space<vmem_shared>>
      tpu.enqueue_dma source(%dma_start3A_121 : memref<128x128xf32, #tpu.memory_space<vmem_shared>>) target(%arg8 : memref<128x128xf32, #tpu.memory_space<vmem>>) target_semaphore(%run_scoped3A : memref<!tpu.dma_semaphore, #tpu.memory_space<semaphore_mem>>)
      %dma_wait3A = arith.constant 0 : i32
      %dma_wait3A_122 = tpu.memref_slice %arg10[%add3A_100, %dma_wait3A] : memref<10240x128xf32, #tpu.memory_space<vmem_shared>> -> memref<128x128xf32, #tpu.memory_space<vmem_shared>>
      %dma_wait3A_123 = arith.constant 0 : i32
      %dma_wait3A_124 = tpu.memref_slice %arg10[%add3A_100, %dma_wait3A_123] : memref<10240x128xf32, #tpu.memory_space<vmem_shared>> -> memref<128x128xf32, #tpu.memory_space<vmem_shared>>
      tpu.wait_dma2 semaphore(%run_scoped3A : memref<!tpu.dma_semaphore, #tpu.memory_space<semaphore_mem>>) src(%dma_wait3A_124 : memref<128x128xf32, #tpu.memory_space<vmem_shared>>) dst(%arg8 : memref<128x128xf32, #tpu.memory_space<vmem>>)
      tpu.yield
    }) : () -> ()
    %mul3A_101 = arith.constant 10240 : i32
    %mul3A_102 = arith.muli %arg0, %mul3A_101 : i32
    %add3A_103 = arith.addi %mul3A_102, %add3A_100 : i32
    "tpu.region"() ({
      %run_scoped3A = tpu.sem_alloc : memref<!tpu.dma_semaphore, #tpu.memory_space<semaphore_mem>>
      %dma_start3A_118 = arith.constant 0 : i32
      %dma_start3A_119 = tpu.memref_slice %arg5[%add3A_103, %dma_start3A_118] : memref<20480x128xf32, #tpu.memory_space<hbm>> -> memref<128x128xf32, #tpu.memory_space<hbm>>
      %dma_start3A_120 = arith.constant 0 : i32
      %dma_start3A_121 = tpu.memref_slice %arg5[%add3A_103, %dma_start3A_120] : memref<20480x128xf32, #tpu.memory_space<hbm>> -> memref<128x128xf32, #tpu.memory_space<hbm>>
      tpu.enqueue_dma source(%arg8 : memref<128x128xf32, #tpu.memory_space<vmem>>) target(%dma_start3A_121 : memref<128x128xf32, #tpu.memory_space<hbm>>) target_semaphore(%run_scoped3A : memref<!tpu.dma_semaphore, #tpu.memory_space<semaphore_mem>>)
      %dma_wait3A = arith.constant 0 : i32
      %dma_wait3A_122 = tpu.memref_slice %arg5[%add3A_103, %dma_wait3A] : memref<20480x128xf32, #tpu.memory_space<hbm>> -> memref<128x128xf32, #tpu.memory_space<hbm>>
      %dma_wait3A_123 = arith.constant 0 : i32
      %dma_wait3A_124 = tpu.memref_slice %arg5[%add3A_103, %dma_wait3A_123] : memref<20480x128xf32, #tpu.memory_space<hbm>> -> memref<128x128xf32, #tpu.memory_space<hbm>>
      tpu.wait_dma2 semaphore(%run_scoped3A : memref<!tpu.dma_semaphore, #tpu.memory_space<semaphore_mem>>) src(%arg8 : memref<128x128xf32, #tpu.memory_space<vmem>>) dst(%dma_wait3A_124 : memref<128x128xf32, #tpu.memory_space<hbm>>)
      tpu.yield
    }) : () -> ()
    %mul3A_104 = arith.constant 640 : i32
    %mul3A_105 = arith.muli %arg1, %mul3A_104 : i32
    %add3A_106 = arith.constant 384 : i32
    %add3A_107 = arith.addi %mul3A_105, %add3A_106 : i32
    "tpu.region"() ({
      %run_scoped3A = tpu.sem_alloc : memref<!tpu.dma_semaphore, #tpu.memory_space<semaphore_mem>>
      %dma_start3A_118 = arith.constant 0 : i32
      %dma_start3A_119 = tpu.memref_slice %arg10[%add3A_107, %dma_start3A_118] : memref<10240x128xf32, #tpu.memory_space<vmem_shared>> -> memref<128x128xf32, #tpu.memory_space<vmem_shared>>
      %dma_start3A_120 = arith.constant 0 : i32
      %dma_start3A_121 = tpu.memref_slice %arg10[%add3A_107, %dma_start3A_120] : memref<10240x128xf32, #tpu.memory_space<vmem_shared>> -> memref<128x128xf32, #tpu.memory_space<vmem_shared>>
      tpu.enqueue_dma source(%dma_start3A_121 : memref<128x128xf32, #tpu.memory_space<vmem_shared>>) target(%arg8 : memref<128x128xf32, #tpu.memory_space<vmem>>) target_semaphore(%run_scoped3A : memref<!tpu.dma_semaphore, #tpu.memory_space<semaphore_mem>>)
      %dma_wait3A = arith.constant 0 : i32
      %dma_wait3A_122 = tpu.memref_slice %arg10[%add3A_107, %dma_wait3A] : memref<10240x128xf32, #tpu.memory_space<vmem_shared>> -> memref<128x128xf32, #tpu.memory_space<vmem_shared>>
      %dma_wait3A_123 = arith.constant 0 : i32
      %dma_wait3A_124 = tpu.memref_slice %arg10[%add3A_107, %dma_wait3A_123] : memref<10240x128xf32, #tpu.memory_space<vmem_shared>> -> memref<128x128xf32, #tpu.memory_space<vmem_shared>>
      tpu.wait_dma2 semaphore(%run_scoped3A : memref<!tpu.dma_semaphore, #tpu.memory_space<semaphore_mem>>) src(%dma_wait3A_124 : memref<128x128xf32, #tpu.memory_space<vmem_shared>>) dst(%arg8 : memref<128x128xf32, #tpu.memory_space<vmem>>)
      tpu.yield
    }) : () -> ()
    %mul3A_108 = arith.constant 10240 : i32
    %mul3A_109 = arith.muli %arg0, %mul3A_108 : i32
    %add3A_110 = arith.addi %mul3A_109, %add3A_107 : i32
    "tpu.region"() ({
      %run_scoped3A = tpu.sem_alloc : memref<!tpu.dma_semaphore, #tpu.memory_space<semaphore_mem>>
      %dma_start3A_118 = arith.constant 0 : i32
      %dma_start3A_119 = tpu.memref_slice %arg5[%add3A_110, %dma_start3A_118] : memref<20480x128xf32, #tpu.memory_space<hbm>> -> memref<128x128xf32, #tpu.memory_space<hbm>>
      %dma_start3A_120 = arith.constant 0 : i32
      %dma_start3A_121 = tpu.memref_slice %arg5[%add3A_110, %dma_start3A_120] : memref<20480x128xf32, #tpu.memory_space<hbm>> -> memref<128x128xf32, #tpu.memory_space<hbm>>
      tpu.enqueue_dma source(%arg8 : memref<128x128xf32, #tpu.memory_space<vmem>>) target(%dma_start3A_121 : memref<128x128xf32, #tpu.memory_space<hbm>>) target_semaphore(%run_scoped3A : memref<!tpu.dma_semaphore, #tpu.memory_space<semaphore_mem>>)
      %dma_wait3A = arith.constant 0 : i32
      %dma_wait3A_122 = tpu.memref_slice %arg5[%add3A_110, %dma_wait3A] : memref<20480x128xf32, #tpu.memory_space<hbm>> -> memref<128x128xf32, #tpu.memory_space<hbm>>
      %dma_wait3A_123 = arith.constant 0 : i32
      %dma_wait3A_124 = tpu.memref_slice %arg5[%add3A_110, %dma_wait3A_123] : memref<20480x128xf32, #tpu.memory_space<hbm>> -> memref<128x128xf32, #tpu.memory_space<hbm>>
      tpu.wait_dma2 semaphore(%run_scoped3A : memref<!tpu.dma_semaphore, #tpu.memory_space<semaphore_mem>>) src(%arg8 : memref<128x128xf32, #tpu.memory_space<vmem>>) dst(%dma_wait3A_124 : memref<128x128xf32, #tpu.memory_space<hbm>>)
      tpu.yield
    }) : () -> ()
    %mul3A_111 = arith.constant 640 : i32
    %mul3A_112 = arith.muli %arg1, %mul3A_111 : i32
    %add3A_113 = arith.constant 512 : i32
    %add3A_114 = arith.addi %mul3A_112, %add3A_113 : i32
    "tpu.region"() ({
      %run_scoped3A = tpu.sem_alloc : memref<!tpu.dma_semaphore, #tpu.memory_space<semaphore_mem>>
      %dma_start3A_118 = arith.constant 0 : i32
      %dma_start3A_119 = tpu.memref_slice %arg10[%add3A_114, %dma_start3A_118] : memref<10240x128xf32, #tpu.memory_space<vmem_shared>> -> memref<128x128xf32, #tpu.memory_space<vmem_shared>>
      %dma_start3A_120 = arith.constant 0 : i32
      %dma_start3A_121 = tpu.memref_slice %arg10[%add3A_114, %dma_start3A_120] : memref<10240x128xf32, #tpu.memory_space<vmem_shared>> -> memref<128x128xf32, #tpu.memory_space<vmem_shared>>
      tpu.enqueue_dma source(%dma_start3A_121 : memref<128x128xf32, #tpu.memory_space<vmem_shared>>) target(%arg8 : memref<128x128xf32, #tpu.memory_space<vmem>>) target_semaphore(%run_scoped3A : memref<!tpu.dma_semaphore, #tpu.memory_space<semaphore_mem>>)
      %dma_wait3A = arith.constant 0 : i32
      %dma_wait3A_122 = tpu.memref_slice %arg10[%add3A_114, %dma_wait3A] : memref<10240x128xf32, #tpu.memory_space<vmem_shared>> -> memref<128x128xf32, #tpu.memory_space<vmem_shared>>
      %dma_wait3A_123 = arith.constant 0 : i32
      %dma_wait3A_124 = tpu.memref_slice %arg10[%add3A_114, %dma_wait3A_123] : memref<10240x128xf32, #tpu.memory_space<vmem_shared>> -> memref<128x128xf32, #tpu.memory_space<vmem_shared>>
      tpu.wait_dma2 semaphore(%run_scoped3A : memref<!tpu.dma_semaphore, #tpu.memory_space<semaphore_mem>>) src(%dma_wait3A_124 : memref<128x128xf32, #tpu.memory_space<vmem_shared>>) dst(%arg8 : memref<128x128xf32, #tpu.memory_space<vmem>>)
      tpu.yield
    }) : () -> ()
    %mul3A_115 = arith.constant 10240 : i32
    %mul3A_116 = arith.muli %arg0, %mul3A_115 : i32
    %add3A_117 = arith.addi %mul3A_116, %add3A_114 : i32
    "tpu.region"() ({
      %run_scoped3A = tpu.sem_alloc : memref<!tpu.dma_semaphore, #tpu.memory_space<semaphore_mem>>
      %dma_start3A_118 = arith.constant 0 : i32
      %dma_start3A_119 = tpu.memref_slice %arg5[%add3A_117, %dma_start3A_118] : memref<20480x128xf32, #tpu.memory_space<hbm>> -> memref<128x128xf32, #tpu.memory_space<hbm>>
      %dma_start3A_120 = arith.constant 0 : i32
      %dma_start3A_121 = tpu.memref_slice %arg5[%add3A_117, %dma_start3A_120] : memref<20480x128xf32, #tpu.memory_space<hbm>> -> memref<128x128xf32, #tpu.memory_space<hbm>>
      tpu.enqueue_dma source(%arg8 : memref<128x128xf32, #tpu.memory_space<vmem>>) target(%dma_start3A_121 : memref<128x128xf32, #tpu.memory_space<hbm>>) target_semaphore(%run_scoped3A : memref<!tpu.dma_semaphore, #tpu.memory_space<semaphore_mem>>)
      %dma_wait3A = arith.constant 0 : i32
      %dma_wait3A_122 = tpu.memref_slice %arg5[%add3A_117, %dma_wait3A] : memref<20480x128xf32, #tpu.memory_space<hbm>> -> memref<128x128xf32, #tpu.memory_space<hbm>>
      %dma_wait3A_123 = arith.constant 0 : i32
      %dma_wait3A_124 = tpu.memref_slice %arg5[%add3A_117, %dma_wait3A_123] : memref<20480x128xf32, #tpu.memory_space<hbm>> -> memref<128x128xf32, #tpu.memory_space<hbm>>
      tpu.wait_dma2 semaphore(%run_scoped3A : memref<!tpu.dma_semaphore, #tpu.memory_space<semaphore_mem>>) src(%arg8 : memref<128x128xf32, #tpu.memory_space<vmem>>) dst(%dma_wait3A_124 : memref<128x128xf32, #tpu.memory_space<hbm>>)
      tpu.yield
    }) : () -> ()
    return
  }
}

#map = affine_map<(d0, d1) -> (0)>
module attributes {stable_mosaic.version = 14 : i64} {
  func.func @_deg_kernel(%arg0: i32, %arg1: i32, %arg2: memref<320000xi32, #tpu.memory_space<hbm>>, %arg3: memref<320000xf32, #tpu.memory_space<hbm>>, %arg4: memref<2000xi32, #tpu.memory_space<vmem>>, %arg5: memref<10000xf32, #tpu.memory_space<vmem>>) attributes {dimension_semantics = [#tpu.dimension_semantics<core_parallel>, #tpu.dimension_semantics<subcore_parallel>], iteration_bounds = array<i64: 2, 16>, scalar_prefetch = 0 : i64, scratch_operands = 2 : i64, tpu.core_type = #tpu.core_type<sc_vector_subcore>, window_params = [{transform_indices = #map}, {transform_indices = #map}]} {
    %mul3A = arith.constant 2 : i32
    %mul3A_0 = arith.muli %arg1, %mul3A : i32
    %add3A = arith.addi %mul3A_0, %arg0 : i32
    %broadcast_in_dim3A = arith.constant 0.000000e+00 : f32
    %broadcast_in_dim3A_1 = vector.broadcast %broadcast_in_dim3A : f32 to vector<16xf32>
    %broadcast_in_dim3A_2 = arith.constant 1.000000e+00 : f32
    %broadcast_in_dim3A_3 = vector.broadcast %broadcast_in_dim3A_2 : f32 to vector<16xf32>
    %scan3A = arith.constant 0 : i32
    %scan3A_4 = arith.constant 0 : i32
    %scan3A_5 = arith.constant 625 : i32
    %scan3A_6 = arith.addi %scan3A_4, %scan3A_5 : i32
    %scan3A_7 = arith.constant 1 : i32
    scf.for %scan3A_17 = %scan3A_4 to %scan3A_6 step %scan3A_7  : i32 {
      %mul3A_18 = arith.constant 16 : i32
      %mul3A_19 = arith.muli %scan3A_17, %mul3A_18 : i32
      %swap3A = arith.index_cast %mul3A_19 : i32 to index
      %swap3A_20 = tpu.vector_load %arg5[%swap3A] {strides = array<i32>} : memref<10000xf32, #tpu.memory_space<vmem>>, vector<16xf32>,
      tpu.vector_store %arg5[%swap3A], %broadcast_in_dim3A_1 {strides = array<i32>} : memref<10000xf32, #tpu.memory_space<vmem>>, vector<16xf32>,
    }
    %scan3A_8 = arith.constant 625 : i32
    %scan3A_9 = arith.constant 0 : i32
    %scan3A_10 = arith.constant 0 : i32
    %scan3A_11 = arith.constant 5 : i32
    %scan3A_12 = arith.addi %scan3A_10, %scan3A_11 : i32
    %scan3A_13 = arith.constant 1 : i32
    scf.for %scan3A_17 = %scan3A_10 to %scan3A_12 step %scan3A_13  : i32 {
      %mul3A_18 = arith.constant 10000 : i32
      %mul3A_19 = arith.muli %add3A, %mul3A_18 : i32
      %mul3A_20 = arith.constant 2000 : i32
      %mul3A_21 = arith.muli %scan3A_17, %mul3A_20 : i32
      %add3A_22 = arith.addi %mul3A_19, %mul3A_21 : i32
      "tpu.region"() ({
        %run_scoped3A = tpu.sem_alloc : memref<!tpu.dma_semaphore, #tpu.memory_space<semaphore_mem>>
        %dma_start3A = tpu.memref_slice %arg2[%add3A_22] : memref<320000xi32, #tpu.memory_space<hbm>> -> memref<2000xi32, #tpu.memory_space<hbm>>
        %dma_start3A_29 = tpu.memref_slice %arg2[%add3A_22] : memref<320000xi32, #tpu.memory_space<hbm>> -> memref<2000xi32, #tpu.memory_space<hbm>>
        tpu.enqueue_dma source(%dma_start3A_29 : memref<2000xi32, #tpu.memory_space<hbm>>) target(%arg4 : memref<2000xi32, #tpu.memory_space<vmem>>) target_semaphore(%run_scoped3A : memref<!tpu.dma_semaphore, #tpu.memory_space<semaphore_mem>>)
        %dma_wait3A = tpu.memref_slice %arg2[%add3A_22] : memref<320000xi32, #tpu.memory_space<hbm>> -> memref<2000xi32, #tpu.memory_space<hbm>>
        %dma_wait3A_30 = tpu.memref_slice %arg2[%add3A_22] : memref<320000xi32, #tpu.memory_space<hbm>> -> memref<2000xi32, #tpu.memory_space<hbm>>
        tpu.wait_dma2 semaphore(%run_scoped3A : memref<!tpu.dma_semaphore, #tpu.memory_space<semaphore_mem>>) src(%dma_wait3A_30 : memref<2000xi32, #tpu.memory_space<hbm>>) dst(%arg4 : memref<2000xi32, #tpu.memory_space<vmem>>)
        tpu.yield
      }) : () -> ()
      %scan3A_23 = arith.constant 0 : i32
      %scan3A_24 = arith.constant 0 : i32
      %scan3A_25 = arith.constant 125 : i32
      %scan3A_26 = arith.addi %scan3A_24, %scan3A_25 : i32
      %scan3A_27 = arith.constant 1 : i32
      scf.for %scan3A_29 = %scan3A_24 to %scan3A_26 step %scan3A_27  : i32 {
        %mul3A_30 = arith.constant 16 : i32
        %mul3A_31 = arith.muli %scan3A_29, %mul3A_30 : i32
        %get3A = arith.index_cast %mul3A_31 : i32 to index
        %get3A_32 = tpu.vector_load %arg4[%get3A] {strides = array<i32>} : memref<2000xi32, #tpu.memory_space<vmem>>, vector<16xi32>,
        tpu.vector_store_idx %arg5[%get3A_32], %broadcast_in_dim3A_3 {add = true} : memref<10000xf32, #tpu.memory_space<vmem>>[vector<16xi32>], vector<16xf32>,
      }
      %scan3A_28 = arith.constant 125 : i32
    }
    %scan3A_14 = arith.constant 5 : i32
    %mul3A_15 = arith.constant 10000 : i32
    %mul3A_16 = arith.muli %add3A, %mul3A_15 : i32
    "tpu.region"() ({
      %run_scoped3A = tpu.sem_alloc : memref<!tpu.dma_semaphore, #tpu.memory_space<semaphore_mem>>
      %dma_start3A = tpu.memref_slice %arg3[%mul3A_16] : memref<320000xf32, #tpu.memory_space<hbm>> -> memref<10000xf32, #tpu.memory_space<hbm>>
      %dma_start3A_17 = tpu.memref_slice %arg3[%mul3A_16] : memref<320000xf32, #tpu.memory_space<hbm>> -> memref<10000xf32, #tpu.memory_space<hbm>>
      tpu.enqueue_dma source(%arg5 : memref<10000xf32, #tpu.memory_space<vmem>>) target(%dma_start3A_17 : memref<10000xf32, #tpu.memory_space<hbm>>) target_semaphore(%run_scoped3A : memref<!tpu.dma_semaphore, #tpu.memory_space<semaphore_mem>>)
      %dma_wait3A = tpu.memref_slice %arg3[%mul3A_16] : memref<320000xf32, #tpu.memory_space<hbm>> -> memref<10000xf32, #tpu.memory_space<hbm>>
      %dma_wait3A_18 = tpu.memref_slice %arg3[%mul3A_16] : memref<320000xf32, #tpu.memory_space<hbm>> -> memref<10000xf32, #tpu.memory_space<hbm>>
      tpu.wait_dma2 semaphore(%run_scoped3A : memref<!tpu.dma_semaphore, #tpu.memory_space<semaphore_mem>>) src(%arg5 : memref<10000xf32, #tpu.memory_space<vmem>>) dst(%dma_wait3A_18 : memref<10000xf32, #tpu.memory_space<hbm>>)
      tpu.yield
    }) : () -> ()
    return
  }
}

#map = affine_map<(d0, d1) -> (0, 0)>
#map1 = affine_map<(d0, d1) -> (0, 0, 0)>
module attributes {stable_mosaic.version = 14 : i64} {
  func.func @_prop_kernel(%arg0: i32, %arg1: i32, %arg2: memref<10000x128xf32, #tpu.memory_space<hbm>>, %arg3: memref<64x40x128xi32, #tpu.memory_space<hbm>>, %arg4: memref<64x40x128xi32, #tpu.memory_space<hbm>>, %arg5: memref<20480x128xf32, #tpu.memory_space<hbm>>, %arg6: memref<40x128xi32, #tpu.memory_space<vmem>>, %arg7: memref<40x128xi32, #tpu.memory_space<vmem>>, %arg8: memref<128x128xf32, #tpu.memory_space<vmem>>, %arg9: memref<128x128xf32, #tpu.memory_space<vmem>>, %arg10: memref<10240x128xf32, #tpu.memory_space<vmem_shared>>, %arg11: memref<!tpu.dma_semaphore, #tpu.memory_space<semaphore_mem>>, %arg12: memref<!tpu.dma_semaphore, #tpu.memory_space<semaphore_mem>>, %arg13: memref<!tpu.dma_semaphore, #tpu.memory_space<semaphore_mem>>, %arg14: memref<!tpu.dma_semaphore, #tpu.memory_space<semaphore_mem>>) attributes {dimension_semantics = [#tpu.dimension_semantics<core_parallel>, #tpu.dimension_semantics<subcore_parallel>], iteration_bounds = array<i64: 2, 16>, scalar_prefetch = 0 : i64, scratch_operands = 9 : i64, tpu.core_type = #tpu.core_type<sc_vector_subcore>, window_params = [{transform_indices = #map}, {transform_indices = #map1}, {transform_indices = #map1}, {transform_indices = #map}]} {
    %mul3A = arith.constant 2 : i32
    %mul3A_0 = arith.muli %arg1, %mul3A : i32
    %add3A = arith.addi %mul3A_0, %arg0 : i32
    %broadcast_in_dim3A = arith.constant 0.000000e+00 : f32
    %broadcast_in_dim3A_1 = vector.broadcast %broadcast_in_dim3A : f32 to vector<16xf32>
    %scan3A = arith.constant 0 : i32
    %scan3A_2 = arith.constant 0 : i32
    %scan3A_3 = arith.constant 1024 : i32
    %scan3A_4 = arith.addi %scan3A_2, %scan3A_3 : i32
    %scan3A_5 = arith.constant 1 : i32
    scf.for %scan3A_118 = %scan3A_2 to %scan3A_4 step %scan3A_5  : i32 {
      %jit3A = arith.constant 8 : i32
      %div3A = arith.divsi %scan3A_118, %jit3A : i32
      %sign3A = arith.constant 0 : i32
      %sign3A_119 = arith.cmpi sgt, %scan3A_118, %sign3A : i32
      %sign3A_120 = arith.extui %sign3A_119 : i1 to i32
      %sign3A_121 = arith.constant 0 : i32
      %sign3A_122 = arith.cmpi slt, %scan3A_118, %sign3A_121 : i32
      %sign3A_123 = arith.extui %sign3A_122 : i1 to i32
      %sign3A_124 = arith.subi %sign3A_120, %sign3A_123 : i32
      %sign3A_125 = arith.constant 0 : i32
      %sign3A_126 = arith.cmpi sgt, %jit3A, %sign3A_125 : i32
      %sign3A_127 = arith.extui %sign3A_126 : i1 to i32
      %sign3A_128 = arith.constant 0 : i32
      %sign3A_129 = arith.cmpi slt, %jit3A, %sign3A_128 : i32
      %sign3A_130 = arith.extui %sign3A_129 : i1 to i32
      %sign3A_131 = arith.subi %sign3A_127, %sign3A_130 : i32
      %ne3A = arith.cmpi ne, %sign3A_124, %sign3A_131 : i32
      %rem3A = arith.remsi %scan3A_118, %jit3A : i32
      %ne3A_132 = arith.constant 0 : i32
      %ne3A_133 = arith.cmpi ne, %rem3A, %ne3A_132 : i32
      %and3A = arith.andi %ne3A, %ne3A_133 : i1
      %sub3A = arith.constant 1 : i32
      %sub3A_134 = arith.subi %div3A, %sub3A : i32
      %select_n3A = arith.select %and3A, %sub3A_134, %div3A : i32
      %jit3A_135 = arith.constant 8 : i32
      %eq3A = arith.constant 0 : i32
      %eq3A_136 = arith.cmpi eq, %jit3A_135, %eq3A : i32
      %jit3A_137 = arith.constant 1 : i32
      %select_n3A_138 = arith.select %eq3A_136, %jit3A_137, %jit3A_135 : i32
      %rem3A_139 = arith.remsi %scan3A_118, %select_n3A_138 : i32
      %ne3A_140 = arith.constant 0 : i32
      %ne3A_141 = arith.cmpi ne, %rem3A_139, %ne3A_140 : i32
      %lt3A = arith.constant 0 : i32
      %lt3A_142 = arith.cmpi slt, %rem3A_139, %lt3A : i32
      %lt3A_143 = arith.constant 0 : i32
      %lt3A_144 = arith.cmpi slt, %select_n3A_138, %lt3A_143 : i32
      %ne3A_145 = arith.xori %lt3A_142, %lt3A_144 : i1
      %and3A_146 = arith.andi %ne3A_145, %ne3A_141 : i1
      %add3A_147 = arith.addi %rem3A_139, %select_n3A_138 : i32
      %select_n3A_148 = arith.select %and3A_146, %add3A_147, %rem3A_139 : i32
      %mul3A_149 = arith.constant 16 : i32
      %mul3A_150 = arith.muli %select_n3A_148, %mul3A_149 : i32
      %swap3A = arith.index_cast %select_n3A : i32 to index
      %swap3A_151 = arith.index_cast %mul3A_150 : i32 to index
      %swap3A_152 = tpu.vector_load %arg8[%swap3A, %swap3A_151] {strides = array<i32>} : memref<128x128xf32, #tpu.memory_space<vmem>>, vector<16xf32>,
      tpu.vector_store %arg8[%swap3A, %swap3A_151], %broadcast_in_dim3A_1 {strides = array<i32>} : memref<128x128xf32, #tpu.memory_space<vmem>>, vector<16xf32>,
    }
    %scan3A_6 = arith.constant 1024 : i32
    %mul3A_7 = arith.constant 640 : i32
    %mul3A_8 = arith.muli %arg1, %mul3A_7 : i32
    %add3A_9 = arith.constant 0 : i32
    %add3A_10 = arith.addi %mul3A_8, %add3A_9 : i32
    "tpu.region"() ({
      %run_scoped3A = tpu.sem_alloc : memref<!tpu.dma_semaphore, #tpu.memory_space<semaphore_mem>>
      %dma_start3A_118 = arith.constant 0 : i32
      %dma_start3A_119 = tpu.memref_slice %arg10[%add3A_10, %dma_start3A_118] : memref<10240x128xf32, #tpu.memory_space<vmem_shared>> -> memref<128x128xf32, #tpu.memory_space<vmem_shared>>
      %dma_start3A_120 = arith.constant 0 : i32
      %dma_start3A_121 = tpu.memref_slice %arg10[%add3A_10, %dma_start3A_120] : memref<10240x128xf32, #tpu.memory_space<vmem_shared>> -> memref<128x128xf32, #tpu.memory_space<vmem_shared>>
      tpu.enqueue_dma source(%arg8 : memref<128x128xf32, #tpu.memory_space<vmem>>) target(%dma_start3A_121 : memref<128x128xf32, #tpu.memory_space<vmem_shared>>) target_semaphore(%run_scoped3A : memref<!tpu.dma_semaphore, #tpu.memory_space<semaphore_mem>>)
      %dma_wait3A = arith.constant 0 : i32
      %dma_wait3A_122 = tpu.memref_slice %arg10[%add3A_10, %dma_wait3A] : memref<10240x128xf32, #tpu.memory_space<vmem_shared>> -> memref<128x128xf32, #tpu.memory_space<vmem_shared>>
      %dma_wait3A_123 = arith.constant 0 : i32
      %dma_wait3A_124 = tpu.memref_slice %arg10[%add3A_10, %dma_wait3A_123] : memref<10240x128xf32, #tpu.memory_space<vmem_shared>> -> memref<128x128xf32, #tpu.memory_space<vmem_shared>>
      tpu.wait_dma2 semaphore(%run_scoped3A : memref<!tpu.dma_semaphore, #tpu.memory_space<semaphore_mem>>) src(%arg8 : memref<128x128xf32, #tpu.memory_space<vmem>>) dst(%dma_wait3A_124 : memref<128x128xf32, #tpu.memory_space<vmem_shared>>)
      tpu.yield
    }) : () -> ()
    %mul3A_11 = arith.constant 640 : i32
    %mul3A_12 = arith.muli %arg1, %mul3A_11 : i32
    %add3A_13 = arith.constant 128 : i32
    %add3A_14 = arith.addi %mul3A_12, %add3A_13 : i32
    "tpu.region"() ({
      %run_scoped3A = tpu.sem_alloc : memref<!tpu.dma_semaphore, #tpu.memory_space<semaphore_mem>>
      %dma_start3A_118 = arith.constant 0 : i32
      %dma_start3A_119 = tpu.memref_slice %arg10[%add3A_14, %dma_start3A_118] : memref<10240x128xf32, #tpu.memory_space<vmem_shared>> -> memref<128x128xf32, #tpu.memory_space<vmem_shared>>
      %dma_start3A_120 = arith.constant 0 : i32
      %dma_start3A_121 = tpu.memref_slice %arg10[%add3A_14, %dma_start3A_120] : memref<10240x128xf32, #tpu.memory_space<vmem_shared>> -> memref<128x128xf32, #tpu.memory_space<vmem_shared>>
      tpu.enqueue_dma source(%arg8 : memref<128x128xf32, #tpu.memory_space<vmem>>) target(%dma_start3A_121 : memref<128x128xf32, #tpu.memory_space<vmem_shared>>) target_semaphore(%run_scoped3A : memref<!tpu.dma_semaphore, #tpu.memory_space<semaphore_mem>>)
      %dma_wait3A = arith.constant 0 : i32
      %dma_wait3A_122 = tpu.memref_slice %arg10[%add3A_14, %dma_wait3A] : memref<10240x128xf32, #tpu.memory_space<vmem_shared>> -> memref<128x128xf32, #tpu.memory_space<vmem_shared>>
      %dma_wait3A_123 = arith.constant 0 : i32
      %dma_wait3A_124 = tpu.memref_slice %arg10[%add3A_14, %dma_wait3A_123] : memref<10240x128xf32, #tpu.memory_space<vmem_shared>> -> memref<128x128xf32, #tpu.memory_space<vmem_shared>>
      tpu.wait_dma2 semaphore(%run_scoped3A : memref<!tpu.dma_semaphore, #tpu.memory_space<semaphore_mem>>) src(%arg8 : memref<128x128xf32, #tpu.memory_space<vmem>>) dst(%dma_wait3A_124 : memref<128x128xf32, #tpu.memory_space<vmem_shared>>)
      tpu.yield
    }) : () -> ()
    %mul3A_15 = arith.constant 640 : i32
    %mul3A_16 = arith.muli %arg1, %mul3A_15 : i32
    %add3A_17 = arith.constant 256 : i32
    %add3A_18 = arith.addi %mul3A_16, %add3A_17 : i32
    "tpu.region"() ({
      %run_scoped3A = tpu.sem_alloc : memref<!tpu.dma_semaphore, #tpu.memory_space<semaphore_mem>>
      %dma_start3A_118 = arith.constant 0 : i32
      %dma_start3A_119 = tpu.memref_slice %arg10[%add3A_18, %dma_start3A_118] : memref<10240x128xf32, #tpu.memory_space<vmem_shared>> -> memref<128x128xf32, #tpu.memory_space<vmem_shared>>
      %dma_start3A_120 = arith.constant 0 : i32
      %dma_start3A_121 = tpu.memref_slice %arg10[%add3A_18, %dma_start3A_120] : memref<10240x128xf32, #tpu.memory_space<vmem_shared>> -> memref<128x128xf32, #tpu.memory_space<vmem_shared>>
      tpu.enqueue_dma source(%arg8 : memref<128x128xf32, #tpu.memory_space<vmem>>) target(%dma_start3A_121 : memref<128x128xf32, #tpu.memory_space<vmem_shared>>) target_semaphore(%run_scoped3A : memref<!tpu.dma_semaphore, #tpu.memory_space<semaphore_mem>>)
      %dma_wait3A = arith.constant 0 : i32
      %dma_wait3A_122 = tpu.memref_slice %arg10[%add3A_18, %dma_wait3A] : memref<10240x128xf32, #tpu.memory_space<vmem_shared>> -> memref<128x128xf32, #tpu.memory_space<vmem_shared>>
      %dma_wait3A_123 = arith.constant 0 : i32
      %dma_wait3A_124 = tpu.memref_slice %arg10[%add3A_18, %dma_wait3A_123] : memref<10240x128xf32, #tpu.memory_space<vmem_shared>> -> memref<128x128xf32, #tpu.memory_space<vmem_shared>>
      tpu.wait_dma2 semaphore(%run_scoped3A : memref<!tpu.dma_semaphore, #tpu.memory_space<semaphore_mem>>) src(%arg8 : memref<128x128xf32, #tpu.memory_space<vmem>>) dst(%dma_wait3A_124 : memref<128x128xf32, #tpu.memory_space<vmem_shared>>)
      tpu.yield
    }) : () -> ()
    %mul3A_19 = arith.constant 640 : i32
    %mul3A_20 = arith.muli %arg1, %mul3A_19 : i32
    %add3A_21 = arith.constant 384 : i32
    %add3A_22 = arith.addi %mul3A_20, %add3A_21 : i32
    "tpu.region"() ({
      %run_scoped3A = tpu.sem_alloc : memref<!tpu.dma_semaphore, #tpu.memory_space<semaphore_mem>>
      %dma_start3A_118 = arith.constant 0 : i32
      %dma_start3A_119 = tpu.memref_slice %arg10[%add3A_22, %dma_start3A_118] : memref<10240x128xf32, #tpu.memory_space<vmem_shared>> -> memref<128x128xf32, #tpu.memory_space<vmem_shared>>
      %dma_start3A_120 = arith.constant 0 : i32
      %dma_start3A_121 = tpu.memref_slice %arg10[%add3A_22, %dma_start3A_120] : memref<10240x128xf32, #tpu.memory_space<vmem_shared>> -> memref<128x128xf32, #tpu.memory_space<vmem_shared>>
      tpu.enqueue_dma source(%arg8 : memref<128x128xf32, #tpu.memory_space<vmem>>) target(%dma_start3A_121 : memref<128x128xf32, #tpu.memory_space<vmem_shared>>) target_semaphore(%run_scoped3A : memref<!tpu.dma_semaphore, #tpu.memory_space<semaphore_mem>>)
      %dma_wait3A = arith.constant 0 : i32
      %dma_wait3A_122 = tpu.memref_slice %arg10[%add3A_22, %dma_wait3A] : memref<10240x128xf32, #tpu.memory_space<vmem_shared>> -> memref<128x128xf32, #tpu.memory_space<vmem_shared>>
      %dma_wait3A_123 = arith.constant 0 : i32
      %dma_wait3A_124 = tpu.memref_slice %arg10[%add3A_22, %dma_wait3A_123] : memref<10240x128xf32, #tpu.memory_space<vmem_shared>> -> memref<128x128xf32, #tpu.memory_space<vmem_shared>>
      tpu.wait_dma2 semaphore(%run_scoped3A : memref<!tpu.dma_semaphore, #tpu.memory_space<semaphore_mem>>) src(%arg8 : memref<128x128xf32, #tpu.memory_space<vmem>>) dst(%dma_wait3A_124 : memref<128x128xf32, #tpu.memory_space<vmem_shared>>)
      tpu.yield
    }) : () -> ()
    %mul3A_23 = arith.constant 640 : i32
    %mul3A_24 = arith.muli %arg1, %mul3A_23 : i32
    %add3A_25 = arith.constant 512 : i32
    %add3A_26 = arith.addi %mul3A_24, %add3A_25 : i32
    "tpu.region"() ({
      %run_scoped3A = tpu.sem_alloc : memref<!tpu.dma_semaphore, #tpu.memory_space<semaphore_mem>>
      %dma_start3A_118 = arith.constant 0 : i32
      %dma_start3A_119 = tpu.memref_slice %arg10[%add3A_26, %dma_start3A_118] : memref<10240x128xf32, #tpu.memory_space<vmem_shared>> -> memref<128x128xf32, #tpu.memory_space<vmem_shared>>
      %dma_start3A_120 = arith.constant 0 : i32
      %dma_start3A_121 = tpu.memref_slice %arg10[%add3A_26, %dma_start3A_120] : memref<10240x128xf32, #tpu.memory_space<vmem_shared>> -> memref<128x128xf32, #tpu.memory_space<vmem_shared>>
      tpu.enqueue_dma source(%arg8 : memref<128x128xf32, #tpu.memory_space<vmem>>) target(%dma_start3A_121 : memref<128x128xf32, #tpu.memory_space<vmem_shared>>) target_semaphore(%run_scoped3A : memref<!tpu.dma_semaphore, #tpu.memory_space<semaphore_mem>>)
      %dma_wait3A = arith.constant 0 : i32
      %dma_wait3A_122 = tpu.memref_slice %arg10[%add3A_26, %dma_wait3A] : memref<10240x128xf32, #tpu.memory_space<vmem_shared>> -> memref<128x128xf32, #tpu.memory_space<vmem_shared>>
      %dma_wait3A_123 = arith.constant 0 : i32
      %dma_wait3A_124 = tpu.memref_slice %arg10[%add3A_26, %dma_wait3A_123] : memref<10240x128xf32, #tpu.memory_space<vmem_shared>> -> memref<128x128xf32, #tpu.memory_space<vmem_shared>>
      tpu.wait_dma2 semaphore(%run_scoped3A : memref<!tpu.dma_semaphore, #tpu.memory_space<semaphore_mem>>) src(%arg8 : memref<128x128xf32, #tpu.memory_space<vmem>>) dst(%dma_wait3A_124 : memref<128x128xf32, #tpu.memory_space<vmem_shared>>)
      tpu.yield
    }) : () -> ()
    %barrier3A = arith.constant 0 : index
    tpu.barrier barrier_id(%barrier3A)
    %mul3A_27 = arith.constant 2 : i32
    %mul3A_28 = arith.muli %add3A, %mul3A_27 : i32
    %add3A_29 = arith.constant 0 : i32
    %add3A_30 = arith.addi %mul3A_28, %add3A_29 : i32
    "tpu.region"() ({
      %run_scoped3A = tpu.sem_alloc : memref<!tpu.dma_semaphore, #tpu.memory_space<semaphore_mem>>
      %dma_start3A_118 = arith.constant 0 : i32
      %dma_start3A_119 = arith.constant 0 : i32
      %dma_start3A_120 = tpu.memref_slice %arg3[%add3A_30, %dma_start3A_118, %dma_start3A_119] : memref<64x40x128xi32, #tpu.memory_space<hbm>> -> memref<1x40x128xi32, #tpu.memory_space<hbm>>
      %dma_start3A_121 = tpu.memref_squeeze %dma_start3A_120 : memref<1x40x128xi32, #tpu.memory_space<hbm>> -> memref<40x128xi32, #tpu.memory_space<hbm>>
      %dma_start3A_122 = arith.constant 0 : i32
      %dma_start3A_123 = arith.constant 0 : i32
      %dma_start3A_124 = tpu.memref_slice %arg3[%add3A_30, %dma_start3A_122, %dma_start3A_123] : memref<64x40x128xi32, #tpu.memory_space<hbm>> -> memref<1x40x128xi32, #tpu.memory_space<hbm>>
      %dma_start3A_125 = tpu.memref_squeeze %dma_start3A_124 : memref<1x40x128xi32, #tpu.memory_space<hbm>> -> memref<40x128xi32, #tpu.memory_space<hbm>>
      tpu.enqueue_dma source(%dma_start3A_125 : memref<40x128xi32, #tpu.memory_space<hbm>>) target(%arg6 : memref<40x128xi32, #tpu.memory_space<vmem>>) target_semaphore(%run_scoped3A : memref<!tpu.dma_semaphore, #tpu.memory_space<semaphore_mem>>)
      %dma_wait3A = arith.constant 0 : i32
      %dma_wait3A_126 = arith.constant 0 : i32
      %dma_wait3A_127 = tpu.memref_slice %arg3[%add3A_30, %dma_wait3A, %dma_wait3A_126] : memref<64x40x128xi32, #tpu.memory_space<hbm>> -> memref<1x40x128xi32, #tpu.memory_space<hbm>>
      %dma_wait3A_128 = tpu.memref_squeeze %dma_wait3A_127 : memref<1x40x128xi32, #tpu.memory_space<hbm>> -> memref<40x128xi32, #tpu.memory_space<hbm>>
      %dma_wait3A_129 = arith.constant 0 : i32
      %dma_wait3A_130 = arith.constant 0 : i32
      %dma_wait3A_131 = tpu.memref_slice %arg3[%add3A_30, %dma_wait3A_129, %dma_wait3A_130] : memref<64x40x128xi32, #tpu.memory_space<hbm>> -> memref<1x40x128xi32, #tpu.memory_space<hbm>>
      %dma_wait3A_132 = tpu.memref_squeeze %dma_wait3A_131 : memref<1x40x128xi32, #tpu.memory_space<hbm>> -> memref<40x128xi32, #tpu.memory_space<hbm>>
      tpu.wait_dma2 semaphore(%run_scoped3A : memref<!tpu.dma_semaphore, #tpu.memory_space<semaphore_mem>>) src(%dma_wait3A_132 : memref<40x128xi32, #tpu.memory_space<hbm>>) dst(%arg6 : memref<40x128xi32, #tpu.memory_space<vmem>>)
      tpu.yield
    }) : () -> ()
    %mul3A_31 = arith.constant 2 : i32
    %mul3A_32 = arith.muli %add3A, %mul3A_31 : i32
    %add3A_33 = arith.constant 0 : i32
    %add3A_34 = arith.addi %mul3A_32, %add3A_33 : i32
    "tpu.region"() ({
      %run_scoped3A = tpu.sem_alloc : memref<!tpu.dma_semaphore, #tpu.memory_space<semaphore_mem>>
      %dma_start3A_118 = arith.constant 0 : i32
      %dma_start3A_119 = arith.constant 0 : i32
      %dma_start3A_120 = tpu.memref_slice %arg4[%add3A_34, %dma_start3A_118, %dma_start3A_119] : memref<64x40x128xi32, #tpu.memory_space<hbm>> -> memref<1x40x128xi32, #tpu.memory_space<hbm>>
      %dma_start3A_121 = tpu.memref_squeeze %dma_start3A_120 : memref<1x40x128xi32, #tpu.memory_space<hbm>> -> memref<40x128xi32, #tpu.memory_space<hbm>>
      %dma_start3A_122 = arith.constant 0 : i32
      %dma_start3A_123 = arith.constant 0 : i32
      %dma_start3A_124 = tpu.memref_slice %arg4[%add3A_34, %dma_start3A_122, %dma_start3A_123] : memref<64x40x128xi32, #tpu.memory_space<hbm>> -> memref<1x40x128xi32, #tpu.memory_space<hbm>>
      %dma_start3A_125 = tpu.memref_squeeze %dma_start3A_124 : memref<1x40x128xi32, #tpu.memory_space<hbm>> -> memref<40x128xi32, #tpu.memory_space<hbm>>
      tpu.enqueue_dma source(%dma_start3A_125 : memref<40x128xi32, #tpu.memory_space<hbm>>) target(%arg7 : memref<40x128xi32, #tpu.memory_space<vmem>>) target_semaphore(%run_scoped3A : memref<!tpu.dma_semaphore, #tpu.memory_space<semaphore_mem>>)
      %dma_wait3A = arith.constant 0 : i32
      %dma_wait3A_126 = arith.constant 0 : i32
      %dma_wait3A_127 = tpu.memref_slice %arg4[%add3A_34, %dma_wait3A, %dma_wait3A_126] : memref<64x40x128xi32, #tpu.memory_space<hbm>> -> memref<1x40x128xi32, #tpu.memory_space<hbm>>
      %dma_wait3A_128 = tpu.memref_squeeze %dma_wait3A_127 : memref<1x40x128xi32, #tpu.memory_space<hbm>> -> memref<40x128xi32, #tpu.memory_space<hbm>>
      %dma_wait3A_129 = arith.constant 0 : i32
      %dma_wait3A_130 = arith.constant 0 : i32
      %dma_wait3A_131 = tpu.memref_slice %arg4[%add3A_34, %dma_wait3A_129, %dma_wait3A_130] : memref<64x40x128xi32, #tpu.memory_space<hbm>> -> memref<1x40x128xi32, #tpu.memory_space<hbm>>
      %dma_wait3A_132 = tpu.memref_squeeze %dma_wait3A_131 : memref<1x40x128xi32, #tpu.memory_space<hbm>> -> memref<40x128xi32, #tpu.memory_space<hbm>>
      tpu.wait_dma2 semaphore(%run_scoped3A : memref<!tpu.dma_semaphore, #tpu.memory_space<semaphore_mem>>) src(%dma_wait3A_132 : memref<40x128xi32, #tpu.memory_space<hbm>>) dst(%arg7 : memref<40x128xi32, #tpu.memory_space<vmem>>)
      tpu.yield
    }) : () -> ()
    %dma_start3A = arith.constant 0 : i32
    %dma_start3A_35 = arith.constant 0 : i32
    %dma_start3A_36 = tpu.memref_slice %arg6[%dma_start3A, %dma_start3A_35] : memref<40x128xi32, #tpu.memory_space<vmem>> -> memref<1x128xi32, #tpu.memory_space<vmem>>
    %dma_start3A_37 = tpu.memref_squeeze %dma_start3A_36 : memref<1x128xi32, #tpu.memory_space<vmem>> -> memref<128xi32, #tpu.memory_space<vmem>>
    %dma_start3A_38 = arith.constant 0 : i32
    %dma_start3A_39 = arith.constant 0 : i32
    %dma_start3A_40 = tpu.memref_slice %arg2[%dma_start3A_38, %dma_start3A_39] : memref<10000x128xf32, #tpu.memory_space<hbm>> -> memref<10000x128xf32, #tpu.memory_space<hbm>>
    tpu.enqueue_indirect_dma source(%dma_start3A_40 : memref<10000x128xf32, #tpu.memory_space<hbm>>) target(%arg8 : memref<128x128xf32, #tpu.memory_space<vmem>>) offsets(%dma_start3A_37 : memref<128xi32, #tpu.memory_space<vmem>>) semaphore(%arg11 : memref<!tpu.dma_semaphore, #tpu.memory_space<semaphore_mem>>)
    %dma_start3A_41 = arith.constant 1 : i32
    %dma_start3A_42 = arith.constant 0 : i32
    %dma_start3A_43 = tpu.memref_slice %arg6[%dma_start3A_41, %dma_start3A_42] : memref<40x128xi32, #tpu.memory_space<vmem>> -> memref<1x128xi32, #tpu.memory_space<vmem>>
    %dma_start3A_44 = tpu.memref_squeeze %dma_start3A_43 : memref<1x128xi32, #tpu.memory_space<vmem>> -> memref<128xi32, #tpu.memory_space<vmem>>
    %dma_start3A_45 = arith.constant 0 : i32
    %dma_start3A_46 = arith.constant 0 : i32
    %dma_start3A_47 = tpu.memref_slice %arg2[%dma_start3A_45, %dma_start3A_46] : memref<10000x128xf32, #tpu.memory_space<hbm>> -> memref<10000x128xf32, #tpu.memory_space<hbm>>
    tpu.enqueue_indirect_dma source(%dma_start3A_47 : memref<10000x128xf32, #tpu.memory_space<hbm>>) target(%arg9 : memref<128x128xf32, #tpu.memory_space<vmem>>) offsets(%dma_start3A_44 : memref<128xi32, #tpu.memory_space<vmem>>) semaphore(%arg12 : memref<!tpu.dma_semaphore, #tpu.memory_space<semaphore_mem>>)
    %scan3A_48 = arith.constant 0 : i32
    %scan3A_49 = arith.constant 0 : i32
    %scan3A_50 = arith.constant 20 : i32
    %scan3A_51 = arith.addi %scan3A_49, %scan3A_50 : i32
    %scan3A_52 = arith.constant 1 : i32
    scf.for %scan3A_118 = %scan3A_49 to %scan3A_51 step %scan3A_52  : i32 {
      %mul3A_119 = arith.constant 2 : i32
      %mul3A_120 = arith.muli %mul3A_119, %scan3A_118 : i32
      %mul3A_121 = arith.constant 2 : i32
      %mul3A_122 = arith.muli %mul3A_121, %scan3A_118 : i32
      %add3A_123 = arith.constant 1 : i32
      %add3A_124 = arith.addi %mul3A_122, %add3A_123 : i32
      %dma_wait3A = arith.constant 0 : i32
      %dma_wait3A_125 = tpu.memref_slice %arg6[%mul3A_120, %dma_wait3A] : memref<40x128xi32, #tpu.memory_space<vmem>> -> memref<1x128xi32, #tpu.memory_space<vmem>>
      %dma_wait3A_126 = tpu.memref_squeeze %dma_wait3A_125 : memref<1x128xi32, #tpu.memory_space<vmem>> -> memref<128xi32, #tpu.memory_space<vmem>>
      %dma_wait3A_127 = arith.constant 0 : i32
      %dma_wait3A_128 = arith.constant 0 : i32
      %dma_wait3A_129 = tpu.memref_slice %arg2[%dma_wait3A_127, %dma_wait3A_128] : memref<10000x128xf32, #tpu.memory_space<hbm>> -> memref<10000x128xf32, #tpu.memory_space<hbm>>
      tpu.wait_indirect_dma semaphore(%arg11 : memref<!tpu.dma_semaphore, #tpu.memory_space<semaphore_mem>>) src(%dma_wait3A_129 : memref<10000x128xf32, #tpu.memory_space<hbm>>) dst(%arg8 : memref<128x128xf32, #tpu.memory_space<vmem>>)
      %dma_start3A_130 = arith.constant 0 : i32
      %dma_start3A_131 = tpu.memref_slice %arg7[%mul3A_120, %dma_start3A_130] : memref<40x128xi32, #tpu.memory_space<vmem>> -> memref<1x128xi32, #tpu.memory_space<vmem>>
      %dma_start3A_132 = tpu.memref_squeeze %dma_start3A_131 : memref<1x128xi32, #tpu.memory_space<vmem>> -> memref<128xi32, #tpu.memory_space<vmem>>
      %dma_start3A_133 = arith.constant 0 : i32
      %dma_start3A_134 = arith.constant 0 : i32
      %dma_start3A_135 = tpu.memref_slice %arg10[%dma_start3A_133, %dma_start3A_134] : memref<10240x128xf32, #tpu.memory_space<vmem_shared>> -> memref<10240x128xf32, #tpu.memory_space<vmem_shared>>
      tpu.enqueue_indirect_dma source(%arg8 : memref<128x128xf32, #tpu.memory_space<vmem>>) target(%dma_start3A_135 : memref<10240x128xf32, #tpu.memory_space<vmem_shared>>) offsets(%dma_start3A_132 : memref<128xi32, #tpu.memory_space<vmem>>) semaphore(%arg13 : memref<!tpu.dma_semaphore, #tpu.memory_space<semaphore_mem>>) {add = true}
      %dma_wait3A_136 = arith.constant 0 : i32
      %dma_wait3A_137 = tpu.memref_slice %arg7[%mul3A_120, %dma_wait3A_136] : memref<40x128xi32, #tpu.memory_space<vmem>> -> memref<1x128xi32, #tpu.memory_space<vmem>>
      %dma_wait3A_138 = tpu.memref_squeeze %dma_wait3A_137 : memref<1x128xi32, #tpu.memory_space<vmem>> -> memref<128xi32, #tpu.memory_space<vmem>>
      %dma_wait3A_139 = arith.constant 0 : i32
      %dma_wait3A_140 = arith.constant 0 : i32
      %dma_wait3A_141 = tpu.memref_slice %arg10[%dma_wait3A_139, %dma_wait3A_140] : memref<10240x128xf32, #tpu.memory_space<vmem_shared>> -> memref<10240x128xf32, #tpu.memory_space<vmem_shared>>
      tpu.wait_indirect_dma semaphore(%arg13 : memref<!tpu.dma_semaphore, #tpu.memory_space<semaphore_mem>>) src(%arg8 : memref<128x128xf32, #tpu.memory_space<vmem>>) dst(%dma_wait3A_141 : memref<10240x128xf32, #tpu.memory_space<vmem_shared>>)
      %add3A_142 = arith.constant 2 : i32
      %add3A_143 = arith.addi %mul3A_120, %add3A_142 : i32
      %lt3A = arith.constant 40 : i32
      %lt3A_144 = arith.cmpi slt, %add3A_143, %lt3A : i32
      %convert_element_type3A = arith.extui %lt3A_144 : i1 to i32
      %cond3A = arith.constant 0 : i32
      %cond3A_145 = arith.cmpi ne, %convert_element_type3A, %cond3A : i32
      scf.if %cond3A_145 {
        %add3A_171 = arith.constant 2 : i32
        %add3A_172 = arith.addi %mul3A_120, %add3A_171 : i32
        %dma_start3A_173 = arith.constant 0 : i32
        %dma_start3A_174 = tpu.memref_slice %arg6[%add3A_172, %dma_start3A_173] : memref<40x128xi32, #tpu.memory_space<vmem>> -> memref<1x128xi32, #tpu.memory_space<vmem>>
        %dma_start3A_175 = tpu.memref_squeeze %dma_start3A_174 : memref<1x128xi32, #tpu.memory_space<vmem>> -> memref<128xi32, #tpu.memory_space<vmem>>
        %dma_start3A_176 = arith.constant 0 : i32
        %dma_start3A_177 = arith.constant 0 : i32
        %dma_start3A_178 = tpu.memref_slice %arg2[%dma_start3A_176, %dma_start3A_177] : memref<10000x128xf32, #tpu.memory_space<hbm>> -> memref<10000x128xf32, #tpu.memory_space<hbm>>
        tpu.enqueue_indirect_dma source(%dma_start3A_178 : memref<10000x128xf32, #tpu.memory_space<hbm>>) target(%arg8 : memref<128x128xf32, #tpu.memory_space<vmem>>) offsets(%dma_start3A_175 : memref<128xi32, #tpu.memory_space<vmem>>) semaphore(%arg11 : memref<!tpu.dma_semaphore, #tpu.memory_space<semaphore_mem>>)
      } else {
      }
      %dma_wait3A_146 = arith.constant 0 : i32
      %dma_wait3A_147 = tpu.memref_slice %arg6[%add3A_124, %dma_wait3A_146] : memref<40x128xi32, #tpu.memory_space<vmem>> -> memref<1x128xi32, #tpu.memory_space<vmem>>
      %dma_wait3A_148 = tpu.memref_squeeze %dma_wait3A_147 : memref<1x128xi32, #tpu.memory_space<vmem>> -> memref<128xi32, #tpu.memory_space<vmem>>
      %dma_wait3A_149 = arith.constant 0 : i32
      %dma_wait3A_150 = arith.constant 0 : i32
      %dma_wait3A_151 = tpu.memref_slice %arg2[%dma_wait3A_149, %dma_wait3A_150] : memref<10000x128xf32, #tpu.memory_space<hbm>> -> memref<10000x128xf32, #tpu.memory_space<hbm>>
      tpu.wait_indirect_dma semaphore(%arg12 : memref<!tpu.dma_semaphore, #tpu.memory_space<semaphore_mem>>) src(%dma_wait3A_151 : memref<10000x128xf32, #tpu.memory_space<hbm>>) dst(%arg9 : memref<128x128xf32, #tpu.memory_space<vmem>>)
      %dma_start3A_152 = arith.constant 0 : i32
      %dma_start3A_153 = tpu.memref_slice %arg7[%add3A_124, %dma_start3A_152] : memref<40x128xi32, #tpu.memory_space<vmem>> -> memref<1x128xi32, #tpu.memory_space<vmem>>
      %dma_start3A_154 = tpu.memref_squeeze %dma_start3A_153 : memref<1x128xi32, #tpu.memory_space<vmem>> -> memref<128xi32, #tpu.memory_space<vmem>>
      %dma_start3A_155 = arith.constant 0 : i32
      %dma_start3A_156 = arith.constant 0 : i32
      %dma_start3A_157 = tpu.memref_slice %arg10[%dma_start3A_155, %dma_start3A_156] : memref<10240x128xf32, #tpu.memory_space<vmem_shared>> -> memref<10240x128xf32, #tpu.memory_space<vmem_shared>>
      tpu.enqueue_indirect_dma source(%arg9 : memref<128x128xf32, #tpu.memory_space<vmem>>) target(%dma_start3A_157 : memref<10240x128xf32, #tpu.memory_space<vmem_shared>>) offsets(%dma_start3A_154 : memref<128xi32, #tpu.memory_space<vmem>>) semaphore(%arg14 : memref<!tpu.dma_semaphore, #tpu.memory_space<semaphore_mem>>) {add = true}
      %dma_wait3A_158 = arith.constant 0 : i32
      %dma_wait3A_159 = tpu.memref_slice %arg7[%add3A_124, %dma_wait3A_158] : memref<40x128xi32, #tpu.memory_space<vmem>> -> memref<1x128xi32, #tpu.memory_space<vmem>>
      %dma_wait3A_160 = tpu.memref_squeeze %dma_wait3A_159 : memref<1x128xi32, #tpu.memory_space<vmem>> -> memref<128xi32, #tpu.memory_space<vmem>>
      %dma_wait3A_161 = arith.constant 0 : i32
      %dma_wait3A_162 = arith.constant 0 : i32
      %dma_wait3A_163 = tpu.memref_slice %arg10[%dma_wait3A_161, %dma_wait3A_162] : memref<10240x128xf32, #tpu.memory_space<vmem_shared>> -> memref<10240x128xf32, #tpu.memory_space<vmem_shared>>
      tpu.wait_indirect_dma semaphore(%arg14 : memref<!tpu.dma_semaphore, #tpu.memory_space<semaphore_mem>>) src(%arg9 : memref<128x128xf32, #tpu.memory_space<vmem>>) dst(%dma_wait3A_163 : memref<10240x128xf32, #tpu.memory_space<vmem_shared>>)
      %add3A_164 = arith.constant 2 : i32
      %add3A_165 = arith.addi %add3A_124, %add3A_164 : i32
      %lt3A_166 = arith.constant 40 : i32
      %lt3A_167 = arith.cmpi slt, %add3A_165, %lt3A_166 : i32
      %convert_element_type3A_168 = arith.extui %lt3A_167 : i1 to i32
      %cond3A_169 = arith.constant 0 : i32
      %cond3A_170 = arith.cmpi ne, %convert_element_type3A_168, %cond3A_169 : i32
      scf.if %cond3A_170 {
        %add3A_171 = arith.constant 2 : i32
        %add3A_172 = arith.addi %add3A_124, %add3A_171 : i32
        %dma_start3A_173 = arith.constant 0 : i32
        %dma_start3A_174 = tpu.memref_slice %arg6[%add3A_172, %dma_start3A_173] : memref<40x128xi32, #tpu.memory_space<vmem>> -> memref<1x128xi32, #tpu.memory_space<vmem>>
        %dma_start3A_175 = tpu.memref_squeeze %dma_start3A_174 : memref<1x128xi32, #tpu.memory_space<vmem>> -> memref<128xi32, #tpu.memory_space<vmem>>
        %dma_start3A_176 = arith.constant 0 : i32
        %dma_start3A_177 = arith.constant 0 : i32
        %dma_start3A_178 = tpu.memref_slice %arg2[%dma_start3A_176, %dma_start3A_177] : memref<10000x128xf32, #tpu.memory_space<hbm>> -> memref<10000x128xf32, #tpu.memory_space<hbm>>
        tpu.enqueue_indirect_dma source(%dma_start3A_178 : memref<10000x128xf32, #tpu.memory_space<hbm>>) target(%arg9 : memref<128x128xf32, #tpu.memory_space<vmem>>) offsets(%dma_start3A_175 : memref<128xi32, #tpu.memory_space<vmem>>) semaphore(%arg12 : memref<!tpu.dma_semaphore, #tpu.memory_space<semaphore_mem>>)
      } else {
      }
    }
    %scan3A_53 = arith.constant 20 : i32
    %mul3A_54 = arith.constant 2 : i32
    %mul3A_55 = arith.muli %add3A, %mul3A_54 : i32
    %add3A_56 = arith.constant 1 : i32
    %add3A_57 = arith.addi %mul3A_55, %add3A_56 : i32
    "tpu.region"() ({
      %run_scoped3A = tpu.sem_alloc : memref<!tpu.dma_semaphore, #tpu.memory_space<semaphore_mem>>
      %dma_start3A_118 = arith.constant 0 : i32
      %dma_start3A_119 = arith.constant 0 : i32
      %dma_start3A_120 = tpu.memref_slice %arg3[%add3A_57, %dma_start3A_118, %dma_start3A_119] : memref<64x40x128xi32, #tpu.memory_space<hbm>> -> memref<1x40x128xi32, #tpu.memory_space<hbm>>
      %dma_start3A_121 = tpu.memref_squeeze %dma_start3A_120 : memref<1x40x128xi32, #tpu.memory_space<hbm>> -> memref<40x128xi32, #tpu.memory_space<hbm>>
      %dma_start3A_122 = arith.constant 0 : i32
      %dma_start3A_123 = arith.constant 0 : i32
      %dma_start3A_124 = tpu.memref_slice %arg3[%add3A_57, %dma_start3A_122, %dma_start3A_123] : memref<64x40x128xi32, #tpu.memory_space<hbm>> -> memref<1x40x128xi32, #tpu.memory_space<hbm>>
      %dma_start3A_125 = tpu.memref_squeeze %dma_start3A_124 : memref<1x40x128xi32, #tpu.memory_space<hbm>> -> memref<40x128xi32, #tpu.memory_space<hbm>>
      tpu.enqueue_dma source(%dma_start3A_125 : memref<40x128xi32, #tpu.memory_space<hbm>>) target(%arg6 : memref<40x128xi32, #tpu.memory_space<vmem>>) target_semaphore(%run_scoped3A : memref<!tpu.dma_semaphore, #tpu.memory_space<semaphore_mem>>)
      %dma_wait3A = arith.constant 0 : i32
      %dma_wait3A_126 = arith.constant 0 : i32
      %dma_wait3A_127 = tpu.memref_slice %arg3[%add3A_57, %dma_wait3A, %dma_wait3A_126] : memref<64x40x128xi32, #tpu.memory_space<hbm>> -> memref<1x40x128xi32, #tpu.memory_space<hbm>>
      %dma_wait3A_128 = tpu.memref_squeeze %dma_wait3A_127 : memref<1x40x128xi32, #tpu.memory_space<hbm>> -> memref<40x128xi32, #tpu.memory_space<hbm>>
      %dma_wait3A_129 = arith.constant 0 : i32
      %dma_wait3A_130 = arith.constant 0 : i32
      %dma_wait3A_131 = tpu.memref_slice %arg3[%add3A_57, %dma_wait3A_129, %dma_wait3A_130] : memref<64x40x128xi32, #tpu.memory_space<hbm>> -> memref<1x40x128xi32, #tpu.memory_space<hbm>>
      %dma_wait3A_132 = tpu.memref_squeeze %dma_wait3A_131 : memref<1x40x128xi32, #tpu.memory_space<hbm>> -> memref<40x128xi32, #tpu.memory_space<hbm>>
      tpu.wait_dma2 semaphore(%run_scoped3A : memref<!tpu.dma_semaphore, #tpu.memory_space<semaphore_mem>>) src(%dma_wait3A_132 : memref<40x128xi32, #tpu.memory_space<hbm>>) dst(%arg6 : memref<40x128xi32, #tpu.memory_space<vmem>>)
      tpu.yield
    }) : () -> ()
    %mul3A_58 = arith.constant 2 : i32
    %mul3A_59 = arith.muli %add3A, %mul3A_58 : i32
    %add3A_60 = arith.constant 1 : i32
    %add3A_61 = arith.addi %mul3A_59, %add3A_60 : i32
    "tpu.region"() ({
      %run_scoped3A = tpu.sem_alloc : memref<!tpu.dma_semaphore, #tpu.memory_space<semaphore_mem>>
      %dma_start3A_118 = arith.constant 0 : i32
      %dma_start3A_119 = arith.constant 0 : i32
      %dma_start3A_120 = tpu.memref_slice %arg4[%add3A_61, %dma_start3A_118, %dma_start3A_119] : memref<64x40x128xi32, #tpu.memory_space<hbm>> -> memref<1x40x128xi32, #tpu.memory_space<hbm>>
      %dma_start3A_121 = tpu.memref_squeeze %dma_start3A_120 : memref<1x40x128xi32, #tpu.memory_space<hbm>> -> memref<40x128xi32, #tpu.memory_space<hbm>>
      %dma_start3A_122 = arith.constant 0 : i32
      %dma_start3A_123 = arith.constant 0 : i32
      %dma_start3A_124 = tpu.memref_slice %arg4[%add3A_61, %dma_start3A_122, %dma_start3A_123] : memref<64x40x128xi32, #tpu.memory_space<hbm>> -> memref<1x40x128xi32, #tpu.memory_space<hbm>>
      %dma_start3A_125 = tpu.memref_squeeze %dma_start3A_124 : memref<1x40x128xi32, #tpu.memory_space<hbm>> -> memref<40x128xi32, #tpu.memory_space<hbm>>
      tpu.enqueue_dma source(%dma_start3A_125 : memref<40x128xi32, #tpu.memory_space<hbm>>) target(%arg7 : memref<40x128xi32, #tpu.memory_space<vmem>>) target_semaphore(%run_scoped3A : memref<!tpu.dma_semaphore, #tpu.memory_space<semaphore_mem>>)
      %dma_wait3A = arith.constant 0 : i32
      %dma_wait3A_126 = arith.constant 0 : i32
      %dma_wait3A_127 = tpu.memref_slice %arg4[%add3A_61, %dma_wait3A, %dma_wait3A_126] : memref<64x40x128xi32, #tpu.memory_space<hbm>> -> memref<1x40x128xi32, #tpu.memory_space<hbm>>
      %dma_wait3A_128 = tpu.memref_squeeze %dma_wait3A_127 : memref<1x40x128xi32, #tpu.memory_space<hbm>> -> memref<40x128xi32, #tpu.memory_space<hbm>>
      %dma_wait3A_129 = arith.constant 0 : i32
      %dma_wait3A_130 = arith.constant 0 : i32
      %dma_wait3A_131 = tpu.memref_slice %arg4[%add3A_61, %dma_wait3A_129, %dma_wait3A_130] : memref<64x40x128xi32, #tpu.memory_space<hbm>> -> memref<1x40x128xi32, #tpu.memory_space<hbm>>
      %dma_wait3A_132 = tpu.memref_squeeze %dma_wait3A_131 : memref<1x40x128xi32, #tpu.memory_space<hbm>> -> memref<40x128xi32, #tpu.memory_space<hbm>>
      tpu.wait_dma2 semaphore(%run_scoped3A : memref<!tpu.dma_semaphore, #tpu.memory_space<semaphore_mem>>) src(%dma_wait3A_132 : memref<40x128xi32, #tpu.memory_space<hbm>>) dst(%arg7 : memref<40x128xi32, #tpu.memory_space<vmem>>)
      tpu.yield
    }) : () -> ()
    %dma_start3A_62 = arith.constant 0 : i32
    %dma_start3A_63 = arith.constant 0 : i32
    %dma_start3A_64 = tpu.memref_slice %arg6[%dma_start3A_62, %dma_start3A_63] : memref<40x128xi32, #tpu.memory_space<vmem>> -> memref<1x128xi32, #tpu.memory_space<vmem>>
    %dma_start3A_65 = tpu.memref_squeeze %dma_start3A_64 : memref<1x128xi32, #tpu.memory_space<vmem>> -> memref<128xi32, #tpu.memory_space<vmem>>
    %dma_start3A_66 = arith.constant 0 : i32
    %dma_start3A_67 = arith.constant 0 : i32
    %dma_start3A_68 = tpu.memref_slice %arg2[%dma_start3A_66, %dma_start3A_67] : memref<10000x128xf32, #tpu.memory_space<hbm>> -> memref<10000x128xf32, #tpu.memory_space<hbm>>
    tpu.enqueue_indirect_dma source(%dma_start3A_68 : memref<10000x128xf32, #tpu.memory_space<hbm>>) target(%arg8 : memref<128x128xf32, #tpu.memory_space<vmem>>) offsets(%dma_start3A_65 : memref<128xi32, #tpu.memory_space<vmem>>) semaphore(%arg11 : memref<!tpu.dma_semaphore, #tpu.memory_space<semaphore_mem>>)
    %dma_start3A_69 = arith.constant 1 : i32
    %dma_start3A_70 = arith.constant 0 : i32
    %dma_start3A_71 = tpu.memref_slice %arg6[%dma_start3A_69, %dma_start3A_70] : memref<40x128xi32, #tpu.memory_space<vmem>> -> memref<1x128xi32, #tpu.memory_space<vmem>>
    %dma_start3A_72 = tpu.memref_squeeze %dma_start3A_71 : memref<1x128xi32, #tpu.memory_space<vmem>> -> memref<128xi32, #tpu.memory_space<vmem>>
    %dma_start3A_73 = arith.constant 0 : i32
    %dma_start3A_74 = arith.constant 0 : i32
    %dma_start3A_75 = tpu.memref_slice %arg2[%dma_start3A_73, %dma_start3A_74] : memref<10000x128xf32, #tpu.memory_space<hbm>> -> memref<10000x128xf32, #tpu.memory_space<hbm>>
    tpu.enqueue_indirect_dma source(%dma_start3A_75 : memref<10000x128xf32, #tpu.memory_space<hbm>>) target(%arg9 : memref<128x128xf32, #tpu.memory_space<vmem>>) offsets(%dma_start3A_72 : memref<128xi32, #tpu.memory_space<vmem>>) semaphore(%arg12 : memref<!tpu.dma_semaphore, #tpu.memory_space<semaphore_mem>>)
    %scan3A_76 = arith.constant 0 : i32
    %scan3A_77 = arith.constant 0 : i32
    %scan3A_78 = arith.constant 20 : i32
    %scan3A_79 = arith.addi %scan3A_77, %scan3A_78 : i32
    %scan3A_80 = arith.constant 1 : i32
    scf.for %scan3A_118 = %scan3A_77 to %scan3A_79 step %scan3A_80  : i32 {
      %mul3A_119 = arith.constant 2 : i32
      %mul3A_120 = arith.muli %mul3A_119, %scan3A_118 : i32
      %mul3A_121 = arith.constant 2 : i32
      %mul3A_122 = arith.muli %mul3A_121, %scan3A_118 : i32
      %add3A_123 = arith.constant 1 : i32
      %add3A_124 = arith.addi %mul3A_122, %add3A_123 : i32
      %dma_wait3A = arith.constant 0 : i32
      %dma_wait3A_125 = tpu.memref_slice %arg6[%mul3A_120, %dma_wait3A] : memref<40x128xi32, #tpu.memory_space<vmem>> -> memref<1x128xi32, #tpu.memory_space<vmem>>
      %dma_wait3A_126 = tpu.memref_squeeze %dma_wait3A_125 : memref<1x128xi32, #tpu.memory_space<vmem>> -> memref<128xi32, #tpu.memory_space<vmem>>
      %dma_wait3A_127 = arith.constant 0 : i32
      %dma_wait3A_128 = arith.constant 0 : i32
      %dma_wait3A_129 = tpu.memref_slice %arg2[%dma_wait3A_127, %dma_wait3A_128] : memref<10000x128xf32, #tpu.memory_space<hbm>> -> memref<10000x128xf32, #tpu.memory_space<hbm>>
      tpu.wait_indirect_dma semaphore(%arg11 : memref<!tpu.dma_semaphore, #tpu.memory_space<semaphore_mem>>) src(%dma_wait3A_129 : memref<10000x128xf32, #tpu.memory_space<hbm>>) dst(%arg8 : memref<128x128xf32, #tpu.memory_space<vmem>>)
      %dma_start3A_130 = arith.constant 0 : i32
      %dma_start3A_131 = tpu.memref_slice %arg7[%mul3A_120, %dma_start3A_130] : memref<40x128xi32, #tpu.memory_space<vmem>> -> memref<1x128xi32, #tpu.memory_space<vmem>>
      %dma_start3A_132 = tpu.memref_squeeze %dma_start3A_131 : memref<1x128xi32, #tpu.memory_space<vmem>> -> memref<128xi32, #tpu.memory_space<vmem>>
      %dma_start3A_133 = arith.constant 0 : i32
      %dma_start3A_134 = arith.constant 0 : i32
      %dma_start3A_135 = tpu.memref_slice %arg10[%dma_start3A_133, %dma_start3A_134] : memref<10240x128xf32, #tpu.memory_space<vmem_shared>> -> memref<10240x128xf32, #tpu.memory_space<vmem_shared>>
      tpu.enqueue_indirect_dma source(%arg8 : memref<128x128xf32, #tpu.memory_space<vmem>>) target(%dma_start3A_135 : memref<10240x128xf32, #tpu.memory_space<vmem_shared>>) offsets(%dma_start3A_132 : memref<128xi32, #tpu.memory_space<vmem>>) semaphore(%arg13 : memref<!tpu.dma_semaphore, #tpu.memory_space<semaphore_mem>>) {add = true}
      %dma_wait3A_136 = arith.constant 0 : i32
      %dma_wait3A_137 = tpu.memref_slice %arg7[%mul3A_120, %dma_wait3A_136] : memref<40x128xi32, #tpu.memory_space<vmem>> -> memref<1x128xi32, #tpu.memory_space<vmem>>
      %dma_wait3A_138 = tpu.memref_squeeze %dma_wait3A_137 : memref<1x128xi32, #tpu.memory_space<vmem>> -> memref<128xi32, #tpu.memory_space<vmem>>
      %dma_wait3A_139 = arith.constant 0 : i32
      %dma_wait3A_140 = arith.constant 0 : i32
      %dma_wait3A_141 = tpu.memref_slice %arg10[%dma_wait3A_139, %dma_wait3A_140] : memref<10240x128xf32, #tpu.memory_space<vmem_shared>> -> memref<10240x128xf32, #tpu.memory_space<vmem_shared>>
      tpu.wait_indirect_dma semaphore(%arg13 : memref<!tpu.dma_semaphore, #tpu.memory_space<semaphore_mem>>) src(%arg8 : memref<128x128xf32, #tpu.memory_space<vmem>>) dst(%dma_wait3A_141 : memref<10240x128xf32, #tpu.memory_space<vmem_shared>>)
      %add3A_142 = arith.constant 2 : i32
      %add3A_143 = arith.addi %mul3A_120, %add3A_142 : i32
      %lt3A = arith.constant 40 : i32
      %lt3A_144 = arith.cmpi slt, %add3A_143, %lt3A : i32
      %convert_element_type3A = arith.extui %lt3A_144 : i1 to i32
      %cond3A = arith.constant 0 : i32
      %cond3A_145 = arith.cmpi ne, %convert_element_type3A, %cond3A : i32
      scf.if %cond3A_145 {
        %add3A_171 = arith.constant 2 : i32
        %add3A_172 = arith.addi %mul3A_120, %add3A_171 : i32
        %dma_start3A_173 = arith.constant 0 : i32
        %dma_start3A_174 = tpu.memref_slice %arg6[%add3A_172, %dma_start3A_173] : memref<40x128xi32, #tpu.memory_space<vmem>> -> memref<1x128xi32, #tpu.memory_space<vmem>>
        %dma_start3A_175 = tpu.memref_squeeze %dma_start3A_174 : memref<1x128xi32, #tpu.memory_space<vmem>> -> memref<128xi32, #tpu.memory_space<vmem>>
        %dma_start3A_176 = arith.constant 0 : i32
        %dma_start3A_177 = arith.constant 0 : i32
        %dma_start3A_178 = tpu.memref_slice %arg2[%dma_start3A_176, %dma_start3A_177] : memref<10000x128xf32, #tpu.memory_space<hbm>> -> memref<10000x128xf32, #tpu.memory_space<hbm>>
        tpu.enqueue_indirect_dma source(%dma_start3A_178 : memref<10000x128xf32, #tpu.memory_space<hbm>>) target(%arg8 : memref<128x128xf32, #tpu.memory_space<vmem>>) offsets(%dma_start3A_175 : memref<128xi32, #tpu.memory_space<vmem>>) semaphore(%arg11 : memref<!tpu.dma_semaphore, #tpu.memory_space<semaphore_mem>>)
      } else {
      }
      %dma_wait3A_146 = arith.constant 0 : i32
      %dma_wait3A_147 = tpu.memref_slice %arg6[%add3A_124, %dma_wait3A_146] : memref<40x128xi32, #tpu.memory_space<vmem>> -> memref<1x128xi32, #tpu.memory_space<vmem>>
      %dma_wait3A_148 = tpu.memref_squeeze %dma_wait3A_147 : memref<1x128xi32, #tpu.memory_space<vmem>> -> memref<128xi32, #tpu.memory_space<vmem>>
      %dma_wait3A_149 = arith.constant 0 : i32
      %dma_wait3A_150 = arith.constant 0 : i32
      %dma_wait3A_151 = tpu.memref_slice %arg2[%dma_wait3A_149, %dma_wait3A_150] : memref<10000x128xf32, #tpu.memory_space<hbm>> -> memref<10000x128xf32, #tpu.memory_space<hbm>>
      tpu.wait_indirect_dma semaphore(%arg12 : memref<!tpu.dma_semaphore, #tpu.memory_space<semaphore_mem>>) src(%dma_wait3A_151 : memref<10000x128xf32, #tpu.memory_space<hbm>>) dst(%arg9 : memref<128x128xf32, #tpu.memory_space<vmem>>)
      %dma_start3A_152 = arith.constant 0 : i32
      %dma_start3A_153 = tpu.memref_slice %arg7[%add3A_124, %dma_start3A_152] : memref<40x128xi32, #tpu.memory_space<vmem>> -> memref<1x128xi32, #tpu.memory_space<vmem>>
      %dma_start3A_154 = tpu.memref_squeeze %dma_start3A_153 : memref<1x128xi32, #tpu.memory_space<vmem>> -> memref<128xi32, #tpu.memory_space<vmem>>
      %dma_start3A_155 = arith.constant 0 : i32
      %dma_start3A_156 = arith.constant 0 : i32
      %dma_start3A_157 = tpu.memref_slice %arg10[%dma_start3A_155, %dma_start3A_156] : memref<10240x128xf32, #tpu.memory_space<vmem_shared>> -> memref<10240x128xf32, #tpu.memory_space<vmem_shared>>
      tpu.enqueue_indirect_dma source(%arg9 : memref<128x128xf32, #tpu.memory_space<vmem>>) target(%dma_start3A_157 : memref<10240x128xf32, #tpu.memory_space<vmem_shared>>) offsets(%dma_start3A_154 : memref<128xi32, #tpu.memory_space<vmem>>) semaphore(%arg14 : memref<!tpu.dma_semaphore, #tpu.memory_space<semaphore_mem>>) {add = true}
      %dma_wait3A_158 = arith.constant 0 : i32
      %dma_wait3A_159 = tpu.memref_slice %arg7[%add3A_124, %dma_wait3A_158] : memref<40x128xi32, #tpu.memory_space<vmem>> -> memref<1x128xi32, #tpu.memory_space<vmem>>
      %dma_wait3A_160 = tpu.memref_squeeze %dma_wait3A_159 : memref<1x128xi32, #tpu.memory_space<vmem>> -> memref<128xi32, #tpu.memory_space<vmem>>
      %dma_wait3A_161 = arith.constant 0 : i32
      %dma_wait3A_162 = arith.constant 0 : i32
      %dma_wait3A_163 = tpu.memref_slice %arg10[%dma_wait3A_161, %dma_wait3A_162] : memref<10240x128xf32, #tpu.memory_space<vmem_shared>> -> memref<10240x128xf32, #tpu.memory_space<vmem_shared>>
      tpu.wait_indirect_dma semaphore(%arg14 : memref<!tpu.dma_semaphore, #tpu.memory_space<semaphore_mem>>) src(%arg9 : memref<128x128xf32, #tpu.memory_space<vmem>>) dst(%dma_wait3A_163 : memref<10240x128xf32, #tpu.memory_space<vmem_shared>>)
      %add3A_164 = arith.constant 2 : i32
      %add3A_165 = arith.addi %add3A_124, %add3A_164 : i32
      %lt3A_166 = arith.constant 40 : i32
      %lt3A_167 = arith.cmpi slt, %add3A_165, %lt3A_166 : i32
      %convert_element_type3A_168 = arith.extui %lt3A_167 : i1 to i32
      %cond3A_169 = arith.constant 0 : i32
      %cond3A_170 = arith.cmpi ne, %convert_element_type3A_168, %cond3A_169 : i32
      scf.if %cond3A_170 {
        %add3A_171 = arith.constant 2 : i32
        %add3A_172 = arith.addi %add3A_124, %add3A_171 : i32
        %dma_start3A_173 = arith.constant 0 : i32
        %dma_start3A_174 = tpu.memref_slice %arg6[%add3A_172, %dma_start3A_173] : memref<40x128xi32, #tpu.memory_space<vmem>> -> memref<1x128xi32, #tpu.memory_space<vmem>>
        %dma_start3A_175 = tpu.memref_squeeze %dma_start3A_174 : memref<1x128xi32, #tpu.memory_space<vmem>> -> memref<128xi32, #tpu.memory_space<vmem>>
        %dma_start3A_176 = arith.constant 0 : i32
        %dma_start3A_177 = arith.constant 0 : i32
        %dma_start3A_178 = tpu.memref_slice %arg2[%dma_start3A_176, %dma_start3A_177] : memref<10000x128xf32, #tpu.memory_space<hbm>> -> memref<10000x128xf32, #tpu.memory_space<hbm>>
        tpu.enqueue_indirect_dma source(%dma_start3A_178 : memref<10000x128xf32, #tpu.memory_space<hbm>>) target(%arg9 : memref<128x128xf32, #tpu.memory_space<vmem>>) offsets(%dma_start3A_175 : memref<128xi32, #tpu.memory_space<vmem>>) semaphore(%arg12 : memref<!tpu.dma_semaphore, #tpu.memory_space<semaphore_mem>>)
      } else {
      }
    }
    %scan3A_81 = arith.constant 20 : i32
    %barrier3A_82 = arith.constant 0 : index
    tpu.barrier barrier_id(%barrier3A_82)
    %mul3A_83 = arith.constant 640 : i32
    %mul3A_84 = arith.muli %arg1, %mul3A_83 : i32
    %add3A_85 = arith.constant 0 : i32
    %add3A_86 = arith.addi %mul3A_84, %add3A_85 : i32
    "tpu.region"() ({
      %run_scoped3A = tpu.sem_alloc : memref<!tpu.dma_semaphore, #tpu.memory_space<semaphore_mem>>
      %dma_start3A_118 = arith.constant 0 : i32
      %dma_start3A_119 = tpu.memref_slice %arg10[%add3A_86, %dma_start3A_118] : memref<10240x128xf32, #tpu.memory_space<vmem_shared>> -> memref<128x128xf32, #tpu.memory_space<vmem_shared>>
      %dma_start3A_120 = arith.constant 0 : i32
      %dma_start3A_121 = tpu.memref_slice %arg10[%add3A_86, %dma_start3A_120] : memref<10240x128xf32, #tpu.memory_space<vmem_shared>> -> memref<128x128xf32, #tpu.memory_space<vmem_shared>>
      tpu.enqueue_dma source(%dma_start3A_121 : memref<128x128xf32, #tpu.memory_space<vmem_shared>>) target(%arg8 : memref<128x128xf32, #tpu.memory_space<vmem>>) target_semaphore(%run_scoped3A : memref<!tpu.dma_semaphore, #tpu.memory_space<semaphore_mem>>)
      %dma_wait3A = arith.constant 0 : i32
      %dma_wait3A_122 = tpu.memref_slice %arg10[%add3A_86, %dma_wait3A] : memref<10240x128xf32, #tpu.memory_space<vmem_shared>> -> memref<128x128xf32, #tpu.memory_space<vmem_shared>>
      %dma_wait3A_123 = arith.constant 0 : i32
      %dma_wait3A_124 = tpu.memref_slice %arg10[%add3A_86, %dma_wait3A_123] : memref<10240x128xf32, #tpu.memory_space<vmem_shared>> -> memref<128x128xf32, #tpu.memory_space<vmem_shared>>
      tpu.wait_dma2 semaphore(%run_scoped3A : memref<!tpu.dma_semaphore, #tpu.memory_space<semaphore_mem>>) src(%dma_wait3A_124 : memref<128x128xf32, #tpu.memory_space<vmem_shared>>) dst(%arg8 : memref<128x128xf32, #tpu.memory_space<vmem>>)
      tpu.yield
    }) : () -> ()
    %mul3A_87 = arith.constant 10240 : i32
    %mul3A_88 = arith.muli %arg0, %mul3A_87 : i32
    %add3A_89 = arith.addi %mul3A_88, %add3A_86 : i32
    "tpu.region"() ({
      %run_scoped3A = tpu.sem_alloc : memref<!tpu.dma_semaphore, #tpu.memory_space<semaphore_mem>>
      %dma_start3A_118 = arith.constant 0 : i32
      %dma_start3A_119 = tpu.memref_slice %arg5[%add3A_89, %dma_start3A_118] : memref<20480x128xf32, #tpu.memory_space<hbm>> -> memref<128x128xf32, #tpu.memory_space<hbm>>
      %dma_start3A_120 = arith.constant 0 : i32
      %dma_start3A_121 = tpu.memref_slice %arg5[%add3A_89, %dma_start3A_120] : memref<20480x128xf32, #tpu.memory_space<hbm>> -> memref<128x128xf32, #tpu.memory_space<hbm>>
      tpu.enqueue_dma source(%arg8 : memref<128x128xf32, #tpu.memory_space<vmem>>) target(%dma_start3A_121 : memref<128x128xf32, #tpu.memory_space<hbm>>) target_semaphore(%run_scoped3A : memref<!tpu.dma_semaphore, #tpu.memory_space<semaphore_mem>>)
      %dma_wait3A = arith.constant 0 : i32
      %dma_wait3A_122 = tpu.memref_slice %arg5[%add3A_89, %dma_wait3A] : memref<20480x128xf32, #tpu.memory_space<hbm>> -> memref<128x128xf32, #tpu.memory_space<hbm>>
      %dma_wait3A_123 = arith.constant 0 : i32
      %dma_wait3A_124 = tpu.memref_slice %arg5[%add3A_89, %dma_wait3A_123] : memref<20480x128xf32, #tpu.memory_space<hbm>> -> memref<128x128xf32, #tpu.memory_space<hbm>>
      tpu.wait_dma2 semaphore(%run_scoped3A : memref<!tpu.dma_semaphore, #tpu.memory_space<semaphore_mem>>) src(%arg8 : memref<128x128xf32, #tpu.memory_space<vmem>>) dst(%dma_wait3A_124 : memref<128x128xf32, #tpu.memory_space<hbm>>)
      tpu.yield
    }) : () -> ()
    %mul3A_90 = arith.constant 640 : i32
    %mul3A_91 = arith.muli %arg1, %mul3A_90 : i32
    %add3A_92 = arith.constant 128 : i32
    %add3A_93 = arith.addi %mul3A_91, %add3A_92 : i32
    "tpu.region"() ({
      %run_scoped3A = tpu.sem_alloc : memref<!tpu.dma_semaphore, #tpu.memory_space<semaphore_mem>>
      %dma_start3A_118 = arith.constant 0 : i32
      %dma_start3A_119 = tpu.memref_slice %arg10[%add3A_93, %dma_start3A_118] : memref<10240x128xf32, #tpu.memory_space<vmem_shared>> -> memref<128x128xf32, #tpu.memory_space<vmem_shared>>
      %dma_start3A_120 = arith.constant 0 : i32
      %dma_start3A_121 = tpu.memref_slice %arg10[%add3A_93, %dma_start3A_120] : memref<10240x128xf32, #tpu.memory_space<vmem_shared>> -> memref<128x128xf32, #tpu.memory_space<vmem_shared>>
      tpu.enqueue_dma source(%dma_start3A_121 : memref<128x128xf32, #tpu.memory_space<vmem_shared>>) target(%arg8 : memref<128x128xf32, #tpu.memory_space<vmem>>) target_semaphore(%run_scoped3A : memref<!tpu.dma_semaphore, #tpu.memory_space<semaphore_mem>>)
      %dma_wait3A = arith.constant 0 : i32
      %dma_wait3A_122 = tpu.memref_slice %arg10[%add3A_93, %dma_wait3A] : memref<10240x128xf32, #tpu.memory_space<vmem_shared>> -> memref<128x128xf32, #tpu.memory_space<vmem_shared>>
      %dma_wait3A_123 = arith.constant 0 : i32
      %dma_wait3A_124 = tpu.memref_slice %arg10[%add3A_93, %dma_wait3A_123] : memref<10240x128xf32, #tpu.memory_space<vmem_shared>> -> memref<128x128xf32, #tpu.memory_space<vmem_shared>>
      tpu.wait_dma2 semaphore(%run_scoped3A : memref<!tpu.dma_semaphore, #tpu.memory_space<semaphore_mem>>) src(%dma_wait3A_124 : memref<128x128xf32, #tpu.memory_space<vmem_shared>>) dst(%arg8 : memref<128x128xf32, #tpu.memory_space<vmem>>)
      tpu.yield
    }) : () -> ()
    %mul3A_94 = arith.constant 10240 : i32
    %mul3A_95 = arith.muli %arg0, %mul3A_94 : i32
    %add3A_96 = arith.addi %mul3A_95, %add3A_93 : i32
    "tpu.region"() ({
      %run_scoped3A = tpu.sem_alloc : memref<!tpu.dma_semaphore, #tpu.memory_space<semaphore_mem>>
      %dma_start3A_118 = arith.constant 0 : i32
      %dma_start3A_119 = tpu.memref_slice %arg5[%add3A_96, %dma_start3A_118] : memref<20480x128xf32, #tpu.memory_space<hbm>> -> memref<128x128xf32, #tpu.memory_space<hbm>>
      %dma_start3A_120 = arith.constant 0 : i32
      %dma_start3A_121 = tpu.memref_slice %arg5[%add3A_96, %dma_start3A_120] : memref<20480x128xf32, #tpu.memory_space<hbm>> -> memref<128x128xf32, #tpu.memory_space<hbm>>
      tpu.enqueue_dma source(%arg8 : memref<128x128xf32, #tpu.memory_space<vmem>>) target(%dma_start3A_121 : memref<128x128xf32, #tpu.memory_space<hbm>>) target_semaphore(%run_scoped3A : memref<!tpu.dma_semaphore, #tpu.memory_space<semaphore_mem>>)
      %dma_wait3A = arith.constant 0 : i32
      %dma_wait3A_122 = tpu.memref_slice %arg5[%add3A_96, %dma_wait3A] : memref<20480x128xf32, #tpu.memory_space<hbm>> -> memref<128x128xf32, #tpu.memory_space<hbm>>
      %dma_wait3A_123 = arith.constant 0 : i32
      %dma_wait3A_124 = tpu.memref_slice %arg5[%add3A_96, %dma_wait3A_123] : memref<20480x128xf32, #tpu.memory_space<hbm>> -> memref<128x128xf32, #tpu.memory_space<hbm>>
      tpu.wait_dma2 semaphore(%run_scoped3A : memref<!tpu.dma_semaphore, #tpu.memory_space<semaphore_mem>>) src(%arg8 : memref<128x128xf32, #tpu.memory_space<vmem>>) dst(%dma_wait3A_124 : memref<128x128xf32, #tpu.memory_space<hbm>>)
      tpu.yield
    }) : () -> ()
    %mul3A_97 = arith.constant 640 : i32
    %mul3A_98 = arith.muli %arg1, %mul3A_97 : i32
    %add3A_99 = arith.constant 256 : i32
    %add3A_100 = arith.addi %mul3A_98, %add3A_99 : i32
    "tpu.region"() ({
      %run_scoped3A = tpu.sem_alloc : memref<!tpu.dma_semaphore, #tpu.memory_space<semaphore_mem>>
      %dma_start3A_118 = arith.constant 0 : i32
      %dma_start3A_119 = tpu.memref_slice %arg10[%add3A_100, %dma_start3A_118] : memref<10240x128xf32, #tpu.memory_space<vmem_shared>> -> memref<128x128xf32, #tpu.memory_space<vmem_shared>>
      %dma_start3A_120 = arith.constant 0 : i32
      %dma_start3A_121 = tpu.memref_slice %arg10[%add3A_100, %dma_start3A_120] : memref<10240x128xf32, #tpu.memory_space<vmem_shared>> -> memref<128x128xf32, #tpu.memory_space<vmem_shared>>
      tpu.enqueue_dma source(%dma_start3A_121 : memref<128x128xf32, #tpu.memory_space<vmem_shared>>) target(%arg8 : memref<128x128xf32, #tpu.memory_space<vmem>>) target_semaphore(%run_scoped3A : memref<!tpu.dma_semaphore, #tpu.memory_space<semaphore_mem>>)
      %dma_wait3A = arith.constant 0 : i32
      %dma_wait3A_122 = tpu.memref_slice %arg10[%add3A_100, %dma_wait3A] : memref<10240x128xf32, #tpu.memory_space<vmem_shared>> -> memref<128x128xf32, #tpu.memory_space<vmem_shared>>
      %dma_wait3A_123 = arith.constant 0 : i32
      %dma_wait3A_124 = tpu.memref_slice %arg10[%add3A_100, %dma_wait3A_123] : memref<10240x128xf32, #tpu.memory_space<vmem_shared>> -> memref<128x128xf32, #tpu.memory_space<vmem_shared>>
      tpu.wait_dma2 semaphore(%run_scoped3A : memref<!tpu.dma_semaphore, #tpu.memory_space<semaphore_mem>>) src(%dma_wait3A_124 : memref<128x128xf32, #tpu.memory_space<vmem_shared>>) dst(%arg8 : memref<128x128xf32, #tpu.memory_space<vmem>>)
      tpu.yield
    }) : () -> ()
    %mul3A_101 = arith.constant 10240 : i32
    %mul3A_102 = arith.muli %arg0, %mul3A_101 : i32
    %add3A_103 = arith.addi %mul3A_102, %add3A_100 : i32
    "tpu.region"() ({
      %run_scoped3A = tpu.sem_alloc : memref<!tpu.dma_semaphore, #tpu.memory_space<semaphore_mem>>
      %dma_start3A_118 = arith.constant 0 : i32
      %dma_start3A_119 = tpu.memref_slice %arg5[%add3A_103, %dma_start3A_118] : memref<20480x128xf32, #tpu.memory_space<hbm>> -> memref<128x128xf32, #tpu.memory_space<hbm>>
      %dma_start3A_120 = arith.constant 0 : i32
      %dma_start3A_121 = tpu.memref_slice %arg5[%add3A_103, %dma_start3A_120] : memref<20480x128xf32, #tpu.memory_space<hbm>> -> memref<128x128xf32, #tpu.memory_space<hbm>>
      tpu.enqueue_dma source(%arg8 : memref<128x128xf32, #tpu.memory_space<vmem>>) target(%dma_start3A_121 : memref<128x128xf32, #tpu.memory_space<hbm>>) target_semaphore(%run_scoped3A : memref<!tpu.dma_semaphore, #tpu.memory_space<semaphore_mem>>)
      %dma_wait3A = arith.constant 0 : i32
      %dma_wait3A_122 = tpu.memref_slice %arg5[%add3A_103, %dma_wait3A] : memref<20480x128xf32, #tpu.memory_space<hbm>> -> memref<128x128xf32, #tpu.memory_space<hbm>>
      %dma_wait3A_123 = arith.constant 0 : i32
      %dma_wait3A_124 = tpu.memref_slice %arg5[%add3A_103, %dma_wait3A_123] : memref<20480x128xf32, #tpu.memory_space<hbm>> -> memref<128x128xf32, #tpu.memory_space<hbm>>
      tpu.wait_dma2 semaphore(%run_scoped3A : memref<!tpu.dma_semaphore, #tpu.memory_space<semaphore_mem>>) src(%arg8 : memref<128x128xf32, #tpu.memory_space<vmem>>) dst(%dma_wait3A_124 : memref<128x128xf32, #tpu.memory_space<hbm>>)
      tpu.yield
    }) : () -> ()
    %mul3A_104 = arith.constant 640 : i32
    %mul3A_105 = arith.muli %arg1, %mul3A_104 : i32
    %add3A_106 = arith.constant 384 : i32
    %add3A_107 = arith.addi %mul3A_105, %add3A_106 : i32
    "tpu.region"() ({
      %run_scoped3A = tpu.sem_alloc : memref<!tpu.dma_semaphore, #tpu.memory_space<semaphore_mem>>
      %dma_start3A_118 = arith.constant 0 : i32
      %dma_start3A_119 = tpu.memref_slice %arg10[%add3A_107, %dma_start3A_118] : memref<10240x128xf32, #tpu.memory_space<vmem_shared>> -> memref<128x128xf32, #tpu.memory_space<vmem_shared>>
      %dma_start3A_120 = arith.constant 0 : i32
      %dma_start3A_121 = tpu.memref_slice %arg10[%add3A_107, %dma_start3A_120] : memref<10240x128xf32, #tpu.memory_space<vmem_shared>> -> memref<128x128xf32, #tpu.memory_space<vmem_shared>>
      tpu.enqueue_dma source(%dma_start3A_121 : memref<128x128xf32, #tpu.memory_space<vmem_shared>>) target(%arg8 : memref<128x128xf32, #tpu.memory_space<vmem>>) target_semaphore(%run_scoped3A : memref<!tpu.dma_semaphore, #tpu.memory_space<semaphore_mem>>)
      %dma_wait3A = arith.constant 0 : i32
      %dma_wait3A_122 = tpu.memref_slice %arg10[%add3A_107, %dma_wait3A] : memref<10240x128xf32, #tpu.memory_space<vmem_shared>> -> memref<128x128xf32, #tpu.memory_space<vmem_shared>>
      %dma_wait3A_123 = arith.constant 0 : i32
      %dma_wait3A_124 = tpu.memref_slice %arg10[%add3A_107, %dma_wait3A_123] : memref<10240x128xf32, #tpu.memory_space<vmem_shared>> -> memref<128x128xf32, #tpu.memory_space<vmem_shared>>
      tpu.wait_dma2 semaphore(%run_scoped3A : memref<!tpu.dma_semaphore, #tpu.memory_space<semaphore_mem>>) src(%dma_wait3A_124 : memref<128x128xf32, #tpu.memory_space<vmem_shared>>) dst(%arg8 : memref<128x128xf32, #tpu.memory_space<vmem>>)
      tpu.yield
    }) : () -> ()
    %mul3A_108 = arith.constant 10240 : i32
    %mul3A_109 = arith.muli %arg0, %mul3A_108 : i32
    %add3A_110 = arith.addi %mul3A_109, %add3A_107 : i32
    "tpu.region"() ({
      %run_scoped3A = tpu.sem_alloc : memref<!tpu.dma_semaphore, #tpu.memory_space<semaphore_mem>>
      %dma_start3A_118 = arith.constant 0 : i32
      %dma_start3A_119 = tpu.memref_slice %arg5[%add3A_110, %dma_start3A_118] : memref<20480x128xf32, #tpu.memory_space<hbm>> -> memref<128x128xf32, #tpu.memory_space<hbm>>
      %dma_start3A_120 = arith.constant 0 : i32
      %dma_start3A_121 = tpu.memref_slice %arg5[%add3A_110, %dma_start3A_120] : memref<20480x128xf32, #tpu.memory_space<hbm>> -> memref<128x128xf32, #tpu.memory_space<hbm>>
      tpu.enqueue_dma source(%arg8 : memref<128x128xf32, #tpu.memory_space<vmem>>) target(%dma_start3A_121 : memref<128x128xf32, #tpu.memory_space<hbm>>) target_semaphore(%run_scoped3A : memref<!tpu.dma_semaphore, #tpu.memory_space<semaphore_mem>>)
      %dma_wait3A = arith.constant 0 : i32
      %dma_wait3A_122 = tpu.memref_slice %arg5[%add3A_110, %dma_wait3A] : memref<20480x128xf32, #tpu.memory_space<hbm>> -> memref<128x128xf32, #tpu.memory_space<hbm>>
      %dma_wait3A_123 = arith.constant 0 : i32
      %dma_wait3A_124 = tpu.memref_slice %arg5[%add3A_110, %dma_wait3A_123] : memref<20480x128xf32, #tpu.memory_space<hbm>> -> memref<128x128xf32, #tpu.memory_space<hbm>>
      tpu.wait_dma2 semaphore(%run_scoped3A : memref<!tpu.dma_semaphore, #tpu.memory_space<semaphore_mem>>) src(%arg8 : memref<128x128xf32, #tpu.memory_space<vmem>>) dst(%dma_wait3A_124 : memref<128x128xf32, #tpu.memory_space<hbm>>)
      tpu.yield
    }) : () -> ()
    %mul3A_111 = arith.constant 640 : i32
    %mul3A_112 = arith.muli %arg1, %mul3A_111 : i32
    %add3A_113 = arith.constant 512 : i32
    %add3A_114 = arith.addi %mul3A_112, %add3A_113 : i32
    "tpu.region"() ({
      %run_scoped3A = tpu.sem_alloc : memref<!tpu.dma_semaphore, #tpu.memory_space<semaphore_mem>>
      %dma_start3A_118 = arith.constant 0 : i32
      %dma_start3A_119 = tpu.memref_slice %arg10[%add3A_114, %dma_start3A_118] : memref<10240x128xf32, #tpu.memory_space<vmem_shared>> -> memref<128x128xf32, #tpu.memory_space<vmem_shared>>
      %dma_start3A_120 = arith.constant 0 : i32
      %dma_start3A_121 = tpu.memref_slice %arg10[%add3A_114, %dma_start3A_120] : memref<10240x128xf32, #tpu.memory_space<vmem_shared>> -> memref<128x128xf32, #tpu.memory_space<vmem_shared>>
      tpu.enqueue_dma source(%dma_start3A_121 : memref<128x128xf32, #tpu.memory_space<vmem_shared>>) target(%arg8 : memref<128x128xf32, #tpu.memory_space<vmem>>) target_semaphore(%run_scoped3A : memref<!tpu.dma_semaphore, #tpu.memory_space<semaphore_mem>>)
      %dma_wait3A = arith.constant 0 : i32
      %dma_wait3A_122 = tpu.memref_slice %arg10[%add3A_114, %dma_wait3A] : memref<10240x128xf32, #tpu.memory_space<vmem_shared>> -> memref<128x128xf32, #tpu.memory_space<vmem_shared>>
      %dma_wait3A_123 = arith.constant 0 : i32
      %dma_wait3A_124 = tpu.memref_slice %arg10[%add3A_114, %dma_wait3A_123] : memref<10240x128xf32, #tpu.memory_space<vmem_shared>> -> memref<128x128xf32, #tpu.memory_space<vmem_shared>>
      tpu.wait_dma2 semaphore(%run_scoped3A : memref<!tpu.dma_semaphore, #tpu.memory_space<semaphore_mem>>) src(%dma_wait3A_124 : memref<128x128xf32, #tpu.memory_space<vmem_shared>>) dst(%arg8 : memref<128x128xf32, #tpu.memory_space<vmem>>)
      tpu.yield
    }) : () -> ()
    %mul3A_115 = arith.constant 10240 : i32
    %mul3A_116 = arith.muli %arg0, %mul3A_115 : i32
    %add3A_117 = arith.addi %mul3A_116, %add3A_114 : i32
    "tpu.region"() ({
      %run_scoped3A = tpu.sem_alloc : memref<!tpu.dma_semaphore, #tpu.memory_space<semaphore_mem>>
      %dma_start3A_118 = arith.constant 0 : i32
      %dma_start3A_119 = tpu.memref_slice %arg5[%add3A_117, %dma_start3A_118] : memref<20480x128xf32, #tpu.memory_space<hbm>> -> memref<128x128xf32, #tpu.memory_space<hbm>>
      %dma_start3A_120 = arith.constant 0 : i32
      %dma_start3A_121 = tpu.memref_slice %arg5[%add3A_117, %dma_start3A_120] : memref<20480x128xf32, #tpu.memory_space<hbm>> -> memref<128x128xf32, #tpu.memory_space<hbm>>
      tpu.enqueue_dma source(%arg8 : memref<128x128xf32, #tpu.memory_space<vmem>>) target(%dma_start3A_121 : memref<128x128xf32, #tpu.memory_space<hbm>>) target_semaphore(%run_scoped3A : memref<!tpu.dma_semaphore, #tpu.memory_space<semaphore_mem>>)
      %dma_wait3A = arith.constant 0 : i32
      %dma_wait3A_122 = tpu.memref_slice %arg5[%add3A_117, %dma_wait3A] : memref<20480x128xf32, #tpu.memory_space<hbm>> -> memref<128x128xf32, #tpu.memory_space<hbm>>
      %dma_wait3A_123 = arith.constant 0 : i32
      %dma_wait3A_124 = tpu.memref_slice %arg5[%add3A_117, %dma_wait3A_123] : memref<20480x128xf32, #tpu.memory_space<hbm>> -> memref<128x128xf32, #tpu.memory_space<hbm>>
      tpu.wait_dma2 semaphore(%run_scoped3A : memref<!tpu.dma_semaphore, #tpu.memory_space<semaphore_mem>>) src(%arg8 : memref<128x128xf32, #tpu.memory_space<vmem>>) dst(%dma_wait3A_124 : memref<128x128xf32, #tpu.memory_space<hbm>>)
      tpu.yield
    }) : () -> ()
    return
  }
}

#map = affine_map<(d0, d1) -> (0)>
module attributes {stable_mosaic.version = 14 : i64} {
  func.func @_gather_kernel(%arg0: i32, %arg1: i32, %arg2: memref<10240xf32, #tpu.memory_space<hbm>>, %arg3: memref<10240xi32, #tpu.memory_space<hbm>>, %arg4: memref<10240xf32, #tpu.memory_space<hbm>>, %arg5: memref<10240xf32, #tpu.memory_space<vmem>>, %arg6: memref<320xi32, #tpu.memory_space<vmem>>, %arg7: memref<320xf32, #tpu.memory_space<vmem>>) attributes {dimension_semantics = [#tpu.dimension_semantics<core_parallel>, #tpu.dimension_semantics<subcore_parallel>], iteration_bounds = array<i64: 2, 16>, scalar_prefetch = 0 : i64, scratch_operands = 3 : i64, tpu.core_type = #tpu.core_type<sc_vector_subcore>, window_params = [{transform_indices = #map}, {transform_indices = #map}, {transform_indices = #map}]} {
    %mul3A = arith.constant 2 : i32
    %mul3A_0 = arith.muli %arg1, %mul3A : i32
    %add3A = arith.addi %mul3A_0, %arg0 : i32
    "tpu.region"() ({
      %run_scoped3A = tpu.sem_alloc : memref<!tpu.dma_semaphore, #tpu.memory_space<semaphore_mem>>
      tpu.enqueue_dma source(%arg2 : memref<10240xf32, #tpu.memory_space<hbm>>) target(%arg5 : memref<10240xf32, #tpu.memory_space<vmem>>) target_semaphore(%run_scoped3A : memref<!tpu.dma_semaphore, #tpu.memory_space<semaphore_mem>>)
      tpu.wait_dma2 semaphore(%run_scoped3A : memref<!tpu.dma_semaphore, #tpu.memory_space<semaphore_mem>>) src(%arg2 : memref<10240xf32, #tpu.memory_space<hbm>>) dst(%arg5 : memref<10240xf32, #tpu.memory_space<vmem>>)
      tpu.yield
    }) : () -> ()
    %mul3A_1 = arith.constant 320 : i32
    %mul3A_2 = arith.muli %add3A, %mul3A_1 : i32
    "tpu.region"() ({
      %run_scoped3A = tpu.sem_alloc : memref<!tpu.dma_semaphore, #tpu.memory_space<semaphore_mem>>
      %dma_start3A = tpu.memref_slice %arg3[%mul3A_2] : memref<10240xi32, #tpu.memory_space<hbm>> -> memref<320xi32, #tpu.memory_space<hbm>>
      %dma_start3A_10 = tpu.memref_slice %arg3[%mul3A_2] : memref<10240xi32, #tpu.memory_space<hbm>> -> memref<320xi32, #tpu.memory_space<hbm>>
      tpu.enqueue_dma source(%dma_start3A_10 : memref<320xi32, #tpu.memory_space<hbm>>) target(%arg6 : memref<320xi32, #tpu.memory_space<vmem>>) target_semaphore(%run_scoped3A : memref<!tpu.dma_semaphore, #tpu.memory_space<semaphore_mem>>)
      %dma_wait3A = tpu.memref_slice %arg3[%mul3A_2] : memref<10240xi32, #tpu.memory_space<hbm>> -> memref<320xi32, #tpu.memory_space<hbm>>
      %dma_wait3A_11 = tpu.memref_slice %arg3[%mul3A_2] : memref<10240xi32, #tpu.memory_space<hbm>> -> memref<320xi32, #tpu.memory_space<hbm>>
      tpu.wait_dma2 semaphore(%run_scoped3A : memref<!tpu.dma_semaphore, #tpu.memory_space<semaphore_mem>>) src(%dma_wait3A_11 : memref<320xi32, #tpu.memory_space<hbm>>) dst(%arg6 : memref<320xi32, #tpu.memory_space<vmem>>)
      tpu.yield
    }) : () -> ()
    %scan3A = arith.constant 0 : i32
    %scan3A_3 = arith.constant 0 : i32
    %scan3A_4 = arith.constant 20 : i32
    %scan3A_5 = arith.addi %scan3A_3, %scan3A_4 : i32
    %scan3A_6 = arith.constant 1 : i32
    scf.for %scan3A_10 = %scan3A_3 to %scan3A_5 step %scan3A_6  : i32 {
      %mul3A_11 = arith.constant 16 : i32
      %mul3A_12 = arith.muli %scan3A_10, %mul3A_11 : i32
      %get3A = arith.index_cast %mul3A_12 : i32 to index
      %get3A_13 = tpu.vector_load %arg6[%get3A] {strides = array<i32>} : memref<320xi32, #tpu.memory_space<vmem>>, vector<16xi32>,
      %gather3A = tpu.vector_load_idx %arg5[%get3A_13] : memref<10240xf32, #tpu.memory_space<vmem>>[vector<16xi32>], vector<16xf32>,
      %mul3A_14 = arith.constant 16 : i32
      %mul3A_15 = arith.muli %scan3A_10, %mul3A_14 : i32
      %swap3A = arith.index_cast %mul3A_15 : i32 to index
      %swap3A_16 = tpu.vector_load %arg7[%swap3A] {strides = array<i32>} : memref<320xf32, #tpu.memory_space<vmem>>, vector<16xf32>,
      tpu.vector_store %arg7[%swap3A], %gather3A {strides = array<i32>} : memref<320xf32, #tpu.memory_space<vmem>>, vector<16xf32>,
    }
    %scan3A_7 = arith.constant 20 : i32
    %mul3A_8 = arith.constant 320 : i32
    %mul3A_9 = arith.muli %add3A, %mul3A_8 : i32
    "tpu.region"() ({
      %run_scoped3A = tpu.sem_alloc : memref<!tpu.dma_semaphore, #tpu.memory_space<semaphore_mem>>
      %dma_start3A = tpu.memref_slice %arg4[%mul3A_9] : memref<10240xf32, #tpu.memory_space<hbm>> -> memref<320xf32, #tpu.memory_space<hbm>>
      %dma_start3A_10 = tpu.memref_slice %arg4[%mul3A_9] : memref<10240xf32, #tpu.memory_space<hbm>> -> memref<320xf32, #tpu.memory_space<hbm>>
      tpu.enqueue_dma source(%arg7 : memref<320xf32, #tpu.memory_space<vmem>>) target(%dma_start3A_10 : memref<320xf32, #tpu.memory_space<hbm>>) target_semaphore(%run_scoped3A : memref<!tpu.dma_semaphore, #tpu.memory_space<semaphore_mem>>)
      %dma_wait3A = tpu.memref_slice %arg4[%mul3A_9] : memref<10240xf32, #tpu.memory_space<hbm>> -> memref<320xf32, #tpu.memory_space<hbm>>
      %dma_wait3A_11 = tpu.memref_slice %arg4[%mul3A_9] : memref<10240xf32, #tpu.memory_space<hbm>> -> memref<320xf32, #tpu.memory_space<hbm>>
      tpu.wait_dma2 semaphore(%run_scoped3A : memref<!tpu.dma_semaphore, #tpu.memory_space<semaphore_mem>>) src(%arg7 : memref<320xf32, #tpu.memory_space<vmem>>) dst(%dma_wait3A_11 : memref<320xf32, #tpu.memory_space<hbm>>)
      tpu.yield
    }) : () -> ()
    return
  }
}

module attributes {stable_mosaic.version = 14 : i64} {
  func.func @_mid_body(%arg0: memref<20480x128xf32, #tpu.memory_space<vmem>>, %arg1: memref<10000x128xf32, #tpu.memory_space<vmem>>, %arg2: memref<10000x1xf32, #tpu.memory_space<vmem>>, %arg3: memref<128xf32, #tpu.memory_space<vmem>>, %arg4: memref<128xf32, #tpu.memory_space<vmem>>, %arg5: memref<128xf32, #tpu.memory_space<vmem>>, %arg6: memref<128x128xf32, #tpu.memory_space<vmem>>, %arg7: memref<10000x128xf32, #tpu.memory_space<vmem>>) attributes {dimension_semantics = [], scalar_prefetch = 0 : i64, scratch_operands = 0 : i64, tpu.core_type = #tpu.core_type<tc>} {
    %get3A = arith.constant 0 : index
    %get3A_0 = arith.constant 0 : index
    %get3A_1 = vector.load %arg2[%get3A, %get3A_0] : memref<10000x1xf32, #tpu.memory_space<vmem>>, vector<10000x1xf32>
    %get3A_2 = arith.constant 0 : index
    %get3A_3 = arith.constant 0 : index
    %get3A_4 = vector.load %arg0[%get3A_2, %get3A_3] : memref<20480x128xf32, #tpu.memory_space<vmem>>, vector<10000x128xf32>
    %get3A_5 = arith.constant 10240 : index
    %get3A_6 = arith.constant 0 : index
    %get3A_7 = vector.load %arg0[%get3A_5, %get3A_6] : memref<20480x128xf32, #tpu.memory_space<vmem>>, vector<10000x128xf32>
    %add3A = arith.addf %get3A_4, %get3A_7 : vector<10000x128xf32>
    %get3A_8 = arith.constant 0 : index
    %get3A_9 = arith.constant 0 : index
    %get3A_10 = vector.load %arg1[%get3A_8, %get3A_9] : memref<10000x128xf32, #tpu.memory_space<vmem>>, vector<10000x128xf32>
    %add3A_11 = arith.addf %add3A, %get3A_10 : vector<10000x128xf32>
    %mul3A = vector.broadcast %get3A_1 : vector<10000x1xf32> to vector<10000x128xf32>
    %mul3A_12 = arith.mulf %mul3A, %add3A_11 : vector<10000x128xf32>
    %get3A_13 = arith.constant 0 : index
    %get3A_14 = vector.load %arg3[%get3A_13] : memref<128xf32, #tpu.memory_space<vmem>>, vector<128xf32>
    %broadcast_in_dim3A = vector.shape_cast %get3A_14 : vector<128xf32> to vector<1x128xf32>
    %add3A_15 = vector.broadcast %broadcast_in_dim3A : vector<1x128xf32> to vector<10000x128xf32>
    %add3A_16 = arith.addf %mul3A_12, %add3A_15 : vector<10000x128xf32>
    %reduce_sum3A = arith.constant dense<0.000000e+00> : vector<128xf32>
    %reduce_sum3A_17 = vector.multi_reduction <add>, %add3A_16, %reduce_sum3A [0] : vector<10000x128xf32> to vector<128xf32>
    %broadcast_in_dim3A_18 = vector.shape_cast %reduce_sum3A_17 : vector<128xf32> to vector<1x128xf32>
    %div3A = arith.constant 1.000000e+04 : f32
    %div3A_19 = vector.broadcast %div3A : f32 to vector<1x128xf32>
    %div3A_20 = arith.divf %broadcast_in_dim3A_18, %div3A_19 : vector<1x128xf32>
    %sub3A = vector.broadcast %div3A_20 : vector<1x128xf32> to vector<10000x128xf32>
    %sub3A_21 = arith.subf %add3A_16, %sub3A : vector<10000x128xf32>
    %sub3A_22 = vector.broadcast %div3A_20 : vector<1x128xf32> to vector<10000x128xf32>
    %sub3A_23 = arith.subf %add3A_16, %sub3A_22 : vector<10000x128xf32>
    %mul3A_24 = arith.mulf %sub3A_21, %sub3A_23 : vector<10000x128xf32>
    %reduce_sum3A_25 = arith.constant dense<0.000000e+00> : vector<128xf32>
    %reduce_sum3A_26 = vector.multi_reduction <add>, %mul3A_24, %reduce_sum3A_25 [0] : vector<10000x128xf32> to vector<128xf32>
    %broadcast_in_dim3A_27 = vector.shape_cast %reduce_sum3A_26 : vector<128xf32> to vector<1x128xf32>
    %div3A_28 = arith.constant 1.000000e+04 : f32
    %div3A_29 = vector.broadcast %div3A_28 : f32 to vector<1x128xf32>
    %div3A_30 = arith.divf %broadcast_in_dim3A_27, %div3A_29 : vector<1x128xf32>
    %sub3A_31 = vector.broadcast %div3A_20 : vector<1x128xf32> to vector<10000x128xf32>
    %sub3A_32 = arith.subf %add3A_16, %sub3A_31 : vector<10000x128xf32>
    %add3A_33 = arith.constant 9.99999974E-6 : f32
    %add3A_34 = vector.broadcast %add3A_33 : f32 to vector<1x128xf32>
    %add3A_35 = arith.addf %div3A_30, %add3A_34 : vector<1x128xf32>
    %rsqrt3A = math.rsqrt %add3A_35 : vector<1x128xf32>
    %mul3A_36 = vector.broadcast %rsqrt3A : vector<1x128xf32> to vector<10000x128xf32>
    %mul3A_37 = arith.mulf %sub3A_32, %mul3A_36 : vector<10000x128xf32>
    %get3A_38 = arith.constant 0 : index
    %get3A_39 = vector.load %arg4[%get3A_38] : memref<128xf32, #tpu.memory_space<vmem>>, vector<128xf32>
    %broadcast_in_dim3A_40 = vector.shape_cast %get3A_39 : vector<128xf32> to vector<1x128xf32>
    %mul3A_41 = vector.broadcast %broadcast_in_dim3A_40 : vector<1x128xf32> to vector<10000x128xf32>
    %mul3A_42 = arith.mulf %mul3A_37, %mul3A_41 : vector<10000x128xf32>
    %get3A_43 = arith.constant 0 : index
    %get3A_44 = vector.load %arg5[%get3A_43] : memref<128xf32, #tpu.memory_space<vmem>>, vector<128xf32>
    %broadcast_in_dim3A_45 = vector.shape_cast %get3A_44 : vector<128xf32> to vector<1x128xf32>
    %add3A_46 = vector.broadcast %broadcast_in_dim3A_45 : vector<1x128xf32> to vector<10000x128xf32>
    %add3A_47 = arith.addf %mul3A_42, %add3A_46 : vector<10000x128xf32>
    %max3A = arith.constant 0.000000e+00 : f32
    %max3A_48 = vector.broadcast %max3A : f32 to vector<10000x128xf32>
    %max3A_49 = arith.maximumf %add3A_47, %max3A_48 : vector<10000x128xf32>
    %get3A_50 = arith.constant 0 : index
    %get3A_51 = arith.constant 0 : index
    %get3A_52 = vector.load %arg6[%get3A_50, %get3A_51] : memref<128x128xf32, #tpu.memory_space<vmem>>, vector<128x128xf32>
    %dot_general3A = arith.constant dense<0.000000e+00> : vector<10000x128xf32>
    %dot_general3A_53 = tpu.matmul %max3A_49, %get3A_52, %dot_general3A {dimension_numbers = #tpu.dot_dimension_numbers<[1], [0], [0], [1], [0, 0, 1, 1], [], []>, transpose_lhs_hint = false} : vector<10000x128xf32>, vector<128x128xf32>, vector<10000x128xf32> -> vector<10000x128xf32>
    %mul3A_54 = vector.broadcast %get3A_1 : vector<10000x1xf32> to vector<10000x128xf32>
    %mul3A_55 = arith.mulf %dot_general3A_53, %mul3A_54 : vector<10000x128xf32>
    %swap3A = arith.constant 0 : index
    %swap3A_56 = arith.constant 0 : index
    %swap3A_57 = vector.load %arg7[%swap3A, %swap3A_56] : memref<10000x128xf32, #tpu.memory_space<vmem>>, vector<10000x128xf32>
    tpu.vector_store %arg7[%swap3A, %swap3A_56], %mul3A_55 {strides = array<i32>} : memref<10000x128xf32, #tpu.memory_space<vmem>>, vector<10000x128xf32>,
    return
  }
}

module attributes {stable_mosaic.version = 14 : i64} {
  func.func @_first_body(%arg0: memref<32x10000xf32, #tpu.memory_space<vmem>>, %arg1: memref<10000x128xf32, #tpu.memory_space<vmem>>, %arg2: memref<128x128xf32, #tpu.memory_space<vmem>>, %arg3: memref<10000x1xf32, #tpu.memory_space<vmem>>, %arg4: memref<10000x128xf32, #tpu.memory_space<vmem>>) attributes {dimension_semantics = [], scalar_prefetch = 0 : i64, scratch_operands = 0 : i64, tpu.core_type = #tpu.core_type<tc>} {
    %get3A = arith.constant 0 : index
    %get3A_0 = arith.constant 0 : index
    %get3A_1 = vector.load %arg0[%get3A, %get3A_0] : memref<32x10000xf32, #tpu.memory_space<vmem>>, vector<32x10000xf32>
    %broadcast_in_dim3A = arith.constant 1.000000e+00 : f32
    %broadcast_in_dim3A_2 = vector.broadcast %broadcast_in_dim3A : f32 to vector<32x1xf32>
    %dot_general3A = arith.constant dense<0.000000e+00> : vector<10000x1xf32>
    %dot_general3A_3 = tpu.matmul %get3A_1, %broadcast_in_dim3A_2, %dot_general3A {dimension_numbers = #tpu.dot_dimension_numbers<[0], [0], [1], [1], [0, 1, 1, 1], [], []>, transpose_lhs_hint = false} : vector<32x10000xf32>, vector<32x1xf32>, vector<10000x1xf32> -> vector<10000x1xf32>
    %add3A = arith.constant 1.000000e+00 : f32
    %add3A_4 = vector.broadcast %add3A : f32 to vector<10000x1xf32>
    %add3A_5 = arith.addf %dot_general3A_3, %add3A_4 : vector<10000x1xf32>
    %rsqrt3A = math.rsqrt %add3A_5 : vector<10000x1xf32>
    %swap3A = arith.constant 0 : index
    %swap3A_6 = arith.constant 0 : index
    %swap3A_7 = vector.load %arg3[%swap3A, %swap3A_6] : memref<10000x1xf32, #tpu.memory_space<vmem>>, vector<10000x1xf32>
    tpu.vector_store %arg3[%swap3A, %swap3A_6], %rsqrt3A {strides = array<i32>} : memref<10000x1xf32, #tpu.memory_space<vmem>>, vector<10000x1xf32>,
    %get3A_8 = arith.constant 0 : index
    %get3A_9 = arith.constant 0 : index
    %get3A_10 = vector.load %arg1[%get3A_8, %get3A_9] : memref<10000x128xf32, #tpu.memory_space<vmem>>, vector<10000x128xf32>
    %get3A_11 = arith.constant 0 : index
    %get3A_12 = arith.constant 0 : index
    %get3A_13 = vector.load %arg2[%get3A_11, %get3A_12] : memref<128x128xf32, #tpu.memory_space<vmem>>, vector<128x128xf32>
    %dot_general3A_14 = arith.constant dense<0.000000e+00> : vector<10000x128xf32>
    %dot_general3A_15 = tpu.matmul %get3A_10, %get3A_13, %dot_general3A_14 {dimension_numbers = #tpu.dot_dimension_numbers<[1], [0], [0], [1], [0, 0, 1, 1], [], []>, transpose_lhs_hint = false} : vector<10000x128xf32>, vector<128x128xf32>, vector<10000x128xf32> -> vector<10000x128xf32>
    %mul3A = vector.broadcast %rsqrt3A : vector<10000x1xf32> to vector<10000x128xf32>
    %mul3A_16 = arith.mulf %dot_general3A_15, %mul3A : vector<10000x128xf32>
    %swap3A_17 = arith.constant 0 : index
    %swap3A_18 = arith.constant 0 : index
    %swap3A_19 = vector.load %arg4[%swap3A_17, %swap3A_18] : memref<10000x128xf32, #tpu.memory_space<vmem>>, vector<10000x128xf32>
    tpu.vector_store %arg4[%swap3A_17, %swap3A_18], %mul3A_16 {strides = array<i32>} : memref<10000x128xf32, #tpu.memory_space<vmem>>, vector<10000x128xf32>,
    return
  }
}

module attributes {stable_mosaic.version = 14 : i64} {
  func.func @_last_body(%arg0: memref<20480x128xf32, #tpu.memory_space<vmem>>, %arg1: memref<10000x128xf32, #tpu.memory_space<vmem>>, %arg2: memref<10000x1xf32, #tpu.memory_space<vmem>>, %arg3: memref<128xf32, #tpu.memory_space<vmem>>, %arg4: memref<128x128xf32, #tpu.memory_space<vmem>>, %arg5: memref<128xf32, #tpu.memory_space<vmem>>, %arg6: memref<1x128xf32, #tpu.memory_space<vmem>>, %arg7: memref<1xf32, #tpu.memory_space<vmem>>, %arg8: memref<10000xf32, #tpu.memory_space<vmem>>) attributes {dimension_semantics = [], scalar_prefetch = 0 : i64, scratch_operands = 0 : i64, tpu.core_type = #tpu.core_type<tc>} {
    %get3A = arith.constant 0 : index
    %get3A_0 = arith.constant 0 : index
    %get3A_1 = vector.load %arg2[%get3A, %get3A_0] : memref<10000x1xf32, #tpu.memory_space<vmem>>, vector<10000x1xf32>
    %get3A_2 = arith.constant 0 : index
    %get3A_3 = arith.constant 0 : index
    %get3A_4 = vector.load %arg0[%get3A_2, %get3A_3] : memref<20480x128xf32, #tpu.memory_space<vmem>>, vector<10000x128xf32>
    %get3A_5 = arith.constant 10240 : index
    %get3A_6 = arith.constant 0 : index
    %get3A_7 = vector.load %arg0[%get3A_5, %get3A_6] : memref<20480x128xf32, #tpu.memory_space<vmem>>, vector<10000x128xf32>
    %add3A = arith.addf %get3A_4, %get3A_7 : vector<10000x128xf32>
    %get3A_8 = arith.constant 0 : index
    %get3A_9 = arith.constant 0 : index
    %get3A_10 = vector.load %arg1[%get3A_8, %get3A_9] : memref<10000x128xf32, #tpu.memory_space<vmem>>, vector<10000x128xf32>
    %add3A_11 = arith.addf %add3A, %get3A_10 : vector<10000x128xf32>
    %mul3A = vector.broadcast %get3A_1 : vector<10000x1xf32> to vector<10000x128xf32>
    %mul3A_12 = arith.mulf %mul3A, %add3A_11 : vector<10000x128xf32>
    %get3A_13 = arith.constant 0 : index
    %get3A_14 = vector.load %arg3[%get3A_13] : memref<128xf32, #tpu.memory_space<vmem>>, vector<128xf32>
    %broadcast_in_dim3A = vector.shape_cast %get3A_14 : vector<128xf32> to vector<1x128xf32>
    %add3A_15 = vector.broadcast %broadcast_in_dim3A : vector<1x128xf32> to vector<10000x128xf32>
    %add3A_16 = arith.addf %mul3A_12, %add3A_15 : vector<10000x128xf32>
    %get3A_17 = arith.constant 0 : index
    %get3A_18 = arith.constant 0 : index
    %get3A_19 = vector.load %arg4[%get3A_17, %get3A_18] : memref<128x128xf32, #tpu.memory_space<vmem>>, vector<128x128xf32>
    %dot_general3A = arith.constant dense<0.000000e+00> : vector<10000x128xf32>
    %dot_general3A_20 = tpu.matmul %add3A_16, %get3A_19, %dot_general3A {dimension_numbers = #tpu.dot_dimension_numbers<[1], [0], [0], [1], [0, 0, 1, 1], [], []>, transpose_lhs_hint = false} : vector<10000x128xf32>, vector<128x128xf32>, vector<10000x128xf32> -> vector<10000x128xf32>
    %get3A_21 = arith.constant 0 : index
    %get3A_22 = vector.load %arg5[%get3A_21] : memref<128xf32, #tpu.memory_space<vmem>>, vector<128xf32>
    %broadcast_in_dim3A_23 = vector.shape_cast %get3A_22 : vector<128xf32> to vector<1x128xf32>
    %add3A_24 = vector.broadcast %broadcast_in_dim3A_23 : vector<1x128xf32> to vector<10000x128xf32>
    %add3A_25 = arith.addf %dot_general3A_20, %add3A_24 : vector<10000x128xf32>
    %max3A = arith.constant 0.000000e+00 : f32
    %max3A_26 = vector.broadcast %max3A : f32 to vector<10000x128xf32>
    %max3A_27 = arith.maximumf %add3A_25, %max3A_26 : vector<10000x128xf32>
    %get3A_28 = arith.constant 0 : index
    %get3A_29 = arith.constant 0 : index
    %get3A_30 = vector.load %arg6[%get3A_28, %get3A_29] : memref<1x128xf32, #tpu.memory_space<vmem>>, vector<1x128xf32>
    %mul3A_31 = vector.broadcast %get3A_30 : vector<1x128xf32> to vector<10000x128xf32>
    %mul3A_32 = arith.mulf %max3A_27, %mul3A_31 : vector<10000x128xf32>
    %reduce_sum3A = arith.constant dense<0.000000e+00> : vector<10000xf32>
    %reduce_sum3A_33 = vector.multi_reduction <add>, %mul3A_32, %reduce_sum3A [1] : vector<10000x128xf32> to vector<10000xf32>
    %get3A_34 = arith.constant 0 : index
    %get3A_35 = vector.load %arg7[%get3A_34] : memref<1xf32, #tpu.memory_space<vmem>>, vector<1xf32>
    %add3A_36 = vector.broadcast %get3A_35 : vector<1xf32> to vector<10000xf32>
    %add3A_37 = arith.addf %reduce_sum3A_33, %add3A_36 : vector<10000xf32>
    %swap3A = arith.constant 0 : index
    %swap3A_38 = vector.load %arg8[%swap3A] : memref<10000xf32, #tpu.memory_space<vmem>>, vector<10000xf32>
    tpu.vector_store %arg8[%swap3A], %add3A_37 {strides = array<i32>} : memref<10000xf32, #tpu.memory_space<vmem>>, vector<10000xf32>,
    return
  }
}

</mosaic_0001>

<sc_bundles>
// kernel: kernel.11.cloned.1.call-start
scs
__scs_entry_jumppad:
0x0: {  	(pc) =	sbr.rel $0x88, $3  }
0x1: {  	(tag) =	ssettag $0x0;
	lr =	simm.s32 $0x1  }
0x2: {  	[smem:$0x3F8F] =	sst lr;
	_ =	strace $0xD0000000  }
0x3: {  	_ = 	snop  }
0x4: {  	_ = 	snop  }
0x5: {  	_ = 	snop  }
0x6: {  	_ = 	snop  }
0x7: {  	_ = 	snop  }
__scs_overlays_trampoline_lowered:
0x8: {  	[smem:$0x3F9E] =	sst s0  }
0x9: {  	[smem:$0x3F9F] =	sst s1  }
0xa: {  	[smem:$0x3FA0] =	sst s2  }
0xb: {  	[smem:$0x3FA1] =	sst s3  }
0xc: {  	[smem:$0x3FA2] =	sst s4  }
0xd: {  	[smem:$0x3FA3] =	sst s5  }
0xe: {  	[smem:$0x3FA4] =	sst s6  }
0xf: {  	[smem:$0x3FA5] =	sst s7  }
0x10: {  	[smem:$0x3FA6] =	sst s8  }
0x11: {  	[smem:$0x3FA7] =	sst s9;
	s0 =	simm.s32 @!p0 $0x0  }
0x12: {  	s1 =	sld [smem:$0x3F8D];
	s0 =	simm.s32 @p0 $0x1  }
0x13: {  	[smem:$0x3FA8] =	sst s0;
	s0 =	simm.s32 @!p1 $0x0  }
0x14: {  	s2 =	sld [smem:$0x3F8C];
	s0 =	simm.s32 @p1 $0x1  }
0x15: {  	[smem:$0x3FA9] =	sst s0;
	s0 =	simm.s32 @!p2 $0x0  }
0x16: {  	s3 =	sld [smem:$0x3FDB];
	s0 =	simm.s32 @p2 $0x1  }
0x17: {  	s4 =	simm.s32 $0x1BF5;
	[smem:$0x3FAB] =	sst s0  }
0x18: {  	s0 =	sld [smem:$0x3F8E];
	_ =	swait.ge [sflag:s4], $0x0  }
0x19: {  	s7 =	sld [smem:$0x3F8F]  }
0x1a: {  	s8 =	sadd.s32 $0xFFFFE003, lr  }
0x1b: {  	s9 =	sadd.s32 $0xFFFFFEF7, lr;
	s5 =	simm.s32 $0xFFFFFFFF;
	p2 =	slt.u32 s8, $0xFFFFF086  }
0x1c: {  	p1 =	slt.u32 s9, $0xF7A;
	s5 =	simm.s32 @!p2 $0x0  }
0x1d: {  	s5 =	simm.s32 @p1 $0x1;
	p0 =	seq.s32 s7, s2  }
0x1e: {  	s7 =	smul.u32 @!p0 $0xF7A, s2;
	p2 =	seq.s32 @!p0 s5, $0x0  }
0x1f: {  	s9 =	smul.u32 $0xF7A, s1;
	s8 =	simm.s32 @!p0 $0x1BF5;
	p2 =	por !p2, p0  }
0x20: {  	[sflag:s8] =	ssyncset.s32 @!p0 $0xFFFFF086;
	s6 =	sadd.s32 @!p0 s3, s7;
	s7 =	simm.s32 @!p0 $0x108  }
0x21: {  	s3 =	sadd.s32 s3, s9;
	s6 =	sadd.s32 @!p0 $0x88, s6;
	s7 =	simm.s32 @p2 $0x1082  }
0x22: {  	[simem:s7], [sflag:s8] =	dma.local @!p0 [hbm:s6], $0xF7A  }
0x23: {  	s9 =	sor.u32 $0xD0000000, s2;
	s6 =	simm.s32 $0x108;
	_ =	swait.ge @!p0 [sflag:s8], $0x0  }
0x24: {  	s3 =	sadd.s32 $0x88, s3;
	s6 =	simm.s32 @!p1 $0x1082;
	[sflag:s4] =	ssyncset.s32 $0xFFFFF086  }
0x25: {  	[simem:s6], [sflag:s4] =	dma.local [hbm:s3], $0xF7A  }
0x26: {  	[smem:$0x3F8F] =	sst s1;
	(tag) =	ssettag s2;
	_ =	strace s9  }
0x27: {  	s1 =	sld [smem:$0x3F9F]  }
0x28: {  	s2 =	sld [smem:$0x3FA0]  }
0x29: {  	s4 =	sld [smem:$0x3FA2]  }
0x2a: {  	p0 =	seq.s32 s5, $0x0;
	s5 =	sld [smem:$0x3FA3]  }
0x2b: {  	s6 =	sld [smem:$0x3FA4]  }
0x2c: {  	s7 =	sld [smem:$0x3FA5]  }
0x2d: {  	s3 =	simm.s32 $0x108;
	s8 =	sld [smem:$0x3FA6]  }
0x2e: {  	s3 =	simm.s32 @!p0 $0x1082;
	s9 =	sld [smem:$0x3FA7]  }
0x2f: {  	lr =	sadd.s32 s0, s3;
	s0 =	sld [smem:$0x3F9E]  }
0x30: {  	s3 =	sld [smem:$0x3FA1]  }
0x31: {  	[smem:$0x3FAA] =	sst s10  }
0x32: {  	s10 =	sld [smem:$0x3FA8];
	_ =	sdelay $0x3  }
0x33: {  	p0 =	seq.s32 s10, $0x1;
	s10 =	sld [smem:$0x3FAA];
	_ =	sdelay $0x3  }
0x34: {  	[smem:$0x3FAA] =	sst s10  }
0x35: {  	s10 =	sld [smem:$0x3FA9];
	_ =	sdelay $0x3  }
0x36: {  	p1 =	seq.s32 s10, $0x1;
	s10 =	sld [smem:$0x3FAA];
	_ =	sdelay $0x3  }
0x37: {  	[smem:$0x3FAA] =	sst s10  }
0x38: {  	s10 =	sld [smem:$0x3FAB]  }
0x39: {  	_ = 	snop;
	(pc) =	sbr.ind lr, $3  }
0x3a: {  	_ = 	snop  }
0x3b: {  	_ = 	snop  }
0x3c: {  	p2 =	seq.s32 s10, $0x1;
	s10 =	sld [smem:$0x3FAA]  }
0x3d: {  	_ =	shalt  }
0x3e: {  	_ =	shalt  }
0x3f: {  	_ =	shalt  }
0x40: {  	_ =	shalt  }
0x41: {  	_ =	shalt  }
0x42: {  	_ =	shalt  }
0x43: {  	_ =	shalt  }
0x44: {  	_ =	shalt  }
0x45: {  	_ =	shalt  }
0x46: {  	_ =	shalt  }
0x47: {  	_ =	shalt  }
0x48: {  	_ =	shalt  }
0x49: {  	_ =	shalt  }
0x4a: {  	_ =	shalt  }
0x4b: {  	_ =	shalt  }
0x4c: {  	_ =	shalt  }
0x4d: {  	_ =	shalt  }
0x4e: {  	_ =	shalt  }
0x4f: {  	_ =	shalt  }
0x50: {  	_ =	shalt  }
0x51: {  	_ =	shalt  }
0x52: {  	_ =	shalt  }
0x53: {  	_ =	shalt  }
0x54: {  	_ =	shalt  }
0x55: {  	_ =	shalt  }
0x56: {  	_ =	shalt  }
0x57: {  	_ =	shalt  }
0x58: {  	_ =	shalt  }
0x59: {  	_ =	shalt  }
0x5a: {  	_ =	shalt  }
0x5b: {  	_ =	shalt  }
0x5c: {  	_ =	shalt  }
0x5d: {  	_ =	shalt  }
0x5e: {  	_ =	shalt  }
0x5f: {  	_ =	shalt  }
0x60: {  	_ =	shalt  }
0x61: {  	_ =	shalt  }
0x62: {  	_ =	shalt  }
0x63: {  	_ =	shalt  }
0x64: {  	_ =	shalt  }
0x65: {  	_ =	shalt  }
0x66: {  	_ =	shalt  }
0x67: {  	_ =	shalt  }
0x68: {  	_ =	shalt  }
0x69: {  	_ =	shalt  }
0x6a: {  	_ =	shalt  }
0x6b: {  	_ =	shalt  }
0x6c: {  	_ =	shalt  }
0x6d: {  	_ =	shalt  }
0x6e: {  	_ =	shalt  }
0x6f: {  	_ =	shalt  }
0x70: {  	_ =	shalt  }
0x71: {  	_ =	shalt  }
0x72: {  	_ =	shalt  }
0x73: {  	_ =	shalt  }
0x74: {  	_ =	shalt  }
0x75: {  	_ =	shalt  }
0x76: {  	_ =	shalt  }
0x77: {  	_ =	shalt  }
0x78: {  	_ =	shalt  }
0x79: {  	_ =	shalt  }
0x7a: {  	_ =	shalt  }
0x7b: {  	_ =	shalt  }
0x7c: {  	_ =	shalt  }
0x7d: {  	_ =	shalt  }
0x7e: {  	_ =	shalt  }
0x7f: {  	_ =	shalt  }
0x80: {  	_ =	shalt  }
0x81: {  	_ =	shalt  }
0x82: {  	_ =	shalt  }
0x83: {  	_ =	shalt  }
0x84: {  	_ =	shalt  }
0x85: {  	_ =	shalt  }
0x86: {  	_ =	shalt  }
0x87: {  	_ =	shalt  }
.Lfunc_end0:
.L_simem_size_0:
called_computation_lowered:
.L_overlay_start_0:
0x88: {  	s2 =	sld [smem:$0x3FD9]  }
0x89: {  	s3 =	sld [smem:$0x3FFE];
	_ =	sdelay $0x1  }
0x8a: {  	s1 =	srdreg.scid  }
0x8b: {  	s0 =	sand.u32 $0x1, s1  }
0x8c: {  	s17 =	sshll.u32 s0, $0xA;
	s2 =	sadd.s32 s3, s2  }
0x8d: {  	s2 =	sadd.s32 s2, s17  }
0x8e: {  	[smem:$0x3FB6] =	sst s2  }
0x8f: {  	_ = 	snop  }
0x90: {  	s2 =	sld [smem:$0x3FC7];
	(tm) =	ssettm $0x1  }
0x91: {  	s18 =	sld [smem:$0x3FFB];
	_ =	sdelay $0x3  }
0x92: {  	_ =	strace s18  }
0x93: {  	s3 =	sld [smem:$0x3FFC];
	_ =	sdelay $0x3  }
0x94: {  	_ =	strace s3  }
0x95: {  	s3 =	sld [smem:$0x3FFD];
	_ =	sdelay $0x3  }
0x96: {  	_ =	strace s3  }
0x97: {  	_ =	strace $0x8FFFFFFF  }
0x98: {  	s19 =	sld [smem:$0x3FDB];
	_ =	sdelay $0x1  }
0x99: {  	s4 =	simm.s32 $_scs_section_size  }
0x9a: {  	s5 =	simm.s32 $_size__tile_overlayer_lowered;
	s6 =	simm.s32 $_tile_overlayer_lowered  }
0x9b: {  	s22 =	simm.s32 $0x1BFF;
	s21 =	sshll.u32 s6, $0x1;
	s3 =	sadd.s32 s4, s19  }
0x9c: {  	s7 =	simm.s32 $0x0;
	s20 =	sshll.u32 s5, $0x1;
	s5 =	sadd.s32 s21, s3  }
0x9d: {  	[timem:s7], [sflag:s22] =	dma.local [hbm:s5], s20  }
0x9e: {  	_ =	swait.ge [sflag:s22], s20  }
0x9f: {  	s4 =	ssub.s32 $0x0, s20;
	[sflag:s22] =	ssyncset.done $0x0  }
0xa0: {  	[sflag:s22] =	ssyncadd.s32 s4;
	_ =	sdelay $0x1  }
0xa1: {  	s23 =	simm.s32 $0x1B8B  }
0xa2: {  	_ =	swait.ge [sflag:s23], $0x1  }
0xa3: {  	[sflag:s23] =	ssyncset.done $0x0  }
0xa4: {  	s25 =	simm.s32 $0x1B8E;
	s24 =	sld [smem:$0x3FFE];
	[sflag:s23] =	ssyncadd.s32 $0xFFFFFFFF  }
0xa5: {  	s26 =	simm.s32 $execute0_lowered;
	[smem:$0x3FD2] =	sst s25  }
0xa6: {  	s5 =	sshll.u32 s26, $0x1;
	_ =	strace $0x80000046;
	[dreg:$0x1] =	wrdreg $0xFFFFFFFF  }
0xa7: {  	s28 =	simm.s32 $_size_execute0_lowered;
	s3 =	sadd.s32 s3, s5;
	[dreg:$0x0] =	wrdreg $0x0  }
0xa8: {  	s5 =	sshll.u32 s28, $0x1;
	[dreg:$0x2] =	wrdreg s3  }
0xa9: {  	[dreg:$0x3] =	wrdreg s5  }
0xaa: {  	[dreg:$0x4] =	wrdreg $0xC0  }
0xab: {  	_ =	task [dreg:s7], $0x5FFFF  }
0xac: {  	[dreg:$0x1] =	wrdreg $0xFFFFFFFF  }
0xad: {  	[dreg:$0x0] =	wrdreg $0x60  }
0xae: {  	[dreg:$0x2] =	wrdreg s2  }
0xaf: {  	[dreg:$0x3] =	wrdreg s24  }
0xb0: {  	[dreg:$0x4] =	wrdreg $0x9  }
0xb1: {  	_ =	task.clear_ibuf [dreg:s7], $0x5FFFF;
	_ =	strace $0x90000046  }
0xb2: {  	s29 =	simm.s32 $0x9;
	_ =	strace $0x80000048  }
0xb3: {  	_ =	swait.ge [sflag:s29], $0x1  }
0xb4: {  	[sflag:s29] =	ssyncadd.s32 $0xFFFFFFFF  }
0xb5: {  	_ =	strace $0x90000048  }
0xb6: {  	_ =	sfence  }
0xb7: {  	s30 =	sld [smem:$0x0];
	_ =	sdelay $0x2  }
0xb8: {  	s31 =	sshll.u32 s1, $0xD;
	s1 =	sshrl.u32 s1, $0x2  }
0xb9: {  	s3 =	sand.u32 $0x4000, s31;
	s1 =	sadd.s32 s1, s30  }
0xba: {  	s0 =	sor.u32 s3, s0;
	s1 =	sshll.u32 s1, $0x11  }
0xbb: {  	s0 =	sor.u32 s1, s0  }
0xbc: {  	s0 =	sadd.s32 $0x8F2B, s0  }
0xbd: {  	[sflag:s0] =	ssyncadd.remote.s32 $0x1  }
0xbe: {  	_ =	sfence.sel $0xFFFF  }
0xbf: {  	[dreg:$0x0] =	wrdreg $0xFFFFFFFF;
	(pc) =	sbr.abs _section_cstart, $3  }
0xc0: {  	[dreg:$0x1] =	wrdreg $0xFFFFFFFF  }
0xc1: {  	_ =	task.clear_ibuf [dreg:s7], $0x2FFFF;
	_ =	strace $0x9FFFFFFF  }
0xc2: {  	(tm) =	ssettm $0x7FFFFFFF  }
0xc3: {  	_ =	shalt  }
tec
execute0_lowered:
.L_overlay_start_1:
0x0: {  	(tag) =	ssettag $0x1  }
0x1: {  	s1 =	srdreg.scid;
	s3 =	rddreg [dreg:$0x0]  }
0x2: {  	s0 =	stileid.u32;
	s5 =	rddreg [dreg:$0x1]  }
0x3: {  	s2 =	simm.s32 $0x0;
	s4 =	sand.u32 $0x1, s1;
	s30 =	sshll.u32 s0, $0x1  }
0x4: {  	s10 =	simm.s32 $0x1;
	s11 =	simm.s32 $0x800;
	s6 =	sor.u32 s4, s30  }
0x5: {  	s12 =	simm.s32 $0x0;
	s1 =	rddreg [dreg:$0x2];
	s7 =	smul.u32 $0x2710, s6  }
0x6: {  	[smem:$0x7FF] =	sst s2;
	s4 =	ssub.s32 $0x2, s4;
	s6 =	smul.u32 $0x4E2, s6  }
0x7: {  	_ =	strace $0x80000047;
	s8 =	sshrl.u32 s4, $0x1;
	s7 =	sshrl.u32 s7, $0x3  }
0x8: {  	s31 =	ssub.s32 s4, s8;
	s5 =	sadd.s32 s6, s5;
	s3 =	sadd.s32 s3, s7  }
0x9: {  	s4 =	sadd.s32 $0x5200, s5;
	s5 =	smax.u32 s31, $0x1;
	s6 =	sadd.s32 $0xFA, s3  }
0xa: {  	v0 =	vimm.f32 $0.0e+00;
	v1 =	vimm.f32 $1.000000000e+00;
	s7 =	sadd.s32 $0x1F4, s3;
	s8 =	sadd.s32 $0x2EE, s3;
	s9 =	sadd.s32 $0x3E8, s3  }
.LBB2_1:
0xb: {  	s13 =	simm.s32 $0x40;
	s14 =	simm.s32 $0x0  }
.LBB2_2:
0xc: {  	p0 =	sne.s32 s13, $0x9C00;
	[tilespmem:s14+$0x800] =	vst v0;
	s14 =	smov.u32 s13;
	s13 =	sadd.s32 $0x40, s13  }
.Ltmp0:
0xd: {  	(pc) =	sbr.rel @p0 .LBB2_2-.Ltmp0, $2  }
0xe: {  	_ =	sdelay $0x2  }
0xf: {  	s14 =	sshra.s32 s14, $0x2  }
0x10: {  	[tilespmem:s14+$0x800] =	vst v0;
	s13 =	simm.s32 $0x0  }
0x11: {  	[tilespmem:s13], [sflag:$0x1] =	stream.linear.gather [hbm4b:s3+s13], $0x7D0, $0x38;
	[tilespmem:$0x2F80] =	vst v63  }
0x12: {  	_ =	swait.ge [sflag:s10], $0x7D0  }
0x13: {  	[sflag:s10] =	ssyncset.done $0x0  }
0x14: {  	s14 =	simm.s32 $0x0;
	s13 =	simm.s32 $0x40;
	[sflag:s10] =	ssyncadd.s32 $0xFFFFF830  }
.LBB2_4:
0x15: {  	p0 =	sne.s32 s13, $0x1F00;
	v2 =	vld [tilespmem:s14+$0x0];
	_ =	sdelay $0x3  }
.Ltmp1:
0x16: {  	(pc) =	sbr.rel @p0 .LBB2_4-.Ltmp1, $2  }
0x17: {  	_ =	sdelay $0x2  }
0x18: {  	s14 =	sshra.s32 s13, $0x2;
	s13 =	sadd.s32 $0x40, s13;
	[tilespmem:v2+s11+$0x0] =	vst.idx.add.f32.msk $0xffff, v1  }
0x19: {  	v2 =	vld [tilespmem:s14+$0x0];
	_ =	sdelay $0x7  }
0x1a: {  	s13 =	simm.s32 $0x0;
	[tilespmem:v2+s11+$0x0] =	vst.idx.add.f32.msk $0xffff, v1  }
0x1b: {  	[tilespmem:s13], [sflag:$0x1] =	stream.linear.gather [hbm4b:s6+s13], $0x7D0, $0x38;
	[tilespmem:$0x2F80] =	vst v63  }
0x1c: {  	_ =	swait.ge [sflag:s10], $0x7D0  }
0x1d: {  	[sflag:s10] =	ssyncset.done $0x0  }
0x1e: {  	s14 =	simm.s32 $0x0;
	s13 =	simm.s32 $0x40;
	[sflag:s10] =	ssyncadd.s32 $0xFFFFF830  }
.LBB2_6:
0x1f: {  	p0 =	sne.s32 s13, $0x1F00;
	v2 =	vld [tilespmem:s14+$0x0];
	_ =	sdelay $0x3  }
.Ltmp2:
0x20: {  	(pc) =	sbr.rel @p0 .LBB2_6-.Ltmp2, $2  }
0x21: {  	_ =	sdelay $0x2  }
0x22: {  	s14 =	sshra.s32 s13, $0x2;
	s13 =	sadd.s32 $0x40, s13;
	[tilespmem:v2+s11+$0x0] =	vst.idx.add.f32.msk $0xffff, v1  }
0x23: {  	v2 =	vld [tilespmem:s14+$0x0];
	_ =	sdelay $0x7  }
0x24: {  	s13 =	simm.s32 $0x0;
	[tilespmem:v2+s11+$0x0] =	vst.idx.add.f32.msk $0xffff, v1  }
0x25: {  	[tilespmem:s13], [sflag:$0x1] =	stream.linear.gather [hbm4b:s7+s13], $0x7D0, $0x38;
	[tilespmem:$0x2F80] =	vst v63  }
0x26: {  	_ =	swait.ge [sflag:s10], $0x7D0  }
0x27: {  	[sflag:s10] =	ssyncset.done $0x0  }
0x28: {  	s14 =	simm.s32 $0x0;
	s13 =	simm.s32 $0x40;
	[sflag:s10] =	ssyncadd.s32 $0xFFFFF830  }
.LBB2_8:
0x29: {  	p0 =	sne.s32 s13, $0x1F00;
	v2 =	vld [tilespmem:s14+$0x0];
	_ =	sdelay $0x3  }
.Ltmp3:
0x2a: {  	(pc) =	sbr.rel @p0 .LBB2_8-.Ltmp3, $2  }
0x2b: {  	_ =	sdelay $0x2  }
0x2c: {  	s14 =	sshra.s32 s13, $0x2;
	s13 =	sadd.s32 $0x40, s13;
	[tilespmem:v2+s11+$0x0] =	vst.idx.add.f32.msk $0xffff, v1  }
0x2d: {  	v2 =	vld [tilespmem:s14+$0x0];
	_ =	sdelay $0x7  }
0x2e: {  	s13 =	simm.s32 $0x0;
	[tilespmem:v2+s11+$0x0] =	vst.idx.add.f32.msk $0xffff, v1  }
0x2f: {  	[tilespmem:s13], [sflag:$0x1] =	stream.linear.gather [hbm4b:s8+s13], $0x7D0, $0x38;
	[tilespmem:$0x2F80] =	vst v63  }
0x30: {  	_ =	swait.ge [sflag:s10], $0x7D0  }
0x31: {  	[sflag:s10] =	ssyncset.done $0x0  }
0x32: {  	s14 =	simm.s32 $0x0;
	s13 =	simm.s32 $0x40;
	[sflag:s10] =	ssyncadd.s32 $0xFFFFF830  }
.LBB2_10:
0x33: {  	p0 =	sne.s32 s13, $0x1F00;
	v2 =	vld [tilespmem:s14+$0x0];
	_ =	sdelay $0x3  }
.Ltmp4:
0x34: {  	(pc) =	sbr.rel @p0 .LBB2_10-.Ltmp4, $2  }
0x35: {  	_ =	sdelay $0x2  }
0x36: {  	s14 =	sshra.s32 s13, $0x2;
	s13 =	sadd.s32 $0x40, s13;
	[tilespmem:v2+s11+$0x0] =	vst.idx.add.f32.msk $0xffff, v1  }
0x37: {  	v2 =	vld [tilespmem:s14+$0x0];
	_ =	sdelay $0x7  }
0x38: {  	s13 =	simm.s32 $0x0;
	[tilespmem:v2+s11+$0x0] =	vst.idx.add.f32.msk $0xffff, v1  }
0x39: {  	[tilespmem:s13], [sflag:$0x1] =	stream.linear.gather [hbm4b:s9+s13], $0x7D0, $0x38;
	[tilespmem:$0x2F80] =	vst v63  }
0x3a: {  	_ =	swait.ge [sflag:s10], $0x7D0  }
0x3b: {  	[sflag:s10] =	ssyncset.done $0x0  }
0x3c: {  	s14 =	simm.s32 $0x0;
	s13 =	simm.s32 $0x40;
	[sflag:s10] =	ssyncadd.s32 $0xFFFFF830  }
.LBB2_12:
0x3d: {  	p0 =	sne.s32 s13, $0x1F00;
	v2 =	vld [tilespmem:s14+$0x0];
	_ =	sdelay $0x3  }
.Ltmp5:
0x3e: {  	(pc) =	sbr.rel @p0 .LBB2_12-.Ltmp5, $2  }
0x3f: {  	_ =	sdelay $0x2  }
0x40: {  	s14 =	sshra.s32 s13, $0x2;
	s13 =	sadd.s32 $0x40, s13;
	[tilespmem:v2+s11+$0x0] =	vst.idx.add.f32.msk $0xffff, v1  }
0x41: {  	v2 =	vld [tilespmem:s14+$0x0];
	_ =	sdelay $0x5  }
0x42: {  	s12 =	sadd.s32 $0x1, s12  }
0x43: {  	p0 =	sne.s32 s12, s5  }
.Ltmp6:
0x44: {  	[tilespmem:v2+s11+$0x0] =	vst.idx.add.f32.msk $0xffff, v1;
	(pc) =	sbr.rel @p0 .LBB2_1-.Ltmp6, $4  }
0x45: {  	[hbm4b:s4+s2] =	stream.linear.scatter [tilespmem:s11], [sflag:$0x1], $0x2710, $0x38;
	[tilespmem:$0x2F80] =	vst v63  }
0x46: {  	_ =	swait.ge [sflag:s10], $0x2710  }
0x47: {  	[sflag:s10] =	ssyncset.done $0x0  }
0x48: {  	[sflag:s10] =	ssyncadd.s32 $0xFFFFD8F0  }
0x49: {  	_ =	sfence.sel $0x180000  }
0x4a: {  	[bflag:$0x0] =	sbarrier.arrive $0xFFFF  }
0x4b: {  	p0 =	sne.s32 s0, $0x0;
	_ =	strace $0x90000047  }
0x4c: {  	s0 =	sadd.s32 @!p0 $0x100000, s1;
	[bflag:$0x2] =	sbarrier.arrive $0xFFFF  }
0x4d: {  	[sflag:s0] =	ssyncadd.tile.s32 @!p0 $0x1;
	_ =	shalt  }
.Lfunc_end2:
_tile_overlayer_lowered:
.L_overlay_start_2:
0x4e: {  	(tag) =	ssettag $0x2  }
0x4f: {  	s0 =	rddreg [dreg:$0x0];
	s2 =	stileid.u32  }
0x50: {  	s1 =	rddreg [dreg:$0x1];
	p0 =	sne.s32 s2, $0x0  }
0x51: {  	s3 =	rddreg [dreg:$0x2];
	[bflag:$0x3] =	sbarrier.arrive $0xFFFF;
	s2 =	simm.s32 @!p0 $0x1C01  }
0x52: {  	[timem:s3], [sflag:s2] =	dma.local @!p0 [hbm:s0], s1  }
0x53: {  	s0 =	simm.s32 @!p0 $0x1  }
0x54: {  	_ =	swait.ge @!p0 [sflag:s0], s1  }
0x55: {  	s1 =	ssub.s32 @!p0 $0x0, s1;
	[sflag:s0] =	ssyncset.done @!p0 $0x0  }
0x56: {  	[sflag:s0] =	ssyncadd.s32 @!p0 s1  }
0x57: {  	[bflag:$0x3] =	sbarrier.arrive $0xFFFF  }
0x58: {  	_ =	shalt  }

// kernel: kernel.14.cloned.1.call-start
scs
__scs_entry_jumppad:
0x0: {  	(pc) =	sbr.rel $0x88, $3  }
0x1: {  	(tag) =	ssettag $0x0;
	lr =	simm.s32 $0x1  }
0x2: {  	[smem:$0x3F8F] =	sst lr;
	_ =	strace $0xD0000000  }
0x3: {  	_ = 	snop  }
0x4: {  	_ = 	snop  }
0x5: {  	_ = 	snop  }
0x6: {  	_ = 	snop  }
0x7: {  	_ = 	snop  }
__scs_overlays_trampoline_lowered:
0x8: {  	[smem:$0x3F9E] =	sst s0  }
0x9: {  	[smem:$0x3F9F] =	sst s1  }
0xa: {  	[smem:$0x3FA0] =	sst s2  }
0xb: {  	[smem:$0x3FA1] =	sst s3  }
0xc: {  	[smem:$0x3FA2] =	sst s4  }
0xd: {  	[smem:$0x3FA3] =	sst s5  }
0xe: {  	[smem:$0x3FA4] =	sst s6  }
0xf: {  	[smem:$0x3FA5] =	sst s7  }
0x10: {  	[smem:$0x3FA6] =	sst s8  }
0x11: {  	[smem:$0x3FA7] =	sst s9;
	s0 =	simm.s32 @!p0 $0x0  }
0x12: {  	s1 =	sld [smem:$0x3F8D];
	s0 =	simm.s32 @p0 $0x1  }
0x13: {  	[smem:$0x3FA8] =	sst s0;
	s0 =	simm.s32 @!p1 $0x0  }
0x14: {  	s2 =	sld [smem:$0x3F8C];
	s0 =	simm.s32 @p1 $0x1  }
0x15: {  	[smem:$0x3FA9] =	sst s0;
	s0 =	simm.s32 @!p2 $0x0  }
0x16: {  	s3 =	sld [smem:$0x3FDB];
	s0 =	simm.s32 @p2 $0x1  }
0x17: {  	s4 =	simm.s32 $0x1BF5;
	[smem:$0x3FAB] =	sst s0  }
0x18: {  	s0 =	sld [smem:$0x3F8E];
	_ =	swait.ge [sflag:s4], $0x0  }
0x19: {  	s7 =	sld [smem:$0x3F8F]  }
0x1a: {  	s8 =	sadd.s32 $0xFFFFE003, lr  }
0x1b: {  	s9 =	sadd.s32 $0xFFFFFEF7, lr;
	s5 =	simm.s32 $0xFFFFFFFF;
	p2 =	slt.u32 s8, $0xFFFFF086  }
0x1c: {  	p1 =	slt.u32 s9, $0xF7A;
	s5 =	simm.s32 @!p2 $0x0  }
0x1d: {  	s5 =	simm.s32 @p1 $0x1;
	p0 =	seq.s32 s7, s2  }
0x1e: {  	s7 =	smul.u32 @!p0 $0xF7A, s2;
	p2 =	seq.s32 @!p0 s5, $0x0  }
0x1f: {  	s9 =	smul.u32 $0xF7A, s1;
	s8 =	simm.s32 @!p0 $0x1BF5;
	p2 =	por !p2, p0  }
0x20: {  	[sflag:s8] =	ssyncset.s32 @!p0 $0xFFFFF086;
	s6 =	sadd.s32 @!p0 s3, s7;
	s7 =	simm.s32 @!p0 $0x108  }
0x21: {  	s3 =	sadd.s32 s3, s9;
	s6 =	sadd.s32 @!p0 $0x88, s6;
	s7 =	simm.s32 @p2 $0x1082  }
0x22: {  	[simem:s7], [sflag:s8] =	dma.local @!p0 [hbm:s6], $0xF7A  }
0x23: {  	s9 =	sor.u32 $0xD0000000, s2;
	s6 =	simm.s32 $0x108;
	_ =	swait.ge @!p0 [sflag:s8], $0x0  }
0x24: {  	s3 =	sadd.s32 $0x88, s3;
	s6 =	simm.s32 @!p1 $0x1082;
	[sflag:s4] =	ssyncset.s32 $0xFFFFF086  }
0x25: {  	[simem:s6], [sflag:s4] =	dma.local [hbm:s3], $0xF7A  }
0x26: {  	[smem:$0x3F8F] =	sst s1;
	(tag) =	ssettag s2;
	_ =	strace s9  }
0x27: {  	s1 =	sld [smem:$0x3F9F]  }
0x28: {  	s2 =	sld [smem:$0x3FA0]  }
0x29: {  	s4 =	sld [smem:$0x3FA2]  }
0x2a: {  	p0 =	seq.s32 s5, $0x0;
	s5 =	sld [smem:$0x3FA3]  }
0x2b: {  	s6 =	sld [smem:$0x3FA4]  }
0x2c: {  	s7 =	sld [smem:$0x3FA5]  }
0x2d: {  	s3 =	simm.s32 $0x108;
	s8 =	sld [smem:$0x3FA6]  }
0x2e: {  	s3 =	simm.s32 @!p0 $0x1082;
	s9 =	sld [smem:$0x3FA7]  }
0x2f: {  	lr =	sadd.s32 s0, s3;
	s0 =	sld [smem:$0x3F9E]  }
0x30: {  	s3 =	sld [smem:$0x3FA1]  }
0x31: {  	[smem:$0x3FAA] =	sst s10  }
0x32: {  	s10 =	sld [smem:$0x3FA8];
	_ =	sdelay $0x3  }
0x33: {  	p0 =	seq.s32 s10, $0x1;
	s10 =	sld [smem:$0x3FAA];
	_ =	sdelay $0x3  }
0x34: {  	[smem:$0x3FAA] =	sst s10  }
0x35: {  	s10 =	sld [smem:$0x3FA9];
	_ =	sdelay $0x3  }
0x36: {  	p1 =	seq.s32 s10, $0x1;
	s10 =	sld [smem:$0x3FAA];
	_ =	sdelay $0x3  }
0x37: {  	[smem:$0x3FAA] =	sst s10  }
0x38: {  	s10 =	sld [smem:$0x3FAB]  }
0x39: {  	_ = 	snop;
	(pc) =	sbr.ind lr, $3  }
0x3a: {  	_ = 	snop  }
0x3b: {  	_ = 	snop  }
0x3c: {  	p2 =	seq.s32 s10, $0x1;
	s10 =	sld [smem:$0x3FAA]  }
0x3d: {  	_ =	shalt  }
0x3e: {  	_ =	shalt  }
0x3f: {  	_ =	shalt  }
0x40: {  	_ =	shalt  }
0x41: {  	_ =	shalt  }
0x42: {  	_ =	shalt  }
0x43: {  	_ =	shalt  }
0x44: {  	_ =	shalt  }
0x45: {  	_ =	shalt  }
0x46: {  	_ =	shalt  }
0x47: {  	_ =	shalt  }
0x48: {  	_ =	shalt  }
0x49: {  	_ =	shalt  }
0x4a: {  	_ =	shalt  }
0x4b: {  	_ =	shalt  }
0x4c: {  	_ =	shalt  }
0x4d: {  	_ =	shalt  }
0x4e: {  	_ =	shalt  }
0x4f: {  	_ =	shalt  }
0x50: {  	_ =	shalt  }
0x51: {  	_ =	shalt  }
0x52: {  	_ =	shalt  }
0x53: {  	_ =	shalt  }
0x54: {  	_ =	shalt  }
0x55: {  	_ =	shalt  }
0x56: {  	_ =	shalt  }
0x57: {  	_ =	shalt  }
0x58: {  	_ =	shalt  }
0x59: {  	_ =	shalt  }
0x5a: {  	_ =	shalt  }
0x5b: {  	_ =	shalt  }
0x5c: {  	_ =	shalt  }
0x5d: {  	_ =	shalt  }
0x5e: {  	_ =	shalt  }
0x5f: {  	_ =	shalt  }
0x60: {  	_ =	shalt  }
0x61: {  	_ =	shalt  }
0x62: {  	_ =	shalt  }
0x63: {  	_ =	shalt  }
0x64: {  	_ =	shalt  }
0x65: {  	_ =	shalt  }
0x66: {  	_ =	shalt  }
0x67: {  	_ =	shalt  }
0x68: {  	_ =	shalt  }
0x69: {  	_ =	shalt  }
0x6a: {  	_ =	shalt  }
0x6b: {  	_ =	shalt  }
0x6c: {  	_ =	shalt  }
0x6d: {  	_ =	shalt  }
0x6e: {  	_ =	shalt  }
0x6f: {  	_ =	shalt  }
0x70: {  	_ =	shalt  }
0x71: {  	_ =	shalt  }
0x72: {  	_ =	shalt  }
0x73: {  	_ =	shalt  }
0x74: {  	_ =	shalt  }
0x75: {  	_ =	shalt  }
0x76: {  	_ =	shalt  }
0x77: {  	_ =	shalt  }
0x78: {  	_ =	shalt  }
0x79: {  	_ =	shalt  }
0x7a: {  	_ =	shalt  }
0x7b: {  	_ =	shalt  }
0x7c: {  	_ =	shalt  }
0x7d: {  	_ =	shalt  }
0x7e: {  	_ =	shalt  }
0x7f: {  	_ =	shalt  }
0x80: {  	_ =	shalt  }
0x81: {  	_ =	shalt  }
0x82: {  	_ =	shalt  }
0x83: {  	_ =	shalt  }
0x84: {  	_ =	shalt  }
0x85: {  	_ =	shalt  }
0x86: {  	_ =	shalt  }
0x87: {  	_ =	shalt  }
.Lfunc_end0:
.L_simem_size_0:
called_computation.1_lowered:
.L_overlay_start_0:
0x88: {  	s2 =	sld [smem:$0x3FD9]  }
0x89: {  	s3 =	sld [smem:$0x3FFE];
	_ =	sdelay $0x1  }
0x8a: {  	s1 =	srdreg.scid  }
0x8b: {  	s0 =	sand.u32 $0x1, s1  }
0x8c: {  	s16 =	sshll.u32 s0, $0xA;
	s2 =	sadd.s32 s3, s2  }
0x8d: {  	s2 =	sadd.s32 s2, s16  }
0x8e: {  	[smem:$0x3FB6] =	sst s2  }
0x8f: {  	_ = 	snop  }
0x90: {  	(tm) =	ssettm $0x1  }
0x91: {  	s17 =	sld [smem:$0x3FFB];
	_ =	sdelay $0x3  }
0x92: {  	_ =	strace s17  }
0x93: {  	s2 =	sld [smem:$0x3FFC];
	_ =	sdelay $0x3  }
0x94: {  	_ =	strace s2  }
0x95: {  	s2 =	sld [smem:$0x3FFD];
	_ =	sdelay $0x3  }
0x96: {  	_ =	strace s2  }
0x97: {  	_ =	strace $0x8FFFFFFF  }
0x98: {  	s18 =	sld [smem:$0x3FDB];
	_ =	sdelay $0x1  }
0x99: {  	s19 =	simm.s32 $_scs_section_size  }
0x9a: {  	s4 =	simm.s32 $_size__tile_overlayer_lowered;
	s5 =	simm.s32 $_tile_overlayer_lowered  }
0x9b: {  	s22 =	simm.s32 $0x1BFF;
	s21 =	sshll.u32 s5, $0x1;
	s2 =	sadd.s32 s19, s18  }
0x9c: {  	s6 =	simm.s32 $0x0;
	s20 =	sshll.u32 s4, $0x1;
	s4 =	sadd.s32 s21, s2  }
0x9d: {  	[timem:s6], [sflag:s22] =	dma.local [hbm:s4], s20  }
0x9e: {  	_ =	swait.ge [sflag:s22], s20  }
0x9f: {  	s3 =	ssub.s32 $0x0, s20;
	[sflag:s22] =	ssyncset.done $0x0  }
0xa0: {  	[sflag:s22] =	ssyncadd.s32 s3;
	_ =	sdelay $0x1  }
0xa1: {  	s23 =	simm.s32 $0x1B8B  }
0xa2: {  	_ =	swait.ge [sflag:s23], $0x1  }
0xa3: {  	[sflag:s23] =	ssyncset.done $0x0  }
0xa4: {  	s25 =	simm.s32 $0x1B8E;
	s24 =	sld [smem:$0x3FFE];
	[sflag:s23] =	ssyncadd.s32 $0xFFFFFFFF  }
0xa5: {  	s26 =	simm.s32 $execute0_lowered;
	[smem:$0x3FD2] =	sst s25  }
0xa6: {  	s4 =	sshll.u32 s26, $0x1;
	_ =	strace $0x80000049;
	[dreg:$0x1] =	wrdreg $0xFFFFFFFF  }
0xa7: {  	s28 =	simm.s32 $_size_execute0_lowered;
	s2 =	sadd.s32 s2, s4;
	[dreg:$0x0] =	wrdreg $0x0  }
0xa8: {  	s4 =	sshll.u32 s28, $0x1;
	[dreg:$0x2] =	wrdreg s2  }
0xa9: {  	[dreg:$0x3] =	wrdreg s4  }
0xaa: {  	[dreg:$0x4] =	wrdreg $0xC0  }
0xab: {  	_ =	task [dreg:s6], $0x5FFFF  }
0xac: {  	[dreg:$0x1] =	wrdreg $0xFFFFFFFF  }
0xad: {  	[dreg:$0x0] =	wrdreg $0x60  }
0xae: {  	[dreg:$0x2] =	wrdreg s24  }
0xaf: {  	[dreg:$0x3] =	wrdreg $0xA8000  }
0xb0: {  	[dreg:$0x4] =	wrdreg $0x9  }
0xb1: {  	_ =	task.clear_ibuf [dreg:s6], $0x5FFFF;
	_ =	strace $0x90000049  }
0xb2: {  	s29 =	simm.s32 $0x9;
	_ =	strace $0x8000004B  }
0xb3: {  	_ =	swait.ge [sflag:s29], $0x1  }
0xb4: {  	[sflag:s29] =	ssyncadd.s32 $0xFFFFFFFF  }
0xb5: {  	_ =	strace $0x9000004B  }
0xb6: {  	_ =	sfence  }
0xb7: {  	s30 =	sld [smem:$0x0];
	_ =	sdelay $0x2  }
0xb8: {  	s31 =	sshll.u32 s1, $0xD;
	s1 =	sshrl.u32 s1, $0x2  }
0xb9: {  	s3 =	sand.u32 $0x4000, s31;
	s1 =	sadd.s32 s1, s30  }
0xba: {  	s0 =	sor.u32 s3, s0;
	s1 =	sshll.u32 s1, $0x11  }
0xbb: {  	s0 =	sor.u32 s1, s0  }
0xbc: {  	s0 =	sadd.s32 $0x8F2B, s0  }
0xbd: {  	[sflag:s0] =	ssyncadd.remote.s32 $0x1  }
0xbe: {  	_ =	sfence.sel $0xFFFF  }
0xbf: {  	[dreg:$0x0] =	wrdreg $0xFFFFFFFF;
	(pc) =	sbr.abs _section_cstart, $3  }
0xc0: {  	[dreg:$0x1] =	wrdreg $0xFFFFFFFF  }
0xc1: {  	_ =	task.clear_ibuf [dreg:s6], $0x2FFFF;
	_ =	strace $0x9FFFFFFF  }
0xc2: {  	(tm) =	ssettm $0x7FFFFFFF  }
0xc3: {  	_ =	shalt  }
tec
execute0_lowered:
.L_overlay_start_1:
0x0: {  	(tag) =	ssettag $0x1  }
0x1: {  	s0 =	rddreg [dreg:$0x0]  }
0x2: {  	s1 =	rddreg [dreg:$0x1]  }
0x3: {  	s2 =	simm.s32 $0x0;
	s3 =	srdreg.scid;
	s8 =	stileid.u32  }
0x4: {  	s28 =	simm.s32 $0x2;
	s29 =	simm.s32 $0x4;
	s30 =	simm.s32 $0x2700  }
0x5: {  	s31 =	simm.s32 $0x2780;
	[smem:$0x7FF] =	sst s2;
	s4 =	sadd.s32 $0x23000, s0  }
0x6: {  	s10 =	sadd.s32 $0x19000, s0;
	s3 =	sand.u32 $0x1, s3;
	s11 =	smul.u32 $0x280, s8  }
0x7: {  	s13 =	sadd.s32 $0xF000, s0;
	s6 =	smul.u32 $0x50000, s8;
	s0 =	sadd.s32 $0x4A200, s0  }
0x8: {  	s8 =	sshll.u32 s8, $0x2;
	_ =	strace $0x8000004A;
	s5 =	ssub.s32 $0x2, s3  }
0x9: {  	s9 =	sshll.u32 s3, $0x1;
	s3 =	smul.u32 $0x2800, s3;
	s7 =	sshrl.u32 s5, $0x1  }
0xa: {  	s14 =	sadd.s32 $0x80, s11;
	s22 =	sshrl.u32 s6, $0x2;
	s16 =	sadd.s32 $0x100, s11  }
0xb: {  	s17 =	sadd.s32 $0x180, s11;
	s9 =	sor.u32 s9, s8;
	s18 =	sadd.s32 $0x200, s11  }
0xc: {  	s19 =	ssub.s32 s5, s7;
	s23 =	sshll.u32 s14, $0x7;
	s5 =	sadd.s32 s22, s1  }
0xd: {  	s24 =	sshll.u32 s16, $0x7;
	s25 =	sshll.u32 s17, $0x7;
	s12 =	smul.u32 $0x1400, s9  }
0xe: {  	s15 =	sshll.u32 s18, $0x7;
	s20 =	smul.u32 $0x280, s9;
	s22 =	sadd.s32 s11, s3  }
0xf: {  	s6 =	sadd.s32 s23, s1;
	s7 =	sadd.s32 s24, s1;
	s8 =	sadd.s32 s25, s1  }
0x10: {  	s9 =	sadd.s32 s15, s1;
	s23 =	sadd.s32 s3, s14;
	s24 =	sadd.s32 s3, s16  }
0x11: {  	s25 =	sadd.s32 s3, s17;
	s3 =	sadd.s32 s3, s18;
	s19 =	smax.u32 s19, $0x1  }
0x12: {  	s12 =	sshrl.u32 s12, $0x3;
	s26 =	sadd.s32 s10, s20;
	s20 =	sadd.s32 s13, s20  }
0x13: {  	s11 =	sshll.u32 s23, $0x4;
	s3 =	sshll.u32 s3, $0x4;
	[dreg:$0x3] =	wrdreg s26  }
0x14: {  	s23 =	simm.s32 $0x80;
	[dreg:$0x4] =	wrdreg s20;
	s21 =	sadd.s32 $0x280, s12  }
0x15: {  	s15 =	sadd.s32 s0, s11;
	s26 =	sshll.u32 s25, $0x4;
	s18 =	sadd.s32 s0, s3  }
0x16: {  	s20 =	simm.s32 $0x2800;
	s25 =	simm.s32 $0x1;
	s10 =	sadd.s32 s10, s21  }
0x17: {  	s13 =	sadd.s32 s13, s21;
	s17 =	sadd.s32 s0, s26;
	s21 =	simm.s32 $0x5  }
0x18: {  	s26 =	simm.s32 $0x3;
	[dreg:$0x5] =	wrdreg s10;
	s10 =	sshll.u32 s22, $0x4  }
0x19: {  	s22 =	simm.s32 $0x1400;
	s14 =	sadd.s32 s0, s10;
	s10 =	sshll.u32 s24, $0x4  }
0x1a: {  	v0 =	vimm.f32 $0.0e+00;
	s24 =	simm.s32 $0x6800;
	s16 =	sadd.s32 s0, s10;
	s0 =	simm.s32 $0x0  }
.LBB2_1:
0x1b: {  	s3 =	sand.u32 $0xFE00, s2  }
0x1c: {  	s10 =	sand.u32 $0x70, s2;
	s11 =	sshrl.u32 s3, $0x2  }
0x1d: {  	s3 =	simm.s32 $0x40;
	s11 =	sor.u32 s10, s11;
	s10 =	simm.s32 $0x0  }
.LBB2_2:
0x1e: {  	p0 =	sne.s32 s3, $0xFFC0  }
0x1f: {  	[tilespmem:s11+$0x2800] =	vst v0;
	s10 =	sadd.s32 $0x10, s10;
	s11 =	smov.u32 s3;
	s3 =	sadd.s32 $0x40, s3  }
.Ltmp0:
0x20: {  	(pc) =	sbr.rel @p0 .LBB2_2-.Ltmp0, $4  }
0x21: {  	_ = 	snop  }
0x22: {  	s11 =	sand.u32 $0xFE00, s11  }
0x23: {  	s12 =	sand.u32 $0x70, s10;
	s11 =	sshrl.u32 s11, $0x2  }
0x24: {  	s11 =	sor.u32 s12, s11  }
0x25: {  	[tilespmem:s11+$0x2800] =	vst v0  }
0x26: {  	[spmem:s5] =	stream.linear.scatter [tilespmem:s20], [sflag:$0x5], $0x4000, $0x38;
	[tilespmem:$0x1E800] =	vst v63  }
0x27: {  	_ =	swait.ge [sflag:s21], $0x4000  }
0x28: {  	[sflag:s21] =	ssyncset.done $0x0  }
0x29: {  	[sflag:s21] =	ssyncadd.s32 $0xFFFFC000  }
0x2a: {  	[spmem:s6] =	stream.linear.scatter [tilespmem:s20], [sflag:$0x5], $0x4000, $0x38;
	[tilespmem:$0x1E800] =	vst v63  }
0x2b: {  	_ =	swait.ge [sflag:s21], $0x4000  }
0x2c: {  	[sflag:s21] =	ssyncset.done $0x0  }
0x2d: {  	[sflag:s21] =	ssyncadd.s32 $0xFFFFC000  }
0x2e: {  	[spmem:s7] =	stream.linear.scatter [tilespmem:s20], [sflag:$0x5], $0x4000, $0x38;
	[tilespmem:$0x1E800] =	vst v63  }
0x2f: {  	_ =	swait.ge [sflag:s21], $0x4000  }
0x30: {  	[sflag:s21] =	ssyncset.done $0x0  }
0x31: {  	[sflag:s21] =	ssyncadd.s32 $0xFFFFC000  }
0x32: {  	[spmem:s8] =	stream.linear.scatter [tilespmem:s20], [sflag:$0x5], $0x4000, $0x38;
	[tilespmem:$0x1E800] =	vst v63  }
0x33: {  	_ =	swait.ge [sflag:s21], $0x4000  }
0x34: {  	[sflag:s21] =	ssyncset.done $0x0  }
0x35: {  	[sflag:s21] =	ssyncadd.s32 $0xFFFFC000  }
0x36: {  	[spmem:s9] =	stream.linear.scatter [tilespmem:s20], [sflag:$0x5], $0x4000, $0x38;
	[tilespmem:$0x1E800] =	vst v63  }
0x37: {  	_ =	swait.ge [sflag:s21], $0x4000  }
0x38: {  	[sflag:s21] =	ssyncset.done $0x0  }
0x39: {  	[sflag:s21] =	ssyncadd.s32 $0xFFFFC000  }
0x3a: {  	[bflag:$0x0] =	sbarrier.arrive $0xFFFF  }
0x3b: {  	s3 =	simm.s32 $0x0;
	s10 =	rddreg [dreg:$0x3]  }
0x3c: {  	[tilespmem:s3], [sflag:$0x5] =	stream.linear.gather [hbm4b:s10+s3], $0x1400, $0x38;
	[tilespmem:$0x1E800] =	vst v63  }
0x3d: {  	_ =	swait.ge [sflag:s21], $0x1400  }
0x3e: {  	[sflag:s21] =	ssyncset.done $0x0  }
0x3f: {  	s12 =	rddreg [dreg:$0x4];
	[sflag:s21] =	ssyncadd.s32 $0xFFFFEC00  }
0x40: {  	[tilespmem:s22], [sflag:$0x5] =	stream.linear.gather [hbm4b:s12+s3], $0x1400, $0x38;
	[tilespmem:$0x1E800] =	vst v63  }
0x41: {  	_ =	swait.ge [sflag:s21], $0x1400  }
0x42: {  	[sflag:s21] =	ssyncset.done $0x0  }
0x43: {  	[sflag:s21] =	ssyncadd.s32 $0xFFFFEC00  }
0x44: {  	[tilespmem:s20], [sflag:$0x1] =	stream.indirect.gather [hbm4b:s4+s23], $0x80, s3, s23, $0xb8;
	[tilespmem:$0x1E800] =	vst v63  }
0x45: {  	_ = 	snop  }
0x46: {  	[tilespmem:s24], [sflag:$0x2] =	stream.indirect.gather [hbm4b:s4+s23], $0x80, s23, s23, $0xb8;
	[tilespmem:$0x1E800] =	vst v63  }
0x47: {  	_ =	swait.ge [sflag:s25], $0x4000  }
0x48: {  	[sflag:s25] =	ssyncset.done $0x0  }
0x49: {  	s10 =	simm.s32 $0x1400;
	[sflag:s25] =	ssyncadd.s32 $0xFFFFC000  }
0x4a: {  	[spmem:s1] =	stream.indirect.scatter.add.f32 [tilespmem:s20], [sflag:$0x3], $0x80, s10, s23, $0xb8;
	[tilespmem:$0x1E800] =	vst v63  }
0x4b: {  	_ =	swait.ge [sflag:s26], $0x4000  }
0x4c: {  	[sflag:s26] =	ssyncset.done $0x0  }
0x4d: {  	s11 =	simm.s32 $0x100;
	[sflag:s26] =	ssyncadd.s32 $0xFFFFC000  }
0x4e: {  	[tilespmem:s20], [sflag:$0x1] =	stream.indirect.gather [hbm4b:s4+s23], $0x80, s11, s23, $0xb8;
	[tilespmem:$0x1E800] =	vst v63  }
0x4f: {  	_ =	swait.ge [sflag:s28], $0x4000  }
0x50: {  	[sflag:s28] =	ssyncset.done $0x0  }
0x51: {  	s12 =	simm.s32 $0x1480;
	[sflag:s28] =	ssyncadd.s32 $0xFFFFC000  }
0x52: {  	[spmem:s1] =	stream.indirect.scatter.add.f32 [tilespmem:s24], [sflag:$0x4], $0x80, s12, s23, $0xb8;
	[tilespmem:$0x1E800] =	vst v63  }
0x53: {  	_ =	swait.ge [sflag:s29], $0x4000  }
0x54: {  	[sflag:s29] =	ssyncset.done $0x0  }
0x55: {  	s3 =	simm.s32 $0x400;
	s10 =	simm.s32 $0x180;
	[sflag:s29] =	ssyncadd.s32 $0xFFFFC000  }
.LBB2_4:
0x56: {  	[tilespmem:s24], [sflag:$0x2] =	stream.indirect.gather [hbm4b:s4+s23], $0x80, s10, s23, $0xb8;
	[tilespmem:$0x1E800] =	vst v63  }
0x57: {  	s10 =	smov.u32 s3  }
0x58: {  	p0 =	sne.s32 s3, $0x4800;
	s3 =	sadd.s32 $0x400, s3;
	_ =	swait.ge [sflag:s25], $0x4000  }
0x59: {  	s10 =	sshra.s32 s10, $0x2;
	[sflag:s25] =	ssyncset.done $0x0  }
0x5a: {  	s11 =	sadd.s32 $0x1400, s10;
	[sflag:s25] =	ssyncadd.s32 $0xFFFFC000  }
0x5b: {  	[spmem:s1] =	stream.indirect.scatter.add.f32 [tilespmem:s20], [sflag:$0x3], $0x80, s11, s23, $0xb8;
	[tilespmem:$0x1E800] =	vst v63  }
0x5c: {  	_ =	swait.ge [sflag:s26], $0x4000  }
0x5d: {  	[sflag:s26] =	ssyncset.done $0x0  }
0x5e: {  	s11 =	sadd.s32 $0x100, s10;
	[sflag:s26] =	ssyncadd.s32 $0xFFFFC000  }
0x5f: {  	[tilespmem:s20], [sflag:$0x1] =	stream.indirect.gather [hbm4b:s4+s23], $0x80, s11, s23, $0xb8;
	[tilespmem:$0x1E800] =	vst v63  }
0x60: {  	_ =	swait.ge [sflag:s28], $0x4000  }
0x61: {  	[sflag:s28] =	ssyncset.done $0x0  }
.Ltmp1:
0x62: {  	s11 =	sadd.s32 $0x1480, s10;
	[sflag:s28] =	ssyncadd.s32 $0xFFFFC000;
	(pc) =	sbr.rel @p0 .LBB2_4-.Ltmp1, $4  }
0x63: {  	[spmem:s1] =	stream.indirect.scatter.add.f32 [tilespmem:s24], [sflag:$0x4], $0x80, s11, s23, $0xb8;
	[tilespmem:$0x1E800] =	vst v63  }
0x64: {  	_ =	swait.ge [sflag:s29], $0x4000  }
0x65: {  	[sflag:s29] =	ssyncset.done $0x0  }
0x66: {  	s10 =	sadd.s32 $0x180, s10;
	[sflag:s29] =	ssyncadd.s32 $0xFFFFC000  }
0x67: {  	[tilespmem:s24], [sflag:$0x2] =	stream.indirect.gather [hbm4b:s4+s23], $0x80, s10, s23, $0xb8;
	[tilespmem:$0x1E800] =	vst v63  }
0x68: {  	_ =	swait.ge [sflag:s25], $0x4000  }
0x69: {  	[sflag:s25] =	ssyncset.done $0x0  }
0x6a: {  	[sflag:s25] =	ssyncadd.s32 $0xFFFFC000  }
0x6b: {  	[spmem:s1] =	stream.indirect.scatter.add.f32 [tilespmem:s20], [sflag:$0x3], $0x80, s30, s23, $0xb8;
	[tilespmem:$0x1E800] =	vst v63  }
0x6c: {  	_ =	swait.ge [sflag:s26], $0x4000  }
0x6d: {  	[sflag:s26] =	ssyncset.done $0x0  }
0x6e: {  	[sflag:s26] =	ssyncadd.s32 $0xFFFFC000  }
0x6f: {  	_ =	swait.ge [sflag:s28], $0x4000  }
0x70: {  	[sflag:s28] =	ssyncset.done $0x0  }
0x71: {  	[sflag:s28] =	ssyncadd.s32 $0xFFFFC000  }
0x72: {  	[spmem:s1] =	stream.indirect.scatter.add.f32 [tilespmem:s24], [sflag:$0x4], $0x80, s31, s23, $0xb8;
	[tilespmem:$0x1E800] =	vst v63  }
0x73: {  	_ =	swait.ge [sflag:s29], $0x4000  }
0x74: {  	[sflag:s29] =	ssyncset.done $0x0  }
0x75: {  	s3 =	simm.s32 $0x0;
	s12 =	rddreg [dreg:$0x5];
	[sflag:s29] =	ssyncadd.s32 $0xFFFFC000  }
0x76: {  	[tilespmem:s3], [sflag:$0x5] =	stream.linear.gather [hbm4b:s12+s3], $0x1400, $0x38;
	[tilespmem:$0x1E800] =	vst v63  }
0x77: {  	_ =	swait.ge [sflag:s21], $0x1400  }
0x78: {  	[sflag:s21] =	ssyncset.done $0x0  }
0x79: {  	[sflag:s21] =	ssyncadd.s32 $0xFFFFEC00  }
0x7a: {  	[tilespmem:s22], [sflag:$0x5] =	stream.linear.gather [hbm4b:s13+s3], $0x1400, $0x38;
	[tilespmem:$0x1E800] =	vst v63  }
0x7b: {  	_ =	swait.ge [sflag:s21], $0x1400  }
0x7c: {  	[sflag:s21] =	ssyncset.done $0x0  }
0x7d: {  	[sflag:s21] =	ssyncadd.s32 $0xFFFFEC00  }
0x7e: {  	[tilespmem:s20], [sflag:$0x1] =	stream.indirect.gather [hbm4b:s4+s23], $0x80, s3, s23, $0xb8;
	[tilespmem:$0x1E800] =	vst v63  }
0x7f: {  	_ = 	snop  }
0x80: {  	[tilespmem:s24], [sflag:$0x2] =	stream.indirect.gather [hbm4b:s4+s23], $0x80, s23, s23, $0xb8;
	[tilespmem:$0x1E800] =	vst v63  }
0x81: {  	_ =	swait.ge [sflag:s25], $0x4000  }
0x82: {  	[sflag:s25] =	ssyncset.done $0x0  }
0x83: {  	s10 =	simm.s32 $0x1400;
	[sflag:s25] =	ssyncadd.s32 $0xFFFFC000  }
0x84: {  	[spmem:s1] =	stream.indirect.scatter.add.f32 [tilespmem:s20], [sflag:$0x3], $0x80, s10, s23, $0xb8;
	[tilespmem:$0x1E800] =	vst v63  }
0x85: {  	_ =	swait.ge [sflag:s26], $0x4000  }
0x86: {  	[sflag:s26] =	ssyncset.done $0x0  }
0x87: {  	s11 =	simm.s32 $0x100;
	[sflag:s26] =	ssyncadd.s32 $0xFFFFC000  }
0x88: {  	[tilespmem:s20], [sflag:$0x1] =	stream.indirect.gather [hbm4b:s4+s23], $0x80, s11, s23, $0xb8;
	[tilespmem:$0x1E800] =	vst v63  }
0x89: {  	_ =	swait.ge [sflag:s28], $0x4000  }
0x8a: {  	[sflag:s28] =	ssyncset.done $0x0  }
0x8b: {  	s12 =	simm.s32 $0x1480;
	[sflag:s28] =	ssyncadd.s32 $0xFFFFC000  }
0x8c: {  	[spmem:s1] =	stream.indirect.scatter.add.f32 [tilespmem:s24], [sflag:$0x4], $0x80, s12, s23, $0xb8;
	[tilespmem:$0x1E800] =	vst v63  }
0x8d: {  	_ =	swait.ge [sflag:s29], $0x4000  }
0x8e: {  	[sflag:s29] =	ssyncset.done $0x0  }
0x8f: {  	s3 =	simm.s32 $0x400;
	s10 =	simm.s32 $0x180;
	[sflag:s29] =	ssyncadd.s32 $0xFFFFC000  }
.LBB2_6:
0x90: {  	[tilespmem:s24], [sflag:$0x2] =	stream.indirect.gather [hbm4b:s4+s23], $0x80, s10, s23, $0xb8;
	[tilespmem:$0x1E800] =	vst v63  }
0x91: {  	s10 =	smov.u32 s3  }
0x92: {  	p0 =	sne.s32 s3, $0x4800;
	s3 =	sadd.s32 $0x400, s3;
	_ =	swait.ge [sflag:s25], $0x4000  }
0x93: {  	s10 =	sshra.s32 s10, $0x2;
	[sflag:s25] =	ssyncset.done $0x0  }
0x94: {  	s11 =	sadd.s32 $0x1400, s10;
	[sflag:s25] =	ssyncadd.s32 $0xFFFFC000  }
0x95: {  	[spmem:s1] =	stream.indirect.scatter.add.f32 [tilespmem:s20], [sflag:$0x3], $0x80, s11, s23, $0xb8;
	[tilespmem:$0x1E800] =	vst v63  }
0x96: {  	_ =	swait.ge [sflag:s26], $0x4000  }
0x97: {  	[sflag:s26] =	ssyncset.done $0x0  }
0x98: {  	s11 =	sadd.s32 $0x100, s10;
	[sflag:s26] =	ssyncadd.s32 $0xFFFFC000  }
0x99: {  	[tilespmem:s20], [sflag:$0x1] =	stream.indirect.gather [hbm4b:s4+s23], $0x80, s11, s23, $0xb8;
	[tilespmem:$0x1E800] =	vst v63  }
0x9a: {  	_ =	swait.ge [sflag:s28], $0x4000  }
0x9b: {  	[sflag:s28] =	ssyncset.done $0x0  }
.Ltmp2:
0x9c: {  	s11 =	sadd.s32 $0x1480, s10;
	[sflag:s28] =	ssyncadd.s32 $0xFFFFC000;
	(pc) =	sbr.rel @p0 .LBB2_6-.Ltmp2, $4  }
0x9d: {  	[spmem:s1] =	stream.indirect.scatter.add.f32 [tilespmem:s24], [sflag:$0x4], $0x80, s11, s23, $0xb8;
	[tilespmem:$0x1E800] =	vst v63  }
0x9e: {  	_ =	swait.ge [sflag:s29], $0x4000  }
0x9f: {  	[sflag:s29] =	ssyncset.done $0x0  }
0xa0: {  	s10 =	sadd.s32 $0x180, s10;
	[sflag:s29] =	ssyncadd.s32 $0xFFFFC000  }
0xa1: {  	[tilespmem:s24], [sflag:$0x2] =	stream.indirect.gather [hbm4b:s4+s23], $0x80, s10, s23, $0xb8;
	[tilespmem:$0x1E800] =	vst v63  }
0xa2: {  	_ =	swait.ge [sflag:s25], $0x4000  }
0xa3: {  	[sflag:s25] =	ssyncset.done $0x0  }
0xa4: {  	[sflag:s25] =	ssyncadd.s32 $0xFFFFC000  }
0xa5: {  	[spmem:s1] =	stream.indirect.scatter.add.f32 [tilespmem:s20], [sflag:$0x3], $0x80, s30, s23, $0xb8;
	[tilespmem:$0x1E800] =	vst v63  }
0xa6: {  	_ =	swait.ge [sflag:s26], $0x4000  }
0xa7: {  	[sflag:s26] =	ssyncset.done $0x0  }
0xa8: {  	[sflag:s26] =	ssyncadd.s32 $0xFFFFC000  }
0xa9: {  	_ =	swait.ge [sflag:s28], $0x4000  }
0xaa: {  	[sflag:s28] =	ssyncset.done $0x0  }
0xab: {  	[sflag:s28] =	ssyncadd.s32 $0xFFFFC000  }
0xac: {  	[spmem:s1] =	stream.indirect.scatter.add.f32 [tilespmem:s24], [sflag:$0x4], $0x80, s31, s23, $0xb8;
	[tilespmem:$0x1E800] =	vst v63  }
0xad: {  	_ =	swait.ge [sflag:s29], $0x4000  }
0xae: {  	[sflag:s29] =	ssyncset.done $0x0  }
0xaf: {  	[sflag:s29] =	ssyncadd.s32 $0xFFFFC000  }
0xb0: {  	[bflag:$0x0] =	sbarrier.arrive $0xFFFF  }
0xb1: {  	[tilespmem:s20], [sflag:$0x5] =	stream.linear.gather [spmem:s5], $0x4000, $0x38;
	[tilespmem:$0x1E800] =	vst v63  }
0xb2: {  	_ =	swait.ge [sflag:s21], $0x4000  }
0xb3: {  	[sflag:s21] =	ssyncset.done $0x0  }
0xb4: {  	[sflag:s21] =	ssyncadd.s32 $0xFFFFC000  }
0xb5: {  	[hbm4b:s14+s2] =	stream.linear.scatter [tilespmem:s20], [sflag:$0x5], $0x4000, $0x38;
	[tilespmem:$0x1E800] =	vst v63  }
0xb6: {  	_ =	swait.ge [sflag:s21], $0x4000  }
0xb7: {  	[sflag:s21] =	ssyncset.done $0x0  }
0xb8: {  	[sflag:s21] =	ssyncadd.s32 $0xFFFFC000  }
0xb9: {  	[tilespmem:s20], [sflag:$0x5] =	stream.linear.gather [spmem:s6], $0x4000, $0x38;
	[tilespmem:$0x1E800] =	vst v63  }
0xba: {  	_ =	swait.ge [sflag:s21], $0x4000  }
0xbb: {  	[sflag:s21] =	ssyncset.done $0x0  }
0xbc: {  	[sflag:s21] =	ssyncadd.s32 $0xFFFFC000  }
0xbd: {  	[hbm4b:s15+s2] =	stream.linear.scatter [tilespmem:s20], [sflag:$0x5], $0x4000, $0x38;
	[tilespmem:$0x1E800] =	vst v63  }
0xbe: {  	_ =	swait.ge [sflag:s21], $0x4000  }
0xbf: {  	[sflag:s21] =	ssyncset.done $0x0  }
0xc0: {  	[sflag:s21] =	ssyncadd.s32 $0xFFFFC000  }
0xc1: {  	[tilespmem:s20], [sflag:$0x5] =	stream.linear.gather [spmem:s7], $0x4000, $0x38;
	[tilespmem:$0x1E800] =	vst v63  }
0xc2: {  	_ =	swait.ge [sflag:s21], $0x4000  }
0xc3: {  	[sflag:s21] =	ssyncset.done $0x0  }
0xc4: {  	[sflag:s21] =	ssyncadd.s32 $0xFFFFC000  }
0xc5: {  	[hbm4b:s16+s2] =	stream.linear.scatter [tilespmem:s20], [sflag:$0x5], $0x4000, $0x38;
	[tilespmem:$0x1E800] =	vst v63  }
0xc6: {  	_ =	swait.ge [sflag:s21], $0x4000  }
0xc7: {  	[sflag:s21] =	ssyncset.done $0x0  }
0xc8: {  	[sflag:s21] =	ssyncadd.s32 $0xFFFFC000  }
0xc9: {  	[tilespmem:s20], [sflag:$0x5] =	stream.linear.gather [spmem:s8], $0x4000, $0x38;
	[tilespmem:$0x1E800] =	vst v63  }
0xca: {  	_ =	swait.ge [sflag:s21], $0x4000  }
0xcb: {  	[sflag:s21] =	ssyncset.done $0x0  }
0xcc: {  	[sflag:s21] =	ssyncadd.s32 $0xFFFFC000  }
0xcd: {  	[hbm4b:s17+s2] =	stream.linear.scatter [tilespmem:s20], [sflag:$0x5], $0x4000, $0x38;
	[tilespmem:$0x1E800] =	vst v63  }
0xce: {  	_ =	swait.ge [sflag:s21], $0x4000  }
0xcf: {  	[sflag:s21] =	ssyncset.done $0x0  }
0xd0: {  	[sflag:s21] =	ssyncadd.s32 $0xFFFFC000  }
0xd1: {  	[tilespmem:s20], [sflag:$0x5] =	stream.linear.gather [spmem:s9], $0x4000, $0x38;
	[tilespmem:$0x1E800] =	vst v63  }
0xd2: {  	s0 =	sadd.s32 $0x1, s0;
	_ =	swait.ge [sflag:s21], $0x4000  }
0xd3: {  	p0 =	sne.s32 s0, s19;
	[sflag:s21] =	ssyncset.done $0x0  }
.Ltmp3:
0xd4: {  	[sflag:s21] =	ssyncadd.s32 $0xFFFFC000;
	(pc) =	sbr.rel @p0 .LBB2_1-.Ltmp3, $4  }
0xd5: {  	[hbm4b:s18+s2] =	stream.linear.scatter [tilespmem:s20], [sflag:$0x5], $0x4000, $0x38;
	[tilespmem:$0x1E800] =	vst v63  }
0xd6: {  	_ =	swait.ge [sflag:s21], $0x4000  }
0xd7: {  	[sflag:s21] =	ssyncset.done $0x0  }
0xd8: {  	[sflag:s21] =	ssyncadd.s32 $0xFFFFC000  }
0xd9: {  	_ =	sfence.sel $0x180000  }
0xda: {  	[bflag:$0x0] =	sbarrier.arrive $0xFFFF  }
0xdb: {  	_ =	strace $0x9000004A  }
0xdc: {  	s0 =	stileid.u32;
	[bflag:$0x2] =	sbarrier.arrive $0xFFFF  }
0xdd: {  	p0 =	sne.s32 s0, $0x0;
	s0 =	rddreg [dreg:$0x2]  }
0xde: {  	s0 =	sadd.s32 @!p0 $0x100000, s0  }
0xdf: {  	[sflag:s0] =	ssyncadd.tile.s32 @!p0 $0x1;
	_ =	shalt  }
.Lfunc_end2:
_tile_overlayer_lowered:
.L_overlay_start_2:
0xe0: {  	(tag) =	ssettag $0x2  }
0xe1: {  	s0 =	rddreg [dreg:$0x0];
	s2 =	stileid.u32  }
0xe2: {  	s1 =	rddreg [dreg:$0x1];
	p0 =	sne.s32 s2, $0x0  }
0xe3: {  	s3 =	rddreg [dreg:$0x2];
	[bflag:$0x3] =	sbarrier.arrive $0xFFFF;
	s2 =	simm.s32 @!p0 $0x1C05  }
0xe4: {  	[timem:s3], [sflag:s2] =	dma.local @!p0 [hbm:s0], s1  }
0xe5: {  	s0 =	simm.s32 @!p0 $0x5  }
0xe6: {  	_ =	swait.ge @!p0 [sflag:s0], s1  }
0xe7: {  	s1 =	ssub.s32 @!p0 $0x0, s1;
	[sflag:s0] =	ssyncset.done @!p0 $0x0  }
0xe8: {  	[sflag:s0] =	ssyncadd.s32 @!p0 s1  }
0xe9: {  	[bflag:$0x3] =	sbarrier.arrive $0xFFFF  }
0xea: {  	_ =	shalt  }

// kernel: kernel.17.cloned.1.call-start
scs
__scs_entry_jumppad:
0x0: {  	(pc) =	sbr.rel $0x88, $3  }
0x1: {  	(tag) =	ssettag $0x0;
	lr =	simm.s32 $0x1  }
0x2: {  	[smem:$0x3F8F] =	sst lr;
	_ =	strace $0xD0000000  }
0x3: {  	_ = 	snop  }
0x4: {  	_ = 	snop  }
0x5: {  	_ = 	snop  }
0x6: {  	_ = 	snop  }
0x7: {  	_ = 	snop  }
__scs_overlays_trampoline_lowered:
0x8: {  	[smem:$0x3F9E] =	sst s0  }
0x9: {  	[smem:$0x3F9F] =	sst s1  }
0xa: {  	[smem:$0x3FA0] =	sst s2  }
0xb: {  	[smem:$0x3FA1] =	sst s3  }
0xc: {  	[smem:$0x3FA2] =	sst s4  }
0xd: {  	[smem:$0x3FA3] =	sst s5  }
0xe: {  	[smem:$0x3FA4] =	sst s6  }
0xf: {  	[smem:$0x3FA5] =	sst s7  }
0x10: {  	[smem:$0x3FA6] =	sst s8  }
0x11: {  	[smem:$0x3FA7] =	sst s9;
	s0 =	simm.s32 @!p0 $0x0  }
0x12: {  	s1 =	sld [smem:$0x3F8D];
	s0 =	simm.s32 @p0 $0x1  }
0x13: {  	[smem:$0x3FA8] =	sst s0;
	s0 =	simm.s32 @!p1 $0x0  }
0x14: {  	s2 =	sld [smem:$0x3F8C];
	s0 =	simm.s32 @p1 $0x1  }
0x15: {  	[smem:$0x3FA9] =	sst s0;
	s0 =	simm.s32 @!p2 $0x0  }
0x16: {  	s3 =	sld [smem:$0x3FDB];
	s0 =	simm.s32 @p2 $0x1  }
0x17: {  	s4 =	simm.s32 $0x1BF5;
	[smem:$0x3FAB] =	sst s0  }
0x18: {  	s0 =	sld [smem:$0x3F8E];
	_ =	swait.ge [sflag:s4], $0x0  }
0x19: {  	s7 =	sld [smem:$0x3F8F]  }
0x1a: {  	s8 =	sadd.s32 $0xFFFFE003, lr  }
0x1b: {  	s9 =	sadd.s32 $0xFFFFFEF7, lr;
	s5 =	simm.s32 $0xFFFFFFFF;
	p2 =	slt.u32 s8, $0xFFFFF086  }
0x1c: {  	p1 =	slt.u32 s9, $0xF7A;
	s5 =	simm.s32 @!p2 $0x0  }
0x1d: {  	s5 =	simm.s32 @p1 $0x1;
	p0 =	seq.s32 s7, s2  }
0x1e: {  	s7 =	smul.u32 @!p0 $0xF7A, s2;
	p2 =	seq.s32 @!p0 s5, $0x0  }
0x1f: {  	s9 =	smul.u32 $0xF7A, s1;
	s8 =	simm.s32 @!p0 $0x1BF5;
	p2 =	por !p2, p0  }
0x20: {  	[sflag:s8] =	ssyncset.s32 @!p0 $0xFFFFF086;
	s6 =	sadd.s32 @!p0 s3, s7;
	s7 =	simm.s32 @!p0 $0x108  }
0x21: {  	s3 =	sadd.s32 s3, s9;
	s6 =	sadd.s32 @!p0 $0x88, s6;
	s7 =	simm.s32 @p2 $0x1082  }
0x22: {  	[simem:s7], [sflag:s8] =	dma.local @!p0 [hbm:s6], $0xF7A  }
0x23: {  	s9 =	sor.u32 $0xD0000000, s2;
	s6 =	simm.s32 $0x108;
	_ =	swait.ge @!p0 [sflag:s8], $0x0  }
0x24: {  	s3 =	sadd.s32 $0x88, s3;
	s6 =	simm.s32 @!p1 $0x1082;
	[sflag:s4] =	ssyncset.s32 $0xFFFFF086  }
0x25: {  	[simem:s6], [sflag:s4] =	dma.local [hbm:s3], $0xF7A  }
0x26: {  	[smem:$0x3F8F] =	sst s1;
	(tag) =	ssettag s2;
	_ =	strace s9  }
0x27: {  	s1 =	sld [smem:$0x3F9F]  }
0x28: {  	s2 =	sld [smem:$0x3FA0]  }
0x29: {  	s4 =	sld [smem:$0x3FA2]  }
0x2a: {  	p0 =	seq.s32 s5, $0x0;
	s5 =	sld [smem:$0x3FA3]  }
0x2b: {  	s6 =	sld [smem:$0x3FA4]  }
0x2c: {  	s7 =	sld [smem:$0x3FA5]  }
0x2d: {  	s3 =	simm.s32 $0x108;
	s8 =	sld [smem:$0x3FA6]  }
0x2e: {  	s3 =	simm.s32 @!p0 $0x1082;
	s9 =	sld [smem:$0x3FA7]  }
0x2f: {  	lr =	sadd.s32 s0, s3;
	s0 =	sld [smem:$0x3F9E]  }
0x30: {  	s3 =	sld [smem:$0x3FA1]  }
0x31: {  	[smem:$0x3FAA] =	sst s10  }
0x32: {  	s10 =	sld [smem:$0x3FA8];
	_ =	sdelay $0x3  }
0x33: {  	p0 =	seq.s32 s10, $0x1;
	s10 =	sld [smem:$0x3FAA];
	_ =	sdelay $0x3  }
0x34: {  	[smem:$0x3FAA] =	sst s10  }
0x35: {  	s10 =	sld [smem:$0x3FA9];
	_ =	sdelay $0x3  }
0x36: {  	p1 =	seq.s32 s10, $0x1;
	s10 =	sld [smem:$0x3FAA];
	_ =	sdelay $0x3  }
0x37: {  	[smem:$0x3FAA] =	sst s10  }
0x38: {  	s10 =	sld [smem:$0x3FAB]  }
0x39: {  	_ = 	snop;
	(pc) =	sbr.ind lr, $3  }
0x3a: {  	_ = 	snop  }
0x3b: {  	_ = 	snop  }
0x3c: {  	p2 =	seq.s32 s10, $0x1;
	s10 =	sld [smem:$0x3FAA]  }
0x3d: {  	_ =	shalt  }
0x3e: {  	_ =	shalt  }
0x3f: {  	_ =	shalt  }
0x40: {  	_ =	shalt  }
0x41: {  	_ =	shalt  }
0x42: {  	_ =	shalt  }
0x43: {  	_ =	shalt  }
0x44: {  	_ =	shalt  }
0x45: {  	_ =	shalt  }
0x46: {  	_ =	shalt  }
0x47: {  	_ =	shalt  }
0x48: {  	_ =	shalt  }
0x49: {  	_ =	shalt  }
0x4a: {  	_ =	shalt  }
0x4b: {  	_ =	shalt  }
0x4c: {  	_ =	shalt  }
0x4d: {  	_ =	shalt  }
0x4e: {  	_ =	shalt  }
0x4f: {  	_ =	shalt  }
0x50: {  	_ =	shalt  }
0x51: {  	_ =	shalt  }
0x52: {  	_ =	shalt  }
0x53: {  	_ =	shalt  }
0x54: {  	_ =	shalt  }
0x55: {  	_ =	shalt  }
0x56: {  	_ =	shalt  }
0x57: {  	_ =	shalt  }
0x58: {  	_ =	shalt  }
0x59: {  	_ =	shalt  }
0x5a: {  	_ =	shalt  }
0x5b: {  	_ =	shalt  }
0x5c: {  	_ =	shalt  }
0x5d: {  	_ =	shalt  }
0x5e: {  	_ =	shalt  }
0x5f: {  	_ =	shalt  }
0x60: {  	_ =	shalt  }
0x61: {  	_ =	shalt  }
0x62: {  	_ =	shalt  }
0x63: {  	_ =	shalt  }
0x64: {  	_ =	shalt  }
0x65: {  	_ =	shalt  }
0x66: {  	_ =	shalt  }
0x67: {  	_ =	shalt  }
0x68: {  	_ =	shalt  }
0x69: {  	_ =	shalt  }
0x6a: {  	_ =	shalt  }
0x6b: {  	_ =	shalt  }
0x6c: {  	_ =	shalt  }
0x6d: {  	_ =	shalt  }
0x6e: {  	_ =	shalt  }
0x6f: {  	_ =	shalt  }
0x70: {  	_ =	shalt  }
0x71: {  	_ =	shalt  }
0x72: {  	_ =	shalt  }
0x73: {  	_ =	shalt  }
0x74: {  	_ =	shalt  }
0x75: {  	_ =	shalt  }
0x76: {  	_ =	shalt  }
0x77: {  	_ =	shalt  }
0x78: {  	_ =	shalt  }
0x79: {  	_ =	shalt  }
0x7a: {  	_ =	shalt  }
0x7b: {  	_ =	shalt  }
0x7c: {  	_ =	shalt  }
0x7d: {  	_ =	shalt  }
0x7e: {  	_ =	shalt  }
0x7f: {  	_ =	shalt  }
0x80: {  	_ =	shalt  }
0x81: {  	_ =	shalt  }
0x82: {  	_ =	shalt  }
0x83: {  	_ =	shalt  }
0x84: {  	_ =	shalt  }
0x85: {  	_ =	shalt  }
0x86: {  	_ =	shalt  }
0x87: {  	_ =	shalt  }
.Lfunc_end0:
.L_simem_size_0:
called_computation.2_lowered:
.L_overlay_start_0:
0x88: {  	s2 =	sld [smem:$0x3FD9]  }
0x89: {  	s3 =	sld [smem:$0x3FFE];
	_ =	sdelay $0x1  }
0x8a: {  	s1 =	srdreg.scid  }
0x8b: {  	s0 =	sand.u32 $0x1, s1  }
0x8c: {  	s16 =	sshll.u32 s0, $0xA;
	s2 =	sadd.s32 s3, s2  }
0x8d: {  	s2 =	sadd.s32 s2, s16  }
0x8e: {  	[smem:$0x3FB6] =	sst s2  }
0x8f: {  	_ = 	snop  }
0x90: {  	(tm) =	ssettm $0x1  }
0x91: {  	s17 =	sld [smem:$0x3FFB];
	_ =	sdelay $0x3  }
0x92: {  	_ =	strace s17  }
0x93: {  	s2 =	sld [smem:$0x3FFC];
	_ =	sdelay $0x3  }
0x94: {  	_ =	strace s2  }
0x95: {  	s2 =	sld [smem:$0x3FFD];
	_ =	sdelay $0x3  }
0x96: {  	_ =	strace s2  }
0x97: {  	_ =	strace $0x8FFFFFFF  }
0x98: {  	s18 =	sld [smem:$0x3FDB];
	_ =	sdelay $0x1  }
0x99: {  	s19 =	simm.s32 $_scs_section_size  }
0x9a: {  	s4 =	simm.s32 $_size__tile_overlayer_lowered;
	s5 =	simm.s32 $_tile_overlayer_lowered  }
0x9b: {  	s22 =	simm.s32 $0x1BFF;
	s21 =	sshll.u32 s5, $0x1;
	s2 =	sadd.s32 s19, s18  }
0x9c: {  	s6 =	simm.s32 $0x0;
	s20 =	sshll.u32 s4, $0x1;
	s4 =	sadd.s32 s21, s2  }
0x9d: {  	[timem:s6], [sflag:s22] =	dma.local [hbm:s4], s20  }
0x9e: {  	_ =	swait.ge [sflag:s22], s20  }
0x9f: {  	s3 =	ssub.s32 $0x0, s20;
	[sflag:s22] =	ssyncset.done $0x0  }
0xa0: {  	[sflag:s22] =	ssyncadd.s32 s3;
	_ =	sdelay $0x1  }
0xa1: {  	s23 =	simm.s32 $0x1B8B  }
0xa2: {  	_ =	swait.ge [sflag:s23], $0x1  }
0xa3: {  	[sflag:s23] =	ssyncset.done $0x0  }
0xa4: {  	s25 =	simm.s32 $0x1B8E;
	s24 =	sld [smem:$0x3FFE];
	[sflag:s23] =	ssyncadd.s32 $0xFFFFFFFF  }
0xa5: {  	s26 =	simm.s32 $execute0_lowered;
	[smem:$0x3FD2] =	sst s25  }
0xa6: {  	s4 =	sshll.u32 s26, $0x1;
	_ =	strace $0x8000004C;
	[dreg:$0x1] =	wrdreg $0xFFFFFFFF  }
0xa7: {  	s28 =	simm.s32 $_size_execute0_lowered;
	s2 =	sadd.s32 s2, s4;
	[dreg:$0x0] =	wrdreg $0x0  }
0xa8: {  	s4 =	sshll.u32 s28, $0x1;
	[dreg:$0x2] =	wrdreg s2  }
0xa9: {  	[dreg:$0x3] =	wrdreg s4  }
0xaa: {  	[dreg:$0x4] =	wrdreg $0xC0  }
0xab: {  	_ =	task [dreg:s6], $0x5FFFF  }
0xac: {  	[dreg:$0x1] =	wrdreg $0xFFFFFFFF  }
0xad: {  	[dreg:$0x0] =	wrdreg $0x60  }
0xae: {  	[dreg:$0x2] =	wrdreg s24  }
0xaf: {  	[dreg:$0x3] =	wrdreg $0xA8000  }
0xb0: {  	[dreg:$0x4] =	wrdreg $0x9  }
0xb1: {  	_ =	task.clear_ibuf [dreg:s6], $0x5FFFF;
	_ =	strace $0x9000004C  }
0xb2: {  	s29 =	simm.s32 $0x9;
	_ =	strace $0x8000004E  }
0xb3: {  	_ =	swait.ge [sflag:s29], $0x1  }
0xb4: {  	[sflag:s29] =	ssyncadd.s32 $0xFFFFFFFF  }
0xb5: {  	_ =	strace $0x9000004E  }
0xb6: {  	_ =	sfence  }
0xb7: {  	s30 =	sld [smem:$0x0];
	_ =	sdelay $0x2  }
0xb8: {  	s31 =	sshll.u32 s1, $0xD;
	s1 =	sshrl.u32 s1, $0x2  }
0xb9: {  	s3 =	sand.u32 $0x4000, s31;
	s1 =	sadd.s32 s1, s30  }
0xba: {  	s0 =	sor.u32 s3, s0;
	s1 =	sshll.u32 s1, $0x11  }
0xbb: {  	s0 =	sor.u32 s1, s0  }
0xbc: {  	s0 =	sadd.s32 $0x8F2B, s0  }
0xbd: {  	[sflag:s0] =	ssyncadd.remote.s32 $0x1  }
0xbe: {  	_ =	sfence.sel $0xFFFF  }
0xbf: {  	[dreg:$0x0] =	wrdreg $0xFFFFFFFF;
	(pc) =	sbr.abs _section_cstart, $3  }
0xc0: {  	[dreg:$0x1] =	wrdreg $0xFFFFFFFF  }
0xc1: {  	_ =	task.clear_ibuf [dreg:s6], $0x2FFFF;
	_ =	strace $0x9FFFFFFF  }
0xc2: {  	(tm) =	ssettm $0x7FFFFFFF  }
0xc3: {  	_ =	shalt  }
tec
execute0_lowered:
.L_overlay_start_1:
0x0: {  	(tag) =	ssettag $0x1  }
0x1: {  	s0 =	rddreg [dreg:$0x0]  }
0x2: {  	s1 =	rddreg [dreg:$0x1]  }
0x3: {  	s2 =	simm.s32 $0x0;
	s3 =	srdreg.scid;
	s8 =	stileid.u32  }
0x4: {  	s28 =	simm.s32 $0x2;
	s29 =	simm.s32 $0x4;
	s30 =	simm.s32 $0x2700  }
0x5: {  	s31 =	simm.s32 $0x2780;
	[smem:$0x7FF] =	sst s2;
	s4 =	sadd.s32 $0x23000, s0  }
0x6: {  	s10 =	sadd.s32 $0x19000, s0;
	s3 =	sand.u32 $0x1, s3;
	s11 =	smul.u32 $0x280, s8  }
0x7: {  	s13 =	sadd.s32 $0xF000, s0;
	s6 =	smul.u32 $0x50000, s8;
	s0 =	sadd.s32 $0x4A200, s0  }
0x8: {  	s8 =	sshll.u32 s8, $0x2;
	_ =	strace $0x8000004D;
	s5 =	ssub.s32 $0x2, s3  }
0x9: {  	s9 =	sshll.u32 s3, $0x1;
	s3 =	smul.u32 $0x2800, s3;
	s7 =	sshrl.u32 s5, $0x1  }
0xa: {  	s14 =	sadd.s32 $0x80, s11;
	s22 =	sshrl.u32 s6, $0x2;
	s16 =	sadd.s32 $0x100, s11  }
0xb: {  	s17 =	sadd.s32 $0x180, s11;
	s9 =	sor.u32 s9, s8;
	s18 =	sadd.s32 $0x200, s11  }
0xc: {  	s19 =	ssub.s32 s5, s7;
	s23 =	sshll.u32 s14, $0x7;
	s5 =	sadd.s32 s22, s1  }
0xd: {  	s24 =	sshll.u32 s16, $0x7;
	s25 =	sshll.u32 s17, $0x7;
	s12 =	smul.u32 $0x1400, s9  }
0xe: {  	s15 =	sshll.u32 s18, $0x7;
	s20 =	smul.u32 $0x280, s9;
	s22 =	sadd.s32 s11, s3  }
0xf: {  	s6 =	sadd.s32 s23, s1;
	s7 =	sadd.s32 s24, s1;
	s8 =	sadd.s32 s25, s1  }
0x10: {  	s9 =	sadd.s32 s15, s1;
	s23 =	sadd.s32 s3, s14;
	s24 =	sadd.s32 s3, s16  }
0x11: {  	s25 =	sadd.s32 s3, s17;
	s3 =	sadd.s32 s3, s18;
	s19 =	smax.u32 s19, $0x1  }
0x12: {  	s12 =	sshrl.u32 s12, $0x3;
	s26 =	sadd.s32 s10, s20;
	s20 =	sadd.s32 s13, s20  }
0x13: {  	s11 =	sshll.u32 s23, $0x4;
	s3 =	sshll.u32 s3, $0x4;
	[dreg:$0x3] =	wrdreg s26  }
0x14: {  	s23 =	simm.s32 $0x80;
	[dreg:$0x4] =	wrdreg s20;
	s21 =	sadd.s32 $0x280, s12  }
0x15: {  	s15 =	sadd.s32 s0, s11;
	s26 =	sshll.u32 s25, $0x4;
	s18 =	sadd.s32 s0, s3  }
0x16: {  	s20 =	simm.s32 $0x2800;
	s25 =	simm.s32 $0x1;
	s10 =	sadd.s32 s10, s21  }
0x17: {  	s13 =	sadd.s32 s13, s21;
	s17 =	sadd.s32 s0, s26;
	s21 =	simm.s32 $0x5  }
0x18: {  	s26 =	simm.s32 $0x3;
	[dreg:$0x5] =	wrdreg s10;
	s10 =	sshll.u32 s22, $0x4  }
0x19: {  	s22 =	simm.s32 $0x1400;
	s14 =	sadd.s32 s0, s10;
	s10 =	sshll.u32 s24, $0x4  }
0x1a: {  	v0 =	vimm.f32 $0.0e+00;
	s24 =	simm.s32 $0x6800;
	s16 =	sadd.s32 s0, s10;
	s0 =	simm.s32 $0x0  }
.LBB2_1:
0x1b: {  	s3 =	sand.u32 $0xFE00, s2  }
0x1c: {  	s10 =	sand.u32 $0x70, s2;
	s11 =	sshrl.u32 s3, $0x2  }
0x1d: {  	s3 =	simm.s32 $0x40;
	s11 =	sor.u32 s10, s11;
	s10 =	simm.s32 $0x0  }
.LBB2_2:
0x1e: {  	p0 =	sne.s32 s3, $0xFFC0  }
0x1f: {  	[tilespmem:s11+$0x2800] =	vst v0;
	s10 =	sadd.s32 $0x10, s10;
	s11 =	smov.u32 s3;
	s3 =	sadd.s32 $0x40, s3  }
.Ltmp0:
0x20: {  	(pc) =	sbr.rel @p0 .LBB2_2-.Ltmp0, $4  }
0x21: {  	_ = 	snop  }
0x22: {  	s11 =	sand.u32 $0xFE00, s11  }
0x23: {  	s12 =	sand.u32 $0x70, s10;
	s11 =	sshrl.u32 s11, $0x2  }
0x24: {  	s11 =	sor.u32 s12, s11  }
0x25: {  	[tilespmem:s11+$0x2800] =	vst v0  }
0x26: {  	[spmem:s5] =	stream.linear.scatter [tilespmem:s20], [sflag:$0x5], $0x4000, $0x38;
	[tilespmem:$0x1E800] =	vst v63  }
0x27: {  	_ =	swait.ge [sflag:s21], $0x4000  }
0x28: {  	[sflag:s21] =	ssyncset.done $0x0  }
0x29: {  	[sflag:s21] =	ssyncadd.s32 $0xFFFFC000  }
0x2a: {  	[spmem:s6] =	stream.linear.scatter [tilespmem:s20], [sflag:$0x5], $0x4000, $0x38;
	[tilespmem:$0x1E800] =	vst v63  }
0x2b: {  	_ =	swait.ge [sflag:s21], $0x4000  }
0x2c: {  	[sflag:s21] =	ssyncset.done $0x0  }
0x2d: {  	[sflag:s21] =	ssyncadd.s32 $0xFFFFC000  }
0x2e: {  	[spmem:s7] =	stream.linear.scatter [tilespmem:s20], [sflag:$0x5], $0x4000, $0x38;
	[tilespmem:$0x1E800] =	vst v63  }
0x2f: {  	_ =	swait.ge [sflag:s21], $0x4000  }
0x30: {  	[sflag:s21] =	ssyncset.done $0x0  }
0x31: {  	[sflag:s21] =	ssyncadd.s32 $0xFFFFC000  }
0x32: {  	[spmem:s8] =	stream.linear.scatter [tilespmem:s20], [sflag:$0x5], $0x4000, $0x38;
	[tilespmem:$0x1E800] =	vst v63  }
0x33: {  	_ =	swait.ge [sflag:s21], $0x4000  }
0x34: {  	[sflag:s21] =	ssyncset.done $0x0  }
0x35: {  	[sflag:s21] =	ssyncadd.s32 $0xFFFFC000  }
0x36: {  	[spmem:s9] =	stream.linear.scatter [tilespmem:s20], [sflag:$0x5], $0x4000, $0x38;
	[tilespmem:$0x1E800] =	vst v63  }
0x37: {  	_ =	swait.ge [sflag:s21], $0x4000  }
0x38: {  	[sflag:s21] =	ssyncset.done $0x0  }
0x39: {  	[sflag:s21] =	ssyncadd.s32 $0xFFFFC000  }
0x3a: {  	[bflag:$0x0] =	sbarrier.arrive $0xFFFF  }
0x3b: {  	s3 =	simm.s32 $0x0;
	s10 =	rddreg [dreg:$0x3]  }
0x3c: {  	[tilespmem:s3], [sflag:$0x5] =	stream.linear.gather [hbm4b:s10+s3], $0x1400, $0x38;
	[tilespmem:$0x1E800] =	vst v63  }
0x3d: {  	_ =	swait.ge [sflag:s21], $0x1400  }
0x3e: {  	[sflag:s21] =	ssyncset.done $0x0  }
0x3f: {  	s12 =	rddreg [dreg:$0x4];
	[sflag:s21] =	ssyncadd.s32 $0xFFFFEC00  }
0x40: {  	[tilespmem:s22], [sflag:$0x5] =	stream.linear.gather [hbm4b:s12+s3], $0x1400, $0x38;
	[tilespmem:$0x1E800] =	vst v63  }
0x41: {  	_ =	swait.ge [sflag:s21], $0x1400  }
0x42: {  	[sflag:s21] =	ssyncset.done $0x0  }
0x43: {  	[sflag:s21] =	ssyncadd.s32 $0xFFFFEC00  }
0x44: {  	[tilespmem:s20], [sflag:$0x1] =	stream.indirect.gather [hbm4b:s4+s23], $0x80, s3, s23, $0xb8;
	[tilespmem:$0x1E800] =	vst v63  }
0x45: {  	_ = 	snop  }
0x46: {  	[tilespmem:s24], [sflag:$0x2] =	stream.indirect.gather [hbm4b:s4+s23], $0x80, s23, s23, $0xb8;
	[tilespmem:$0x1E800] =	vst v63  }
0x47: {  	_ =	swait.ge [sflag:s25], $0x4000  }
0x48: {  	[sflag:s25] =	ssyncset.done $0x0  }
0x49: {  	s10 =	simm.s32 $0x1400;
	[sflag:s25] =	ssyncadd.s32 $0xFFFFC000  }
0x4a: {  	[spmem:s1] =	stream.indirect.scatter.add.f32 [tilespmem:s20], [sflag:$0x3], $0x80, s10, s23, $0xb8;
	[tilespmem:$0x1E800] =	vst v63  }
0x4b: {  	_ =	swait.ge [sflag:s26], $0x4000  }
0x4c: {  	[sflag:s26] =	ssyncset.done $0x0  }
0x4d: {  	s11 =	simm.s32 $0x100;
	[sflag:s26] =	ssyncadd.s32 $0xFFFFC000  }
0x4e: {  	[tilespmem:s20], [sflag:$0x1] =	stream.indirect.gather [hbm4b:s4+s23], $0x80, s11, s23, $0xb8;
	[tilespmem:$0x1E800] =	vst v63  }
0x4f: {  	_ =	swait.ge [sflag:s28], $0x4000  }
0x50: {  	[sflag:s28] =	ssyncset.done $0x0  }
0x51: {  	s12 =	simm.s32 $0x1480;
	[sflag:s28] =	ssyncadd.s32 $0xFFFFC000  }
0x52: {  	[spmem:s1] =	stream.indirect.scatter.add.f32 [tilespmem:s24], [sflag:$0x4], $0x80, s12, s23, $0xb8;
	[tilespmem:$0x1E800] =	vst v63  }
0x53: {  	_ =	swait.ge [sflag:s29], $0x4000  }
0x54: {  	[sflag:s29] =	ssyncset.done $0x0  }
0x55: {  	s3 =	simm.s32 $0x400;
	s10 =	simm.s32 $0x180;
	[sflag:s29] =	ssyncadd.s32 $0xFFFFC000  }
.LBB2_4:
0x56: {  	[tilespmem:s24], [sflag:$0x2] =	stream.indirect.gather [hbm4b:s4+s23], $0x80, s10, s23, $0xb8;
	[tilespmem:$0x1E800] =	vst v63  }
0x57: {  	s10 =	smov.u32 s3  }
0x58: {  	p0 =	sne.s32 s3, $0x4800;
	s3 =	sadd.s32 $0x400, s3;
	_ =	swait.ge [sflag:s25], $0x4000  }
0x59: {  	s10 =	sshra.s32 s10, $0x2;
	[sflag:s25] =	ssyncset.done $0x0  }
0x5a: {  	s11 =	sadd.s32 $0x1400, s10;
	[sflag:s25] =	ssyncadd.s32 $0xFFFFC000  }
0x5b: {  	[spmem:s1] =	stream.indirect.scatter.add.f32 [tilespmem:s20], [sflag:$0x3], $0x80, s11, s23, $0xb8;
	[tilespmem:$0x1E800] =	vst v63  }
0x5c: {  	_ =	swait.ge [sflag:s26], $0x4000  }
0x5d: {  	[sflag:s26] =	ssyncset.done $0x0  }
0x5e: {  	s11 =	sadd.s32 $0x100, s10;
	[sflag:s26] =	ssyncadd.s32 $0xFFFFC000  }
0x5f: {  	[tilespmem:s20], [sflag:$0x1] =	stream.indirect.gather [hbm4b:s4+s23], $0x80, s11, s23, $0xb8;
	[tilespmem:$0x1E800] =	vst v63  }
0x60: {  	_ =	swait.ge [sflag:s28], $0x4000  }
0x61: {  	[sflag:s28] =	ssyncset.done $0x0  }
.Ltmp1:
0x62: {  	s11 =	sadd.s32 $0x1480, s10;
	[sflag:s28] =	ssyncadd.s32 $0xFFFFC000;
	(pc) =	sbr.rel @p0 .LBB2_4-.Ltmp1, $4  }
0x63: {  	[spmem:s1] =	stream.indirect.scatter.add.f32 [tilespmem:s24], [sflag:$0x4], $0x80, s11, s23, $0xb8;
	[tilespmem:$0x1E800] =	vst v63  }
0x64: {  	_ =	swait.ge [sflag:s29], $0x4000  }
0x65: {  	[sflag:s29] =	ssyncset.done $0x0  }
0x66: {  	s10 =	sadd.s32 $0x180, s10;
	[sflag:s29] =	ssyncadd.s32 $0xFFFFC000  }
0x67: {  	[tilespmem:s24], [sflag:$0x2] =	stream.indirect.gather [hbm4b:s4+s23], $0x80, s10, s23, $0xb8;
	[tilespmem:$0x1E800] =	vst v63  }
0x68: {  	_ =	swait.ge [sflag:s25], $0x4000  }
0x69: {  	[sflag:s25] =	ssyncset.done $0x0  }
0x6a: {  	[sflag:s25] =	ssyncadd.s32 $0xFFFFC000  }
0x6b: {  	[spmem:s1] =	stream.indirect.scatter.add.f32 [tilespmem:s20], [sflag:$0x3], $0x80, s30, s23, $0xb8;
	[tilespmem:$0x1E800] =	vst v63  }
0x6c: {  	_ =	swait.ge [sflag:s26], $0x4000  }
0x6d: {  	[sflag:s26] =	ssyncset.done $0x0  }
0x6e: {  	[sflag:s26] =	ssyncadd.s32 $0xFFFFC000  }
0x6f: {  	_ =	swait.ge [sflag:s28], $0x4000  }
0x70: {  	[sflag:s28] =	ssyncset.done $0x0  }
0x71: {  	[sflag:s28] =	ssyncadd.s32 $0xFFFFC000  }
0x72: {  	[spmem:s1] =	stream.indirect.scatter.add.f32 [tilespmem:s24], [sflag:$0x4], $0x80, s31, s23, $0xb8;
	[tilespmem:$0x1E800] =	vst v63  }
0x73: {  	_ =	swait.ge [sflag:s29], $0x4000  }
0x74: {  	[sflag:s29] =	ssyncset.done $0x0  }
0x75: {  	s3 =	simm.s32 $0x0;
	s12 =	rddreg [dreg:$0x5];
	[sflag:s29] =	ssyncadd.s32 $0xFFFFC000  }
0x76: {  	[tilespmem:s3], [sflag:$0x5] =	stream.linear.gather [hbm4b:s12+s3], $0x1400, $0x38;
	[tilespmem:$0x1E800] =	vst v63  }
0x77: {  	_ =	swait.ge [sflag:s21], $0x1400  }
0x78: {  	[sflag:s21] =	ssyncset.done $0x0  }
0x79: {  	[sflag:s21] =	ssyncadd.s32 $0xFFFFEC00  }
0x7a: {  	[tilespmem:s22], [sflag:$0x5] =	stream.linear.gather [hbm4b:s13+s3], $0x1400, $0x38;
	[tilespmem:$0x1E800] =	vst v63  }
0x7b: {  	_ =	swait.ge [sflag:s21], $0x1400  }
0x7c: {  	[sflag:s21] =	ssyncset.done $0x0  }
0x7d: {  	[sflag:s21] =	ssyncadd.s32 $0xFFFFEC00  }
0x7e: {  	[tilespmem:s20], [sflag:$0x1] =	stream.indirect.gather [hbm4b:s4+s23], $0x80, s3, s23, $0xb8;
	[tilespmem:$0x1E800] =	vst v63  }
0x7f: {  	_ = 	snop  }
0x80: {  	[tilespmem:s24], [sflag:$0x2] =	stream.indirect.gather [hbm4b:s4+s23], $0x80, s23, s23, $0xb8;
	[tilespmem:$0x1E800] =	vst v63  }
0x81: {  	_ =	swait.ge [sflag:s25], $0x4000  }
0x82: {  	[sflag:s25] =	ssyncset.done $0x0  }
0x83: {  	s10 =	simm.s32 $0x1400;
	[sflag:s25] =	ssyncadd.s32 $0xFFFFC000  }
0x84: {  	[spmem:s1] =	stream.indirect.scatter.add.f32 [tilespmem:s20], [sflag:$0x3], $0x80, s10, s23, $0xb8;
	[tilespmem:$0x1E800] =	vst v63  }
0x85: {  	_ =	swait.ge [sflag:s26], $0x4000  }
0x86: {  	[sflag:s26] =	ssyncset.done $0x0  }
0x87: {  	s11 =	simm.s32 $0x100;
	[sflag:s26] =	ssyncadd.s32 $0xFFFFC000  }
0x88: {  	[tilespmem:s20], [sflag:$0x1] =	stream.indirect.gather [hbm4b:s4+s23], $0x80, s11, s23, $0xb8;
	[tilespmem:$0x1E800] =	vst v63  }
0x89: {  	_ =	swait.ge [sflag:s28], $0x4000  }
0x8a: {  	[sflag:s28] =	ssyncset.done $0x0  }
0x8b: {  	s12 =	simm.s32 $0x1480;
	[sflag:s28] =	ssyncadd.s32 $0xFFFFC000  }
0x8c: {  	[spmem:s1] =	stream.indirect.scatter.add.f32 [tilespmem:s24], [sflag:$0x4], $0x80, s12, s23, $0xb8;
	[tilespmem:$0x1E800] =	vst v63  }
0x8d: {  	_ =	swait.ge [sflag:s29], $0x4000  }
0x8e: {  	[sflag:s29] =	ssyncset.done $0x0  }
0x8f: {  	s3 =	simm.s32 $0x400;
	s10 =	simm.s32 $0x180;
	[sflag:s29] =	ssyncadd.s32 $0xFFFFC000  }
.LBB2_6:
0x90: {  	[tilespmem:s24], [sflag:$0x2] =	stream.indirect.gather [hbm4b:s4+s23], $0x80, s10, s23, $0xb8;
	[tilespmem:$0x1E800] =	vst v63  }
0x91: {  	s10 =	smov.u32 s3  }
0x92: {  	p0 =	sne.s32 s3, $0x4800;
	s3 =	sadd.s32 $0x400, s3;
	_ =	swait.ge [sflag:s25], $0x4000  }
0x93: {  	s10 =	sshra.s32 s10, $0x2;
	[sflag:s25] =	ssyncset.done $0x0  }
0x94: {  	s11 =	sadd.s32 $0x1400, s10;
	[sflag:s25] =	ssyncadd.s32 $0xFFFFC000  }
0x95: {  	[spmem:s1] =	stream.indirect.scatter.add.f32 [tilespmem:s20], [sflag:$0x3], $0x80, s11, s23, $0xb8;
	[tilespmem:$0x1E800] =	vst v63  }
0x96: {  	_ =	swait.ge [sflag:s26], $0x4000  }
0x97: {  	[sflag:s26] =	ssyncset.done $0x0  }
0x98: {  	s11 =	sadd.s32 $0x100, s10;
	[sflag:s26] =	ssyncadd.s32 $0xFFFFC000  }
0x99: {  	[tilespmem:s20], [sflag:$0x1] =	stream.indirect.gather [hbm4b:s4+s23], $0x80, s11, s23, $0xb8;
	[tilespmem:$0x1E800] =	vst v63  }
0x9a: {  	_ =	swait.ge [sflag:s28], $0x4000  }
0x9b: {  	[sflag:s28] =	ssyncset.done $0x0  }
.Ltmp2:
0x9c: {  	s11 =	sadd.s32 $0x1480, s10;
	[sflag:s28] =	ssyncadd.s32 $0xFFFFC000;
	(pc) =	sbr.rel @p0 .LBB2_6-.Ltmp2, $4  }
0x9d: {  	[spmem:s1] =	stream.indirect.scatter.add.f32 [tilespmem:s24], [sflag:$0x4], $0x80, s11, s23, $0xb8;
	[tilespmem:$0x1E800] =	vst v63  }
0x9e: {  	_ =	swait.ge [sflag:s29], $0x4000  }
0x9f: {  	[sflag:s29] =	ssyncset.done $0x0  }
0xa0: {  	s10 =	sadd.s32 $0x180, s10;
	[sflag:s29] =	ssyncadd.s32 $0xFFFFC000  }
0xa1: {  	[tilespmem:s24], [sflag:$0x2] =	stream.indirect.gather [hbm4b:s4+s23], $0x80, s10, s23, $0xb8;
	[tilespmem:$0x1E800] =	vst v63  }
0xa2: {  	_ =	swait.ge [sflag:s25], $0x4000  }
0xa3: {  	[sflag:s25] =	ssyncset.done $0x0  }
0xa4: {  	[sflag:s25] =	ssyncadd.s32 $0xFFFFC000  }
0xa5: {  	[spmem:s1] =	stream.indirect.scatter.add.f32 [tilespmem:s20], [sflag:$0x3], $0x80, s30, s23, $0xb8;
	[tilespmem:$0x1E800] =	vst v63  }
0xa6: {  	_ =	swait.ge [sflag:s26], $0x4000  }
0xa7: {  	[sflag:s26] =	ssyncset.done $0x0  }
0xa8: {  	[sflag:s26] =	ssyncadd.s32 $0xFFFFC000  }
0xa9: {  	_ =	swait.ge [sflag:s28], $0x4000  }
0xaa: {  	[sflag:s28] =	ssyncset.done $0x0  }
0xab: {  	[sflag:s28] =	ssyncadd.s32 $0xFFFFC000  }
0xac: {  	[spmem:s1] =	stream.indirect.scatter.add.f32 [tilespmem:s24], [sflag:$0x4], $0x80, s31, s23, $0xb8;
	[tilespmem:$0x1E800] =	vst v63  }
0xad: {  	_ =	swait.ge [sflag:s29], $0x4000  }
0xae: {  	[sflag:s29] =	ssyncset.done $0x0  }
0xaf: {  	[sflag:s29] =	ssyncadd.s32 $0xFFFFC000  }
0xb0: {  	[bflag:$0x0] =	sbarrier.arrive $0xFFFF  }
0xb1: {  	[tilespmem:s20], [sflag:$0x5] =	stream.linear.gather [spmem:s5], $0x4000, $0x38;
	[tilespmem:$0x1E800] =	vst v63  }
0xb2: {  	_ =	swait.ge [sflag:s21], $0x4000  }
0xb3: {  	[sflag:s21] =	ssyncset.done $0x0  }
0xb4: {  	[sflag:s21] =	ssyncadd.s32 $0xFFFFC000  }
0xb5: {  	[hbm4b:s14+s2] =	stream.linear.scatter [tilespmem:s20], [sflag:$0x5], $0x4000, $0x38;
	[tilespmem:$0x1E800] =	vst v63  }
0xb6: {  	_ =	swait.ge [sflag:s21], $0x4000  }
0xb7: {  	[sflag:s21] =	ssyncset.done $0x0  }
0xb8: {  	[sflag:s21] =	ssyncadd.s32 $0xFFFFC000  }
0xb9: {  	[tilespmem:s20], [sflag:$0x5] =	stream.linear.gather [spmem:s6], $0x4000, $0x38;
	[tilespmem:$0x1E800] =	vst v63  }
0xba: {  	_ =	swait.ge [sflag:s21], $0x4000  }
0xbb: {  	[sflag:s21] =	ssyncset.done $0x0  }
0xbc: {  	[sflag:s21] =	ssyncadd.s32 $0xFFFFC000  }
0xbd: {  	[hbm4b:s15+s2] =	stream.linear.scatter [tilespmem:s20], [sflag:$0x5], $0x4000, $0x38;
	[tilespmem:$0x1E800] =	vst v63  }
0xbe: {  	_ =	swait.ge [sflag:s21], $0x4000  }
0xbf: {  	[sflag:s21] =	ssyncset.done $0x0  }
0xc0: {  	[sflag:s21] =	ssyncadd.s32 $0xFFFFC000  }
0xc1: {  	[tilespmem:s20], [sflag:$0x5] =	stream.linear.gather [spmem:s7], $0x4000, $0x38;
	[tilespmem:$0x1E800] =	vst v63  }
0xc2: {  	_ =	swait.ge [sflag:s21], $0x4000  }
0xc3: {  	[sflag:s21] =	ssyncset.done $0x0  }
0xc4: {  	[sflag:s21] =	ssyncadd.s32 $0xFFFFC000  }
0xc5: {  	[hbm4b:s16+s2] =	stream.linear.scatter [tilespmem:s20], [sflag:$0x5], $0x4000, $0x38;
	[tilespmem:$0x1E800] =	vst v63  }
0xc6: {  	_ =	swait.ge [sflag:s21], $0x4000  }
0xc7: {  	[sflag:s21] =	ssyncset.done $0x0  }
0xc8: {  	[sflag:s21] =	ssyncadd.s32 $0xFFFFC000  }
0xc9: {  	[tilespmem:s20], [sflag:$0x5] =	stream.linear.gather [spmem:s8], $0x4000, $0x38;
	[tilespmem:$0x1E800] =	vst v63  }
0xca: {  	_ =	swait.ge [sflag:s21], $0x4000  }
0xcb: {  	[sflag:s21] =	ssyncset.done $0x0  }
0xcc: {  	[sflag:s21] =	ssyncadd.s32 $0xFFFFC000  }
0xcd: {  	[hbm4b:s17+s2] =	stream.linear.scatter [tilespmem:s20], [sflag:$0x5], $0x4000, $0x38;
	[tilespmem:$0x1E800] =	vst v63  }
0xce: {  	_ =	swait.ge [sflag:s21], $0x4000  }
0xcf: {  	[sflag:s21] =	ssyncset.done $0x0  }
0xd0: {  	[sflag:s21] =	ssyncadd.s32 $0xFFFFC000  }
0xd1: {  	[tilespmem:s20], [sflag:$0x5] =	stream.linear.gather [spmem:s9], $0x4000, $0x38;
	[tilespmem:$0x1E800] =	vst v63  }
0xd2: {  	s0 =	sadd.s32 $0x1, s0;
	_ =	swait.ge [sflag:s21], $0x4000  }
0xd3: {  	p0 =	sne.s32 s0, s19;
	[sflag:s21] =	ssyncset.done $0x0  }
.Ltmp3:
0xd4: {  	[sflag:s21] =	ssyncadd.s32 $0xFFFFC000;
	(pc) =	sbr.rel @p0 .LBB2_1-.Ltmp3, $4  }
0xd5: {  	[hbm4b:s18+s2] =	stream.linear.scatter [tilespmem:s20], [sflag:$0x5], $0x4000, $0x38;
	[tilespmem:$0x1E800] =	vst v63  }
0xd6: {  	_ =	swait.ge [sflag:s21], $0x4000  }
0xd7: {  	[sflag:s21] =	ssyncset.done $0x0  }
0xd8: {  	[sflag:s21] =	ssyncadd.s32 $0xFFFFC000  }
0xd9: {  	_ =	sfence.sel $0x180000  }
0xda: {  	[bflag:$0x0] =	sbarrier.arrive $0xFFFF  }
0xdb: {  	_ =	strace $0x9000004D  }
0xdc: {  	s0 =	stileid.u32;
	[bflag:$0x2] =	sbarrier.arrive $0xFFFF  }
0xdd: {  	p0 =	sne.s32 s0, $0x0;
	s0 =	rddreg [dreg:$0x2]  }
0xde: {  	s0 =	sadd.s32 @!p0 $0x100000, s0  }
0xdf: {  	[sflag:s0] =	ssyncadd.tile.s32 @!p0 $0x1;
	_ =	shalt  }
.Lfunc_end2:
_tile_overlayer_lowered:
.L_overlay_start_2:
0xe0: {  	(tag) =	ssettag $0x2  }
0xe1: {  	s0 =	rddreg [dreg:$0x0];
	s2 =	stileid.u32  }
0xe2: {  	s1 =	rddreg [dreg:$0x1];
	p0 =	sne.s32 s2, $0x0  }
0xe3: {  	s3 =	rddreg [dreg:$0x2];
	[bflag:$0x3] =	sbarrier.arrive $0xFFFF;
	s2 =	simm.s32 @!p0 $0x1C05  }
0xe4: {  	[timem:s3], [sflag:s2] =	dma.local @!p0 [hbm:s0], s1  }
0xe5: {  	s0 =	simm.s32 @!p0 $0x5  }
0xe6: {  	_ =	swait.ge @!p0 [sflag:s0], s1  }
0xe7: {  	s1 =	ssub.s32 @!p0 $0x0, s1;
	[sflag:s0] =	ssyncset.done @!p0 $0x0  }
0xe8: {  	[sflag:s0] =	ssyncadd.s32 @!p0 s1  }
0xe9: {  	[bflag:$0x3] =	sbarrier.arrive $0xFFFF  }
0xea: {  	_ =	shalt  }

// kernel: kernel.20.cloned.1.call-start
scs
__scs_entry_jumppad:
0x0: {  	(pc) =	sbr.rel $0x88, $3  }
0x1: {  	(tag) =	ssettag $0x0;
	lr =	simm.s32 $0x1  }
0x2: {  	[smem:$0x3F8F] =	sst lr;
	_ =	strace $0xD0000000  }
0x3: {  	_ = 	snop  }
0x4: {  	_ = 	snop  }
0x5: {  	_ = 	snop  }
0x6: {  	_ = 	snop  }
0x7: {  	_ = 	snop  }
__scs_overlays_trampoline_lowered:
0x8: {  	[smem:$0x3F9E] =	sst s0  }
0x9: {  	[smem:$0x3F9F] =	sst s1  }
0xa: {  	[smem:$0x3FA0] =	sst s2  }
0xb: {  	[smem:$0x3FA1] =	sst s3  }
0xc: {  	[smem:$0x3FA2] =	sst s4  }
0xd: {  	[smem:$0x3FA3] =	sst s5  }
0xe: {  	[smem:$0x3FA4] =	sst s6  }
0xf: {  	[smem:$0x3FA5] =	sst s7  }
0x10: {  	[smem:$0x3FA6] =	sst s8  }
0x11: {  	[smem:$0x3FA7] =	sst s9;
	s0 =	simm.s32 @!p0 $0x0  }
0x12: {  	s1 =	sld [smem:$0x3F8D];
	s0 =	simm.s32 @p0 $0x1  }
0x13: {  	[smem:$0x3FA8] =	sst s0;
	s0 =	simm.s32 @!p1 $0x0  }
0x14: {  	s2 =	sld [smem:$0x3F8C];
	s0 =	simm.s32 @p1 $0x1  }
0x15: {  	[smem:$0x3FA9] =	sst s0;
	s0 =	simm.s32 @!p2 $0x0  }
0x16: {  	s3 =	sld [smem:$0x3FDB];
	s0 =	simm.s32 @p2 $0x1  }
0x17: {  	s4 =	simm.s32 $0x1BF5;
	[smem:$0x3FAB] =	sst s0  }
0x18: {  	s0 =	sld [smem:$0x3F8E];
	_ =	swait.ge [sflag:s4], $0x0  }
0x19: {  	s7 =	sld [smem:$0x3F8F]  }
0x1a: {  	s8 =	sadd.s32 $0xFFFFE003, lr  }
0x1b: {  	s9 =	sadd.s32 $0xFFFFFEF7, lr;
	s5 =	simm.s32 $0xFFFFFFFF;
	p2 =	slt.u32 s8, $0xFFFFF086  }
0x1c: {  	p1 =	slt.u32 s9, $0xF7A;
	s5 =	simm.s32 @!p2 $0x0  }
0x1d: {  	s5 =	simm.s32 @p1 $0x1;
	p0 =	seq.s32 s7, s2  }
0x1e: {  	s7 =	smul.u32 @!p0 $0xF7A, s2;
	p2 =	seq.s32 @!p0 s5, $0x0  }
0x1f: {  	s9 =	smul.u32 $0xF7A, s1;
	s8 =	simm.s32 @!p0 $0x1BF5;
	p2 =	por !p2, p0  }
0x20: {  	[sflag:s8] =	ssyncset.s32 @!p0 $0xFFFFF086;
	s6 =	sadd.s32 @!p0 s3, s7;
	s7 =	simm.s32 @!p0 $0x108  }
0x21: {  	s3 =	sadd.s32 s3, s9;
	s6 =	sadd.s32 @!p0 $0x88, s6;
	s7 =	simm.s32 @p2 $0x1082  }
0x22: {  	[simem:s7], [sflag:s8] =	dma.local @!p0 [hbm:s6], $0xF7A  }
0x23: {  	s9 =	sor.u32 $0xD0000000, s2;
	s6 =	simm.s32 $0x108;
	_ =	swait.ge @!p0 [sflag:s8], $0x0  }
0x24: {  	s3 =	sadd.s32 $0x88, s3;
	s6 =	simm.s32 @!p1 $0x1082;
	[sflag:s4] =	ssyncset.s32 $0xFFFFF086  }
0x25: {  	[simem:s6], [sflag:s4] =	dma.local [hbm:s3], $0xF7A  }
0x26: {  	[smem:$0x3F8F] =	sst s1;
	(tag) =	ssettag s2;
	_ =	strace s9  }
0x27: {  	s1 =	sld [smem:$0x3F9F]  }
0x28: {  	s2 =	sld [smem:$0x3FA0]  }
0x29: {  	s4 =	sld [smem:$0x3FA2]  }
0x2a: {  	p0 =	seq.s32 s5, $0x0;
	s5 =	sld [smem:$0x3FA3]  }
0x2b: {  	s6 =	sld [smem:$0x3FA4]  }
0x2c: {  	s7 =	sld [smem:$0x3FA5]  }
0x2d: {  	s3 =	simm.s32 $0x108;
	s8 =	sld [smem:$0x3FA6]  }
0x2e: {  	s3 =	simm.s32 @!p0 $0x1082;
	s9 =	sld [smem:$0x3FA7]  }
0x2f: {  	lr =	sadd.s32 s0, s3;
	s0 =	sld [smem:$0x3F9E]  }
0x30: {  	s3 =	sld [smem:$0x3FA1]  }
0x31: {  	[smem:$0x3FAA] =	sst s10  }
0x32: {  	s10 =	sld [smem:$0x3FA8];
	_ =	sdelay $0x3  }
0x33: {  	p0 =	seq.s32 s10, $0x1;
	s10 =	sld [smem:$0x3FAA];
	_ =	sdelay $0x3  }
0x34: {  	[smem:$0x3FAA] =	sst s10  }
0x35: {  	s10 =	sld [smem:$0x3FA9];
	_ =	sdelay $0x3  }
0x36: {  	p1 =	seq.s32 s10, $0x1;
	s10 =	sld [smem:$0x3FAA];
	_ =	sdelay $0x3  }
0x37: {  	[smem:$0x3FAA] =	sst s10  }
0x38: {  	s10 =	sld [smem:$0x3FAB]  }
0x39: {  	_ = 	snop;
	(pc) =	sbr.ind lr, $3  }
0x3a: {  	_ = 	snop  }
0x3b: {  	_ = 	snop  }
0x3c: {  	p2 =	seq.s32 s10, $0x1;
	s10 =	sld [smem:$0x3FAA]  }
0x3d: {  	_ =	shalt  }
0x3e: {  	_ =	shalt  }
0x3f: {  	_ =	shalt  }
0x40: {  	_ =	shalt  }
0x41: {  	_ =	shalt  }
0x42: {  	_ =	shalt  }
0x43: {  	_ =	shalt  }
0x44: {  	_ =	shalt  }
0x45: {  	_ =	shalt  }
0x46: {  	_ =	shalt  }
0x47: {  	_ =	shalt  }
0x48: {  	_ =	shalt  }
0x49: {  	_ =	shalt  }
0x4a: {  	_ =	shalt  }
0x4b: {  	_ =	shalt  }
0x4c: {  	_ =	shalt  }
0x4d: {  	_ =	shalt  }
0x4e: {  	_ =	shalt  }
0x4f: {  	_ =	shalt  }
0x50: {  	_ =	shalt  }
0x51: {  	_ =	shalt  }
0x52: {  	_ =	shalt  }
0x53: {  	_ =	shalt  }
0x54: {  	_ =	shalt  }
0x55: {  	_ =	shalt  }
0x56: {  	_ =	shalt  }
0x57: {  	_ =	shalt  }
0x58: {  	_ =	shalt  }
0x59: {  	_ =	shalt  }
0x5a: {  	_ =	shalt  }
0x5b: {  	_ =	shalt  }
0x5c: {  	_ =	shalt  }
0x5d: {  	_ =	shalt  }
0x5e: {  	_ =	shalt  }
0x5f: {  	_ =	shalt  }
0x60: {  	_ =	shalt  }
0x61: {  	_ =	shalt  }
0x62: {  	_ =	shalt  }
0x63: {  	_ =	shalt  }
0x64: {  	_ =	shalt  }
0x65: {  	_ =	shalt  }
0x66: {  	_ =	shalt  }
0x67: {  	_ =	shalt  }
0x68: {  	_ =	shalt  }
0x69: {  	_ =	shalt  }
0x6a: {  	_ =	shalt  }
0x6b: {  	_ =	shalt  }
0x6c: {  	_ =	shalt  }
0x6d: {  	_ =	shalt  }
0x6e: {  	_ =	shalt  }
0x6f: {  	_ =	shalt  }
0x70: {  	_ =	shalt  }
0x71: {  	_ =	shalt  }
0x72: {  	_ =	shalt  }
0x73: {  	_ =	shalt  }
0x74: {  	_ =	shalt  }
0x75: {  	_ =	shalt  }
0x76: {  	_ =	shalt  }
0x77: {  	_ =	shalt  }
0x78: {  	_ =	shalt  }
0x79: {  	_ =	shalt  }
0x7a: {  	_ =	shalt  }
0x7b: {  	_ =	shalt  }
0x7c: {  	_ =	shalt  }
0x7d: {  	_ =	shalt  }
0x7e: {  	_ =	shalt  }
0x7f: {  	_ =	shalt  }
0x80: {  	_ =	shalt  }
0x81: {  	_ =	shalt  }
0x82: {  	_ =	shalt  }
0x83: {  	_ =	shalt  }
0x84: {  	_ =	shalt  }
0x85: {  	_ =	shalt  }
0x86: {  	_ =	shalt  }
0x87: {  	_ =	shalt  }
.Lfunc_end0:
.L_simem_size_0:
called_computation.3_lowered:
.L_overlay_start_0:
0x88: {  	s2 =	sld [smem:$0x3FD9]  }
0x89: {  	s3 =	sld [smem:$0x3FFE];
	_ =	sdelay $0x1  }
0x8a: {  	s1 =	srdreg.scid  }
0x8b: {  	s0 =	sand.u32 $0x1, s1  }
0x8c: {  	s16 =	sshll.u32 s0, $0xA;
	s2 =	sadd.s32 s3, s2  }
0x8d: {  	s2 =	sadd.s32 s2, s16  }
0x8e: {  	[smem:$0x3FB6] =	sst s2  }
0x8f: {  	_ = 	snop  }
0x90: {  	(tm) =	ssettm $0x1  }
0x91: {  	s17 =	sld [smem:$0x3FFB];
	_ =	sdelay $0x3  }
0x92: {  	_ =	strace s17  }
0x93: {  	s2 =	sld [smem:$0x3FFC];
	_ =	sdelay $0x3  }
0x94: {  	_ =	strace s2  }
0x95: {  	s2 =	sld [smem:$0x3FFD];
	_ =	sdelay $0x3  }
0x96: {  	_ =	strace s2  }
0x97: {  	_ =	strace $0x8FFFFFFF  }
0x98: {  	s18 =	sld [smem:$0x3FDB];
	_ =	sdelay $0x1  }
0x99: {  	s19 =	simm.s32 $_scs_section_size  }
0x9a: {  	s4 =	simm.s32 $_size__tile_overlayer_lowered;
	s5 =	simm.s32 $_tile_overlayer_lowered  }
0x9b: {  	s22 =	simm.s32 $0x1BFF;
	s21 =	sshll.u32 s5, $0x1;
	s2 =	sadd.s32 s19, s18  }
0x9c: {  	s6 =	simm.s32 $0x0;
	s20 =	sshll.u32 s4, $0x1;
	s4 =	sadd.s32 s21, s2  }
0x9d: {  	[timem:s6], [sflag:s22] =	dma.local [hbm:s4], s20  }
0x9e: {  	_ =	swait.ge [sflag:s22], s20  }
0x9f: {  	s3 =	ssub.s32 $0x0, s20;
	[sflag:s22] =	ssyncset.done $0x0  }
0xa0: {  	[sflag:s22] =	ssyncadd.s32 s3;
	_ =	sdelay $0x1  }
0xa1: {  	s23 =	simm.s32 $0x1B8B  }
0xa2: {  	_ =	swait.ge [sflag:s23], $0x1  }
0xa3: {  	[sflag:s23] =	ssyncset.done $0x0  }
0xa4: {  	s25 =	simm.s32 $0x1B8E;
	s24 =	sld [smem:$0x3FFE];
	[sflag:s23] =	ssyncadd.s32 $0xFFFFFFFF  }
0xa5: {  	s26 =	simm.s32 $execute0_lowered;
	[smem:$0x3FD2] =	sst s25  }
0xa6: {  	s4 =	sshll.u32 s26, $0x1;
	_ =	strace $0x8000004F;
	[dreg:$0x1] =	wrdreg $0xFFFFFFFF  }
0xa7: {  	s28 =	simm.s32 $_size_execute0_lowered;
	s2 =	sadd.s32 s2, s4;
	[dreg:$0x0] =	wrdreg $0x0  }
0xa8: {  	s4 =	sshll.u32 s28, $0x1;
	[dreg:$0x2] =	wrdreg s2  }
0xa9: {  	[dreg:$0x3] =	wrdreg s4  }
0xaa: {  	[dreg:$0x4] =	wrdreg $0xC0  }
0xab: {  	_ =	task [dreg:s6], $0x5FFFF  }
0xac: {  	[dreg:$0x1] =	wrdreg $0xFFFFFFFF  }
0xad: {  	[dreg:$0x0] =	wrdreg $0x60  }
0xae: {  	[dreg:$0x2] =	wrdreg s24  }
0xaf: {  	[dreg:$0x3] =	wrdreg $0xA8000  }
0xb0: {  	[dreg:$0x4] =	wrdreg $0x9  }
0xb1: {  	_ =	task.clear_ibuf [dreg:s6], $0x5FFFF;
	_ =	strace $0x9000004F  }
0xb2: {  	s29 =	simm.s32 $0x9;
	_ =	strace $0x80000051  }
0xb3: {  	_ =	swait.ge [sflag:s29], $0x1  }
0xb4: {  	[sflag:s29] =	ssyncadd.s32 $0xFFFFFFFF  }
0xb5: {  	_ =	strace $0x90000051  }
0xb6: {  	_ =	sfence  }
0xb7: {  	s30 =	sld [smem:$0x0];
	_ =	sdelay $0x2  }
0xb8: {  	s31 =	sshll.u32 s1, $0xD;
	s1 =	sshrl.u32 s1, $0x2  }
0xb9: {  	s3 =	sand.u32 $0x4000, s31;
	s1 =	sadd.s32 s1, s30  }
0xba: {  	s0 =	sor.u32 s3, s0;
	s1 =	sshll.u32 s1, $0x11  }
0xbb: {  	s0 =	sor.u32 s1, s0  }
0xbc: {  	s0 =	sadd.s32 $0x8F2B, s0  }
0xbd: {  	[sflag:s0] =	ssyncadd.remote.s32 $0x1  }
0xbe: {  	_ =	sfence.sel $0xFFFF  }
0xbf: {  	[dreg:$0x0] =	wrdreg $0xFFFFFFFF;
	(pc) =	sbr.abs _section_cstart, $3  }
0xc0: {  	[dreg:$0x1] =	wrdreg $0xFFFFFFFF  }
0xc1: {  	_ =	task.clear_ibuf [dreg:s6], $0x2FFFF;
	_ =	strace $0x9FFFFFFF  }
0xc2: {  	(tm) =	ssettm $0x7FFFFFFF  }
0xc3: {  	_ =	shalt  }
tec
execute0_lowered:
.L_overlay_start_1:
0x0: {  	(tag) =	ssettag $0x1  }
0x1: {  	s0 =	rddreg [dreg:$0x0]  }
0x2: {  	s1 =	rddreg [dreg:$0x1]  }
0x3: {  	s2 =	simm.s32 $0x0;
	s3 =	srdreg.scid;
	s8 =	stileid.u32  }
0x4: {  	s28 =	simm.s32 $0x2;
	s29 =	simm.s32 $0x4;
	s30 =	simm.s32 $0x2700  }
0x5: {  	s31 =	simm.s32 $0x2780;
	[smem:$0x7FF] =	sst s2;
	s4 =	sadd.s32 $0x23000, s0  }
0x6: {  	s10 =	sadd.s32 $0x19000, s0;
	s3 =	sand.u32 $0x1, s3;
	s11 =	smul.u32 $0x280, s8  }
0x7: {  	s13 =	sadd.s32 $0xF000, s0;
	s6 =	smul.u32 $0x50000, s8;
	s0 =	sadd.s32 $0x4A200, s0  }
0x8: {  	s8 =	sshll.u32 s8, $0x2;
	_ =	strace $0x80000050;
	s5 =	ssub.s32 $0x2, s3  }
0x9: {  	s9 =	sshll.u32 s3, $0x1;
	s3 =	smul.u32 $0x2800, s3;
	s7 =	sshrl.u32 s5, $0x1  }
0xa: {  	s14 =	sadd.s32 $0x80, s11;
	s22 =	sshrl.u32 s6, $0x2;
	s16 =	sadd.s32 $0x100, s11  }
0xb: {  	s17 =	sadd.s32 $0x180, s11;
	s9 =	sor.u32 s9, s8;
	s18 =	sadd.s32 $0x200, s11  }
0xc: {  	s19 =	ssub.s32 s5, s7;
	s23 =	sshll.u32 s14, $0x7;
	s5 =	sadd.s32 s22, s1  }
0xd: {  	s24 =	sshll.u32 s16, $0x7;
	s25 =	sshll.u32 s17, $0x7;
	s12 =	smul.u32 $0x1400, s9  }
0xe: {  	s15 =	sshll.u32 s18, $0x7;
	s20 =	smul.u32 $0x280, s9;
	s22 =	sadd.s32 s11, s3  }
0xf: {  	s6 =	sadd.s32 s23, s1;
	s7 =	sadd.s32 s24, s1;
	s8 =	sadd.s32 s25, s1  }
0x10: {  	s9 =	sadd.s32 s15, s1;
	s23 =	sadd.s32 s3, s14;
	s24 =	sadd.s32 s3, s16  }
0x11: {  	s25 =	sadd.s32 s3, s17;
	s3 =	sadd.s32 s3, s18;
	s19 =	smax.u32 s19, $0x1  }
0x12: {  	s12 =	sshrl.u32 s12, $0x3;
	s26 =	sadd.s32 s10, s20;
	s20 =	sadd.s32 s13, s20  }
0x13: {  	s11 =	sshll.u32 s23, $0x4;
	s3 =	sshll.u32 s3, $0x4;
	[dreg:$0x3] =	wrdreg s26  }
0x14: {  	s23 =	simm.s32 $0x80;
	[dreg:$0x4] =	wrdreg s20;
	s21 =	sadd.s32 $0x280, s12  }
0x15: {  	s15 =	sadd.s32 s0, s11;
	s26 =	sshll.u32 s25, $0x4;
	s18 =	sadd.s32 s0, s3  }
0x16: {  	s20 =	simm.s32 $0x2800;
	s25 =	simm.s32 $0x1;
	s10 =	sadd.s32 s10, s21  }
0x17: {  	s13 =	sadd.s32 s13, s21;
	s17 =	sadd.s32 s0, s26;
	s21 =	simm.s32 $0x5  }
0x18: {  	s26 =	simm.s32 $0x3;
	[dreg:$0x5] =	wrdreg s10;
	s10 =	sshll.u32 s22, $0x4  }
0x19: {  	s22 =	simm.s32 $0x1400;
	s14 =	sadd.s32 s0, s10;
	s10 =	sshll.u32 s24, $0x4  }
0x1a: {  	v0 =	vimm.f32 $0.0e+00;
	s24 =	simm.s32 $0x6800;
	s16 =	sadd.s32 s0, s10;
	s0 =	simm.s32 $0x0  }
.LBB2_1:
0x1b: {  	s3 =	sand.u32 $0xFE00, s2  }
0x1c: {  	s10 =	sand.u32 $0x70, s2;
	s11 =	sshrl.u32 s3, $0x2  }
0x1d: {  	s3 =	simm.s32 $0x40;
	s11 =	sor.u32 s10, s11;
	s10 =	simm.s32 $0x0  }
.LBB2_2:
0x1e: {  	p0 =	sne.s32 s3, $0xFFC0  }
0x1f: {  	[tilespmem:s11+$0x2800] =	vst v0;
	s10 =	sadd.s32 $0x10, s10;
	s11 =	smov.u32 s3;
	s3 =	sadd.s32 $0x40, s3  }
.Ltmp0:
0x20: {  	(pc) =	sbr.rel @p0 .LBB2_2-.Ltmp0, $4  }
0x21: {  	_ = 	snop  }
0x22: {  	s11 =	sand.u32 $0xFE00, s11  }
0x23: {  	s12 =	sand.u32 $0x70, s10;
	s11 =	sshrl.u32 s11, $0x2  }
0x24: {  	s11 =	sor.u32 s12, s11  }
0x25: {  	[tilespmem:s11+$0x2800] =	vst v0  }
0x26: {  	[spmem:s5] =	stream.linear.scatter [tilespmem:s20], [sflag:$0x5], $0x4000, $0x38;
	[tilespmem:$0x1E800] =	vst v63  }
0x27: {  	_ =	swait.ge [sflag:s21], $0x4000  }
0x28: {  	[sflag:s21] =	ssyncset.done $0x0  }
0x29: {  	[sflag:s21] =	ssyncadd.s32 $0xFFFFC000  }
0x2a: {  	[spmem:s6] =	stream.linear.scatter [tilespmem:s20], [sflag:$0x5], $0x4000, $0x38;
	[tilespmem:$0x1E800] =	vst v63  }
0x2b: {  	_ =	swait.ge [sflag:s21], $0x4000  }
0x2c: {  	[sflag:s21] =	ssyncset.done $0x0  }
0x2d: {  	[sflag:s21] =	ssyncadd.s32 $0xFFFFC000  }
0x2e: {  	[spmem:s7] =	stream.linear.scatter [tilespmem:s20], [sflag:$0x5], $0x4000, $0x38;
	[tilespmem:$0x1E800] =	vst v63  }
0x2f: {  	_ =	swait.ge [sflag:s21], $0x4000  }
0x30: {  	[sflag:s21] =	ssyncset.done $0x0  }
0x31: {  	[sflag:s21] =	ssyncadd.s32 $0xFFFFC000  }
0x32: {  	[spmem:s8] =	stream.linear.scatter [tilespmem:s20], [sflag:$0x5], $0x4000, $0x38;
	[tilespmem:$0x1E800] =	vst v63  }
0x33: {  	_ =	swait.ge [sflag:s21], $0x4000  }
0x34: {  	[sflag:s21] =	ssyncset.done $0x0  }
0x35: {  	[sflag:s21] =	ssyncadd.s32 $0xFFFFC000  }
0x36: {  	[spmem:s9] =	stream.linear.scatter [tilespmem:s20], [sflag:$0x5], $0x4000, $0x38;
	[tilespmem:$0x1E800] =	vst v63  }
0x37: {  	_ =	swait.ge [sflag:s21], $0x4000  }
0x38: {  	[sflag:s21] =	ssyncset.done $0x0  }
0x39: {  	[sflag:s21] =	ssyncadd.s32 $0xFFFFC000  }
0x3a: {  	[bflag:$0x0] =	sbarrier.arrive $0xFFFF  }
0x3b: {  	s3 =	simm.s32 $0x0;
	s10 =	rddreg [dreg:$0x3]  }
0x3c: {  	[tilespmem:s3], [sflag:$0x5] =	stream.linear.gather [hbm4b:s10+s3], $0x1400, $0x38;
	[tilespmem:$0x1E800] =	vst v63  }
0x3d: {  	_ =	swait.ge [sflag:s21], $0x1400  }
0x3e: {  	[sflag:s21] =	ssyncset.done $0x0  }
0x3f: {  	s12 =	rddreg [dreg:$0x4];
	[sflag:s21] =	ssyncadd.s32 $0xFFFFEC00  }
0x40: {  	[tilespmem:s22], [sflag:$0x5] =	stream.linear.gather [hbm4b:s12+s3], $0x1400, $0x38;
	[tilespmem:$0x1E800] =	vst v63  }
0x41: {  	_ =	swait.ge [sflag:s21], $0x1400  }
0x42: {  	[sflag:s21] =	ssyncset.done $0x0  }
0x43: {  	[sflag:s21] =	ssyncadd.s32 $0xFFFFEC00  }
0x44: {  	[tilespmem:s20], [sflag:$0x1] =	stream.indirect.gather [hbm4b:s4+s23], $0x80, s3, s23, $0xb8;
	[tilespmem:$0x1E800] =	vst v63  }
0x45: {  	_ = 	snop  }
0x46: {  	[tilespmem:s24], [sflag:$0x2] =	stream.indirect.gather [hbm4b:s4+s23], $0x80, s23, s23, $0xb8;
	[tilespmem:$0x1E800] =	vst v63  }
0x47: {  	_ =	swait.ge [sflag:s25], $0x4000  }
0x48: {  	[sflag:s25] =	ssyncset.done $0x0  }
0x49: {  	s10 =	simm.s32 $0x1400;
	[sflag:s25] =	ssyncadd.s32 $0xFFFFC000  }
0x4a: {  	[spmem:s1] =	stream.indirect.scatter.add.f32 [tilespmem:s20], [sflag:$0x3], $0x80, s10, s23, $0xb8;
	[tilespmem:$0x1E800] =	vst v63  }
0x4b: {  	_ =	swait.ge [sflag:s26], $0x4000  }
0x4c: {  	[sflag:s26] =	ssyncset.done $0x0  }
0x4d: {  	s11 =	simm.s32 $0x100;
	[sflag:s26] =	ssyncadd.s32 $0xFFFFC000  }
0x4e: {  	[tilespmem:s20], [sflag:$0x1] =	stream.indirect.gather [hbm4b:s4+s23], $0x80, s11, s23, $0xb8;
	[tilespmem:$0x1E800] =	vst v63  }
0x4f: {  	_ =	swait.ge [sflag:s28], $0x4000  }
0x50: {  	[sflag:s28] =	ssyncset.done $0x0  }
0x51: {  	s12 =	simm.s32 $0x1480;
	[sflag:s28] =	ssyncadd.s32 $0xFFFFC000  }
0x52: {  	[spmem:s1] =	stream.indirect.scatter.add.f32 [tilespmem:s24], [sflag:$0x4], $0x80, s12, s23, $0xb8;
	[tilespmem:$0x1E800] =	vst v63  }
0x53: {  	_ =	swait.ge [sflag:s29], $0x4000  }
0x54: {  	[sflag:s29] =	ssyncset.done $0x0  }
0x55: {  	s3 =	simm.s32 $0x400;
	s10 =	simm.s32 $0x180;
	[sflag:s29] =	ssyncadd.s32 $0xFFFFC000  }
.LBB2_4:
0x56: {  	[tilespmem:s24], [sflag:$0x2] =	stream.indirect.gather [hbm4b:s4+s23], $0x80, s10, s23, $0xb8;
	[tilespmem:$0x1E800] =	vst v63  }
0x57: {  	s10 =	smov.u32 s3  }
0x58: {  	p0 =	sne.s32 s3, $0x4800;
	s3 =	sadd.s32 $0x400, s3;
	_ =	swait.ge [sflag:s25], $0x4000  }
0x59: {  	s10 =	sshra.s32 s10, $0x2;
	[sflag:s25] =	ssyncset.done $0x0  }
0x5a: {  	s11 =	sadd.s32 $0x1400, s10;
	[sflag:s25] =	ssyncadd.s32 $0xFFFFC000  }
0x5b: {  	[spmem:s1] =	stream.indirect.scatter.add.f32 [tilespmem:s20], [sflag:$0x3], $0x80, s11, s23, $0xb8;
	[tilespmem:$0x1E800] =	vst v63  }
0x5c: {  	_ =	swait.ge [sflag:s26], $0x4000  }
0x5d: {  	[sflag:s26] =	ssyncset.done $0x0  }
0x5e: {  	s11 =	sadd.s32 $0x100, s10;
	[sflag:s26] =	ssyncadd.s32 $0xFFFFC000  }
0x5f: {  	[tilespmem:s20], [sflag:$0x1] =	stream.indirect.gather [hbm4b:s4+s23], $0x80, s11, s23, $0xb8;
	[tilespmem:$0x1E800] =	vst v63  }
0x60: {  	_ =	swait.ge [sflag:s28], $0x4000  }
0x61: {  	[sflag:s28] =	ssyncset.done $0x0  }
.Ltmp1:
0x62: {  	s11 =	sadd.s32 $0x1480, s10;
	[sflag:s28] =	ssyncadd.s32 $0xFFFFC000;
	(pc) =	sbr.rel @p0 .LBB2_4-.Ltmp1, $4  }
0x63: {  	[spmem:s1] =	stream.indirect.scatter.add.f32 [tilespmem:s24], [sflag:$0x4], $0x80, s11, s23, $0xb8;
	[tilespmem:$0x1E800] =	vst v63  }
0x64: {  	_ =	swait.ge [sflag:s29], $0x4000  }
0x65: {  	[sflag:s29] =	ssyncset.done $0x0  }
0x66: {  	s10 =	sadd.s32 $0x180, s10;
	[sflag:s29] =	ssyncadd.s32 $0xFFFFC000  }
0x67: {  	[tilespmem:s24], [sflag:$0x2] =	stream.indirect.gather [hbm4b:s4+s23], $0x80, s10, s23, $0xb8;
	[tilespmem:$0x1E800] =	vst v63  }
0x68: {  	_ =	swait.ge [sflag:s25], $0x4000  }
0x69: {  	[sflag:s25] =	ssyncset.done $0x0  }
0x6a: {  	[sflag:s25] =	ssyncadd.s32 $0xFFFFC000  }
0x6b: {  	[spmem:s1] =	stream.indirect.scatter.add.f32 [tilespmem:s20], [sflag:$0x3], $0x80, s30, s23, $0xb8;
	[tilespmem:$0x1E800] =	vst v63  }
0x6c: {  	_ =	swait.ge [sflag:s26], $0x4000  }
0x6d: {  	[sflag:s26] =	ssyncset.done $0x0  }
0x6e: {  	[sflag:s26] =	ssyncadd.s32 $0xFFFFC000  }
0x6f: {  	_ =	swait.ge [sflag:s28], $0x4000  }
0x70: {  	[sflag:s28] =	ssyncset.done $0x0  }
0x71: {  	[sflag:s28] =	ssyncadd.s32 $0xFFFFC000  }
0x72: {  	[spmem:s1] =	stream.indirect.scatter.add.f32 [tilespmem:s24], [sflag:$0x4], $0x80, s31, s23, $0xb8;
	[tilespmem:$0x1E800] =	vst v63  }
0x73: {  	_ =	swait.ge [sflag:s29], $0x4000  }
0x74: {  	[sflag:s29] =	ssyncset.done $0x0  }
0x75: {  	s3 =	simm.s32 $0x0;
	s12 =	rddreg [dreg:$0x5];
	[sflag:s29] =	ssyncadd.s32 $0xFFFFC000  }
0x76: {  	[tilespmem:s3], [sflag:$0x5] =	stream.linear.gather [hbm4b:s12+s3], $0x1400, $0x38;
	[tilespmem:$0x1E800] =	vst v63  }
0x77: {  	_ =	swait.ge [sflag:s21], $0x1400  }
0x78: {  	[sflag:s21] =	ssyncset.done $0x0  }
0x79: {  	[sflag:s21] =	ssyncadd.s32 $0xFFFFEC00  }
0x7a: {  	[tilespmem:s22], [sflag:$0x5] =	stream.linear.gather [hbm4b:s13+s3], $0x1400, $0x38;
	[tilespmem:$0x1E800] =	vst v63  }
0x7b: {  	_ =	swait.ge [sflag:s21], $0x1400  }
0x7c: {  	[sflag:s21] =	ssyncset.done $0x0  }
0x7d: {  	[sflag:s21] =	ssyncadd.s32 $0xFFFFEC00  }
0x7e: {  	[tilespmem:s20], [sflag:$0x1] =	stream.indirect.gather [hbm4b:s4+s23], $0x80, s3, s23, $0xb8;
	[tilespmem:$0x1E800] =	vst v63  }
0x7f: {  	_ = 	snop  }
0x80: {  	[tilespmem:s24], [sflag:$0x2] =	stream.indirect.gather [hbm4b:s4+s23], $0x80, s23, s23, $0xb8;
	[tilespmem:$0x1E800] =	vst v63  }
0x81: {  	_ =	swait.ge [sflag:s25], $0x4000  }
0x82: {  	[sflag:s25] =	ssyncset.done $0x0  }
0x83: {  	s10 =	simm.s32 $0x1400;
	[sflag:s25] =	ssyncadd.s32 $0xFFFFC000  }
0x84: {  	[spmem:s1] =	stream.indirect.scatter.add.f32 [tilespmem:s20], [sflag:$0x3], $0x80, s10, s23, $0xb8;
	[tilespmem:$0x1E800] =	vst v63  }
0x85: {  	_ =	swait.ge [sflag:s26], $0x4000  }
0x86: {  	[sflag:s26] =	ssyncset.done $0x0  }
0x87: {  	s11 =	simm.s32 $0x100;
	[sflag:s26] =	ssyncadd.s32 $0xFFFFC000  }
0x88: {  	[tilespmem:s20], [sflag:$0x1] =	stream.indirect.gather [hbm4b:s4+s23], $0x80, s11, s23, $0xb8;
	[tilespmem:$0x1E800] =	vst v63  }
0x89: {  	_ =	swait.ge [sflag:s28], $0x4000  }
0x8a: {  	[sflag:s28] =	ssyncset.done $0x0  }
0x8b: {  	s12 =	simm.s32 $0x1480;
	[sflag:s28] =	ssyncadd.s32 $0xFFFFC000  }
0x8c: {  	[spmem:s1] =	stream.indirect.scatter.add.f32 [tilespmem:s24], [sflag:$0x4], $0x80, s12, s23, $0xb8;
	[tilespmem:$0x1E800] =	vst v63  }
0x8d: {  	_ =	swait.ge [sflag:s29], $0x4000  }
0x8e: {  	[sflag:s29] =	ssyncset.done $0x0  }
0x8f: {  	s3 =	simm.s32 $0x400;
	s10 =	simm.s32 $0x180;
	[sflag:s29] =	ssyncadd.s32 $0xFFFFC000  }
.LBB2_6:
0x90: {  	[tilespmem:s24], [sflag:$0x2] =	stream.indirect.gather [hbm4b:s4+s23], $0x80, s10, s23, $0xb8;
	[tilespmem:$0x1E800] =	vst v63  }
0x91: {  	s10 =	smov.u32 s3  }
0x92: {  	p0 =	sne.s32 s3, $0x4800;
	s3 =	sadd.s32 $0x400, s3;
	_ =	swait.ge [sflag:s25], $0x4000  }
0x93: {  	s10 =	sshra.s32 s10, $0x2;
	[sflag:s25] =	ssyncset.done $0x0  }
0x94: {  	s11 =	sadd.s32 $0x1400, s10;
	[sflag:s25] =	ssyncadd.s32 $0xFFFFC000  }
0x95: {  	[spmem:s1] =	stream.indirect.scatter.add.f32 [tilespmem:s20], [sflag:$0x3], $0x80, s11, s23, $0xb8;
	[tilespmem:$0x1E800] =	vst v63  }
0x96: {  	_ =	swait.ge [sflag:s26], $0x4000  }
0x97: {  	[sflag:s26] =	ssyncset.done $0x0  }
0x98: {  	s11 =	sadd.s32 $0x100, s10;
	[sflag:s26] =	ssyncadd.s32 $0xFFFFC000  }
0x99: {  	[tilespmem:s20], [sflag:$0x1] =	stream.indirect.gather [hbm4b:s4+s23], $0x80, s11, s23, $0xb8;
	[tilespmem:$0x1E800] =	vst v63  }
0x9a: {  	_ =	swait.ge [sflag:s28], $0x4000  }
0x9b: {  	[sflag:s28] =	ssyncset.done $0x0  }
.Ltmp2:
0x9c: {  	s11 =	sadd.s32 $0x1480, s10;
	[sflag:s28] =	ssyncadd.s32 $0xFFFFC000;
	(pc) =	sbr.rel @p0 .LBB2_6-.Ltmp2, $4  }
0x9d: {  	[spmem:s1] =	stream.indirect.scatter.add.f32 [tilespmem:s24], [sflag:$0x4], $0x80, s11, s23, $0xb8;
	[tilespmem:$0x1E800] =	vst v63  }
0x9e: {  	_ =	swait.ge [sflag:s29], $0x4000  }
0x9f: {  	[sflag:s29] =	ssyncset.done $0x0  }
0xa0: {  	s10 =	sadd.s32 $0x180, s10;
	[sflag:s29] =	ssyncadd.s32 $0xFFFFC000  }
0xa1: {  	[tilespmem:s24], [sflag:$0x2] =	stream.indirect.gather [hbm4b:s4+s23], $0x80, s10, s23, $0xb8;
	[tilespmem:$0x1E800] =	vst v63  }
0xa2: {  	_ =	swait.ge [sflag:s25], $0x4000  }
0xa3: {  	[sflag:s25] =	ssyncset.done $0x0  }
0xa4: {  	[sflag:s25] =	ssyncadd.s32 $0xFFFFC000  }
0xa5: {  	[spmem:s1] =	stream.indirect.scatter.add.f32 [tilespmem:s20], [sflag:$0x3], $0x80, s30, s23, $0xb8;
	[tilespmem:$0x1E800] =	vst v63  }
0xa6: {  	_ =	swait.ge [sflag:s26], $0x4000  }
0xa7: {  	[sflag:s26] =	ssyncset.done $0x0  }
0xa8: {  	[sflag:s26] =	ssyncadd.s32 $0xFFFFC000  }
0xa9: {  	_ =	swait.ge [sflag:s28], $0x4000  }
0xaa: {  	[sflag:s28] =	ssyncset.done $0x0  }
0xab: {  	[sflag:s28] =	ssyncadd.s32 $0xFFFFC000  }
0xac: {  	[spmem:s1] =	stream.indirect.scatter.add.f32 [tilespmem:s24], [sflag:$0x4], $0x80, s31, s23, $0xb8;
	[tilespmem:$0x1E800] =	vst v63  }
0xad: {  	_ =	swait.ge [sflag:s29], $0x4000  }
0xae: {  	[sflag:s29] =	ssyncset.done $0x0  }
0xaf: {  	[sflag:s29] =	ssyncadd.s32 $0xFFFFC000  }
0xb0: {  	[bflag:$0x0] =	sbarrier.arrive $0xFFFF  }
0xb1: {  	[tilespmem:s20], [sflag:$0x5] =	stream.linear.gather [spmem:s5], $0x4000, $0x38;
	[tilespmem:$0x1E800] =	vst v63  }
0xb2: {  	_ =	swait.ge [sflag:s21], $0x4000  }
0xb3: {  	[sflag:s21] =	ssyncset.done $0x0  }
0xb4: {  	[sflag:s21] =	ssyncadd.s32 $0xFFFFC000  }
0xb5: {  	[hbm4b:s14+s2] =	stream.linear.scatter [tilespmem:s20], [sflag:$0x5], $0x4000, $0x38;
	[tilespmem:$0x1E800] =	vst v63  }
0xb6: {  	_ =	swait.ge [sflag:s21], $0x4000  }
0xb7: {  	[sflag:s21] =	ssyncset.done $0x0  }
0xb8: {  	[sflag:s21] =	ssyncadd.s32 $0xFFFFC000  }
0xb9: {  	[tilespmem:s20], [sflag:$0x5] =	stream.linear.gather [spmem:s6], $0x4000, $0x38;
	[tilespmem:$0x1E800] =	vst v63  }
0xba: {  	_ =	swait.ge [sflag:s21], $0x4000  }
0xbb: {  	[sflag:s21] =	ssyncset.done $0x0  }
0xbc: {  	[sflag:s21] =	ssyncadd.s32 $0xFFFFC000  }
0xbd: {  	[hbm4b:s15+s2] =	stream.linear.scatter [tilespmem:s20], [sflag:$0x5], $0x4000, $0x38;
	[tilespmem:$0x1E800] =	vst v63  }
0xbe: {  	_ =	swait.ge [sflag:s21], $0x4000  }
0xbf: {  	[sflag:s21] =	ssyncset.done $0x0  }
0xc0: {  	[sflag:s21] =	ssyncadd.s32 $0xFFFFC000  }
0xc1: {  	[tilespmem:s20], [sflag:$0x5] =	stream.linear.gather [spmem:s7], $0x4000, $0x38;
	[tilespmem:$0x1E800] =	vst v63  }
0xc2: {  	_ =	swait.ge [sflag:s21], $0x4000  }
0xc3: {  	[sflag:s21] =	ssyncset.done $0x0  }
0xc4: {  	[sflag:s21] =	ssyncadd.s32 $0xFFFFC000  }
0xc5: {  	[hbm4b:s16+s2] =	stream.linear.scatter [tilespmem:s20], [sflag:$0x5], $0x4000, $0x38;
	[tilespmem:$0x1E800] =	vst v63  }
0xc6: {  	_ =	swait.ge [sflag:s21], $0x4000  }
0xc7: {  	[sflag:s21] =	ssyncset.done $0x0  }
0xc8: {  	[sflag:s21] =	ssyncadd.s32 $0xFFFFC000  }
0xc9: {  	[tilespmem:s20], [sflag:$0x5] =	stream.linear.gather [spmem:s8], $0x4000, $0x38;
	[tilespmem:$0x1E800] =	vst v63  }
0xca: {  	_ =	swait.ge [sflag:s21], $0x4000  }
0xcb: {  	[sflag:s21] =	ssyncset.done $0x0  }
0xcc: {  	[sflag:s21] =	ssyncadd.s32 $0xFFFFC000  }
0xcd: {  	[hbm4b:s17+s2] =	stream.linear.scatter [tilespmem:s20], [sflag:$0x5], $0x4000, $0x38;
	[tilespmem:$0x1E800] =	vst v63  }
0xce: {  	_ =	swait.ge [sflag:s21], $0x4000  }
0xcf: {  	[sflag:s21] =	ssyncset.done $0x0  }
0xd0: {  	[sflag:s21] =	ssyncadd.s32 $0xFFFFC000  }
0xd1: {  	[tilespmem:s20], [sflag:$0x5] =	stream.linear.gather [spmem:s9], $0x4000, $0x38;
	[tilespmem:$0x1E800] =	vst v63  }
0xd2: {  	s0 =	sadd.s32 $0x1, s0;
	_ =	swait.ge [sflag:s21], $0x4000  }
0xd3: {  	p0 =	sne.s32 s0, s19;
	[sflag:s21] =	ssyncset.done $0x0  }
.Ltmp3:
0xd4: {  	[sflag:s21] =	ssyncadd.s32 $0xFFFFC000;
	(pc) =	sbr.rel @p0 .LBB2_1-.Ltmp3, $4  }
0xd5: {  	[hbm4b:s18+s2] =	stream.linear.scatter [tilespmem:s20], [sflag:$0x5], $0x4000, $0x38;
	[tilespmem:$0x1E800] =	vst v63  }
0xd6: {  	_ =	swait.ge [sflag:s21], $0x4000  }
0xd7: {  	[sflag:s21] =	ssyncset.done $0x0  }
0xd8: {  	[sflag:s21] =	ssyncadd.s32 $0xFFFFC000  }
0xd9: {  	_ =	sfence.sel $0x180000  }
0xda: {  	[bflag:$0x0] =	sbarrier.arrive $0xFFFF  }
0xdb: {  	_ =	strace $0x90000050  }
0xdc: {  	s0 =	stileid.u32;
	[bflag:$0x2] =	sbarrier.arrive $0xFFFF  }
0xdd: {  	p0 =	sne.s32 s0, $0x0;
	s0 =	rddreg [dreg:$0x2]  }
0xde: {  	s0 =	sadd.s32 @!p0 $0x100000, s0  }
0xdf: {  	[sflag:s0] =	ssyncadd.tile.s32 @!p0 $0x1;
	_ =	shalt  }
.Lfunc_end2:
_tile_overlayer_lowered:
.L_overlay_start_2:
0xe0: {  	(tag) =	ssettag $0x2  }
0xe1: {  	s0 =	rddreg [dreg:$0x0];
	s2 =	stileid.u32  }
0xe2: {  	s1 =	rddreg [dreg:$0x1];
	p0 =	sne.s32 s2, $0x0  }
0xe3: {  	s3 =	rddreg [dreg:$0x2];
	[bflag:$0x3] =	sbarrier.arrive $0xFFFF;
	s2 =	simm.s32 @!p0 $0x1C05  }
0xe4: {  	[timem:s3], [sflag:s2] =	dma.local @!p0 [hbm:s0], s1  }
0xe5: {  	s0 =	simm.s32 @!p0 $0x5  }
0xe6: {  	_ =	swait.ge @!p0 [sflag:s0], s1  }
0xe7: {  	s1 =	ssub.s32 @!p0 $0x0, s1;
	[sflag:s0] =	ssyncset.done @!p0 $0x0  }
0xe8: {  	[sflag:s0] =	ssyncadd.s32 @!p0 s1  }
0xe9: {  	[bflag:$0x3] =	sbarrier.arrive $0xFFFF  }
0xea: {  	_ =	shalt  }

// kernel: kernel.23.cloned.1.call-start
scs
__scs_entry_jumppad:
0x0: {  	(pc) =	sbr.rel $0x88, $3  }
0x1: {  	(tag) =	ssettag $0x0;
	lr =	simm.s32 $0x1  }
0x2: {  	[smem:$0x3F8F] =	sst lr;
	_ =	strace $0xD0000000  }
0x3: {  	_ = 	snop  }
0x4: {  	_ = 	snop  }
0x5: {  	_ = 	snop  }
0x6: {  	_ = 	snop  }
0x7: {  	_ = 	snop  }
__scs_overlays_trampoline_lowered:
0x8: {  	[smem:$0x3F9E] =	sst s0  }
0x9: {  	[smem:$0x3F9F] =	sst s1  }
0xa: {  	[smem:$0x3FA0] =	sst s2  }
0xb: {  	[smem:$0x3FA1] =	sst s3  }
0xc: {  	[smem:$0x3FA2] =	sst s4  }
0xd: {  	[smem:$0x3FA3] =	sst s5  }
0xe: {  	[smem:$0x3FA4] =	sst s6  }
0xf: {  	[smem:$0x3FA5] =	sst s7  }
0x10: {  	[smem:$0x3FA6] =	sst s8  }
0x11: {  	[smem:$0x3FA7] =	sst s9;
	s0 =	simm.s32 @!p0 $0x0  }
0x12: {  	s1 =	sld [smem:$0x3F8D];
	s0 =	simm.s32 @p0 $0x1  }
0x13: {  	[smem:$0x3FA8] =	sst s0;
	s0 =	simm.s32 @!p1 $0x0  }
0x14: {  	s2 =	sld [smem:$0x3F8C];
	s0 =	simm.s32 @p1 $0x1  }
0x15: {  	[smem:$0x3FA9] =	sst s0;
	s0 =	simm.s32 @!p2 $0x0  }
0x16: {  	s3 =	sld [smem:$0x3FDB];
	s0 =	simm.s32 @p2 $0x1  }
0x17: {  	s4 =	simm.s32 $0x1BF5;
	[smem:$0x3FAB] =	sst s0  }
0x18: {  	s0 =	sld [smem:$0x3F8E];
	_ =	swait.ge [sflag:s4], $0x0  }
0x19: {  	s7 =	sld [smem:$0x3F8F]  }
0x1a: {  	s8 =	sadd.s32 $0xFFFFE003, lr  }
0x1b: {  	s9 =	sadd.s32 $0xFFFFFEF7, lr;
	s5 =	simm.s32 $0xFFFFFFFF;
	p2 =	slt.u32 s8, $0xFFFFF086  }
0x1c: {  	p1 =	slt.u32 s9, $0xF7A;
	s5 =	simm.s32 @!p2 $0x0  }
0x1d: {  	s5 =	simm.s32 @p1 $0x1;
	p0 =	seq.s32 s7, s2  }
0x1e: {  	s7 =	smul.u32 @!p0 $0xF7A, s2;
	p2 =	seq.s32 @!p0 s5, $0x0  }
0x1f: {  	s9 =	smul.u32 $0xF7A, s1;
	s8 =	simm.s32 @!p0 $0x1BF5;
	p2 =	por !p2, p0  }
0x20: {  	[sflag:s8] =	ssyncset.s32 @!p0 $0xFFFFF086;
	s6 =	sadd.s32 @!p0 s3, s7;
	s7 =	simm.s32 @!p0 $0x108  }
0x21: {  	s3 =	sadd.s32 s3, s9;
	s6 =	sadd.s32 @!p0 $0x88, s6;
	s7 =	simm.s32 @p2 $0x1082  }
0x22: {  	[simem:s7], [sflag:s8] =	dma.local @!p0 [hbm:s6], $0xF7A  }
0x23: {  	s9 =	sor.u32 $0xD0000000, s2;
	s6 =	simm.s32 $0x108;
	_ =	swait.ge @!p0 [sflag:s8], $0x0  }
0x24: {  	s3 =	sadd.s32 $0x88, s3;
	s6 =	simm.s32 @!p1 $0x1082;
	[sflag:s4] =	ssyncset.s32 $0xFFFFF086  }
0x25: {  	[simem:s6], [sflag:s4] =	dma.local [hbm:s3], $0xF7A  }
0x26: {  	[smem:$0x3F8F] =	sst s1;
	(tag) =	ssettag s2;
	_ =	strace s9  }
0x27: {  	s1 =	sld [smem:$0x3F9F]  }
0x28: {  	s2 =	sld [smem:$0x3FA0]  }
0x29: {  	s4 =	sld [smem:$0x3FA2]  }
0x2a: {  	p0 =	seq.s32 s5, $0x0;
	s5 =	sld [smem:$0x3FA3]  }
0x2b: {  	s6 =	sld [smem:$0x3FA4]  }
0x2c: {  	s7 =	sld [smem:$0x3FA5]  }
0x2d: {  	s3 =	simm.s32 $0x108;
	s8 =	sld [smem:$0x3FA6]  }
0x2e: {  	s3 =	simm.s32 @!p0 $0x1082;
	s9 =	sld [smem:$0x3FA7]  }
0x2f: {  	lr =	sadd.s32 s0, s3;
	s0 =	sld [smem:$0x3F9E]  }
0x30: {  	s3 =	sld [smem:$0x3FA1]  }
0x31: {  	[smem:$0x3FAA] =	sst s10  }
0x32: {  	s10 =	sld [smem:$0x3FA8];
	_ =	sdelay $0x3  }
0x33: {  	p0 =	seq.s32 s10, $0x1;
	s10 =	sld [smem:$0x3FAA];
	_ =	sdelay $0x3  }
0x34: {  	[smem:$0x3FAA] =	sst s10  }
0x35: {  	s10 =	sld [smem:$0x3FA9];
	_ =	sdelay $0x3  }
0x36: {  	p1 =	seq.s32 s10, $0x1;
	s10 =	sld [smem:$0x3FAA];
	_ =	sdelay $0x3  }
0x37: {  	[smem:$0x3FAA] =	sst s10  }
0x38: {  	s10 =	sld [smem:$0x3FAB]  }
0x39: {  	_ = 	snop;
	(pc) =	sbr.ind lr, $3  }
0x3a: {  	_ = 	snop  }
0x3b: {  	_ = 	snop  }
0x3c: {  	p2 =	seq.s32 s10, $0x1;
	s10 =	sld [smem:$0x3FAA]  }
0x3d: {  	_ =	shalt  }
0x3e: {  	_ =	shalt  }
0x3f: {  	_ =	shalt  }
0x40: {  	_ =	shalt  }
0x41: {  	_ =	shalt  }
0x42: {  	_ =	shalt  }
0x43: {  	_ =	shalt  }
0x44: {  	_ =	shalt  }
0x45: {  	_ =	shalt  }
0x46: {  	_ =	shalt  }
0x47: {  	_ =	shalt  }
0x48: {  	_ =	shalt  }
0x49: {  	_ =	shalt  }
0x4a: {  	_ =	shalt  }
0x4b: {  	_ =	shalt  }
0x4c: {  	_ =	shalt  }
0x4d: {  	_ =	shalt  }
0x4e: {  	_ =	shalt  }
0x4f: {  	_ =	shalt  }
0x50: {  	_ =	shalt  }
0x51: {  	_ =	shalt  }
0x52: {  	_ =	shalt  }
0x53: {  	_ =	shalt  }
0x54: {  	_ =	shalt  }
0x55: {  	_ =	shalt  }
0x56: {  	_ =	shalt  }
0x57: {  	_ =	shalt  }
0x58: {  	_ =	shalt  }
0x59: {  	_ =	shalt  }
0x5a: {  	_ =	shalt  }
0x5b: {  	_ =	shalt  }
0x5c: {  	_ =	shalt  }
0x5d: {  	_ =	shalt  }
0x5e: {  	_ =	shalt  }
0x5f: {  	_ =	shalt  }
0x60: {  	_ =	shalt  }
0x61: {  	_ =	shalt  }
0x62: {  	_ =	shalt  }
0x63: {  	_ =	shalt  }
0x64: {  	_ =	shalt  }
0x65: {  	_ =	shalt  }
0x66: {  	_ =	shalt  }
0x67: {  	_ =	shalt  }
0x68: {  	_ =	shalt  }
0x69: {  	_ =	shalt  }
0x6a: {  	_ =	shalt  }
0x6b: {  	_ =	shalt  }
0x6c: {  	_ =	shalt  }
0x6d: {  	_ =	shalt  }
0x6e: {  	_ =	shalt  }
0x6f: {  	_ =	shalt  }
0x70: {  	_ =	shalt  }
0x71: {  	_ =	shalt  }
0x72: {  	_ =	shalt  }
0x73: {  	_ =	shalt  }
0x74: {  	_ =	shalt  }
0x75: {  	_ =	shalt  }
0x76: {  	_ =	shalt  }
0x77: {  	_ =	shalt  }
0x78: {  	_ =	shalt  }
0x79: {  	_ =	shalt  }
0x7a: {  	_ =	shalt  }
0x7b: {  	_ =	shalt  }
0x7c: {  	_ =	shalt  }
0x7d: {  	_ =	shalt  }
0x7e: {  	_ =	shalt  }
0x7f: {  	_ =	shalt  }
0x80: {  	_ =	shalt  }
0x81: {  	_ =	shalt  }
0x82: {  	_ =	shalt  }
0x83: {  	_ =	shalt  }
0x84: {  	_ =	shalt  }
0x85: {  	_ =	shalt  }
0x86: {  	_ =	shalt  }
0x87: {  	_ =	shalt  }
.Lfunc_end0:
.L_simem_size_0:
called_computation.4_lowered:
.L_overlay_start_0:
0x88: {  	s2 =	sld [smem:$0x3FD9]  }
0x89: {  	s3 =	sld [smem:$0x3FFE];
	_ =	sdelay $0x1  }
0x8a: {  	s1 =	srdreg.scid  }
0x8b: {  	s0 =	sand.u32 $0x1, s1  }
0x8c: {  	s16 =	sshll.u32 s0, $0xA;
	s2 =	sadd.s32 s3, s2  }
0x8d: {  	s2 =	sadd.s32 s2, s16  }
0x8e: {  	[smem:$0x3FB6] =	sst s2  }
0x8f: {  	_ = 	snop  }
0x90: {  	(tm) =	ssettm $0x1  }
0x91: {  	s17 =	sld [smem:$0x3FFB];
	_ =	sdelay $0x3  }
0x92: {  	_ =	strace s17  }
0x93: {  	s2 =	sld [smem:$0x3FFC];
	_ =	sdelay $0x3  }
0x94: {  	_ =	strace s2  }
0x95: {  	s2 =	sld [smem:$0x3FFD];
	_ =	sdelay $0x3  }
0x96: {  	_ =	strace s2  }
0x97: {  	_ =	strace $0x8FFFFFFF  }
0x98: {  	s18 =	sld [smem:$0x3FDB];
	_ =	sdelay $0x1  }
0x99: {  	s19 =	simm.s32 $_scs_section_size  }
0x9a: {  	s4 =	simm.s32 $_size__tile_overlayer_lowered;
	s5 =	simm.s32 $_tile_overlayer_lowered  }
0x9b: {  	s22 =	simm.s32 $0x1BFF;
	s21 =	sshll.u32 s5, $0x1;
	s2 =	sadd.s32 s19, s18  }
0x9c: {  	s6 =	simm.s32 $0x0;
	s20 =	sshll.u32 s4, $0x1;
	s4 =	sadd.s32 s21, s2  }
0x9d: {  	[timem:s6], [sflag:s22] =	dma.local [hbm:s4], s20  }
0x9e: {  	_ =	swait.ge [sflag:s22], s20  }
0x9f: {  	s3 =	ssub.s32 $0x0, s20;
	[sflag:s22] =	ssyncset.done $0x0  }
0xa0: {  	[sflag:s22] =	ssyncadd.s32 s3;
	_ =	sdelay $0x1  }
0xa1: {  	s23 =	simm.s32 $0x1B8B  }
0xa2: {  	_ =	swait.ge [sflag:s23], $0x1  }
0xa3: {  	[sflag:s23] =	ssyncset.done $0x0  }
0xa4: {  	s25 =	simm.s32 $0x1B8E;
	s24 =	sld [smem:$0x3FFE];
	[sflag:s23] =	ssyncadd.s32 $0xFFFFFFFF  }
0xa5: {  	s26 =	simm.s32 $execute0_lowered;
	[smem:$0x3FD2] =	sst s25  }
0xa6: {  	s4 =	sshll.u32 s26, $0x1;
	_ =	strace $0x80000052;
	[dreg:$0x1] =	wrdreg $0xFFFFFFFF  }
0xa7: {  	s28 =	simm.s32 $_size_execute0_lowered;
	s2 =	sadd.s32 s2, s4;
	[dreg:$0x0] =	wrdreg $0x0  }
0xa8: {  	s4 =	sshll.u32 s28, $0x1;
	[dreg:$0x2] =	wrdreg s2  }
0xa9: {  	[dreg:$0x3] =	wrdreg s4  }
0xaa: {  	[dreg:$0x4] =	wrdreg $0xC0  }
0xab: {  	_ =	task [dreg:s6], $0x5FFFF  }
0xac: {  	[dreg:$0x1] =	wrdreg $0xFFFFFFFF  }
0xad: {  	[dreg:$0x0] =	wrdreg $0x60  }
0xae: {  	[dreg:$0x2] =	wrdreg s24  }
0xaf: {  	[dreg:$0x3] =	wrdreg $0x9  }
0xb0: {  	_ =	task.clear_ibuf [dreg:s6], $0x4FFFF;
	_ =	strace $0x90000052  }
0xb1: {  	s29 =	simm.s32 $0x9;
	_ =	strace $0x80000054  }
0xb2: {  	_ =	swait.ge [sflag:s29], $0x1  }
0xb3: {  	[sflag:s29] =	ssyncadd.s32 $0xFFFFFFFF  }
0xb4: {  	_ =	strace $0x90000054  }
0xb5: {  	_ =	sfence  }
0xb6: {  	s30 =	sld [smem:$0x0];
	_ =	sdelay $0x2  }
0xb7: {  	s31 =	sshll.u32 s1, $0xD;
	s1 =	sshrl.u32 s1, $0x2  }
0xb8: {  	s3 =	sand.u32 $0x4000, s31;
	s1 =	sadd.s32 s1, s30  }
0xb9: {  	s0 =	sor.u32 s3, s0;
	s1 =	sshll.u32 s1, $0x11  }
0xba: {  	s0 =	sor.u32 s1, s0  }
0xbb: {  	s0 =	sadd.s32 $0x8F2B, s0  }
0xbc: {  	[sflag:s0] =	ssyncadd.remote.s32 $0x1  }
0xbd: {  	_ =	sfence.sel $0xFFFF  }
0xbe: {  	[dreg:$0x0] =	wrdreg $0xFFFFFFFF;
	(pc) =	sbr.abs _section_cstart, $3  }
0xbf: {  	[dreg:$0x1] =	wrdreg $0xFFFFFFFF  }
0xc0: {  	_ =	task.clear_ibuf [dreg:s6], $0x2FFFF;
	_ =	strace $0x9FFFFFFF  }
0xc1: {  	(tm) =	ssettm $0x7FFFFFFF  }
tec
execute0_lowered:
.L_overlay_start_1:
0x0: {  	(tag) =	ssettag $0x1  }
0x1: {  	s5 =	rddreg [dreg:$0x0]  }
0x2: {  	s0 =	rddreg [dreg:$0x1]  }
0x3: {  	s3 =	srdreg.scid;
	s1 =	stileid.u32  }
0x4: {  	s2 =	simm.s32 $0x0;
	s7 =	sand.u32 $0x1, s3;
	s31 =	sshll.u32 s1, $0x1  }
0x5: {  	[smem:$0x7FF] =	sst s2;
	s3 =	sadd.s32 $0x5800, s5;
	s4 =	sor.u32 s7, s31  }
0x6: {  	_ =	strace $0x80000053;
	s6 =	smul.u32 $0x28, s4;
	s4 =	simm.s32 $0x1  }
0x7: {  	[tilespmem:s2], [sflag:$0x1] =	stream.linear.gather [hbm4b:s3+s2], $0x2800, $0x38;
	[tilespmem:$0x2B00] =	vst v63  }
0x8: {  	_ =	swait.ge [sflag:s4], $0x2800  }
0x9: {  	s8 =	sadd.s32 s6, s5;
	[sflag:s4] =	ssyncset.done $0x0  }
0xa: {  	s6 =	simm.s32 $0x2800;
	s5 =	sadd.s32 $0x5200, s8;
	[sflag:s4] =	ssyncadd.s32 $0xFFFFD800  }
0xb: {  	[tilespmem:s6], [sflag:$0x1] =	stream.linear.gather [hbm4b:s5+s2], $0x140, $0x38;
	[tilespmem:$0x2B00] =	vst v63  }
0xc: {  	_ =	swait.ge [sflag:s4], $0x140  }
0xd: {  	[sflag:s4] =	ssyncset.done $0x0  }
0xe: {  	[sflag:s4] =	ssyncadd.s32 $0xFFFFFEC0  }
0xf: {  	v0 =	vld [tilespmem:$0x2800];
	_ =	sdelay $0x5  }
0x10: {  	v1 =	vld [tilespmem:$0x2810];
	_ =	sdelay $0x1  }
0x11: {  	v0 =	vld.idx.msk [tilespmem:v0+s2+$0x0], $0xffff;
	_ =	sdelay $0x3  }
0x12: {  	v2 =	vld [tilespmem:$0x2820]  }
0x13: {  	[tilespmem:$0x2980] =	vst v0  }
0x14: {  	v0 =	vld.idx.msk [tilespmem:v1+s2+$0x0], $0xffff;
	_ =	sdelay $0x3  }
0x15: {  	v47 =	vld [tilespmem:$0x2830]  }
0x16: {  	[tilespmem:$0x2990] =	vst v0  }
0x17: {  	v0 =	vld.idx.msk [tilespmem:v2+s2+$0x0], $0xffff;
	_ =	sdelay $0x3  }
0x18: {  	v48 =	vld [tilespmem:$0x2840]  }
0x19: {  	[tilespmem:$0x29A0] =	vst v0  }
0x1a: {  	v0 =	vld.idx.msk [tilespmem:v47+s2+$0x0], $0xffff;
	_ =	sdelay $0x3  }
0x1b: {  	v49 =	vld [tilespmem:$0x2850]  }
0x1c: {  	[tilespmem:$0x29B0] =	vst v0  }
0x1d: {  	v0 =	vld.idx.msk [tilespmem:v48+s2+$0x0], $0xffff;
	_ =	sdelay $0x3  }
0x1e: {  	v50 =	vld [tilespmem:$0x2860]  }
0x1f: {  	[tilespmem:$0x29C0] =	vst v0  }
0x20: {  	v0 =	vld.idx.msk [tilespmem:v49+s2+$0x0], $0xffff;
	_ =	sdelay $0x3  }
0x21: {  	v51 =	vld [tilespmem:$0x2870]  }
0x22: {  	[tilespmem:$0x29D0] =	vst v0  }
0x23: {  	v0 =	vld.idx.msk [tilespmem:v50+s2+$0x0], $0xffff;
	_ =	sdelay $0x3  }
0x24: {  	v52 =	vld [tilespmem:$0x2880]  }
0x25: {  	[tilespmem:$0x29E0] =	vst v0  }
0x26: {  	v0 =	vld.idx.msk [tilespmem:v51+s2+$0x0], $0xffff;
	_ =	sdelay $0x3  }
0x27: {  	v53 =	vld [tilespmem:$0x2890]  }
0x28: {  	[tilespmem:$0x29F0] =	vst v0  }
0x29: {  	v0 =	vld.idx.msk [tilespmem:v52+s2+$0x0], $0xffff;
	_ =	sdelay $0x3  }
0x2a: {  	v54 =	vld [tilespmem:$0x28A0]  }
0x2b: {  	[tilespmem:$0x2A00] =	vst v0  }
0x2c: {  	v0 =	vld.idx.msk [tilespmem:v53+s2+$0x0], $0xffff;
	_ =	sdelay $0x3  }
0x2d: {  	v55 =	vld [tilespmem:$0x28B0]  }
0x2e: {  	[tilespmem:$0x2A10] =	vst v0  }
0x2f: {  	v0 =	vld.idx.msk [tilespmem:v54+s2+$0x0], $0xffff;
	_ =	sdelay $0x3  }
0x30: {  	v56 =	vld [tilespmem:$0x28C0]  }
0x31: {  	[tilespmem:$0x2A20] =	vst v0  }
0x32: {  	v0 =	vld.idx.msk [tilespmem:v55+s2+$0x0], $0xffff;
	_ =	sdelay $0x3  }
0x33: {  	v57 =	vld [tilespmem:$0x28D0]  }
0x34: {  	[tilespmem:$0x2A30] =	vst v0  }
0x35: {  	v0 =	vld.idx.msk [tilespmem:v56+s2+$0x0], $0xffff;
	_ =	sdelay $0x3  }
0x36: {  	v58 =	vld [tilespmem:$0x28E0]  }
0x37: {  	[tilespmem:$0x2A40] =	vst v0  }
0x38: {  	v0 =	vld.idx.msk [tilespmem:v57+s2+$0x0], $0xffff;
	_ =	sdelay $0x3  }
0x39: {  	v59 =	vld [tilespmem:$0x28F0]  }
0x3a: {  	[tilespmem:$0x2A50] =	vst v0  }
0x3b: {  	v0 =	vld.idx.msk [tilespmem:v58+s2+$0x0], $0xffff;
	_ =	sdelay $0x3  }
0x3c: {  	v60 =	vld [tilespmem:$0x2900]  }
0x3d: {  	[tilespmem:$0x2A60] =	vst v0  }
0x3e: {  	v0 =	vld.idx.msk [tilespmem:v59+s2+$0x0], $0xffff;
	_ =	sdelay $0x3  }
0x3f: {  	v61 =	vld [tilespmem:$0x2910]  }
0x40: {  	[tilespmem:$0x2A70] =	vst v0  }
0x41: {  	v0 =	vld.idx.msk [tilespmem:v60+s2+$0x0], $0xffff;
	_ =	sdelay $0x3  }
0x42: {  	v62 =	vld [tilespmem:$0x2920]  }
0x43: {  	[tilespmem:$0x2A80] =	vst v0  }
0x44: {  	v0 =	vld.idx.msk [tilespmem:v61+s2+$0x0], $0xffff;
	_ =	sdelay $0x3  }
0x45: {  	v63 =	vld [tilespmem:$0x2930]  }
0x46: {  	[tilespmem:$0x2A90] =	vst v0  }
0x47: {  	v0 =	vld.idx.msk [tilespmem:v62+s2+$0x0], $0xffff;
	_ =	sdelay $0x4  }
0x48: {  	s7 =	ssub.s32 $0x2, s7;
	[tilespmem:$0x2AA0] =	vst v0  }
0x49: {  	s9 =	sshrl.u32 s7, $0x1;
	v0 =	vld.idx.msk [tilespmem:v63+s2+$0x0], $0xffff  }
0x4a: {  	s9 =	ssub.s32 s7, s9  }
0x4b: {  	s9 =	smax.u32 s9, $0x1  }
0x4c: {  	p0 =	sne.s32 s9, $0x1  }
.Ltmp0:
0x4d: {  	_ = 	snop;
	(pc) =	sbr.rel @!p0 .LBB2_2-.Ltmp0, $4  }
0x4e: {  	s7 =	sadd.s32 $0x5E00, s8;
	s8 =	simm.s32 $0x2980;
	[tilespmem:$0x2AB0] =	vst v0  }
0x4f: {  	[hbm4b:s7+s2] =	stream.linear.scatter [tilespmem:s8], [sflag:$0x1], $0x140, $0x38;
	[tilespmem:$0x2B00] =	vst v63  }
0x50: {  	_ =	swait.ge [sflag:s4], $0x140  }
0x51: {  	s9 =	sadd.s32 $0xFFFFFFFF, s9;
	[sflag:s4] =	ssyncset.done $0x0  }
.LBB2_1:
0x52: {  	p0 =	sne.s32 s9, $0x1;
	s9 =	sadd.s32 $0xFFFFFFFF, s9;
	[sflag:s4] =	ssyncadd.s32 $0xFFFFFEC0  }
0x53: {  	[tilespmem:s2], [sflag:$0x1] =	stream.linear.gather [hbm4b:s3+s2], $0x2800, $0x38;
	[tilespmem:$0x2B00] =	vst v63  }
0x54: {  	_ =	swait.ge [sflag:s4], $0x2800  }
0x55: {  	[sflag:s4] =	ssyncset.done $0x0  }
0x56: {  	[sflag:s4] =	ssyncadd.s32 $0xFFFFD800  }
0x57: {  	[tilespmem:s6], [sflag:$0x1] =	stream.linear.gather [hbm4b:s5+s2], $0x140, $0x38;
	[tilespmem:$0x2B00] =	vst v63  }
0x58: {  	_ =	swait.ge [sflag:s4], $0x140  }
0x59: {  	[sflag:s4] =	ssyncset.done $0x0  }
0x5a: {  	[sflag:s4] =	ssyncadd.s32 $0xFFFFFEC0  }
0x5b: {  	v0 =	vld [tilespmem:$0x2800];
	_ =	sdelay $0x6  }
0x5c: {  	v1 =	vld [tilespmem:$0x2810]  }
0x5d: {  	v0 =	vld.idx.msk [tilespmem:v0+s2+$0x0], $0xffff;
	_ =	sdelay $0x5  }
0x5e: {  	[tilespmem:$0x2980] =	vst v0;
	v0 =	vld [tilespmem:$0x2820]  }
0x5f: {  	v1 =	vld.idx.msk [tilespmem:v1+s2+$0x0], $0xffff;
	_ =	sdelay $0x5  }
0x60: {  	[tilespmem:$0x2990] =	vst v1;
	v1 =	vld [tilespmem:$0x2830]  }
0x61: {  	v0 =	vld.idx.msk [tilespmem:v0+s2+$0x0], $0xffff;
	_ =	sdelay $0x5  }
0x62: {  	[tilespmem:$0x29A0] =	vst v0;
	v0 =	vld [tilespmem:$0x2840]  }
0x63: {  	v1 =	vld.idx.msk [tilespmem:v1+s2+$0x0], $0xffff;
	_ =	sdelay $0x5  }
0x64: {  	[tilespmem:$0x29B0] =	vst v1;
	v1 =	vld [tilespmem:$0x2850]  }
0x65: {  	v0 =	vld.idx.msk [tilespmem:v0+s2+$0x0], $0xffff;
	_ =	sdelay $0x5  }
0x66: {  	[tilespmem:$0x29C0] =	vst v0;
	v0 =	vld [tilespmem:$0x2860]  }
0x67: {  	v1 =	vld.idx.msk [tilespmem:v1+s2+$0x0], $0xffff;
	_ =	sdelay $0x5  }
0x68: {  	[tilespmem:$0x29D0] =	vst v1;
	v1 =	vld [tilespmem:$0x2870]  }
0x69: {  	v0 =	vld.idx.msk [tilespmem:v0+s2+$0x0], $0xffff;
	_ =	sdelay $0x5  }
0x6a: {  	[tilespmem:$0x29E0] =	vst v0;
	v0 =	vld [tilespmem:$0x2880]  }
0x6b: {  	v1 =	vld.idx.msk [tilespmem:v1+s2+$0x0], $0xffff;
	_ =	sdelay $0x5  }
0x6c: {  	[tilespmem:$0x29F0] =	vst v1;
	v1 =	vld [tilespmem:$0x2890]  }
0x6d: {  	v0 =	vld.idx.msk [tilespmem:v0+s2+$0x0], $0xffff;
	_ =	sdelay $0x5  }
0x6e: {  	[tilespmem:$0x2A00] =	vst v0;
	v0 =	vld [tilespmem:$0x28A0]  }
0x6f: {  	v1 =	vld.idx.msk [tilespmem:v1+s2+$0x0], $0xffff;
	_ =	sdelay $0x5  }
0x70: {  	[tilespmem:$0x2A10] =	vst v1;
	v1 =	vld [tilespmem:$0x28B0]  }
0x71: {  	v0 =	vld.idx.msk [tilespmem:v0+s2+$0x0], $0xffff;
	_ =	sdelay $0x5  }
0x72: {  	[tilespmem:$0x2A20] =	vst v0;
	v0 =	vld [tilespmem:$0x28C0]  }
0x73: {  	v1 =	vld.idx.msk [tilespmem:v1+s2+$0x0], $0xffff;
	_ =	sdelay $0x5  }
0x74: {  	[tilespmem:$0x2A30] =	vst v1;
	v1 =	vld [tilespmem:$0x28D0]  }
0x75: {  	v0 =	vld.idx.msk [tilespmem:v0+s2+$0x0], $0xffff;
	_ =	sdelay $0x5  }
0x76: {  	[tilespmem:$0x2A40] =	vst v0;
	v0 =	vld [tilespmem:$0x28E0]  }
0x77: {  	v1 =	vld.idx.msk [tilespmem:v1+s2+$0x0], $0xffff;
	_ =	sdelay $0x5  }
0x78: {  	[tilespmem:$0x2A50] =	vst v1;
	v1 =	vld [tilespmem:$0x28F0]  }
0x79: {  	v0 =	vld.idx.msk [tilespmem:v0+s2+$0x0], $0xffff;
	_ =	sdelay $0x5  }
0x7a: {  	[tilespmem:$0x2A60] =	vst v0;
	v0 =	vld [tilespmem:$0x2900]  }
0x7b: {  	v1 =	vld.idx.msk [tilespmem:v1+s2+$0x0], $0xffff;
	_ =	sdelay $0x5  }
0x7c: {  	[tilespmem:$0x2A70] =	vst v1;
	v1 =	vld [tilespmem:$0x2910]  }
0x7d: {  	v0 =	vld.idx.msk [tilespmem:v0+s2+$0x0], $0xffff;
	_ =	sdelay $0x5  }
0x7e: {  	[tilespmem:$0x2A80] =	vst v0;
	v0 =	vld [tilespmem:$0x2920]  }
0x7f: {  	v1 =	vld.idx.msk [tilespmem:v1+s2+$0x0], $0xffff;
	_ =	sdelay $0x5  }
0x80: {  	[tilespmem:$0x2A90] =	vst v1;
	v1 =	vld [tilespmem:$0x2930]  }
0x81: {  	v0 =	vld.idx.msk [tilespmem:v0+s2+$0x0], $0xffff;
	_ =	sdelay $0x5  }
0x82: {  	[tilespmem:$0x2AA0] =	vst v0  }
0x83: {  	v0 =	vld.idx.msk [tilespmem:v1+s2+$0x0], $0xffff;
	_ =	sdelay $0x4  }
.Ltmp1:
0x84: {  	(pc) =	sbr.rel @p0 .LBB2_1-.Ltmp1, $4  }
0x85: {  	[tilespmem:$0x2AB0] =	vst v0  }
0x86: {  	[hbm4b:s7+s2] =	stream.linear.scatter [tilespmem:s8], [sflag:$0x1], $0x140, $0x38;
	[tilespmem:$0x2B00] =	vst v63  }
0x87: {  	_ =	swait.ge [sflag:s4], $0x140  }
0x88: {  	[sflag:s4] =	ssyncset.done $0x0  }
.LBB2_2:
0x89: {  	[sflag:s4] =	ssyncadd.s32 $0xFFFFFEC0  }
0x8a: {  	_ =	sfence.sel $0x180000  }
0x8b: {  	[bflag:$0x0] =	sbarrier.arrive $0xFFFF  }
0x8c: {  	p0 =	sne.s32 s1, $0x0;
	_ =	strace $0x90000053  }
0x8d: {  	s0 =	sadd.s32 @!p0 $0x100000, s0;
	[bflag:$0x2] =	sbarrier.arrive $0xFFFF  }
0x8e: {  	[sflag:s0] =	ssyncadd.tile.s32 @!p0 $0x1;
	_ =	shalt  }
.Lfunc_end2:
_tile_overlayer_lowered:
.L_overlay_start_2:
0x8f: {  	(tag) =	ssettag $0x2  }
0x90: {  	s0 =	rddreg [dreg:$0x0];
	s2 =	stileid.u32  }
0x91: {  	s1 =	rddreg [dreg:$0x1];
	p0 =	sne.s32 s2, $0x0  }
0x92: {  	s3 =	rddreg [dreg:$0x2];
	[bflag:$0x3] =	sbarrier.arrive $0xFFFF;
	s2 =	simm.s32 @!p0 $0x1C01  }
0x93: {  	[timem:s3], [sflag:s2] =	dma.local @!p0 [hbm:s0], s1  }
0x94: {  	s0 =	simm.s32 @!p0 $0x1  }
0x95: {  	_ =	swait.ge @!p0 [sflag:s0], s1  }
0x96: {  	s1 =	ssub.s32 @!p0 $0x0, s1;
	[sflag:s0] =	ssyncset.done @!p0 $0x0  }
0x97: {  	[sflag:s0] =	ssyncadd.s32 @!p0 s1  }
0x98: {  	[bflag:$0x3] =	sbarrier.arrive $0xFFFF  }
0x99: {  	_ =	shalt  }

</sc_bundles>
